<compile_context>
chip_gen: v7x
topology: tpu7x:2x2x1
jax: 0.10.2.dev20260603
libtpu: 0.0.44.dev20260713+nightly
codegen_flags: <defaults>
</compile_context>

<pallas_src>
import functools

import jax
import jax.numpy as jnp
from jax import lax
from jax.experimental import pallas as pl
from jax.experimental.pallas import tpu as pltpu
from jax.experimental.pallas import tpu_sc as plsc

B = 16384
F = 32
FT = 4
L = 16
TW = 128
NC = 2
NS = 16
NW = NC * NS
BPW = B // NW
K = 16
NCHUNK = BPW // K
NTB = 782
TROWS = NTB * TW
TTR = TROWS // 8


def _sc_body(time_hbm, item_hbm, tf_hbm, if_hbm, out_hbm, ttab_hbm,
             tidx_v, iidx_v, tgidx_v, blk_v, trowbuf_v, trows_v, out_v,
             sem, sem_s, sem_t):
    sid = lax.axis_index("s")
    wid = sid * NC + lax.axis_index("c")
    base = wid * BPW
    lane = lax.iota(jnp.int32, L)

    pltpu.sync_copy(time_hbm.at[pl.ds(base, BPW)], tidx_v)
    pltpu.sync_copy(item_hbm.at[pl.ds(base, BPW)], iidx_v)

    nj = (NTB - 1) // NS + 1

    def fire_stage(j):
        bid = sid + j * NS
        slot = j & 1

        @pl.when(bid < NTB)
        def _():
            pltpu.async_copy(
                tf_hbm.at[pl.ds(0, F), pl.ds(bid * TW, TW)],
                blk_v.at[slot], sem_s)

    def stage_block(j, carry):
        fire_stage(j + 1)
        bid = sid + j * NS
        slot = j & 1

        @pl.when(bid < NTB)
        def _():
            pltpu.make_async_copy(
                tf_hbm.at[pl.ds(0, F), pl.ds(0, TW)], blk_v.at[slot], sem_s,
            ).wait()
            rhalf = lane >> 3
            colb = (lane & 7) * L
            for lph in range(2):
                for lgrp in range(4):
                    lbase = lph * 64 + lgrp * L
                    rowsv = lgrp * 2 + rhalf
                    for w in range(L):
                        a = blk_v[slot, w, pl.ds(lbase, L)]
                        b = blk_v[slot, w + L, pl.ds(lbase, L)]
                        words = plsc.bitcast(
                            plsc.pack(a, b,
                                      format=plsc.PackFormat.INTERLEAVED),
                            jnp.int32)
                        plsc.store_scatter(
                            trowbuf_v, [rowsv, colb + w], words)
                pltpu.sync_copy(
                    trowbuf_v,
                    ttab_hbm.at[pl.ds(bid * (TW // 8) + lph * 8, 8)])
        return carry

    fire_stage(0)
    lax.fori_loop(0, nj, stage_block, 0)

    plsc.subcore_barrier()

    def tg(g, carry):
        s = pl.ds(g * L, L)
        tgidx_v[s] = tidx_v[s] >> 3
        return carry

    lax.fori_loop(0, BPW // L, tg, 0)

    def chunk(c, half, carry):
        idx_vec = iidx_v[pl.ds(c * K, L)]
        cols = (idx_vec >> 7) << 7
        lanes = idx_vec & (TW - 1)
        rows = (c - half * (NCHUNK // 2)) * K + lane
        tsub = (tidx_v[pl.ds(c * K, L)] & 7) << 4
        acc = jnp.zeros((L,), jnp.float32)
        for r in range(K):
            col = pl.multiple_of(cols[r], TW)
            pltpu.async_copy(
                if_hbm.at[pl.ds(0, F), pl.ds(col, TW)], blk_v.at[r], sem)

        def drain(r, carry2):
            pltpu.make_async_copy(
                if_hbm.at[pl.ds(0, F), pl.ds(0, TW)], blk_v.at[r], sem
            ).wait()
            return carry2

        lax.fori_loop(0, K, drain, 0, unroll=2)

        for f in range(F):
            fv = jnp.full((L,), f, jnp.int32)
            iv = plsc.load_gather(blk_v, [lane, fv, lanes])
            tp = plsc.load_gather(trows_v, [rows, tsub + (f % L)])
            t_lo, t_hi = plsc.unpack(
                plsc.bitcast(tp, jnp.bfloat16),
                format=plsc.PackFormat.INTERLEAVED)
            acc = acc + (t_lo if f < L else t_hi) * iv
        out_v[pl.ds(c * K, L)] = acc
        return carry

    for half in range(2):
        pltpu.async_copy(
            ttab_hbm.at[tgidx_v.at[pl.ds(half * (BPW // 2), BPW // 2)]],
            trows_v, sem_t).wait()
        lax.fori_loop(half * (NCHUNK // 2), (half + 1) * (NCHUNK // 2),
                      lambda c, carry, h=half: chunk(c, h, carry), 0)

    pltpu.sync_copy(out_v, out_hbm.at[pl.ds(base, BPW)])


@jax.jit
def _run(time, item, tfT, ifT):
    kern = pl.kernel(
        _sc_body,
        out_type=(
            jax.ShapeDtypeStruct((B,), jnp.float32),
            jax.ShapeDtypeStruct((TTR, 8 * L), jnp.int32),
        ),
        mesh=plsc.VectorSubcoreMesh(core_axis_name="c", subcore_axis_name="s"),
        compiler_params=pltpu.CompilerParams(needs_layout_passes=False),
        scratch_types=[
            pltpu.VMEM((BPW,), jnp.int32),
            pltpu.VMEM((BPW,), jnp.int32),
            pltpu.VMEM((BPW,), jnp.int32),
            pltpu.VMEM((K, F, TW), jnp.float32),
            pltpu.VMEM((8, 8 * L), jnp.int32),
            pltpu.VMEM((BPW // 2, 8 * L), jnp.int32),
            pltpu.VMEM((BPW,), jnp.float32),
            pltpu.SemaphoreType.DMA,
            pltpu.SemaphoreType.DMA,
            pltpu.SemaphoreType.DMA,
        ],
    )
    out, _ = kern(time, item, tfT, ifT)
    return out


def kernel(time, item, time_factor, item_factor, lag_factor):
    del lag_factor
    return _run(time.astype(jnp.int32), item.astype(jnp.int32),
                time_factor.T, item_factor.T)

# --- scband reference (transcript-rebuilt; emitter-appended) ---
"""Pipeline reference for scband-temporal-mf-17386027614326 (READ-ONLY COPY).

The authoritative reference and input builder live on the scoring server;
editing this copy changes nothing except your own understanding.
"""

import jax, jax.numpy as jnp
import numpy as np

TIMES = 100000
ITEMS = 1000000
FACTORS = 32
LAGS = 20
BATCH = 16384


def setup_inputs(seed: int = 0) -> dict:
    key = jax.random.key(seed)
    k1, k2, k3, k4, k5 = jax.random.split(key, 5)
    time = jax.random.randint(k1, (BATCH,), 0, TIMES, dtype=jnp.int64 if jax.config.jax_enable_x64 else jnp.int32)
    item = jax.random.randint(k2, (BATCH,), 0, ITEMS, dtype=jnp.int64 if jax.config.jax_enable_x64 else jnp.int32)
    time_factor = jax.random.normal(k3, (TIMES, FACTORS), dtype=jnp.float32)
    item_factor = jax.random.normal(k4, (ITEMS, FACTORS), dtype=jnp.float32)
    lag_factor = jax.random.normal(k5, (LAGS, FACTORS), dtype=jnp.float32)
    return {"time": time, "item": item, "time_factor": time_factor, "item_factor": item_factor, "lag_factor": lag_factor}


def reference(time, item, time_factor, item_factor, lag_factor):
    # Embedding lookups (gather) -> elementwise product -> sum over factor dim
    t_emb = jnp.take(time_factor, time, axis=0)   # [B, F]
    i_emb = jnp.take(item_factor, item, axis=0)   # [B, F]
    preds = (t_emb * i_emb).sum(axis=1, keepdims=True)  # [B, 1]
    return jnp.squeeze(preds)  # [B]

if __name__ == "__main__":
    import jax
    _d = setup_inputs()
    print(jax.jit(kernel)(*tuple(_d.values())))

</pallas_src>

<mosaic_0001>
#map = affine_map<(d0, d1) -> (0)>
#map1 = affine_map<(d0, d1) -> (0, 0)>
module attributes {stable_mosaic.version = 14 : i64} {
  func.func @_sc_body(%arg0: i32, %arg1: i32, %arg2: memref<16384xi32, #tpu.memory_space<hbm>>, %arg3: memref<16384xi32, #tpu.memory_space<hbm>>, %arg4: memref<32x100000xf32, #tpu.memory_space<hbm>>, %arg5: memref<32x1000000xf32, #tpu.memory_space<hbm>>, %arg6: memref<16384xf32, #tpu.memory_space<hbm>>, %arg7: memref<12512x128xi32, #tpu.memory_space<hbm>>, %arg8: memref<512xi32, #tpu.memory_space<vmem>>, %arg9: memref<512xi32, #tpu.memory_space<vmem>>, %arg10: memref<512xi32, #tpu.memory_space<vmem>>, %arg11: memref<16x32x128xf32, #tpu.memory_space<vmem>>, %arg12: memref<8x128xi32, #tpu.memory_space<vmem>>, %arg13: memref<256x128xi32, #tpu.memory_space<vmem>>, %arg14: memref<512xf32, #tpu.memory_space<vmem>>, %arg15: memref<!tpu.dma_semaphore, #tpu.memory_space<semaphore_mem>>, %arg16: memref<!tpu.dma_semaphore, #tpu.memory_space<semaphore_mem>>, %arg17: memref<!tpu.dma_semaphore, #tpu.memory_space<semaphore_mem>>) attributes {dimension_semantics = [#tpu.dimension_semantics<core_parallel>, #tpu.dimension_semantics<subcore_parallel>], iteration_bounds = array<i64: 2, 16>, scalar_prefetch = 0 : i64, scratch_operands = 10 : i64, tpu.core_type = #tpu.core_type<sc_vector_subcore>, window_params = [{transform_indices = #map}, {transform_indices = #map}, {transform_indices = #map1}, {transform_indices = #map1}, {transform_indices = #map}, {transform_indices = #map1}]} {
    %mul3A = arith.constant 2 : i32
    %mul3A_0 = arith.muli %arg1, %mul3A : i32
    %add3A = arith.addi %mul3A_0, %arg0 : i32
    %mul3A_1 = arith.constant 512 : i32
    %mul3A_2 = arith.muli %add3A, %mul3A_1 : i32
    %iota3A = tpu.iota {dimensions = array<i32: 0>} : vector<16xi32>
    "tpu.region"() ({
      %run_scoped3A = tpu.sem_alloc : memref<!tpu.dma_semaphore, #tpu.memory_space<semaphore_mem>>
      %dma_start3A_48 = tpu.memref_slice %arg2[%mul3A_2] : memref<16384xi32, #tpu.memory_space<hbm>> -> memref<512xi32, #tpu.memory_space<hbm>>
      %dma_start3A_49 = tpu.memref_slice %arg2[%mul3A_2] : memref<16384xi32, #tpu.memory_space<hbm>> -> memref<512xi32, #tpu.memory_space<hbm>>
      tpu.enqueue_dma source(%dma_start3A_49 : memref<512xi32, #tpu.memory_space<hbm>>) target(%arg8 : memref<512xi32, #tpu.memory_space<vmem>>) target_semaphore(%run_scoped3A : memref<!tpu.dma_semaphore, #tpu.memory_space<semaphore_mem>>)
      %dma_wait3A_50 = tpu.memref_slice %arg2[%mul3A_2] : memref<16384xi32, #tpu.memory_space<hbm>> -> memref<512xi32, #tpu.memory_space<hbm>>
      %dma_wait3A_51 = tpu.memref_slice %arg2[%mul3A_2] : memref<16384xi32, #tpu.memory_space<hbm>> -> memref<512xi32, #tpu.memory_space<hbm>>
      tpu.wait_dma2 semaphore(%run_scoped3A : memref<!tpu.dma_semaphore, #tpu.memory_space<semaphore_mem>>) src(%dma_wait3A_51 : memref<512xi32, #tpu.memory_space<hbm>>) dst(%arg8 : memref<512xi32, #tpu.memory_space<vmem>>)
      tpu.yield
    }) : () -> ()
    "tpu.region"() ({
      %run_scoped3A = tpu.sem_alloc : memref<!tpu.dma_semaphore, #tpu.memory_space<semaphore_mem>>
      %dma_start3A_48 = tpu.memref_slice %arg3[%mul3A_2] : memref<16384xi32, #tpu.memory_space<hbm>> -> memref<512xi32, #tpu.memory_space<hbm>>
      %dma_start3A_49 = tpu.memref_slice %arg3[%mul3A_2] : memref<16384xi32, #tpu.memory_space<hbm>> -> memref<512xi32, #tpu.memory_space<hbm>>
      tpu.enqueue_dma source(%dma_start3A_49 : memref<512xi32, #tpu.memory_space<hbm>>) target(%arg9 : memref<512xi32, #tpu.memory_space<vmem>>) target_semaphore(%run_scoped3A : memref<!tpu.dma_semaphore, #tpu.memory_space<semaphore_mem>>)
      %dma_wait3A_50 = tpu.memref_slice %arg3[%mul3A_2] : memref<16384xi32, #tpu.memory_space<hbm>> -> memref<512xi32, #tpu.memory_space<hbm>>
      %dma_wait3A_51 = tpu.memref_slice %arg3[%mul3A_2] : memref<16384xi32, #tpu.memory_space<hbm>> -> memref<512xi32, #tpu.memory_space<hbm>>
      tpu.wait_dma2 semaphore(%run_scoped3A : memref<!tpu.dma_semaphore, #tpu.memory_space<semaphore_mem>>) src(%dma_wait3A_51 : memref<512xi32, #tpu.memory_space<hbm>>) dst(%arg9 : memref<512xi32, #tpu.memory_space<vmem>>)
      tpu.yield
    }) : () -> ()
    %add3A_3 = arith.constant 0 : i32
    %add3A_4 = arith.addi %arg1, %add3A_3 : i32
    %lt3A = arith.constant 782 : i32
    %lt3A_5 = arith.cmpi slt, %add3A_4, %lt3A : i32
    %convert_element_type3A = arith.extui %lt3A_5 : i1 to i32
    %cond3A = arith.constant 0 : i32
    %cond3A_6 = arith.cmpi ne, %convert_element_type3A, %cond3A : i32
    scf.if %cond3A_6 {
      %mul3A_48 = arith.constant 128 : i32
      %mul3A_49 = arith.muli %add3A_4, %mul3A_48 : i32
      %dma_start3A_50 = arith.constant 0 : i32
      %dma_start3A_51 = arith.constant 0 : i32
      %dma_start3A_52 = arith.constant 0 : i32
      %dma_start3A_53 = tpu.memref_slice %arg11[%dma_start3A_50, %dma_start3A_51, %dma_start3A_52] : memref<16x32x128xf32, #tpu.memory_space<vmem>> -> memref<1x32x128xf32, #tpu.memory_space<vmem>>
      %dma_start3A_54 = tpu.memref_squeeze %dma_start3A_53 : memref<1x32x128xf32, #tpu.memory_space<vmem>> -> memref<32x128xf32, #tpu.memory_space<vmem>>
      %dma_start3A_55 = arith.constant 0 : i32
      %dma_start3A_56 = tpu.memref_slice %arg4[%dma_start3A_55, %mul3A_49] : memref<32x100000xf32, #tpu.memory_space<hbm>> -> memref<32x128xf32, #tpu.memory_space<hbm>>
      %dma_start3A_57 = arith.constant 0 : i32
      %dma_start3A_58 = arith.constant 0 : i32
      %dma_start3A_59 = tpu.memref_slice %arg11[%dma_start3A_50, %dma_start3A_57, %dma_start3A_58] : memref<16x32x128xf32, #tpu.memory_space<vmem>> -> memref<1x32x128xf32, #tpu.memory_space<vmem>>
      %dma_start3A_60 = tpu.memref_squeeze %dma_start3A_59 : memref<1x32x128xf32, #tpu.memory_space<vmem>> -> memref<32x128xf32, #tpu.memory_space<vmem>>
      %dma_start3A_61 = arith.constant 0 : i32
      %dma_start3A_62 = tpu.memref_slice %arg4[%dma_start3A_61, %mul3A_49] : memref<32x100000xf32, #tpu.memory_space<hbm>> -> memref<32x128xf32, #tpu.memory_space<hbm>>
      tpu.enqueue_dma source(%dma_start3A_62 : memref<32x128xf32, #tpu.memory_space<hbm>>) target(%dma_start3A_60 : memref<32x128xf32, #tpu.memory_space<vmem>>) target_semaphore(%arg16 : memref<!tpu.dma_semaphore, #tpu.memory_space<semaphore_mem>>)
    } else {
    }
    %scan3A = arith.constant 0 : i32
    %scan3A_7 = arith.constant 0 : i32
    %scan3A_8 = arith.constant 49 : i32
    %scan3A_9 = arith.addi %scan3A_7, %scan3A_8 : i32
    %scan3A_10 = arith.constant 1 : i32
    scf.for %scan3A_48 = %scan3A_7 to %scan3A_9 step %scan3A_10  : i32 {
      %add3A_49 = arith.constant 1 : i32
      %add3A_50 = arith.addi %scan3A_48, %add3A_49 : i32
      %mul3A_51 = arith.constant 16 : i32
      %mul3A_52 = arith.muli %add3A_50, %mul3A_51 : i32
      %add3A_53 = arith.addi %arg1, %mul3A_52 : i32
      %and3A = arith.constant 1 : i32
      %and3A_54 = arith.andi %add3A_50, %and3A : i32
      %lt3A_55 = arith.constant 782 : i32
      %lt3A_56 = arith.cmpi slt, %add3A_53, %lt3A_55 : i32
      %convert_element_type3A_57 = arith.extui %lt3A_56 : i1 to i32
      %cond3A_58 = arith.constant 0 : i32
      %cond3A_59 = arith.cmpi ne, %convert_element_type3A_57, %cond3A_58 : i32
      scf.if %cond3A_59 {
        %mul3A_70 = arith.constant 128 : i32
        %mul3A_71 = arith.muli %add3A_53, %mul3A_70 : i32
        %dma_start3A_72 = arith.constant 0 : i32
        %dma_start3A_73 = arith.constant 0 : i32
        %dma_start3A_74 = tpu.memref_slice %arg11[%and3A_54, %dma_start3A_72, %dma_start3A_73] : memref<16x32x128xf32, #tpu.memory_space<vmem>> -> memref<1x32x128xf32, #tpu.memory_space<vmem>>
        %dma_start3A_75 = tpu.memref_squeeze %dma_start3A_74 : memref<1x32x128xf32, #tpu.memory_space<vmem>> -> memref<32x128xf32, #tpu.memory_space<vmem>>
        %dma_start3A_76 = arith.constant 0 : i32
        %dma_start3A_77 = tpu.memref_slice %arg4[%dma_start3A_76, %mul3A_71] : memref<32x100000xf32, #tpu.memory_space<hbm>> -> memref<32x128xf32, #tpu.memory_space<hbm>>
        %dma_start3A_78 = arith.constant 0 : i32
        %dma_start3A_79 = arith.constant 0 : i32
        %dma_start3A_80 = tpu.memref_slice %arg11[%and3A_54, %dma_start3A_78, %dma_start3A_79] : memref<16x32x128xf32, #tpu.memory_space<vmem>> -> memref<1x32x128xf32, #tpu.memory_space<vmem>>
        %dma_start3A_81 = tpu.memref_squeeze %dma_start3A_80 : memref<1x32x128xf32, #tpu.memory_space<vmem>> -> memref<32x128xf32, #tpu.memory_space<vmem>>
        %dma_start3A_82 = arith.constant 0 : i32
        %dma_start3A_83 = tpu.memref_slice %arg4[%dma_start3A_82, %mul3A_71] : memref<32x100000xf32, #tpu.memory_space<hbm>> -> memref<32x128xf32, #tpu.memory_space<hbm>>
        tpu.enqueue_dma source(%dma_start3A_83 : memref<32x128xf32, #tpu.memory_space<hbm>>) target(%dma_start3A_81 : memref<32x128xf32, #tpu.memory_space<vmem>>) target_semaphore(%arg16 : memref<!tpu.dma_semaphore, #tpu.memory_space<semaphore_mem>>)
      } else {
      }
      %mul3A_60 = arith.constant 16 : i32
      %mul3A_61 = arith.muli %scan3A_48, %mul3A_60 : i32
      %add3A_62 = arith.addi %arg1, %mul3A_61 : i32
      %and3A_63 = arith.constant 1 : i32
      %and3A_64 = arith.andi %scan3A_48, %and3A_63 : i32
      %lt3A_65 = arith.constant 782 : i32
      %lt3A_66 = arith.cmpi slt, %add3A_62, %lt3A_65 : i32
      %convert_element_type3A_67 = arith.extui %lt3A_66 : i1 to i32
      %cond3A_68 = arith.constant 0 : i32
      %cond3A_69 = arith.cmpi ne, %convert_element_type3A_67, %cond3A_68 : i32
      scf.if %cond3A_69 {
        %dma_wait3A_70 = arith.constant 0 : i32
        %dma_wait3A_71 = arith.constant 0 : i32
        %dma_wait3A_72 = tpu.memref_slice %arg11[%and3A_64, %dma_wait3A_70, %dma_wait3A_71] : memref<16x32x128xf32, #tpu.memory_space<vmem>> -> memref<1x32x128xf32, #tpu.memory_space<vmem>>
        %dma_wait3A_73 = tpu.memref_squeeze %dma_wait3A_72 : memref<1x32x128xf32, #tpu.memory_space<vmem>> -> memref<32x128xf32, #tpu.memory_space<vmem>>
        %dma_wait3A_74 = arith.constant 0 : i32
        %dma_wait3A_75 = arith.constant 0 : i32
        %dma_wait3A_76 = tpu.memref_slice %arg4[%dma_wait3A_74, %dma_wait3A_75] : memref<32x100000xf32, #tpu.memory_space<hbm>> -> memref<32x128xf32, #tpu.memory_space<hbm>>
        %dma_wait3A_77 = arith.constant 0 : i32
        %dma_wait3A_78 = arith.constant 0 : i32
        %dma_wait3A_79 = tpu.memref_slice %arg11[%and3A_64, %dma_wait3A_77, %dma_wait3A_78] : memref<16x32x128xf32, #tpu.memory_space<vmem>> -> memref<1x32x128xf32, #tpu.memory_space<vmem>>
        %dma_wait3A_80 = tpu.memref_squeeze %dma_wait3A_79 : memref<1x32x128xf32, #tpu.memory_space<vmem>> -> memref<32x128xf32, #tpu.memory_space<vmem>>
        %dma_wait3A_81 = arith.constant 0 : i32
        %dma_wait3A_82 = arith.constant 0 : i32
        %dma_wait3A_83 = tpu.memref_slice %arg4[%dma_wait3A_81, %dma_wait3A_82] : memref<32x100000xf32, #tpu.memory_space<hbm>> -> memref<32x128xf32, #tpu.memory_space<hbm>>
        tpu.wait_dma2 semaphore(%arg16 : memref<!tpu.dma_semaphore, #tpu.memory_space<semaphore_mem>>) src(%dma_wait3A_83 : memref<32x128xf32, #tpu.memory_space<hbm>>) dst(%dma_wait3A_80 : memref<32x128xf32, #tpu.memory_space<vmem>>)
        %shift_right_arithmetic3A = arith.constant 3 : i32
        %shift_right_arithmetic3A_84 = vector.broadcast %shift_right_arithmetic3A : i32 to vector<16xi32>
        %shift_right_arithmetic3A_85 = arith.shrsi %iota3A, %shift_right_arithmetic3A_84 : vector<16xi32>
        %and3A_86 = arith.constant 7 : i32
        %and3A_87 = vector.broadcast %and3A_86 : i32 to vector<16xi32>
        %and3A_88 = arith.andi %iota3A, %and3A_87 : vector<16xi32>
        %mul3A_89 = arith.constant 16 : i32
        %mul3A_90 = vector.broadcast %mul3A_89 : i32 to vector<16xi32>
        %mul3A_91 = arith.muli %and3A_88, %mul3A_90 : vector<16xi32>
        %add3A_92 = arith.constant 0 : i32
        %add3A_93 = vector.broadcast %add3A_92 : i32 to vector<16xi32>
        %add3A_94 = arith.addi %add3A_93, %shift_right_arithmetic3A_85 : vector<16xi32>
        %get3A = arith.constant 0 : i32
        %get3A_95 = arith.index_cast %and3A_64 : i32 to index
        %get3A_96 = arith.index_cast %get3A : i32 to index
        %get3A_97 = arith.constant 0 : index
        %get3A_98 = tpu.vector_load %arg11[%get3A_95, %get3A_96, %get3A_97] {strides = array<i32>} : memref<16x32x128xf32, #tpu.memory_space<vmem>>, vector<16xf32>,
        %get3A_99 = arith.constant 16 : i32
        %get3A_100 = arith.index_cast %and3A_64 : i32 to index
        %get3A_101 = arith.index_cast %get3A_99 : i32 to index
        %get3A_102 = arith.constant 0 : index
        %get3A_103 = tpu.vector_load %arg11[%get3A_100, %get3A_101, %get3A_102] {strides = array<i32>} : memref<16x32x128xf32, #tpu.memory_space<vmem>>, vector<16xf32>,
        %pack3A = tpu.pack_subelements %get3A_98, %get3A_103 {pack_format = #tpu.pack_format<interleaved>, positions = array<i32: 0, 1>} : vector<16xf32>, vector<16xf32> -> vector<32xbf16>
        %bitcast3A = vector.bitcast %pack3A : vector<32xbf16> to vector<16xi32>
        %add3A_104 = arith.constant 0 : i32
        %add3A_105 = vector.broadcast %add3A_104 : i32 to vector<16xi32>
        %add3A_106 = arith.addi %mul3A_91, %add3A_105 : vector<16xi32>
        tpu.vector_store_idx %arg12[%add3A_94, %add3A_106], %bitcast3A : memref<8x128xi32, #tpu.memory_space<vmem>>[vector<16xi32>, vector<16xi32>], vector<16xi32>,
        %get3A_107 = arith.constant 1 : i32
        %get3A_108 = arith.index_cast %and3A_64 : i32 to index
        %get3A_109 = arith.index_cast %get3A_107 : i32 to index
        %get3A_110 = arith.constant 0 : index
        %get3A_111 = tpu.vector_load %arg11[%get3A_108, %get3A_109, %get3A_110] {strides = array<i32>} : memref<16x32x128xf32, #tpu.memory_space<vmem>>, vector<16xf32>,
        %get3A_112 = arith.constant 17 : i32
        %get3A_113 = arith.index_cast %and3A_64 : i32 to index
        %get3A_114 = arith.index_cast %get3A_112 : i32 to index
        %get3A_115 = arith.constant 0 : index
        %get3A_116 = tpu.vector_load %arg11[%get3A_113, %get3A_114, %get3A_115] {strides = array<i32>} : memref<16x32x128xf32, #tpu.memory_space<vmem>>, vector<16xf32>,
        %pack3A_117 = tpu.pack_subelements %get3A_111, %get3A_116 {pack_format = #tpu.pack_format<interleaved>, positions = array<i32: 0, 1>} : vector<16xf32>, vector<16xf32> -> vector<32xbf16>
        %bitcast3A_118 = vector.bitcast %pack3A_117 : vector<32xbf16> to vector<16xi32>
        %add3A_119 = arith.constant 1 : i32
        %add3A_120 = vector.broadcast %add3A_119 : i32 to vector<16xi32>
        %add3A_121 = arith.addi %mul3A_91, %add3A_120 : vector<16xi32>
        tpu.vector_store_idx %arg12[%add3A_94, %add3A_121], %bitcast3A_118 : memref<8x128xi32, #tpu.memory_space<vmem>>[vector<16xi32>, vector<16xi32>], vector<16xi32>,
        %get3A_122 = arith.constant 2 : i32
        %get3A_123 = arith.index_cast %and3A_64 : i32 to index
        %get3A_124 = arith.index_cast %get3A_122 : i32 to index
        %get3A_125 = arith.constant 0 : index
        %get3A_126 = tpu.vector_load %arg11[%get3A_123, %get3A_124, %get3A_125] {strides = array<i32>} : memref<16x32x128xf32, #tpu.memory_space<vmem>>, vector<16xf32>,
        %get3A_127 = arith.constant 18 : i32
        %get3A_128 = arith.index_cast %and3A_64 : i32 to index
        %get3A_129 = arith.index_cast %get3A_127 : i32 to index
        %get3A_130 = arith.constant 0 : index
        %get3A_131 = tpu.vector_load %arg11[%get3A_128, %get3A_129, %get3A_130] {strides = array<i32>} : memref<16x32x128xf32, #tpu.memory_space<vmem>>, vector<16xf32>,
        %pack3A_132 = tpu.pack_subelements %get3A_126, %get3A_131 {pack_format = #tpu.pack_format<interleaved>, positions = array<i32: 0, 1>} : vector<16xf32>, vector<16xf32> -> vector<32xbf16>
        %bitcast3A_133 = vector.bitcast %pack3A_132 : vector<32xbf16> to vector<16xi32>
        %add3A_134 = arith.constant 2 : i32
        %add3A_135 = vector.broadcast %add3A_134 : i32 to vector<16xi32>
        %add3A_136 = arith.addi %mul3A_91, %add3A_135 : vector<16xi32>
        tpu.vector_store_idx %arg12[%add3A_94, %add3A_136], %bitcast3A_133 : memref<8x128xi32, #tpu.memory_space<vmem>>[vector<16xi32>, vector<16xi32>], vector<16xi32>,
        %get3A_137 = arith.constant 3 : i32
        %get3A_138 = arith.index_cast %and3A_64 : i32 to index
        %get3A_139 = arith.index_cast %get3A_137 : i32 to index
        %get3A_140 = arith.constant 0 : index
        %get3A_141 = tpu.vector_load %arg11[%get3A_138, %get3A_139, %get3A_140] {strides = array<i32>} : memref<16x32x128xf32, #tpu.memory_space<vmem>>, vector<16xf32>,
        %get3A_142 = arith.constant 19 : i32
        %get3A_143 = arith.index_cast %and3A_64 : i32 to index
        %get3A_144 = arith.index_cast %get3A_142 : i32 to index
        %get3A_145 = arith.constant 0 : index
        %get3A_146 = tpu.vector_load %arg11[%get3A_143, %get3A_144, %get3A_145] {strides = array<i32>} : memref<16x32x128xf32, #tpu.memory_space<vmem>>, vector<16xf32>,
        %pack3A_147 = tpu.pack_subelements %get3A_141, %get3A_146 {pack_format = #tpu.pack_format<interleaved>, positions = array<i32: 0, 1>} : vector<16xf32>, vector<16xf32> -> vector<32xbf16>
        %bitcast3A_148 = vector.bitcast %pack3A_147 : vector<32xbf16> to vector<16xi32>
        %add3A_149 = arith.constant 3 : i32
        %add3A_150 = vector.broadcast %add3A_149 : i32 to vector<16xi32>
        %add3A_151 = arith.addi %mul3A_91, %add3A_150 : vector<16xi32>
        tpu.vector_store_idx %arg12[%add3A_94, %add3A_151], %bitcast3A_148 : memref<8x128xi32, #tpu.memory_space<vmem>>[vector<16xi32>, vector<16xi32>], vector<16xi32>,
        %get3A_152 = arith.constant 4 : i32
        %get3A_153 = arith.index_cast %and3A_64 : i32 to index
        %get3A_154 = arith.index_cast %get3A_152 : i32 to index
        %get3A_155 = arith.constant 0 : index
        %get3A_156 = tpu.vector_load %arg11[%get3A_153, %get3A_154, %get3A_155] {strides = array<i32>} : memref<16x32x128xf32, #tpu.memory_space<vmem>>, vector<16xf32>,
        %get3A_157 = arith.constant 20 : i32
        %get3A_158 = arith.index_cast %and3A_64 : i32 to index
        %get3A_159 = arith.index_cast %get3A_157 : i32 to index
        %get3A_160 = arith.constant 0 : index
        %get3A_161 = tpu.vector_load %arg11[%get3A_158, %get3A_159, %get3A_160] {strides = array<i32>} : memref<16x32x128xf32, #tpu.memory_space<vmem>>, vector<16xf32>,
        %pack3A_162 = tpu.pack_subelements %get3A_156, %get3A_161 {pack_format = #tpu.pack_format<interleaved>, positions = array<i32: 0, 1>} : vector<16xf32>, vector<16xf32> -> vector<32xbf16>
        %bitcast3A_163 = vector.bitcast %pack3A_162 : vector<32xbf16> to vector<16xi32>
        %add3A_164 = arith.constant 4 : i32
        %add3A_165 = vector.broadcast %add3A_164 : i32 to vector<16xi32>
        %add3A_166 = arith.addi %mul3A_91, %add3A_165 : vector<16xi32>
        tpu.vector_store_idx %arg12[%add3A_94, %add3A_166], %bitcast3A_163 : memref<8x128xi32, #tpu.memory_space<vmem>>[vector<16xi32>, vector<16xi32>], vector<16xi32>,
        %get3A_167 = arith.constant 5 : i32
        %get3A_168 = arith.index_cast %and3A_64 : i32 to index
        %get3A_169 = arith.index_cast %get3A_167 : i32 to index
        %get3A_170 = arith.constant 0 : index
        %get3A_171 = tpu.vector_load %arg11[%get3A_168, %get3A_169, %get3A_170] {strides = array<i32>} : memref<16x32x128xf32, #tpu.memory_space<vmem>>, vector<16xf32>,
        %get3A_172 = arith.constant 21 : i32
        %get3A_173 = arith.index_cast %and3A_64 : i32 to index
        %get3A_174 = arith.index_cast %get3A_172 : i32 to index
        %get3A_175 = arith.constant 0 : index
        %get3A_176 = tpu.vector_load %arg11[%get3A_173, %get3A_174, %get3A_175] {strides = array<i32>} : memref<16x32x128xf32, #tpu.memory_space<vmem>>, vector<16xf32>,
        %pack3A_177 = tpu.pack_subelements %get3A_171, %get3A_176 {pack_format = #tpu.pack_format<interleaved>, positions = array<i32: 0, 1>} : vector<16xf32>, vector<16xf32> -> vector<32xbf16>
        %bitcast3A_178 = vector.bitcast %pack3A_177 : vector<32xbf16> to vector<16xi32>
        %add3A_179 = arith.constant 5 : i32
        %add3A_180 = vector.broadcast %add3A_179 : i32 to vector<16xi32>
        %add3A_181 = arith.addi %mul3A_91, %add3A_180 : vector<16xi32>
        tpu.vector_store_idx %arg12[%add3A_94, %add3A_181], %bitcast3A_178 : memref<8x128xi32, #tpu.memory_space<vmem>>[vector<16xi32>, vector<16xi32>], vector<16xi32>,
        %get3A_182 = arith.constant 6 : i32
        %get3A_183 = arith.index_cast %and3A_64 : i32 to index
        %get3A_184 = arith.index_cast %get3A_182 : i32 to index
        %get3A_185 = arith.constant 0 : index
        %get3A_186 = tpu.vector_load %arg11[%get3A_183, %get3A_184, %get3A_185] {strides = array<i32>} : memref<16x32x128xf32, #tpu.memory_space<vmem>>, vector<16xf32>,
        %get3A_187 = arith.constant 22 : i32
        %get3A_188 = arith.index_cast %and3A_64 : i32 to index
        %get3A_189 = arith.index_cast %get3A_187 : i32 to index
        %get3A_190 = arith.constant 0 : index
        %get3A_191 = tpu.vector_load %arg11[%get3A_188, %get3A_189, %get3A_190] {strides = array<i32>} : memref<16x32x128xf32, #tpu.memory_space<vmem>>, vector<16xf32>,
        %pack3A_192 = tpu.pack_subelements %get3A_186, %get3A_191 {pack_format = #tpu.pack_format<interleaved>, positions = array<i32: 0, 1>} : vector<16xf32>, vector<16xf32> -> vector<32xbf16>
        %bitcast3A_193 = vector.bitcast %pack3A_192 : vector<32xbf16> to vector<16xi32>
        %add3A_194 = arith.constant 6 : i32
        %add3A_195 = vector.broadcast %add3A_194 : i32 to vector<16xi32>
        %add3A_196 = arith.addi %mul3A_91, %add3A_195 : vector<16xi32>
        tpu.vector_store_idx %arg12[%add3A_94, %add3A_196], %bitcast3A_193 : memref<8x128xi32, #tpu.memory_space<vmem>>[vector<16xi32>, vector<16xi32>], vector<16xi32>,
        %get3A_197 = arith.constant 7 : i32
        %get3A_198 = arith.index_cast %and3A_64 : i32 to index
        %get3A_199 = arith.index_cast %get3A_197 : i32 to index
        %get3A_200 = arith.constant 0 : index
        %get3A_201 = tpu.vector_load %arg11[%get3A_198, %get3A_199, %get3A_200] {strides = array<i32>} : memref<16x32x128xf32, #tpu.memory_space<vmem>>, vector<16xf32>,
        %get3A_202 = arith.constant 23 : i32
        %get3A_203 = arith.index_cast %and3A_64 : i32 to index
        %get3A_204 = arith.index_cast %get3A_202 : i32 to index
        %get3A_205 = arith.constant 0 : index
        %get3A_206 = tpu.vector_load %arg11[%get3A_203, %get3A_204, %get3A_205] {strides = array<i32>} : memref<16x32x128xf32, #tpu.memory_space<vmem>>, vector<16xf32>,
        %pack3A_207 = tpu.pack_subelements %get3A_201, %get3A_206 {pack_format = #tpu.pack_format<interleaved>, positions = array<i32: 0, 1>} : vector<16xf32>, vector<16xf32> -> vector<32xbf16>
        %bitcast3A_208 = vector.bitcast %pack3A_207 : vector<32xbf16> to vector<16xi32>
        %add3A_209 = arith.constant 7 : i32
        %add3A_210 = vector.broadcast %add3A_209 : i32 to vector<16xi32>
        %add3A_211 = arith.addi %mul3A_91, %add3A_210 : vector<16xi32>
        tpu.vector_store_idx %arg12[%add3A_94, %add3A_211], %bitcast3A_208 : memref<8x128xi32, #tpu.memory_space<vmem>>[vector<16xi32>, vector<16xi32>], vector<16xi32>,
        %get3A_212 = arith.constant 8 : i32
        %get3A_213 = arith.index_cast %and3A_64 : i32 to index
        %get3A_214 = arith.index_cast %get3A_212 : i32 to index
        %get3A_215 = arith.constant 0 : index
        %get3A_216 = tpu.vector_load %arg11[%get3A_213, %get3A_214, %get3A_215] {strides = array<i32>} : memref<16x32x128xf32, #tpu.memory_space<vmem>>, vector<16xf32>,
        %get3A_217 = arith.constant 24 : i32
        %get3A_218 = arith.index_cast %and3A_64 : i32 to index
        %get3A_219 = arith.index_cast %get3A_217 : i32 to index
        %get3A_220 = arith.constant 0 : index
        %get3A_221 = tpu.vector_load %arg11[%get3A_218, %get3A_219, %get3A_220] {strides = array<i32>} : memref<16x32x128xf32, #tpu.memory_space<vmem>>, vector<16xf32>,
        %pack3A_222 = tpu.pack_subelements %get3A_216, %get3A_221 {pack_format = #tpu.pack_format<interleaved>, positions = array<i32: 0, 1>} : vector<16xf32>, vector<16xf32> -> vector<32xbf16>
        %bitcast3A_223 = vector.bitcast %pack3A_222 : vector<32xbf16> to vector<16xi32>
        %add3A_224 = arith.constant 8 : i32
        %add3A_225 = vector.broadcast %add3A_224 : i32 to vector<16xi32>
        %add3A_226 = arith.addi %mul3A_91, %add3A_225 : vector<16xi32>
        tpu.vector_store_idx %arg12[%add3A_94, %add3A_226], %bitcast3A_223 : memref<8x128xi32, #tpu.memory_space<vmem>>[vector<16xi32>, vector<16xi32>], vector<16xi32>,
        %get3A_227 = arith.constant 9 : i32
        %get3A_228 = arith.index_cast %and3A_64 : i32 to index
        %get3A_229 = arith.index_cast %get3A_227 : i32 to index
        %get3A_230 = arith.constant 0 : index
        %get3A_231 = tpu.vector_load %arg11[%get3A_228, %get3A_229, %get3A_230] {strides = array<i32>} : memref<16x32x128xf32, #tpu.memory_space<vmem>>, vector<16xf32>,
        %get3A_232 = arith.constant 25 : i32
        %get3A_233 = arith.index_cast %and3A_64 : i32 to index
        %get3A_234 = arith.index_cast %get3A_232 : i32 to index
        %get3A_235 = arith.constant 0 : index
        %get3A_236 = tpu.vector_load %arg11[%get3A_233, %get3A_234, %get3A_235] {strides = array<i32>} : memref<16x32x128xf32, #tpu.memory_space<vmem>>, vector<16xf32>,
        %pack3A_237 = tpu.pack_subelements %get3A_231, %get3A_236 {pack_format = #tpu.pack_format<interleaved>, positions = array<i32: 0, 1>} : vector<16xf32>, vector<16xf32> -> vector<32xbf16>
        %bitcast3A_238 = vector.bitcast %pack3A_237 : vector<32xbf16> to vector<16xi32>
        %add3A_239 = arith.constant 9 : i32
        %add3A_240 = vector.broadcast %add3A_239 : i32 to vector<16xi32>
        %add3A_241 = arith.addi %mul3A_91, %add3A_240 : vector<16xi32>
        tpu.vector_store_idx %arg12[%add3A_94, %add3A_241], %bitcast3A_238 : memref<8x128xi32, #tpu.memory_space<vmem>>[vector<16xi32>, vector<16xi32>], vector<16xi32>,
        %get3A_242 = arith.constant 10 : i32
        %get3A_243 = arith.index_cast %and3A_64 : i32 to index
        %get3A_244 = arith.index_cast %get3A_242 : i32 to index
        %get3A_245 = arith.constant 0 : index
        %get3A_246 = tpu.vector_load %arg11[%get3A_243, %get3A_244, %get3A_245] {strides = array<i32>} : memref<16x32x128xf32, #tpu.memory_space<vmem>>, vector<16xf32>,
        %get3A_247 = arith.constant 26 : i32
        %get3A_248 = arith.index_cast %and3A_64 : i32 to index
        %get3A_249 = arith.index_cast %get3A_247 : i32 to index
        %get3A_250 = arith.constant 0 : index
        %get3A_251 = tpu.vector_load %arg11[%get3A_248, %get3A_249, %get3A_250] {strides = array<i32>} : memref<16x32x128xf32, #tpu.memory_space<vmem>>, vector<16xf32>,
        %pack3A_252 = tpu.pack_subelements %get3A_246, %get3A_251 {pack_format = #tpu.pack_format<interleaved>, positions = array<i32: 0, 1>} : vector<16xf32>, vector<16xf32> -> vector<32xbf16>
        %bitcast3A_253 = vector.bitcast %pack3A_252 : vector<32xbf16> to vector<16xi32>
        %add3A_254 = arith.constant 10 : i32
        %add3A_255 = vector.broadcast %add3A_254 : i32 to vector<16xi32>
        %add3A_256 = arith.addi %mul3A_91, %add3A_255 : vector<16xi32>
        tpu.vector_store_idx %arg12[%add3A_94, %add3A_256], %bitcast3A_253 : memref<8x128xi32, #tpu.memory_space<vmem>>[vector<16xi32>, vector<16xi32>], vector<16xi32>,
        %get3A_257 = arith.constant 11 : i32
        %get3A_258 = arith.index_cast %and3A_64 : i32 to index
        %get3A_259 = arith.index_cast %get3A_257 : i32 to index
        %get3A_260 = arith.constant 0 : index
        %get3A_261 = tpu.vector_load %arg11[%get3A_258, %get3A_259, %get3A_260] {strides = array<i32>} : memref<16x32x128xf32, #tpu.memory_space<vmem>>, vector<16xf32>,
        %get3A_262 = arith.constant 27 : i32
        %get3A_263 = arith.index_cast %and3A_64 : i32 to index
        %get3A_264 = arith.index_cast %get3A_262 : i32 to index
        %get3A_265 = arith.constant 0 : index
        %get3A_266 = tpu.vector_load %arg11[%get3A_263, %get3A_264, %get3A_265] {strides = array<i32>} : memref<16x32x128xf32, #tpu.memory_space<vmem>>, vector<16xf32>,
        %pack3A_267 = tpu.pack_subelements %get3A_261, %get3A_266 {pack_format = #tpu.pack_format<interleaved>, positions = array<i32: 0, 1>} : vector<16xf32>, vector<16xf32> -> vector<32xbf16>
        %bitcast3A_268 = vector.bitcast %pack3A_267 : vector<32xbf16> to vector<16xi32>
        %add3A_269 = arith.constant 11 : i32
        %add3A_270 = vector.broadcast %add3A_269 : i32 to vector<16xi32>
        %add3A_271 = arith.addi %mul3A_91, %add3A_270 : vector<16xi32>
        tpu.vector_store_idx %arg12[%add3A_94, %add3A_271], %bitcast3A_268 : memref<8x128xi32, #tpu.memory_space<vmem>>[vector<16xi32>, vector<16xi32>], vector<16xi32>,
        %get3A_272 = arith.constant 12 : i32
        %get3A_273 = arith.index_cast %and3A_64 : i32 to index
        %get3A_274 = arith.index_cast %get3A_272 : i32 to index
        %get3A_275 = arith.constant 0 : index
        %get3A_276 = tpu.vector_load %arg11[%get3A_273, %get3A_274, %get3A_275] {strides = array<i32>} : memref<16x32x128xf32, #tpu.memory_space<vmem>>, vector<16xf32>,
        %get3A_277 = arith.constant 28 : i32
        %get3A_278 = arith.index_cast %and3A_64 : i32 to index
        %get3A_279 = arith.index_cast %get3A_277 : i32 to index
        %get3A_280 = arith.constant 0 : index
        %get3A_281 = tpu.vector_load %arg11[%get3A_278, %get3A_279, %get3A_280] {strides = array<i32>} : memref<16x32x128xf32, #tpu.memory_space<vmem>>, vector<16xf32>,
        %pack3A_282 = tpu.pack_subelements %get3A_276, %get3A_281 {pack_format = #tpu.pack_format<interleaved>, positions = array<i32: 0, 1>} : vector<16xf32>, vector<16xf32> -> vector<32xbf16>
        %bitcast3A_283 = vector.bitcast %pack3A_282 : vector<32xbf16> to vector<16xi32>
        %add3A_284 = arith.constant 12 : i32
        %add3A_285 = vector.broadcast %add3A_284 : i32 to vector<16xi32>
        %add3A_286 = arith.addi %mul3A_91, %add3A_285 : vector<16xi32>
        tpu.vector_store_idx %arg12[%add3A_94, %add3A_286], %bitcast3A_283 : memref<8x128xi32, #tpu.memory_space<vmem>>[vector<16xi32>, vector<16xi32>], vector<16xi32>,
        %get3A_287 = arith.constant 13 : i32
        %get3A_288 = arith.index_cast %and3A_64 : i32 to index
        %get3A_289 = arith.index_cast %get3A_287 : i32 to index
        %get3A_290 = arith.constant 0 : index
        %get3A_291 = tpu.vector_load %arg11[%get3A_288, %get3A_289, %get3A_290] {strides = array<i32>} : memref<16x32x128xf32, #tpu.memory_space<vmem>>, vector<16xf32>,
        %get3A_292 = arith.constant 29 : i32
        %get3A_293 = arith.index_cast %and3A_64 : i32 to index
        %get3A_294 = arith.index_cast %get3A_292 : i32 to index
        %get3A_295 = arith.constant 0 : index
        %get3A_296 = tpu.vector_load %arg11[%get3A_293, %get3A_294, %get3A_295] {strides = array<i32>} : memref<16x32x128xf32, #tpu.memory_space<vmem>>, vector<16xf32>,
        %pack3A_297 = tpu.pack_subelements %get3A_291, %get3A_296 {pack_format = #tpu.pack_format<interleaved>, positions = array<i32: 0, 1>} : vector<16xf32>, vector<16xf32> -> vector<32xbf16>
        %bitcast3A_298 = vector.bitcast %pack3A_297 : vector<32xbf16> to vector<16xi32>
        %add3A_299 = arith.constant 13 : i32
        %add3A_300 = vector.broadcast %add3A_299 : i32 to vector<16xi32>
        %add3A_301 = arith.addi %mul3A_91, %add3A_300 : vector<16xi32>
        tpu.vector_store_idx %arg12[%add3A_94, %add3A_301], %bitcast3A_298 : memref<8x128xi32, #tpu.memory_space<vmem>>[vector<16xi32>, vector<16xi32>], vector<16xi32>,
        %get3A_302 = arith.constant 14 : i32
        %get3A_303 = arith.index_cast %and3A_64 : i32 to index
        %get3A_304 = arith.index_cast %get3A_302 : i32 to index
        %get3A_305 = arith.constant 0 : index
        %get3A_306 = tpu.vector_load %arg11[%get3A_303, %get3A_304, %get3A_305] {strides = array<i32>} : memref<16x32x128xf32, #tpu.memory_space<vmem>>, vector<16xf32>,
        %get3A_307 = arith.constant 30 : i32
        %get3A_308 = arith.index_cast %and3A_64 : i32 to index
        %get3A_309 = arith.index_cast %get3A_307 : i32 to index
        %get3A_310 = arith.constant 0 : index
        %get3A_311 = tpu.vector_load %arg11[%get3A_308, %get3A_309, %get3A_310] {strides = array<i32>} : memref<16x32x128xf32, #tpu.memory_space<vmem>>, vector<16xf32>,
        %pack3A_312 = tpu.pack_subelements %get3A_306, %get3A_311 {pack_format = #tpu.pack_format<interleaved>, positions = array<i32: 0, 1>} : vector<16xf32>, vector<16xf32> -> vector<32xbf16>
        %bitcast3A_313 = vector.bitcast %pack3A_312 : vector<32xbf16> to vector<16xi32>
        %add3A_314 = arith.constant 14 : i32
        %add3A_315 = vector.broadcast %add3A_314 : i32 to vector<16xi32>
        %add3A_316 = arith.addi %mul3A_91, %add3A_315 : vector<16xi32>
        tpu.vector_store_idx %arg12[%add3A_94, %add3A_316], %bitcast3A_313 : memref<8x128xi32, #tpu.memory_space<vmem>>[vector<16xi32>, vector<16xi32>], vector<16xi32>,
        %get3A_317 = arith.constant 15 : i32
        %get3A_318 = arith.index_cast %and3A_64 : i32 to index
        %get3A_319 = arith.index_cast %get3A_317 : i32 to index
        %get3A_320 = arith.constant 0 : index
        %get3A_321 = tpu.vector_load %arg11[%get3A_318, %get3A_319, %get3A_320] {strides = array<i32>} : memref<16x32x128xf32, #tpu.memory_space<vmem>>, vector<16xf32>,
        %get3A_322 = arith.constant 31 : i32
        %get3A_323 = arith.index_cast %and3A_64 : i32 to index
        %get3A_324 = arith.index_cast %get3A_322 : i32 to index
        %get3A_325 = arith.constant 0 : index
        %get3A_326 = tpu.vector_load %arg11[%get3A_323, %get3A_324, %get3A_325] {strides = array<i32>} : memref<16x32x128xf32, #tpu.memory_space<vmem>>, vector<16xf32>,
        %pack3A_327 = tpu.pack_subelements %get3A_321, %get3A_326 {pack_format = #tpu.pack_format<interleaved>, positions = array<i32: 0, 1>} : vector<16xf32>, vector<16xf32> -> vector<32xbf16>
        %bitcast3A_328 = vector.bitcast %pack3A_327 : vector<32xbf16> to vector<16xi32>
        %add3A_329 = arith.constant 15 : i32
        %add3A_330 = vector.broadcast %add3A_329 : i32 to vector<16xi32>
        %add3A_331 = arith.addi %mul3A_91, %add3A_330 : vector<16xi32>
        tpu.vector_store_idx %arg12[%add3A_94, %add3A_331], %bitcast3A_328 : memref<8x128xi32, #tpu.memory_space<vmem>>[vector<16xi32>, vector<16xi32>], vector<16xi32>,
        %add3A_332 = arith.constant 2 : i32
        %add3A_333 = vector.broadcast %add3A_332 : i32 to vector<16xi32>
        %add3A_334 = arith.addi %add3A_333, %shift_right_arithmetic3A_85 : vector<16xi32>
        %get3A_335 = arith.constant 0 : i32
        %get3A_336 = arith.index_cast %and3A_64 : i32 to index
        %get3A_337 = arith.index_cast %get3A_335 : i32 to index
        %get3A_338 = arith.constant 16 : index
        %get3A_339 = tpu.vector_load %arg11[%get3A_336, %get3A_337, %get3A_338] {strides = array<i32>} : memref<16x32x128xf32, #tpu.memory_space<vmem>>, vector<16xf32>,
        %get3A_340 = arith.constant 16 : i32
        %get3A_341 = arith.index_cast %and3A_64 : i32 to index
        %get3A_342 = arith.index_cast %get3A_340 : i32 to index
        %get3A_343 = arith.constant 16 : index
        %get3A_344 = tpu.vector_load %arg11[%get3A_341, %get3A_342, %get3A_343] {strides = array<i32>} : memref<16x32x128xf32, #tpu.memory_space<vmem>>, vector<16xf32>,
        %pack3A_345 = tpu.pack_subelements %get3A_339, %get3A_344 {pack_format = #tpu.pack_format<interleaved>, positions = array<i32: 0, 1>} : vector<16xf32>, vector<16xf32> -> vector<32xbf16>
        %bitcast3A_346 = vector.bitcast %pack3A_345 : vector<32xbf16> to vector<16xi32>
        %add3A_347 = arith.constant 0 : i32
        %add3A_348 = vector.broadcast %add3A_347 : i32 to vector<16xi32>
        %add3A_349 = arith.addi %mul3A_91, %add3A_348 : vector<16xi32>
        tpu.vector_store_idx %arg12[%add3A_334, %add3A_349], %bitcast3A_346 : memref<8x128xi32, #tpu.memory_space<vmem>>[vector<16xi32>, vector<16xi32>], vector<16xi32>,
        %get3A_350 = arith.constant 1 : i32
        %get3A_351 = arith.index_cast %and3A_64 : i32 to index
        %get3A_352 = arith.index_cast %get3A_350 : i32 to index
        %get3A_353 = arith.constant 16 : index
        %get3A_354 = tpu.vector_load %arg11[%get3A_351, %get3A_352, %get3A_353] {strides = array<i32>} : memref<16x32x128xf32, #tpu.memory_space<vmem>>, vector<16xf32>,
        %get3A_355 = arith.constant 17 : i32
        %get3A_356 = arith.index_cast %and3A_64 : i32 to index
        %get3A_357 = arith.index_cast %get3A_355 : i32 to index
        %get3A_358 = arith.constant 16 : index
        %get3A_359 = tpu.vector_load %arg11[%get3A_356, %get3A_357, %get3A_358] {strides = array<i32>} : memref<16x32x128xf32, #tpu.memory_space<vmem>>, vector<16xf32>,
        %pack3A_360 = tpu.pack_subelements %get3A_354, %get3A_359 {pack_format = #tpu.pack_format<interleaved>, positions = array<i32: 0, 1>} : vector<16xf32>, vector<16xf32> -> vector<32xbf16>
        %bitcast3A_361 = vector.bitcast %pack3A_360 : vector<32xbf16> to vector<16xi32>
        %add3A_362 = arith.constant 1 : i32
        %add3A_363 = vector.broadcast %add3A_362 : i32 to vector<16xi32>
        %add3A_364 = arith.addi %mul3A_91, %add3A_363 : vector<16xi32>
        tpu.vector_store_idx %arg12[%add3A_334, %add3A_364], %bitcast3A_361 : memref<8x128xi32, #tpu.memory_space<vmem>>[vector<16xi32>, vector<16xi32>], vector<16xi32>,
        %get3A_365 = arith.constant 2 : i32
        %get3A_366 = arith.index_cast %and3A_64 : i32 to index
        %get3A_367 = arith.index_cast %get3A_365 : i32 to index
        %get3A_368 = arith.constant 16 : index
        %get3A_369 = tpu.vector_load %arg11[%get3A_366, %get3A_367, %get3A_368] {strides = array<i32>} : memref<16x32x128xf32, #tpu.memory_space<vmem>>, vector<16xf32>,
        %get3A_370 = arith.constant 18 : i32
        %get3A_371 = arith.index_cast %and3A_64 : i32 to index
        %get3A_372 = arith.index_cast %get3A_370 : i32 to index
        %get3A_373 = arith.constant 16 : index
        %get3A_374 = tpu.vector_load %arg11[%get3A_371, %get3A_372, %get3A_373] {strides = array<i32>} : memref<16x32x128xf32, #tpu.memory_space<vmem>>, vector<16xf32>,
        %pack3A_375 = tpu.pack_subelements %get3A_369, %get3A_374 {pack_format = #tpu.pack_format<interleaved>, positions = array<i32: 0, 1>} : vector<16xf32>, vector<16xf32> -> vector<32xbf16>
        %bitcast3A_376 = vector.bitcast %pack3A_375 : vector<32xbf16> to vector<16xi32>
        %add3A_377 = arith.constant 2 : i32
        %add3A_378 = vector.broadcast %add3A_377 : i32 to vector<16xi32>
        %add3A_379 = arith.addi %mul3A_91, %add3A_378 : vector<16xi32>
        tpu.vector_store_idx %arg12[%add3A_334, %add3A_379], %bitcast3A_376 : memref<8x128xi32, #tpu.memory_space<vmem>>[vector<16xi32>, vector<16xi32>], vector<16xi32>,
        %get3A_380 = arith.constant 3 : i32
        %get3A_381 = arith.index_cast %and3A_64 : i32 to index
        %get3A_382 = arith.index_cast %get3A_380 : i32 to index
        %get3A_383 = arith.constant 16 : index
        %get3A_384 = tpu.vector_load %arg11[%get3A_381, %get3A_382, %get3A_383] {strides = array<i32>} : memref<16x32x128xf32, #tpu.memory_space<vmem>>, vector<16xf32>,
        %get3A_385 = arith.constant 19 : i32
        %get3A_386 = arith.index_cast %and3A_64 : i32 to index
        %get3A_387 = arith.index_cast %get3A_385 : i32 to index
        %get3A_388 = arith.constant 16 : index
        %get3A_389 = tpu.vector_load %arg11[%get3A_386, %get3A_387, %get3A_388] {strides = array<i32>} : memref<16x32x128xf32, #tpu.memory_space<vmem>>, vector<16xf32>,
        %pack3A_390 = tpu.pack_subelements %get3A_384, %get3A_389 {pack_format = #tpu.pack_format<interleaved>, positions = array<i32: 0, 1>} : vector<16xf32>, vector<16xf32> -> vector<32xbf16>
        %bitcast3A_391 = vector.bitcast %pack3A_390 : vector<32xbf16> to vector<16xi32>
        %add3A_392 = arith.constant 3 : i32
        %add3A_393 = vector.broadcast %add3A_392 : i32 to vector<16xi32>
        %add3A_394 = arith.addi %mul3A_91, %add3A_393 : vector<16xi32>
        tpu.vector_store_idx %arg12[%add3A_334, %add3A_394], %bitcast3A_391 : memref<8x128xi32, #tpu.memory_space<vmem>>[vector<16xi32>, vector<16xi32>], vector<16xi32>,
        %get3A_395 = arith.constant 4 : i32
        %get3A_396 = arith.index_cast %and3A_64 : i32 to index
        %get3A_397 = arith.index_cast %get3A_395 : i32 to index
        %get3A_398 = arith.constant 16 : index
        %get3A_399 = tpu.vector_load %arg11[%get3A_396, %get3A_397, %get3A_398] {strides = array<i32>} : memref<16x32x128xf32, #tpu.memory_space<vmem>>, vector<16xf32>,
        %get3A_400 = arith.constant 20 : i32
        %get3A_401 = arith.index_cast %and3A_64 : i32 to index
        %get3A_402 = arith.index_cast %get3A_400 : i32 to index
        %get3A_403 = arith.constant 16 : index
        %get3A_404 = tpu.vector_load %arg11[%get3A_401, %get3A_402, %get3A_403] {strides = array<i32>} : memref<16x32x128xf32, #tpu.memory_space<vmem>>, vector<16xf32>,
        %pack3A_405 = tpu.pack_subelements %get3A_399, %get3A_404 {pack_format = #tpu.pack_format<interleaved>, positions = array<i32: 0, 1>} : vector<16xf32>, vector<16xf32> -> vector<32xbf16>
        %bitcast3A_406 = vector.bitcast %pack3A_405 : vector<32xbf16> to vector<16xi32>
        %add3A_407 = arith.constant 4 : i32
        %add3A_408 = vector.broadcast %add3A_407 : i32 to vector<16xi32>
        %add3A_409 = arith.addi %mul3A_91, %add3A_408 : vector<16xi32>
        tpu.vector_store_idx %arg12[%add3A_334, %add3A_409], %bitcast3A_406 : memref<8x128xi32, #tpu.memory_space<vmem>>[vector<16xi32>, vector<16xi32>], vector<16xi32>,
        %get3A_410 = arith.constant 5 : i32
        %get3A_411 = arith.index_cast %and3A_64 : i32 to index
        %get3A_412 = arith.index_cast %get3A_410 : i32 to index
        %get3A_413 = arith.constant 16 : index
        %get3A_414 = tpu.vector_load %arg11[%get3A_411, %get3A_412, %get3A_413] {strides = array<i32>} : memref<16x32x128xf32, #tpu.memory_space<vmem>>, vector<16xf32>,
        %get3A_415 = arith.constant 21 : i32
        %get3A_416 = arith.index_cast %and3A_64 : i32 to index
        %get3A_417 = arith.index_cast %get3A_415 : i32 to index
        %get3A_418 = arith.constant 16 : index
        %get3A_419 = tpu.vector_load %arg11[%get3A_416, %get3A_417, %get3A_418] {strides = array<i32>} : memref<16x32x128xf32, #tpu.memory_space<vmem>>, vector<16xf32>,
        %pack3A_420 = tpu.pack_subelements %get3A_414, %get3A_419 {pack_format = #tpu.pack_format<interleaved>, positions = array<i32: 0, 1>} : vector<16xf32>, vector<16xf32> -> vector<32xbf16>
        %bitcast3A_421 = vector.bitcast %pack3A_420 : vector<32xbf16> to vector<16xi32>
        %add3A_422 = arith.constant 5 : i32
        %add3A_423 = vector.broadcast %add3A_422 : i32 to vector<16xi32>
        %add3A_424 = arith.addi %mul3A_91, %add3A_423 : vector<16xi32>
        tpu.vector_store_idx %arg12[%add3A_334, %add3A_424], %bitcast3A_421 : memref<8x128xi32, #tpu.memory_space<vmem>>[vector<16xi32>, vector<16xi32>], vector<16xi32>,
        %get3A_425 = arith.constant 6 : i32
        %get3A_426 = arith.index_cast %and3A_64 : i32 to index
        %get3A_427 = arith.index_cast %get3A_425 : i32 to index
        %get3A_428 = arith.constant 16 : index
        %get3A_429 = tpu.vector_load %arg11[%get3A_426, %get3A_427, %get3A_428] {strides = array<i32>} : memref<16x32x128xf32, #tpu.memory_space<vmem>>, vector<16xf32>,
        %get3A_430 = arith.constant 22 : i32
        %get3A_431 = arith.index_cast %and3A_64 : i32 to index
        %get3A_432 = arith.index_cast %get3A_430 : i32 to index
        %get3A_433 = arith.constant 16 : index
        %get3A_434 = tpu.vector_load %arg11[%get3A_431, %get3A_432, %get3A_433] {strides = array<i32>} : memref<16x32x128xf32, #tpu.memory_space<vmem>>, vector<16xf32>,
        %pack3A_435 = tpu.pack_subelements %get3A_429, %get3A_434 {pack_format = #tpu.pack_format<interleaved>, positions = array<i32: 0, 1>} : vector<16xf32>, vector<16xf32> -> vector<32xbf16>
        %bitcast3A_436 = vector.bitcast %pack3A_435 : vector<32xbf16> to vector<16xi32>
        %add3A_437 = arith.constant 6 : i32
        %add3A_438 = vector.broadcast %add3A_437 : i32 to vector<16xi32>
        %add3A_439 = arith.addi %mul3A_91, %add3A_438 : vector<16xi32>
        tpu.vector_store_idx %arg12[%add3A_334, %add3A_439], %bitcast3A_436 : memref<8x128xi32, #tpu.memory_space<vmem>>[vector<16xi32>, vector<16xi32>], vector<16xi32>,
        %get3A_440 = arith.constant 7 : i32
        %get3A_441 = arith.index_cast %and3A_64 : i32 to index
        %get3A_442 = arith.index_cast %get3A_440 : i32 to index
        %get3A_443 = arith.constant 16 : index
        %get3A_444 = tpu.vector_load %arg11[%get3A_441, %get3A_442, %get3A_443] {strides = array<i32>} : memref<16x32x128xf32, #tpu.memory_space<vmem>>, vector<16xf32>,
        %get3A_445 = arith.constant 23 : i32
        %get3A_446 = arith.index_cast %and3A_64 : i32 to index
        %get3A_447 = arith.index_cast %get3A_445 : i32 to index
        %get3A_448 = arith.constant 16 : index
        %get3A_449 = tpu.vector_load %arg11[%get3A_446, %get3A_447, %get3A_448] {strides = array<i32>} : memref<16x32x128xf32, #tpu.memory_space<vmem>>, vector<16xf32>,
        %pack3A_450 = tpu.pack_subelements %get3A_444, %get3A_449 {pack_format = #tpu.pack_format<interleaved>, positions = array<i32: 0, 1>} : vector<16xf32>, vector<16xf32> -> vector<32xbf16>
        %bitcast3A_451 = vector.bitcast %pack3A_450 : vector<32xbf16> to vector<16xi32>
        %add3A_452 = arith.constant 7 : i32
        %add3A_453 = vector.broadcast %add3A_452 : i32 to vector<16xi32>
        %add3A_454 = arith.addi %mul3A_91, %add3A_453 : vector<16xi32>
        tpu.vector_store_idx %arg12[%add3A_334, %add3A_454], %bitcast3A_451 : memref<8x128xi32, #tpu.memory_space<vmem>>[vector<16xi32>, vector<16xi32>], vector<16xi32>,
        %get3A_455 = arith.constant 8 : i32
        %get3A_456 = arith.index_cast %and3A_64 : i32 to index
        %get3A_457 = arith.index_cast %get3A_455 : i32 to index
        %get3A_458 = arith.constant 16 : index
        %get3A_459 = tpu.vector_load %arg11[%get3A_456, %get3A_457, %get3A_458] {strides = array<i32>} : memref<16x32x128xf32, #tpu.memory_space<vmem>>, vector<16xf32>,
        %get3A_460 = arith.constant 24 : i32
        %get3A_461 = arith.index_cast %and3A_64 : i32 to index
        %get3A_462 = arith.index_cast %get3A_460 : i32 to index
        %get3A_463 = arith.constant 16 : index
        %get3A_464 = tpu.vector_load %arg11[%get3A_461, %get3A_462, %get3A_463] {strides = array<i32>} : memref<16x32x128xf32, #tpu.memory_space<vmem>>, vector<16xf32>,
        %pack3A_465 = tpu.pack_subelements %get3A_459, %get3A_464 {pack_format = #tpu.pack_format<interleaved>, positions = array<i32: 0, 1>} : vector<16xf32>, vector<16xf32> -> vector<32xbf16>
        %bitcast3A_466 = vector.bitcast %pack3A_465 : vector<32xbf16> to vector<16xi32>
        %add3A_467 = arith.constant 8 : i32
        %add3A_468 = vector.broadcast %add3A_467 : i32 to vector<16xi32>
        %add3A_469 = arith.addi %mul3A_91, %add3A_468 : vector<16xi32>
        tpu.vector_store_idx %arg12[%add3A_334, %add3A_469], %bitcast3A_466 : memref<8x128xi32, #tpu.memory_space<vmem>>[vector<16xi32>, vector<16xi32>], vector<16xi32>,
        %get3A_470 = arith.constant 9 : i32
        %get3A_471 = arith.index_cast %and3A_64 : i32 to index
        %get3A_472 = arith.index_cast %get3A_470 : i32 to index
        %get3A_473 = arith.constant 16 : index
        %get3A_474 = tpu.vector_load %arg11[%get3A_471, %get3A_472, %get3A_473] {strides = array<i32>} : memref<16x32x128xf32, #tpu.memory_space<vmem>>, vector<16xf32>,
        %get3A_475 = arith.constant 25 : i32
        %get3A_476 = arith.index_cast %and3A_64 : i32 to index
        %get3A_477 = arith.index_cast %get3A_475 : i32 to index
        %get3A_478 = arith.constant 16 : index
        %get3A_479 = tpu.vector_load %arg11[%get3A_476, %get3A_477, %get3A_478] {strides = array<i32>} : memref<16x32x128xf32, #tpu.memory_space<vmem>>, vector<16xf32>,
        %pack3A_480 = tpu.pack_subelements %get3A_474, %get3A_479 {pack_format = #tpu.pack_format<interleaved>, positions = array<i32: 0, 1>} : vector<16xf32>, vector<16xf32> -> vector<32xbf16>
        %bitcast3A_481 = vector.bitcast %pack3A_480 : vector<32xbf16> to vector<16xi32>
        %add3A_482 = arith.constant 9 : i32
        %add3A_483 = vector.broadcast %add3A_482 : i32 to vector<16xi32>
        %add3A_484 = arith.addi %mul3A_91, %add3A_483 : vector<16xi32>
        tpu.vector_store_idx %arg12[%add3A_334, %add3A_484], %bitcast3A_481 : memref<8x128xi32, #tpu.memory_space<vmem>>[vector<16xi32>, vector<16xi32>], vector<16xi32>,
        %get3A_485 = arith.constant 10 : i32
        %get3A_486 = arith.index_cast %and3A_64 : i32 to index
        %get3A_487 = arith.index_cast %get3A_485 : i32 to index
        %get3A_488 = arith.constant 16 : index
        %get3A_489 = tpu.vector_load %arg11[%get3A_486, %get3A_487, %get3A_488] {strides = array<i32>} : memref<16x32x128xf32, #tpu.memory_space<vmem>>, vector<16xf32>,
        %get3A_490 = arith.constant 26 : i32
        %get3A_491 = arith.index_cast %and3A_64 : i32 to index
        %get3A_492 = arith.index_cast %get3A_490 : i32 to index
        %get3A_493 = arith.constant 16 : index
        %get3A_494 = tpu.vector_load %arg11[%get3A_491, %get3A_492, %get3A_493] {strides = array<i32>} : memref<16x32x128xf32, #tpu.memory_space<vmem>>, vector<16xf32>,
        %pack3A_495 = tpu.pack_subelements %get3A_489, %get3A_494 {pack_format = #tpu.pack_format<interleaved>, positions = array<i32: 0, 1>} : vector<16xf32>, vector<16xf32> -> vector<32xbf16>
        %bitcast3A_496 = vector.bitcast %pack3A_495 : vector<32xbf16> to vector<16xi32>
        %add3A_497 = arith.constant 10 : i32
        %add3A_498 = vector.broadcast %add3A_497 : i32 to vector<16xi32>
        %add3A_499 = arith.addi %mul3A_91, %add3A_498 : vector<16xi32>
        tpu.vector_store_idx %arg12[%add3A_334, %add3A_499], %bitcast3A_496 : memref<8x128xi32, #tpu.memory_space<vmem>>[vector<16xi32>, vector<16xi32>], vector<16xi32>,
        %get3A_500 = arith.constant 11 : i32
        %get3A_501 = arith.index_cast %and3A_64 : i32 to index
        %get3A_502 = arith.index_cast %get3A_500 : i32 to index
        %get3A_503 = arith.constant 16 : index
        %get3A_504 = tpu.vector_load %arg11[%get3A_501, %get3A_502, %get3A_503] {strides = array<i32>} : memref<16x32x128xf32, #tpu.memory_space<vmem>>, vector<16xf32>,
        %get3A_505 = arith.constant 27 : i32
        %get3A_506 = arith.index_cast %and3A_64 : i32 to index
        %get3A_507 = arith.index_cast %get3A_505 : i32 to index
        %get3A_508 = arith.constant 16 : index
        %get3A_509 = tpu.vector_load %arg11[%get3A_506, %get3A_507, %get3A_508] {strides = array<i32>} : memref<16x32x128xf32, #tpu.memory_space<vmem>>, vector<16xf32>,
        %pack3A_510 = tpu.pack_subelements %get3A_504, %get3A_509 {pack_format = #tpu.pack_format<interleaved>, positions = array<i32: 0, 1>} : vector<16xf32>, vector<16xf32> -> vector<32xbf16>
        %bitcast3A_511 = vector.bitcast %pack3A_510 : vector<32xbf16> to vector<16xi32>
        %add3A_512 = arith.constant 11 : i32
        %add3A_513 = vector.broadcast %add3A_512 : i32 to vector<16xi32>
        %add3A_514 = arith.addi %mul3A_91, %add3A_513 : vector<16xi32>
        tpu.vector_store_idx %arg12[%add3A_334, %add3A_514], %bitcast3A_511 : memref<8x128xi32, #tpu.memory_space<vmem>>[vector<16xi32>, vector<16xi32>], vector<16xi32>,
        %get3A_515 = arith.constant 12 : i32
        %get3A_516 = arith.index_cast %and3A_64 : i32 to index
        %get3A_517 = arith.index_cast %get3A_515 : i32 to index
        %get3A_518 = arith.constant 16 : index
        %get3A_519 = tpu.vector_load %arg11[%get3A_516, %get3A_517, %get3A_518] {strides = array<i32>} : memref<16x32x128xf32, #tpu.memory_space<vmem>>, vector<16xf32>,
        %get3A_520 = arith.constant 28 : i32
        %get3A_521 = arith.index_cast %and3A_64 : i32 to index
        %get3A_522 = arith.index_cast %get3A_520 : i32 to index
        %get3A_523 = arith.constant 16 : index
        %get3A_524 = tpu.vector_load %arg11[%get3A_521, %get3A_522, %get3A_523] {strides = array<i32>} : memref<16x32x128xf32, #tpu.memory_space<vmem>>, vector<16xf32>,
        %pack3A_525 = tpu.pack_subelements %get3A_519, %get3A_524 {pack_format = #tpu.pack_format<interleaved>, positions = array<i32: 0, 1>} : vector<16xf32>, vector<16xf32> -> vector<32xbf16>
        %bitcast3A_526 = vector.bitcast %pack3A_525 : vector<32xbf16> to vector<16xi32>
        %add3A_527 = arith.constant 12 : i32
        %add3A_528 = vector.broadcast %add3A_527 : i32 to vector<16xi32>
        %add3A_529 = arith.addi %mul3A_91, %add3A_528 : vector<16xi32>
        tpu.vector_store_idx %arg12[%add3A_334, %add3A_529], %bitcast3A_526 : memref<8x128xi32, #tpu.memory_space<vmem>>[vector<16xi32>, vector<16xi32>], vector<16xi32>,
        %get3A_530 = arith.constant 13 : i32
        %get3A_531 = arith.index_cast %and3A_64 : i32 to index
        %get3A_532 = arith.index_cast %get3A_530 : i32 to index
        %get3A_533 = arith.constant 16 : index
        %get3A_534 = tpu.vector_load %arg11[%get3A_531, %get3A_532, %get3A_533] {strides = array<i32>} : memref<16x32x128xf32, #tpu.memory_space<vmem>>, vector<16xf32>,
        %get3A_535 = arith.constant 29 : i32
        %get3A_536 = arith.index_cast %and3A_64 : i32 to index
        %get3A_537 = arith.index_cast %get3A_535 : i32 to index
        %get3A_538 = arith.constant 16 : index
        %get3A_539 = tpu.vector_load %arg11[%get3A_536, %get3A_537, %get3A_538] {strides = array<i32>} : memref<16x32x128xf32, #tpu.memory_space<vmem>>, vector<16xf32>,
        %pack3A_540 = tpu.pack_subelements %get3A_534, %get3A_539 {pack_format = #tpu.pack_format<interleaved>, positions = array<i32: 0, 1>} : vector<16xf32>, vector<16xf32> -> vector<32xbf16>
        %bitcast3A_541 = vector.bitcast %pack3A_540 : vector<32xbf16> to vector<16xi32>
        %add3A_542 = arith.constant 13 : i32
        %add3A_543 = vector.broadcast %add3A_542 : i32 to vector<16xi32>
        %add3A_544 = arith.addi %mul3A_91, %add3A_543 : vector<16xi32>
        tpu.vector_store_idx %arg12[%add3A_334, %add3A_544], %bitcast3A_541 : memref<8x128xi32, #tpu.memory_space<vmem>>[vector<16xi32>, vector<16xi32>], vector<16xi32>,
        %get3A_545 = arith.constant 14 : i32
        %get3A_546 = arith.index_cast %and3A_64 : i32 to index
        %get3A_547 = arith.index_cast %get3A_545 : i32 to index
        %get3A_548 = arith.constant 16 : index
        %get3A_549 = tpu.vector_load %arg11[%get3A_546, %get3A_547, %get3A_548] {strides = array<i32>} : memref<16x32x128xf32, #tpu.memory_space<vmem>>, vector<16xf32>,
        %get3A_550 = arith.constant 30 : i32
        %get3A_551 = arith.index_cast %and3A_64 : i32 to index
        %get3A_552 = arith.index_cast %get3A_550 : i32 to index
        %get3A_553 = arith.constant 16 : index
        %get3A_554 = tpu.vector_load %arg11[%get3A_551, %get3A_552, %get3A_553] {strides = array<i32>} : memref<16x32x128xf32, #tpu.memory_space<vmem>>, vector<16xf32>,
        %pack3A_555 = tpu.pack_subelements %get3A_549, %get3A_554 {pack_format = #tpu.pack_format<interleaved>, positions = array<i32: 0, 1>} : vector<16xf32>, vector<16xf32> -> vector<32xbf16>
        %bitcast3A_556 = vector.bitcast %pack3A_555 : vector<32xbf16> to vector<16xi32>
        %add3A_557 = arith.constant 14 : i32
        %add3A_558 = vector.broadcast %add3A_557 : i32 to vector<16xi32>
        %add3A_559 = arith.addi %mul3A_91, %add3A_558 : vector<16xi32>
        tpu.vector_store_idx %arg12[%add3A_334, %add3A_559], %bitcast3A_556 : memref<8x128xi32, #tpu.memory_space<vmem>>[vector<16xi32>, vector<16xi32>], vector<16xi32>,
        %get3A_560 = arith.constant 15 : i32
        %get3A_561 = arith.index_cast %and3A_64 : i32 to index
        %get3A_562 = arith.index_cast %get3A_560 : i32 to index
        %get3A_563 = arith.constant 16 : index
        %get3A_564 = tpu.vector_load %arg11[%get3A_561, %get3A_562, %get3A_563] {strides = array<i32>} : memref<16x32x128xf32, #tpu.memory_space<vmem>>, vector<16xf32>,
        %get3A_565 = arith.constant 31 : i32
        %get3A_566 = arith.index_cast %and3A_64 : i32 to index
        %get3A_567 = arith.index_cast %get3A_565 : i32 to index
        %get3A_568 = arith.constant 16 : index
        %get3A_569 = tpu.vector_load %arg11[%get3A_566, %get3A_567, %get3A_568] {strides = array<i32>} : memref<16x32x128xf32, #tpu.memory_space<vmem>>, vector<16xf32>,
        %pack3A_570 = tpu.pack_subelements %get3A_564, %get3A_569 {pack_format = #tpu.pack_format<interleaved>, positions = array<i32: 0, 1>} : vector<16xf32>, vector<16xf32> -> vector<32xbf16>
        %bitcast3A_571 = vector.bitcast %pack3A_570 : vector<32xbf16> to vector<16xi32>
        %add3A_572 = arith.constant 15 : i32
        %add3A_573 = vector.broadcast %add3A_572 : i32 to vector<16xi32>
        %add3A_574 = arith.addi %mul3A_91, %add3A_573 : vector<16xi32>
        tpu.vector_store_idx %arg12[%add3A_334, %add3A_574], %bitcast3A_571 : memref<8x128xi32, #tpu.memory_space<vmem>>[vector<16xi32>, vector<16xi32>], vector<16xi32>,
        %add3A_575 = arith.constant 4 : i32
        %add3A_576 = vector.broadcast %add3A_575 : i32 to vector<16xi32>
        %add3A_577 = arith.addi %add3A_576, %shift_right_arithmetic3A_85 : vector<16xi32>
        %get3A_578 = arith.constant 0 : i32
        %get3A_579 = arith.index_cast %and3A_64 : i32 to index
        %get3A_580 = arith.index_cast %get3A_578 : i32 to index
        %get3A_581 = arith.constant 32 : index
        %get3A_582 = tpu.vector_load %arg11[%get3A_579, %get3A_580, %get3A_581] {strides = array<i32>} : memref<16x32x128xf32, #tpu.memory_space<vmem>>, vector<16xf32>,
        %get3A_583 = arith.constant 16 : i32
        %get3A_584 = arith.index_cast %and3A_64 : i32 to index
        %get3A_585 = arith.index_cast %get3A_583 : i32 to index
        %get3A_586 = arith.constant 32 : index
        %get3A_587 = tpu.vector_load %arg11[%get3A_584, %get3A_585, %get3A_586] {strides = array<i32>} : memref<16x32x128xf32, #tpu.memory_space<vmem>>, vector<16xf32>,
        %pack3A_588 = tpu.pack_subelements %get3A_582, %get3A_587 {pack_format = #tpu.pack_format<interleaved>, positions = array<i32: 0, 1>} : vector<16xf32>, vector<16xf32> -> vector<32xbf16>
        %bitcast3A_589 = vector.bitcast %pack3A_588 : vector<32xbf16> to vector<16xi32>
        %add3A_590 = arith.constant 0 : i32
        %add3A_591 = vector.broadcast %add3A_590 : i32 to vector<16xi32>
        %add3A_592 = arith.addi %mul3A_91, %add3A_591 : vector<16xi32>
        tpu.vector_store_idx %arg12[%add3A_577, %add3A_592], %bitcast3A_589 : memref<8x128xi32, #tpu.memory_space<vmem>>[vector<16xi32>, vector<16xi32>], vector<16xi32>,
        %get3A_593 = arith.constant 1 : i32
        %get3A_594 = arith.index_cast %and3A_64 : i32 to index
        %get3A_595 = arith.index_cast %get3A_593 : i32 to index
        %get3A_596 = arith.constant 32 : index
        %get3A_597 = tpu.vector_load %arg11[%get3A_594, %get3A_595, %get3A_596] {strides = array<i32>} : memref<16x32x128xf32, #tpu.memory_space<vmem>>, vector<16xf32>,
        %get3A_598 = arith.constant 17 : i32
        %get3A_599 = arith.index_cast %and3A_64 : i32 to index
        %get3A_600 = arith.index_cast %get3A_598 : i32 to index
        %get3A_601 = arith.constant 32 : index
        %get3A_602 = tpu.vector_load %arg11[%get3A_599, %get3A_600, %get3A_601] {strides = array<i32>} : memref<16x32x128xf32, #tpu.memory_space<vmem>>, vector<16xf32>,
        %pack3A_603 = tpu.pack_subelements %get3A_597, %get3A_602 {pack_format = #tpu.pack_format<interleaved>, positions = array<i32: 0, 1>} : vector<16xf32>, vector<16xf32> -> vector<32xbf16>
        %bitcast3A_604 = vector.bitcast %pack3A_603 : vector<32xbf16> to vector<16xi32>
        %add3A_605 = arith.constant 1 : i32
        %add3A_606 = vector.broadcast %add3A_605 : i32 to vector<16xi32>
        %add3A_607 = arith.addi %mul3A_91, %add3A_606 : vector<16xi32>
        tpu.vector_store_idx %arg12[%add3A_577, %add3A_607], %bitcast3A_604 : memref<8x128xi32, #tpu.memory_space<vmem>>[vector<16xi32>, vector<16xi32>], vector<16xi32>,
        %get3A_608 = arith.constant 2 : i32
        %get3A_609 = arith.index_cast %and3A_64 : i32 to index
        %get3A_610 = arith.index_cast %get3A_608 : i32 to index
        %get3A_611 = arith.constant 32 : index
        %get3A_612 = tpu.vector_load %arg11[%get3A_609, %get3A_610, %get3A_611] {strides = array<i32>} : memref<16x32x128xf32, #tpu.memory_space<vmem>>, vector<16xf32>,
        %get3A_613 = arith.constant 18 : i32
        %get3A_614 = arith.index_cast %and3A_64 : i32 to index
        %get3A_615 = arith.index_cast %get3A_613 : i32 to index
        %get3A_616 = arith.constant 32 : index
        %get3A_617 = tpu.vector_load %arg11[%get3A_614, %get3A_615, %get3A_616] {strides = array<i32>} : memref<16x32x128xf32, #tpu.memory_space<vmem>>, vector<16xf32>,
        %pack3A_618 = tpu.pack_subelements %get3A_612, %get3A_617 {pack_format = #tpu.pack_format<interleaved>, positions = array<i32: 0, 1>} : vector<16xf32>, vector<16xf32> -> vector<32xbf16>
        %bitcast3A_619 = vector.bitcast %pack3A_618 : vector<32xbf16> to vector<16xi32>
        %add3A_620 = arith.constant 2 : i32
        %add3A_621 = vector.broadcast %add3A_620 : i32 to vector<16xi32>
        %add3A_622 = arith.addi %mul3A_91, %add3A_621 : vector<16xi32>
        tpu.vector_store_idx %arg12[%add3A_577, %add3A_622], %bitcast3A_619 : memref<8x128xi32, #tpu.memory_space<vmem>>[vector<16xi32>, vector<16xi32>], vector<16xi32>,
        %get3A_623 = arith.constant 3 : i32
        %get3A_624 = arith.index_cast %and3A_64 : i32 to index
        %get3A_625 = arith.index_cast %get3A_623 : i32 to index
        %get3A_626 = arith.constant 32 : index
        %get3A_627 = tpu.vector_load %arg11[%get3A_624, %get3A_625, %get3A_626] {strides = array<i32>} : memref<16x32x128xf32, #tpu.memory_space<vmem>>, vector<16xf32>,
        %get3A_628 = arith.constant 19 : i32
        %get3A_629 = arith.index_cast %and3A_64 : i32 to index
        %get3A_630 = arith.index_cast %get3A_628 : i32 to index
        %get3A_631 = arith.constant 32 : index
        %get3A_632 = tpu.vector_load %arg11[%get3A_629, %get3A_630, %get3A_631] {strides = array<i32>} : memref<16x32x128xf32, #tpu.memory_space<vmem>>, vector<16xf32>,
        %pack3A_633 = tpu.pack_subelements %get3A_627, %get3A_632 {pack_format = #tpu.pack_format<interleaved>, positions = array<i32: 0, 1>} : vector<16xf32>, vector<16xf32> -> vector<32xbf16>
        %bitcast3A_634 = vector.bitcast %pack3A_633 : vector<32xbf16> to vector<16xi32>
        %add3A_635 = arith.constant 3 : i32
        %add3A_636 = vector.broadcast %add3A_635 : i32 to vector<16xi32>
        %add3A_637 = arith.addi %mul3A_91, %add3A_636 : vector<16xi32>
        tpu.vector_store_idx %arg12[%add3A_577, %add3A_637], %bitcast3A_634 : memref<8x128xi32, #tpu.memory_space<vmem>>[vector<16xi32>, vector<16xi32>], vector<16xi32>,
        %get3A_638 = arith.constant 4 : i32
        %get3A_639 = arith.index_cast %and3A_64 : i32 to index
        %get3A_640 = arith.index_cast %get3A_638 : i32 to index
        %get3A_641 = arith.constant 32 : index
        %get3A_642 = tpu.vector_load %arg11[%get3A_639, %get3A_640, %get3A_641] {strides = array<i32>} : memref<16x32x128xf32, #tpu.memory_space<vmem>>, vector<16xf32>,
        %get3A_643 = arith.constant 20 : i32
        %get3A_644 = arith.index_cast %and3A_64 : i32 to index
        %get3A_645 = arith.index_cast %get3A_643 : i32 to index
        %get3A_646 = arith.constant 32 : index
        %get3A_647 = tpu.vector_load %arg11[%get3A_644, %get3A_645, %get3A_646] {strides = array<i32>} : memref<16x32x128xf32, #tpu.memory_space<vmem>>, vector<16xf32>,
        %pack3A_648 = tpu.pack_subelements %get3A_642, %get3A_647 {pack_format = #tpu.pack_format<interleaved>, positions = array<i32: 0, 1>} : vector<16xf32>, vector<16xf32> -> vector<32xbf16>
        %bitcast3A_649 = vector.bitcast %pack3A_648 : vector<32xbf16> to vector<16xi32>
        %add3A_650 = arith.constant 4 : i32
        %add3A_651 = vector.broadcast %add3A_650 : i32 to vector<16xi32>
        %add3A_652 = arith.addi %mul3A_91, %add3A_651 : vector<16xi32>
        tpu.vector_store_idx %arg12[%add3A_577, %add3A_652], %bitcast3A_649 : memref<8x128xi32, #tpu.memory_space<vmem>>[vector<16xi32>, vector<16xi32>], vector<16xi32>,
        %get3A_653 = arith.constant 5 : i32
        %get3A_654 = arith.index_cast %and3A_64 : i32 to index
        %get3A_655 = arith.index_cast %get3A_653 : i32 to index
        %get3A_656 = arith.constant 32 : index
        %get3A_657 = tpu.vector_load %arg11[%get3A_654, %get3A_655, %get3A_656] {strides = array<i32>} : memref<16x32x128xf32, #tpu.memory_space<vmem>>, vector<16xf32>,
        %get3A_658 = arith.constant 21 : i32
        %get3A_659 = arith.index_cast %and3A_64 : i32 to index
        %get3A_660 = arith.index_cast %get3A_658 : i32 to index
        %get3A_661 = arith.constant 32 : index
        %get3A_662 = tpu.vector_load %arg11[%get3A_659, %get3A_660, %get3A_661] {strides = array<i32>} : memref<16x32x128xf32, #tpu.memory_space<vmem>>, vector<16xf32>,
        %pack3A_663 = tpu.pack_subelements %get3A_657, %get3A_662 {pack_format = #tpu.pack_format<interleaved>, positions = array<i32: 0, 1>} : vector<16xf32>, vector<16xf32> -> vector<32xbf16>
        %bitcast3A_664 = vector.bitcast %pack3A_663 : vector<32xbf16> to vector<16xi32>
        %add3A_665 = arith.constant 5 : i32
        %add3A_666 = vector.broadcast %add3A_665 : i32 to vector<16xi32>
        %add3A_667 = arith.addi %mul3A_91, %add3A_666 : vector<16xi32>
        tpu.vector_store_idx %arg12[%add3A_577, %add3A_667], %bitcast3A_664 : memref<8x128xi32, #tpu.memory_space<vmem>>[vector<16xi32>, vector<16xi32>], vector<16xi32>,
        %get3A_668 = arith.constant 6 : i32
        %get3A_669 = arith.index_cast %and3A_64 : i32 to index
        %get3A_670 = arith.index_cast %get3A_668 : i32 to index
        %get3A_671 = arith.constant 32 : index
        %get3A_672 = tpu.vector_load %arg11[%get3A_669, %get3A_670, %get3A_671] {strides = array<i32>} : memref<16x32x128xf32, #tpu.memory_space<vmem>>, vector<16xf32>,
        %get3A_673 = arith.constant 22 : i32
        %get3A_674 = arith.index_cast %and3A_64 : i32 to index
        %get3A_675 = arith.index_cast %get3A_673 : i32 to index
        %get3A_676 = arith.constant 32 : index
        %get3A_677 = tpu.vector_load %arg11[%get3A_674, %get3A_675, %get3A_676] {strides = array<i32>} : memref<16x32x128xf32, #tpu.memory_space<vmem>>, vector<16xf32>,
        %pack3A_678 = tpu.pack_subelements %get3A_672, %get3A_677 {pack_format = #tpu.pack_format<interleaved>, positions = array<i32: 0, 1>} : vector<16xf32>, vector<16xf32> -> vector<32xbf16>
        %bitcast3A_679 = vector.bitcast %pack3A_678 : vector<32xbf16> to vector<16xi32>
        %add3A_680 = arith.constant 6 : i32
        %add3A_681 = vector.broadcast %add3A_680 : i32 to vector<16xi32>
        %add3A_682 = arith.addi %mul3A_91, %add3A_681 : vector<16xi32>
        tpu.vector_store_idx %arg12[%add3A_577, %add3A_682], %bitcast3A_679 : memref<8x128xi32, #tpu.memory_space<vmem>>[vector<16xi32>, vector<16xi32>], vector<16xi32>,
        %get3A_683 = arith.constant 7 : i32
        %get3A_684 = arith.index_cast %and3A_64 : i32 to index
        %get3A_685 = arith.index_cast %get3A_683 : i32 to index
        %get3A_686 = arith.constant 32 : index
        %get3A_687 = tpu.vector_load %arg11[%get3A_684, %get3A_685, %get3A_686] {strides = array<i32>} : memref<16x32x128xf32, #tpu.memory_space<vmem>>, vector<16xf32>,
        %get3A_688 = arith.constant 23 : i32
        %get3A_689 = arith.index_cast %and3A_64 : i32 to index
        %get3A_690 = arith.index_cast %get3A_688 : i32 to index
        %get3A_691 = arith.constant 32 : index
        %get3A_692 = tpu.vector_load %arg11[%get3A_689, %get3A_690, %get3A_691] {strides = array<i32>} : memref<16x32x128xf32, #tpu.memory_space<vmem>>, vector<16xf32>,
        %pack3A_693 = tpu.pack_subelements %get3A_687, %get3A_692 {pack_format = #tpu.pack_format<interleaved>, positions = array<i32: 0, 1>} : vector<16xf32>, vector<16xf32> -> vector<32xbf16>
        %bitcast3A_694 = vector.bitcast %pack3A_693 : vector<32xbf16> to vector<16xi32>
        %add3A_695 = arith.constant 7 : i32
        %add3A_696 = vector.broadcast %add3A_695 : i32 to vector<16xi32>
        %add3A_697 = arith.addi %mul3A_91, %add3A_696 : vector<16xi32>
        tpu.vector_store_idx %arg12[%add3A_577, %add3A_697], %bitcast3A_694 : memref<8x128xi32, #tpu.memory_space<vmem>>[vector<16xi32>, vector<16xi32>], vector<16xi32>,
        %get3A_698 = arith.constant 8 : i32
        %get3A_699 = arith.index_cast %and3A_64 : i32 to index
        %get3A_700 = arith.index_cast %get3A_698 : i32 to index
        %get3A_701 = arith.constant 32 : index
        %get3A_702 = tpu.vector_load %arg11[%get3A_699, %get3A_700, %get3A_701] {strides = array<i32>} : memref<16x32x128xf32, #tpu.memory_space<vmem>>, vector<16xf32>,
        %get3A_703 = arith.constant 24 : i32
        %get3A_704 = arith.index_cast %and3A_64 : i32 to index
        %get3A_705 = arith.index_cast %get3A_703 : i32 to index
        %get3A_706 = arith.constant 32 : index
        %get3A_707 = tpu.vector_load %arg11[%get3A_704, %get3A_705, %get3A_706] {strides = array<i32>} : memref<16x32x128xf32, #tpu.memory_space<vmem>>, vector<16xf32>,
        %pack3A_708 = tpu.pack_subelements %get3A_702, %get3A_707 {pack_format = #tpu.pack_format<interleaved>, positions = array<i32: 0, 1>} : vector<16xf32>, vector<16xf32> -> vector<32xbf16>
        %bitcast3A_709 = vector.bitcast %pack3A_708 : vector<32xbf16> to vector<16xi32>
        %add3A_710 = arith.constant 8 : i32
        %add3A_711 = vector.broadcast %add3A_710 : i32 to vector<16xi32>
        %add3A_712 = arith.addi %mul3A_91, %add3A_711 : vector<16xi32>
        tpu.vector_store_idx %arg12[%add3A_577, %add3A_712], %bitcast3A_709 : memref<8x128xi32, #tpu.memory_space<vmem>>[vector<16xi32>, vector<16xi32>], vector<16xi32>,
        %get3A_713 = arith.constant 9 : i32
        %get3A_714 = arith.index_cast %and3A_64 : i32 to index
        %get3A_715 = arith.index_cast %get3A_713 : i32 to index
        %get3A_716 = arith.constant 32 : index
        %get3A_717 = tpu.vector_load %arg11[%get3A_714, %get3A_715, %get3A_716] {strides = array<i32>} : memref<16x32x128xf32, #tpu.memory_space<vmem>>, vector<16xf32>,
        %get3A_718 = arith.constant 25 : i32
        %get3A_719 = arith.index_cast %and3A_64 : i32 to index
        %get3A_720 = arith.index_cast %get3A_718 : i32 to index
        %get3A_721 = arith.constant 32 : index
        %get3A_722 = tpu.vector_load %arg11[%get3A_719, %get3A_720, %get3A_721] {strides = array<i32>} : memref<16x32x128xf32, #tpu.memory_space<vmem>>, vector<16xf32>,
        %pack3A_723 = tpu.pack_subelements %get3A_717, %get3A_722 {pack_format = #tpu.pack_format<interleaved>, positions = array<i32: 0, 1>} : vector<16xf32>, vector<16xf32> -> vector<32xbf16>
        %bitcast3A_724 = vector.bitcast %pack3A_723 : vector<32xbf16> to vector<16xi32>
        %add3A_725 = arith.constant 9 : i32
        %add3A_726 = vector.broadcast %add3A_725 : i32 to vector<16xi32>
        %add3A_727 = arith.addi %mul3A_91, %add3A_726 : vector<16xi32>
        tpu.vector_store_idx %arg12[%add3A_577, %add3A_727], %bitcast3A_724 : memref<8x128xi32, #tpu.memory_space<vmem>>[vector<16xi32>, vector<16xi32>], vector<16xi32>,
        %get3A_728 = arith.constant 10 : i32
        %get3A_729 = arith.index_cast %and3A_64 : i32 to index
        %get3A_730 = arith.index_cast %get3A_728 : i32 to index
        %get3A_731 = arith.constant 32 : index
        %get3A_732 = tpu.vector_load %arg11[%get3A_729, %get3A_730, %get3A_731] {strides = array<i32>} : memref<16x32x128xf32, #tpu.memory_space<vmem>>, vector<16xf32>,
        %get3A_733 = arith.constant 26 : i32
        %get3A_734 = arith.index_cast %and3A_64 : i32 to index
        %get3A_735 = arith.index_cast %get3A_733 : i32 to index
        %get3A_736 = arith.constant 32 : index
        %get3A_737 = tpu.vector_load %arg11[%get3A_734, %get3A_735, %get3A_736] {strides = array<i32>} : memref<16x32x128xf32, #tpu.memory_space<vmem>>, vector<16xf32>,
        %pack3A_738 = tpu.pack_subelements %get3A_732, %get3A_737 {pack_format = #tpu.pack_format<interleaved>, positions = array<i32: 0, 1>} : vector<16xf32>, vector<16xf32> -> vector<32xbf16>
        %bitcast3A_739 = vector.bitcast %pack3A_738 : vector<32xbf16> to vector<16xi32>
        %add3A_740 = arith.constant 10 : i32
        %add3A_741 = vector.broadcast %add3A_740 : i32 to vector<16xi32>
        %add3A_742 = arith.addi %mul3A_91, %add3A_741 : vector<16xi32>
        tpu.vector_store_idx %arg12[%add3A_577, %add3A_742], %bitcast3A_739 : memref<8x128xi32, #tpu.memory_space<vmem>>[vector<16xi32>, vector<16xi32>], vector<16xi32>,
        %get3A_743 = arith.constant 11 : i32
        %get3A_744 = arith.index_cast %and3A_64 : i32 to index
        %get3A_745 = arith.index_cast %get3A_743 : i32 to index
        %get3A_746 = arith.constant 32 : index
        %get3A_747 = tpu.vector_load %arg11[%get3A_744, %get3A_745, %get3A_746] {strides = array<i32>} : memref<16x32x128xf32, #tpu.memory_space<vmem>>, vector<16xf32>,
        %get3A_748 = arith.constant 27 : i32
        %get3A_749 = arith.index_cast %and3A_64 : i32 to index
        %get3A_750 = arith.index_cast %get3A_748 : i32 to index
        %get3A_751 = arith.constant 32 : index
        %get3A_752 = tpu.vector_load %arg11[%get3A_749, %get3A_750, %get3A_751] {strides = array<i32>} : memref<16x32x128xf32, #tpu.memory_space<vmem>>, vector<16xf32>,
        %pack3A_753 = tpu.pack_subelements %get3A_747, %get3A_752 {pack_format = #tpu.pack_format<interleaved>, positions = array<i32: 0, 1>} : vector<16xf32>, vector<16xf32> -> vector<32xbf16>
        %bitcast3A_754 = vector.bitcast %pack3A_753 : vector<32xbf16> to vector<16xi32>
        %add3A_755 = arith.constant 11 : i32
        %add3A_756 = vector.broadcast %add3A_755 : i32 to vector<16xi32>
        %add3A_757 = arith.addi %mul3A_91, %add3A_756 : vector<16xi32>
        tpu.vector_store_idx %arg12[%add3A_577, %add3A_757], %bitcast3A_754 : memref<8x128xi32, #tpu.memory_space<vmem>>[vector<16xi32>, vector<16xi32>], vector<16xi32>,
        %get3A_758 = arith.constant 12 : i32
        %get3A_759 = arith.index_cast %and3A_64 : i32 to index
        %get3A_760 = arith.index_cast %get3A_758 : i32 to index
        %get3A_761 = arith.constant 32 : index
        %get3A_762 = tpu.vector_load %arg11[%get3A_759, %get3A_760, %get3A_761] {strides = array<i32>} : memref<16x32x128xf32, #tpu.memory_space<vmem>>, vector<16xf32>,
        %get3A_763 = arith.constant 28 : i32
        %get3A_764 = arith.index_cast %and3A_64 : i32 to index
        %get3A_765 = arith.index_cast %get3A_763 : i32 to index
        %get3A_766 = arith.constant 32 : index
        %get3A_767 = tpu.vector_load %arg11[%get3A_764, %get3A_765, %get3A_766] {strides = array<i32>} : memref<16x32x128xf32, #tpu.memory_space<vmem>>, vector<16xf32>,
        %pack3A_768 = tpu.pack_subelements %get3A_762, %get3A_767 {pack_format = #tpu.pack_format<interleaved>, positions = array<i32: 0, 1>} : vector<16xf32>, vector<16xf32> -> vector<32xbf16>
        %bitcast3A_769 = vector.bitcast %pack3A_768 : vector<32xbf16> to vector<16xi32>
        %add3A_770 = arith.constant 12 : i32
        %add3A_771 = vector.broadcast %add3A_770 : i32 to vector<16xi32>
        %add3A_772 = arith.addi %mul3A_91, %add3A_771 : vector<16xi32>
        tpu.vector_store_idx %arg12[%add3A_577, %add3A_772], %bitcast3A_769 : memref<8x128xi32, #tpu.memory_space<vmem>>[vector<16xi32>, vector<16xi32>], vector<16xi32>,
        %get3A_773 = arith.constant 13 : i32
        %get3A_774 = arith.index_cast %and3A_64 : i32 to index
        %get3A_775 = arith.index_cast %get3A_773 : i32 to index
        %get3A_776 = arith.constant 32 : index
        %get3A_777 = tpu.vector_load %arg11[%get3A_774, %get3A_775, %get3A_776] {strides = array<i32>} : memref<16x32x128xf32, #tpu.memory_space<vmem>>, vector<16xf32>,
        %get3A_778 = arith.constant 29 : i32
        %get3A_779 = arith.index_cast %and3A_64 : i32 to index
        %get3A_780 = arith.index_cast %get3A_778 : i32 to index
        %get3A_781 = arith.constant 32 : index
        %get3A_782 = tpu.vector_load %arg11[%get3A_779, %get3A_780, %get3A_781] {strides = array<i32>} : memref<16x32x128xf32, #tpu.memory_space<vmem>>, vector<16xf32>,
        %pack3A_783 = tpu.pack_subelements %get3A_777, %get3A_782 {pack_format = #tpu.pack_format<interleaved>, positions = array<i32: 0, 1>} : vector<16xf32>, vector<16xf32> -> vector<32xbf16>
        %bitcast3A_784 = vector.bitcast %pack3A_783 : vector<32xbf16> to vector<16xi32>
        %add3A_785 = arith.constant 13 : i32
        %add3A_786 = vector.broadcast %add3A_785 : i32 to vector<16xi32>
        %add3A_787 = arith.addi %mul3A_91, %add3A_786 : vector<16xi32>
        tpu.vector_store_idx %arg12[%add3A_577, %add3A_787], %bitcast3A_784 : memref<8x128xi32, #tpu.memory_space<vmem>>[vector<16xi32>, vector<16xi32>], vector<16xi32>,
        %get3A_788 = arith.constant 14 : i32
        %get3A_789 = arith.index_cast %and3A_64 : i32 to index
        %get3A_790 = arith.index_cast %get3A_788 : i32 to index
        %get3A_791 = arith.constant 32 : index
        %get3A_792 = tpu.vector_load %arg11[%get3A_789, %get3A_790, %get3A_791] {strides = array<i32>} : memref<16x32x128xf32, #tpu.memory_space<vmem>>, vector<16xf32>,
        %get3A_793 = arith.constant 30 : i32
        %get3A_794 = arith.index_cast %and3A_64 : i32 to index
        %get3A_795 = arith.index_cast %get3A_793 : i32 to index
        %get3A_796 = arith.constant 32 : index
        %get3A_797 = tpu.vector_load %arg11[%get3A_794, %get3A_795, %get3A_796] {strides = array<i32>} : memref<16x32x128xf32, #tpu.memory_space<vmem>>, vector<16xf32>,
        %pack3A_798 = tpu.pack_subelements %get3A_792, %get3A_797 {pack_format = #tpu.pack_format<interleaved>, positions = array<i32: 0, 1>} : vector<16xf32>, vector<16xf32> -> vector<32xbf16>
        %bitcast3A_799 = vector.bitcast %pack3A_798 : vector<32xbf16> to vector<16xi32>
        %add3A_800 = arith.constant 14 : i32
        %add3A_801 = vector.broadcast %add3A_800 : i32 to vector<16xi32>
        %add3A_802 = arith.addi %mul3A_91, %add3A_801 : vector<16xi32>
        tpu.vector_store_idx %arg12[%add3A_577, %add3A_802], %bitcast3A_799 : memref<8x128xi32, #tpu.memory_space<vmem>>[vector<16xi32>, vector<16xi32>], vector<16xi32>,
        %get3A_803 = arith.constant 15 : i32
        %get3A_804 = arith.index_cast %and3A_64 : i32 to index
        %get3A_805 = arith.index_cast %get3A_803 : i32 to index
        %get3A_806 = arith.constant 32 : index
        %get3A_807 = tpu.vector_load %arg11[%get3A_804, %get3A_805, %get3A_806] {strides = array<i32>} : memref<16x32x128xf32, #tpu.memory_space<vmem>>, vector<16xf32>,
        %get3A_808 = arith.constant 31 : i32
        %get3A_809 = arith.index_cast %and3A_64 : i32 to index
        %get3A_810 = arith.index_cast %get3A_808 : i32 to index
        %get3A_811 = arith.constant 32 : index
        %get3A_812 = tpu.vector_load %arg11[%get3A_809, %get3A_810, %get3A_811] {strides = array<i32>} : memref<16x32x128xf32, #tpu.memory_space<vmem>>, vector<16xf32>,
        %pack3A_813 = tpu.pack_subelements %get3A_807, %get3A_812 {pack_format = #tpu.pack_format<interleaved>, positions = array<i32: 0, 1>} : vector<16xf32>, vector<16xf32> -> vector<32xbf16>
        %bitcast3A_814 = vector.bitcast %pack3A_813 : vector<32xbf16> to vector<16xi32>
        %add3A_815 = arith.constant 15 : i32
        %add3A_816 = vector.broadcast %add3A_815 : i32 to vector<16xi32>
        %add3A_817 = arith.addi %mul3A_91, %add3A_816 : vector<16xi32>
        tpu.vector_store_idx %arg12[%add3A_577, %add3A_817], %bitcast3A_814 : memref<8x128xi32, #tpu.memory_space<vmem>>[vector<16xi32>, vector<16xi32>], vector<16xi32>,
        %add3A_818 = arith.constant 6 : i32
        %add3A_819 = vector.broadcast %add3A_818 : i32 to vector<16xi32>
        %add3A_820 = arith.addi %add3A_819, %shift_right_arithmetic3A_85 : vector<16xi32>
        %get3A_821 = arith.constant 0 : i32
        %get3A_822 = arith.index_cast %and3A_64 : i32 to index
        %get3A_823 = arith.index_cast %get3A_821 : i32 to index
        %get3A_824 = arith.constant 48 : index
        %get3A_825 = tpu.vector_load %arg11[%get3A_822, %get3A_823, %get3A_824] {strides = array<i32>} : memref<16x32x128xf32, #tpu.memory_space<vmem>>, vector<16xf32>,
        %get3A_826 = arith.constant 16 : i32
        %get3A_827 = arith.index_cast %and3A_64 : i32 to index
        %get3A_828 = arith.index_cast %get3A_826 : i32 to index
        %get3A_829 = arith.constant 48 : index
        %get3A_830 = tpu.vector_load %arg11[%get3A_827, %get3A_828, %get3A_829] {strides = array<i32>} : memref<16x32x128xf32, #tpu.memory_space<vmem>>, vector<16xf32>,
        %pack3A_831 = tpu.pack_subelements %get3A_825, %get3A_830 {pack_format = #tpu.pack_format<interleaved>, positions = array<i32: 0, 1>} : vector<16xf32>, vector<16xf32> -> vector<32xbf16>
        %bitcast3A_832 = vector.bitcast %pack3A_831 : vector<32xbf16> to vector<16xi32>
        %add3A_833 = arith.constant 0 : i32
        %add3A_834 = vector.broadcast %add3A_833 : i32 to vector<16xi32>
        %add3A_835 = arith.addi %mul3A_91, %add3A_834 : vector<16xi32>
        tpu.vector_store_idx %arg12[%add3A_820, %add3A_835], %bitcast3A_832 : memref<8x128xi32, #tpu.memory_space<vmem>>[vector<16xi32>, vector<16xi32>], vector<16xi32>,
        %get3A_836 = arith.constant 1 : i32
        %get3A_837 = arith.index_cast %and3A_64 : i32 to index
        %get3A_838 = arith.index_cast %get3A_836 : i32 to index
        %get3A_839 = arith.constant 48 : index
        %get3A_840 = tpu.vector_load %arg11[%get3A_837, %get3A_838, %get3A_839] {strides = array<i32>} : memref<16x32x128xf32, #tpu.memory_space<vmem>>, vector<16xf32>,
        %get3A_841 = arith.constant 17 : i32
        %get3A_842 = arith.index_cast %and3A_64 : i32 to index
        %get3A_843 = arith.index_cast %get3A_841 : i32 to index
        %get3A_844 = arith.constant 48 : index
        %get3A_845 = tpu.vector_load %arg11[%get3A_842, %get3A_843, %get3A_844] {strides = array<i32>} : memref<16x32x128xf32, #tpu.memory_space<vmem>>, vector<16xf32>,
        %pack3A_846 = tpu.pack_subelements %get3A_840, %get3A_845 {pack_format = #tpu.pack_format<interleaved>, positions = array<i32: 0, 1>} : vector<16xf32>, vector<16xf32> -> vector<32xbf16>
        %bitcast3A_847 = vector.bitcast %pack3A_846 : vector<32xbf16> to vector<16xi32>
        %add3A_848 = arith.constant 1 : i32
        %add3A_849 = vector.broadcast %add3A_848 : i32 to vector<16xi32>
        %add3A_850 = arith.addi %mul3A_91, %add3A_849 : vector<16xi32>
        tpu.vector_store_idx %arg12[%add3A_820, %add3A_850], %bitcast3A_847 : memref<8x128xi32, #tpu.memory_space<vmem>>[vector<16xi32>, vector<16xi32>], vector<16xi32>,
        %get3A_851 = arith.constant 2 : i32
        %get3A_852 = arith.index_cast %and3A_64 : i32 to index
        %get3A_853 = arith.index_cast %get3A_851 : i32 to index
        %get3A_854 = arith.constant 48 : index
        %get3A_855 = tpu.vector_load %arg11[%get3A_852, %get3A_853, %get3A_854] {strides = array<i32>} : memref<16x32x128xf32, #tpu.memory_space<vmem>>, vector<16xf32>,
        %get3A_856 = arith.constant 18 : i32
        %get3A_857 = arith.index_cast %and3A_64 : i32 to index
        %get3A_858 = arith.index_cast %get3A_856 : i32 to index
        %get3A_859 = arith.constant 48 : index
        %get3A_860 = tpu.vector_load %arg11[%get3A_857, %get3A_858, %get3A_859] {strides = array<i32>} : memref<16x32x128xf32, #tpu.memory_space<vmem>>, vector<16xf32>,
        %pack3A_861 = tpu.pack_subelements %get3A_855, %get3A_860 {pack_format = #tpu.pack_format<interleaved>, positions = array<i32: 0, 1>} : vector<16xf32>, vector<16xf32> -> vector<32xbf16>
        %bitcast3A_862 = vector.bitcast %pack3A_861 : vector<32xbf16> to vector<16xi32>
        %add3A_863 = arith.constant 2 : i32
        %add3A_864 = vector.broadcast %add3A_863 : i32 to vector<16xi32>
        %add3A_865 = arith.addi %mul3A_91, %add3A_864 : vector<16xi32>
        tpu.vector_store_idx %arg12[%add3A_820, %add3A_865], %bitcast3A_862 : memref<8x128xi32, #tpu.memory_space<vmem>>[vector<16xi32>, vector<16xi32>], vector<16xi32>,
        %get3A_866 = arith.constant 3 : i32
        %get3A_867 = arith.index_cast %and3A_64 : i32 to index
        %get3A_868 = arith.index_cast %get3A_866 : i32 to index
        %get3A_869 = arith.constant 48 : index
        %get3A_870 = tpu.vector_load %arg11[%get3A_867, %get3A_868, %get3A_869] {strides = array<i32>} : memref<16x32x128xf32, #tpu.memory_space<vmem>>, vector<16xf32>,
        %get3A_871 = arith.constant 19 : i32
        %get3A_872 = arith.index_cast %and3A_64 : i32 to index
        %get3A_873 = arith.index_cast %get3A_871 : i32 to index
        %get3A_874 = arith.constant 48 : index
        %get3A_875 = tpu.vector_load %arg11[%get3A_872, %get3A_873, %get3A_874] {strides = array<i32>} : memref<16x32x128xf32, #tpu.memory_space<vmem>>, vector<16xf32>,
        %pack3A_876 = tpu.pack_subelements %get3A_870, %get3A_875 {pack_format = #tpu.pack_format<interleaved>, positions = array<i32: 0, 1>} : vector<16xf32>, vector<16xf32> -> vector<32xbf16>
        %bitcast3A_877 = vector.bitcast %pack3A_876 : vector<32xbf16> to vector<16xi32>
        %add3A_878 = arith.constant 3 : i32
        %add3A_879 = vector.broadcast %add3A_878 : i32 to vector<16xi32>
        %add3A_880 = arith.addi %mul3A_91, %add3A_879 : vector<16xi32>
        tpu.vector_store_idx %arg12[%add3A_820, %add3A_880], %bitcast3A_877 : memref<8x128xi32, #tpu.memory_space<vmem>>[vector<16xi32>, vector<16xi32>], vector<16xi32>,
        %get3A_881 = arith.constant 4 : i32
        %get3A_882 = arith.index_cast %and3A_64 : i32 to index
        %get3A_883 = arith.index_cast %get3A_881 : i32 to index
        %get3A_884 = arith.constant 48 : index
        %get3A_885 = tpu.vector_load %arg11[%get3A_882, %get3A_883, %get3A_884] {strides = array<i32>} : memref<16x32x128xf32, #tpu.memory_space<vmem>>, vector<16xf32>,
        %get3A_886 = arith.constant 20 : i32
        %get3A_887 = arith.index_cast %and3A_64 : i32 to index
        %get3A_888 = arith.index_cast %get3A_886 : i32 to index
        %get3A_889 = arith.constant 48 : index
        %get3A_890 = tpu.vector_load %arg11[%get3A_887, %get3A_888, %get3A_889] {strides = array<i32>} : memref<16x32x128xf32, #tpu.memory_space<vmem>>, vector<16xf32>,
        %pack3A_891 = tpu.pack_subelements %get3A_885, %get3A_890 {pack_format = #tpu.pack_format<interleaved>, positions = array<i32: 0, 1>} : vector<16xf32>, vector<16xf32> -> vector<32xbf16>
        %bitcast3A_892 = vector.bitcast %pack3A_891 : vector<32xbf16> to vector<16xi32>
        %add3A_893 = arith.constant 4 : i32
        %add3A_894 = vector.broadcast %add3A_893 : i32 to vector<16xi32>
        %add3A_895 = arith.addi %mul3A_91, %add3A_894 : vector<16xi32>
        tpu.vector_store_idx %arg12[%add3A_820, %add3A_895], %bitcast3A_892 : memref<8x128xi32, #tpu.memory_space<vmem>>[vector<16xi32>, vector<16xi32>], vector<16xi32>,
        %get3A_896 = arith.constant 5 : i32
        %get3A_897 = arith.index_cast %and3A_64 : i32 to index
        %get3A_898 = arith.index_cast %get3A_896 : i32 to index
        %get3A_899 = arith.constant 48 : index
        %get3A_900 = tpu.vector_load %arg11[%get3A_897, %get3A_898, %get3A_899] {strides = array<i32>} : memref<16x32x128xf32, #tpu.memory_space<vmem>>, vector<16xf32>,
        %get3A_901 = arith.constant 21 : i32
        %get3A_902 = arith.index_cast %and3A_64 : i32 to index
        %get3A_903 = arith.index_cast %get3A_901 : i32 to index
        %get3A_904 = arith.constant 48 : index
        %get3A_905 = tpu.vector_load %arg11[%get3A_902, %get3A_903, %get3A_904] {strides = array<i32>} : memref<16x32x128xf32, #tpu.memory_space<vmem>>, vector<16xf32>,
        %pack3A_906 = tpu.pack_subelements %get3A_900, %get3A_905 {pack_format = #tpu.pack_format<interleaved>, positions = array<i32: 0, 1>} : vector<16xf32>, vector<16xf32> -> vector<32xbf16>
        %bitcast3A_907 = vector.bitcast %pack3A_906 : vector<32xbf16> to vector<16xi32>
        %add3A_908 = arith.constant 5 : i32
        %add3A_909 = vector.broadcast %add3A_908 : i32 to vector<16xi32>
        %add3A_910 = arith.addi %mul3A_91, %add3A_909 : vector<16xi32>
        tpu.vector_store_idx %arg12[%add3A_820, %add3A_910], %bitcast3A_907 : memref<8x128xi32, #tpu.memory_space<vmem>>[vector<16xi32>, vector<16xi32>], vector<16xi32>,
        %get3A_911 = arith.constant 6 : i32
        %get3A_912 = arith.index_cast %and3A_64 : i32 to index
        %get3A_913 = arith.index_cast %get3A_911 : i32 to index
        %get3A_914 = arith.constant 48 : index
        %get3A_915 = tpu.vector_load %arg11[%get3A_912, %get3A_913, %get3A_914] {strides = array<i32>} : memref<16x32x128xf32, #tpu.memory_space<vmem>>, vector<16xf32>,
        %get3A_916 = arith.constant 22 : i32
        %get3A_917 = arith.index_cast %and3A_64 : i32 to index
        %get3A_918 = arith.index_cast %get3A_916 : i32 to index
        %get3A_919 = arith.constant 48 : index
        %get3A_920 = tpu.vector_load %arg11[%get3A_917, %get3A_918, %get3A_919] {strides = array<i32>} : memref<16x32x128xf32, #tpu.memory_space<vmem>>, vector<16xf32>,
        %pack3A_921 = tpu.pack_subelements %get3A_915, %get3A_920 {pack_format = #tpu.pack_format<interleaved>, positions = array<i32: 0, 1>} : vector<16xf32>, vector<16xf32> -> vector<32xbf16>
        %bitcast3A_922 = vector.bitcast %pack3A_921 : vector<32xbf16> to vector<16xi32>
        %add3A_923 = arith.constant 6 : i32
        %add3A_924 = vector.broadcast %add3A_923 : i32 to vector<16xi32>
        %add3A_925 = arith.addi %mul3A_91, %add3A_924 : vector<16xi32>
        tpu.vector_store_idx %arg12[%add3A_820, %add3A_925], %bitcast3A_922 : memref<8x128xi32, #tpu.memory_space<vmem>>[vector<16xi32>, vector<16xi32>], vector<16xi32>,
        %get3A_926 = arith.constant 7 : i32
        %get3A_927 = arith.index_cast %and3A_64 : i32 to index
        %get3A_928 = arith.index_cast %get3A_926 : i32 to index
        %get3A_929 = arith.constant 48 : index
        %get3A_930 = tpu.vector_load %arg11[%get3A_927, %get3A_928, %get3A_929] {strides = array<i32>} : memref<16x32x128xf32, #tpu.memory_space<vmem>>, vector<16xf32>,
        %get3A_931 = arith.constant 23 : i32
        %get3A_932 = arith.index_cast %and3A_64 : i32 to index
        %get3A_933 = arith.index_cast %get3A_931 : i32 to index
        %get3A_934 = arith.constant 48 : index
        %get3A_935 = tpu.vector_load %arg11[%get3A_932, %get3A_933, %get3A_934] {strides = array<i32>} : memref<16x32x128xf32, #tpu.memory_space<vmem>>, vector<16xf32>,
        %pack3A_936 = tpu.pack_subelements %get3A_930, %get3A_935 {pack_format = #tpu.pack_format<interleaved>, positions = array<i32: 0, 1>} : vector<16xf32>, vector<16xf32> -> vector<32xbf16>
        %bitcast3A_937 = vector.bitcast %pack3A_936 : vector<32xbf16> to vector<16xi32>
        %add3A_938 = arith.constant 7 : i32
        %add3A_939 = vector.broadcast %add3A_938 : i32 to vector<16xi32>
        %add3A_940 = arith.addi %mul3A_91, %add3A_939 : vector<16xi32>
        tpu.vector_store_idx %arg12[%add3A_820, %add3A_940], %bitcast3A_937 : memref<8x128xi32, #tpu.memory_space<vmem>>[vector<16xi32>, vector<16xi32>], vector<16xi32>,
        %get3A_941 = arith.constant 8 : i32
        %get3A_942 = arith.index_cast %and3A_64 : i32 to index
        %get3A_943 = arith.index_cast %get3A_941 : i32 to index
        %get3A_944 = arith.constant 48 : index
        %get3A_945 = tpu.vector_load %arg11[%get3A_942, %get3A_943, %get3A_944] {strides = array<i32>} : memref<16x32x128xf32, #tpu.memory_space<vmem>>, vector<16xf32>,
        %get3A_946 = arith.constant 24 : i32
        %get3A_947 = arith.index_cast %and3A_64 : i32 to index
        %get3A_948 = arith.index_cast %get3A_946 : i32 to index
        %get3A_949 = arith.constant 48 : index
        %get3A_950 = tpu.vector_load %arg11[%get3A_947, %get3A_948, %get3A_949] {strides = array<i32>} : memref<16x32x128xf32, #tpu.memory_space<vmem>>, vector<16xf32>,
        %pack3A_951 = tpu.pack_subelements %get3A_945, %get3A_950 {pack_format = #tpu.pack_format<interleaved>, positions = array<i32: 0, 1>} : vector<16xf32>, vector<16xf32> -> vector<32xbf16>
        %bitcast3A_952 = vector.bitcast %pack3A_951 : vector<32xbf16> to vector<16xi32>
        %add3A_953 = arith.constant 8 : i32
        %add3A_954 = vector.broadcast %add3A_953 : i32 to vector<16xi32>
        %add3A_955 = arith.addi %mul3A_91, %add3A_954 : vector<16xi32>
        tpu.vector_store_idx %arg12[%add3A_820, %add3A_955], %bitcast3A_952 : memref<8x128xi32, #tpu.memory_space<vmem>>[vector<16xi32>, vector<16xi32>], vector<16xi32>,
        %get3A_956 = arith.constant 9 : i32
        %get3A_957 = arith.index_cast %and3A_64 : i32 to index
        %get3A_958 = arith.index_cast %get3A_956 : i32 to index
        %get3A_959 = arith.constant 48 : index
        %get3A_960 = tpu.vector_load %arg11[%get3A_957, %get3A_958, %get3A_959] {strides = array<i32>} : memref<16x32x128xf32, #tpu.memory_space<vmem>>, vector<16xf32>,
        %get3A_961 = arith.constant 25 : i32
        %get3A_962 = arith.index_cast %and3A_64 : i32 to index
        %get3A_963 = arith.index_cast %get3A_961 : i32 to index
        %get3A_964 = arith.constant 48 : index
        %get3A_965 = tpu.vector_load %arg11[%get3A_962, %get3A_963, %get3A_964] {strides = array<i32>} : memref<16x32x128xf32, #tpu.memory_space<vmem>>, vector<16xf32>,
        %pack3A_966 = tpu.pack_subelements %get3A_960, %get3A_965 {pack_format = #tpu.pack_format<interleaved>, positions = array<i32: 0, 1>} : vector<16xf32>, vector<16xf32> -> vector<32xbf16>
        %bitcast3A_967 = vector.bitcast %pack3A_966 : vector<32xbf16> to vector<16xi32>
        %add3A_968 = arith.constant 9 : i32
        %add3A_969 = vector.broadcast %add3A_968 : i32 to vector<16xi32>
        %add3A_970 = arith.addi %mul3A_91, %add3A_969 : vector<16xi32>
        tpu.vector_store_idx %arg12[%add3A_820, %add3A_970], %bitcast3A_967 : memref<8x128xi32, #tpu.memory_space<vmem>>[vector<16xi32>, vector<16xi32>], vector<16xi32>,
        %get3A_971 = arith.constant 10 : i32
        %get3A_972 = arith.index_cast %and3A_64 : i32 to index
        %get3A_973 = arith.index_cast %get3A_971 : i32 to index
        %get3A_974 = arith.constant 48 : index
        %get3A_975 = tpu.vector_load %arg11[%get3A_972, %get3A_973, %get3A_974] {strides = array<i32>} : memref<16x32x128xf32, #tpu.memory_space<vmem>>, vector<16xf32>,
        %get3A_976 = arith.constant 26 : i32
        %get3A_977 = arith.index_cast %and3A_64 : i32 to index
        %get3A_978 = arith.index_cast %get3A_976 : i32 to index
        %get3A_979 = arith.constant 48 : index
        %get3A_980 = tpu.vector_load %arg11[%get3A_977, %get3A_978, %get3A_979] {strides = array<i32>} : memref<16x32x128xf32, #tpu.memory_space<vmem>>, vector<16xf32>,
        %pack3A_981 = tpu.pack_subelements %get3A_975, %get3A_980 {pack_format = #tpu.pack_format<interleaved>, positions = array<i32: 0, 1>} : vector<16xf32>, vector<16xf32> -> vector<32xbf16>
        %bitcast3A_982 = vector.bitcast %pack3A_981 : vector<32xbf16> to vector<16xi32>
        %add3A_983 = arith.constant 10 : i32
        %add3A_984 = vector.broadcast %add3A_983 : i32 to vector<16xi32>
        %add3A_985 = arith.addi %mul3A_91, %add3A_984 : vector<16xi32>
        tpu.vector_store_idx %arg12[%add3A_820, %add3A_985], %bitcast3A_982 : memref<8x128xi32, #tpu.memory_space<vmem>>[vector<16xi32>, vector<16xi32>], vector<16xi32>,
        %get3A_986 = arith.constant 11 : i32
        %get3A_987 = arith.index_cast %and3A_64 : i32 to index
        %get3A_988 = arith.index_cast %get3A_986 : i32 to index
        %get3A_989 = arith.constant 48 : index
        %get3A_990 = tpu.vector_load %arg11[%get3A_987, %get3A_988, %get3A_989] {strides = array<i32>} : memref<16x32x128xf32, #tpu.memory_space<vmem>>, vector<16xf32>,
        %get3A_991 = arith.constant 27 : i32
        %get3A_992 = arith.index_cast %and3A_64 : i32 to index
        %get3A_993 = arith.index_cast %get3A_991 : i32 to index
        %get3A_994 = arith.constant 48 : index
        %get3A_995 = tpu.vector_load %arg11[%get3A_992, %get3A_993, %get3A_994] {strides = array<i32>} : memref<16x32x128xf32, #tpu.memory_space<vmem>>, vector<16xf32>,
        %pack3A_996 = tpu.pack_subelements %get3A_990, %get3A_995 {pack_format = #tpu.pack_format<interleaved>, positions = array<i32: 0, 1>} : vector<16xf32>, vector<16xf32> -> vector<32xbf16>
        %bitcast3A_997 = vector.bitcast %pack3A_996 : vector<32xbf16> to vector<16xi32>
        %add3A_998 = arith.constant 11 : i32
        %add3A_999 = vector.broadcast %add3A_998 : i32 to vector<16xi32>
        %add3A_1000 = arith.addi %mul3A_91, %add3A_999 : vector<16xi32>
        tpu.vector_store_idx %arg12[%add3A_820, %add3A_1000], %bitcast3A_997 : memref<8x128xi32, #tpu.memory_space<vmem>>[vector<16xi32>, vector<16xi32>], vector<16xi32>,
        %get3A_1001 = arith.constant 12 : i32
        %get3A_1002 = arith.index_cast %and3A_64 : i32 to index
        %get3A_1003 = arith.index_cast %get3A_1001 : i32 to index
        %get3A_1004 = arith.constant 48 : index
        %get3A_1005 = tpu.vector_load %arg11[%get3A_1002, %get3A_1003, %get3A_1004] {strides = array<i32>} : memref<16x32x128xf32, #tpu.memory_space<vmem>>, vector<16xf32>,
        %get3A_1006 = arith.constant 28 : i32
        %get3A_1007 = arith.index_cast %and3A_64 : i32 to index
        %get3A_1008 = arith.index_cast %get3A_1006 : i32 to index
        %get3A_1009 = arith.constant 48 : index
        %get3A_1010 = tpu.vector_load %arg11[%get3A_1007, %get3A_1008, %get3A_1009] {strides = array<i32>} : memref<16x32x128xf32, #tpu.memory_space<vmem>>, vector<16xf32>,
        %pack3A_1011 = tpu.pack_subelements %get3A_1005, %get3A_1010 {pack_format = #tpu.pack_format<interleaved>, positions = array<i32: 0, 1>} : vector<16xf32>, vector<16xf32> -> vector<32xbf16>
        %bitcast3A_1012 = vector.bitcast %pack3A_1011 : vector<32xbf16> to vector<16xi32>
        %add3A_1013 = arith.constant 12 : i32
        %add3A_1014 = vector.broadcast %add3A_1013 : i32 to vector<16xi32>
        %add3A_1015 = arith.addi %mul3A_91, %add3A_1014 : vector<16xi32>
        tpu.vector_store_idx %arg12[%add3A_820, %add3A_1015], %bitcast3A_1012 : memref<8x128xi32, #tpu.memory_space<vmem>>[vector<16xi32>, vector<16xi32>], vector<16xi32>,
        %get3A_1016 = arith.constant 13 : i32
        %get3A_1017 = arith.index_cast %and3A_64 : i32 to index
        %get3A_1018 = arith.index_cast %get3A_1016 : i32 to index
        %get3A_1019 = arith.constant 48 : index
        %get3A_1020 = tpu.vector_load %arg11[%get3A_1017, %get3A_1018, %get3A_1019] {strides = array<i32>} : memref<16x32x128xf32, #tpu.memory_space<vmem>>, vector<16xf32>,
        %get3A_1021 = arith.constant 29 : i32
        %get3A_1022 = arith.index_cast %and3A_64 : i32 to index
        %get3A_1023 = arith.index_cast %get3A_1021 : i32 to index
        %get3A_1024 = arith.constant 48 : index
        %get3A_1025 = tpu.vector_load %arg11[%get3A_1022, %get3A_1023, %get3A_1024] {strides = array<i32>} : memref<16x32x128xf32, #tpu.memory_space<vmem>>, vector<16xf32>,
        %pack3A_1026 = tpu.pack_subelements %get3A_1020, %get3A_1025 {pack_format = #tpu.pack_format<interleaved>, positions = array<i32: 0, 1>} : vector<16xf32>, vector<16xf32> -> vector<32xbf16>
        %bitcast3A_1027 = vector.bitcast %pack3A_1026 : vector<32xbf16> to vector<16xi32>
        %add3A_1028 = arith.constant 13 : i32
        %add3A_1029 = vector.broadcast %add3A_1028 : i32 to vector<16xi32>
        %add3A_1030 = arith.addi %mul3A_91, %add3A_1029 : vector<16xi32>
        tpu.vector_store_idx %arg12[%add3A_820, %add3A_1030], %bitcast3A_1027 : memref<8x128xi32, #tpu.memory_space<vmem>>[vector<16xi32>, vector<16xi32>], vector<16xi32>,
        %get3A_1031 = arith.constant 14 : i32
        %get3A_1032 = arith.index_cast %and3A_64 : i32 to index
        %get3A_1033 = arith.index_cast %get3A_1031 : i32 to index
        %get3A_1034 = arith.constant 48 : index
        %get3A_1035 = tpu.vector_load %arg11[%get3A_1032, %get3A_1033, %get3A_1034] {strides = array<i32>} : memref<16x32x128xf32, #tpu.memory_space<vmem>>, vector<16xf32>,
        %get3A_1036 = arith.constant 30 : i32
        %get3A_1037 = arith.index_cast %and3A_64 : i32 to index
        %get3A_1038 = arith.index_cast %get3A_1036 : i32 to index
        %get3A_1039 = arith.constant 48 : index
        %get3A_1040 = tpu.vector_load %arg11[%get3A_1037, %get3A_1038, %get3A_1039] {strides = array<i32>} : memref<16x32x128xf32, #tpu.memory_space<vmem>>, vector<16xf32>,
        %pack3A_1041 = tpu.pack_subelements %get3A_1035, %get3A_1040 {pack_format = #tpu.pack_format<interleaved>, positions = array<i32: 0, 1>} : vector<16xf32>, vector<16xf32> -> vector<32xbf16>
        %bitcast3A_1042 = vector.bitcast %pack3A_1041 : vector<32xbf16> to vector<16xi32>
        %add3A_1043 = arith.constant 14 : i32
        %add3A_1044 = vector.broadcast %add3A_1043 : i32 to vector<16xi32>
        %add3A_1045 = arith.addi %mul3A_91, %add3A_1044 : vector<16xi32>
        tpu.vector_store_idx %arg12[%add3A_820, %add3A_1045], %bitcast3A_1042 : memref<8x128xi32, #tpu.memory_space<vmem>>[vector<16xi32>, vector<16xi32>], vector<16xi32>,
        %get3A_1046 = arith.constant 15 : i32
        %get3A_1047 = arith.index_cast %and3A_64 : i32 to index
        %get3A_1048 = arith.index_cast %get3A_1046 : i32 to index
        %get3A_1049 = arith.constant 48 : index
        %get3A_1050 = tpu.vector_load %arg11[%get3A_1047, %get3A_1048, %get3A_1049] {strides = array<i32>} : memref<16x32x128xf32, #tpu.memory_space<vmem>>, vector<16xf32>,
        %get3A_1051 = arith.constant 31 : i32
        %get3A_1052 = arith.index_cast %and3A_64 : i32 to index
        %get3A_1053 = arith.index_cast %get3A_1051 : i32 to index
        %get3A_1054 = arith.constant 48 : index
        %get3A_1055 = tpu.vector_load %arg11[%get3A_1052, %get3A_1053, %get3A_1054] {strides = array<i32>} : memref<16x32x128xf32, #tpu.memory_space<vmem>>, vector<16xf32>,
        %pack3A_1056 = tpu.pack_subelements %get3A_1050, %get3A_1055 {pack_format = #tpu.pack_format<interleaved>, positions = array<i32: 0, 1>} : vector<16xf32>, vector<16xf32> -> vector<32xbf16>
        %bitcast3A_1057 = vector.bitcast %pack3A_1056 : vector<32xbf16> to vector<16xi32>
        %add3A_1058 = arith.constant 15 : i32
        %add3A_1059 = vector.broadcast %add3A_1058 : i32 to vector<16xi32>
        %add3A_1060 = arith.addi %mul3A_91, %add3A_1059 : vector<16xi32>
        tpu.vector_store_idx %arg12[%add3A_820, %add3A_1060], %bitcast3A_1057 : memref<8x128xi32, #tpu.memory_space<vmem>>[vector<16xi32>, vector<16xi32>], vector<16xi32>,
        %mul3A_1061 = arith.constant 16 : i32
        %mul3A_1062 = arith.muli %add3A_62, %mul3A_1061 : i32
        %add3A_1063 = arith.constant 0 : i32
        %add3A_1064 = arith.addi %mul3A_1062, %add3A_1063 : i32
        "tpu.region"() ({
          %run_scoped3A = tpu.sem_alloc : memref<!tpu.dma_semaphore, #tpu.memory_space<semaphore_mem>>
          %dma_start3A_2041 = arith.constant 0 : i32
          %dma_start3A_2042 = tpu.memref_slice %arg7[%add3A_1064, %dma_start3A_2041] : memref<12512x128xi32, #tpu.memory_space<hbm>> -> memref<8x128xi32, #tpu.memory_space<hbm>>
          %dma_start3A_2043 = arith.constant 0 : i32
          %dma_start3A_2044 = tpu.memref_slice %arg7[%add3A_1064, %dma_start3A_2043] : memref<12512x128xi32, #tpu.memory_space<hbm>> -> memref<8x128xi32, #tpu.memory_space<hbm>>
          tpu.enqueue_dma source(%arg12 : memref<8x128xi32, #tpu.memory_space<vmem>>) target(%dma_start3A_2044 : memref<8x128xi32, #tpu.memory_space<hbm>>) target_semaphore(%run_scoped3A : memref<!tpu.dma_semaphore, #tpu.memory_space<semaphore_mem>>)
          %dma_wait3A_2045 = arith.constant 0 : i32
          %dma_wait3A_2046 = tpu.memref_slice %arg7[%add3A_1064, %dma_wait3A_2045] : memref<12512x128xi32, #tpu.memory_space<hbm>> -> memref<8x128xi32, #tpu.memory_space<hbm>>
          %dma_wait3A_2047 = arith.constant 0 : i32
          %dma_wait3A_2048 = tpu.memref_slice %arg7[%add3A_1064, %dma_wait3A_2047] : memref<12512x128xi32, #tpu.memory_space<hbm>> -> memref<8x128xi32, #tpu.memory_space<hbm>>
          tpu.wait_dma2 semaphore(%run_scoped3A : memref<!tpu.dma_semaphore, #tpu.memory_space<semaphore_mem>>) src(%arg12 : memref<8x128xi32, #tpu.memory_space<vmem>>) dst(%dma_wait3A_2048 : memref<8x128xi32, #tpu.memory_space<hbm>>)
          tpu.yield
        }) : () -> ()
        %add3A_1065 = arith.constant 0 : i32
        %add3A_1066 = vector.broadcast %add3A_1065 : i32 to vector<16xi32>
        %add3A_1067 = arith.addi %add3A_1066, %shift_right_arithmetic3A_85 : vector<16xi32>
        %get3A_1068 = arith.constant 0 : i32
        %get3A_1069 = arith.index_cast %and3A_64 : i32 to index
        %get3A_1070 = arith.index_cast %get3A_1068 : i32 to index
        %get3A_1071 = arith.constant 64 : index
        %get3A_1072 = tpu.vector_load %arg11[%get3A_1069, %get3A_1070, %get3A_1071] {strides = array<i32>} : memref<16x32x128xf32, #tpu.memory_space<vmem>>, vector<16xf32>,
        %get3A_1073 = arith.constant 16 : i32
        %get3A_1074 = arith.index_cast %and3A_64 : i32 to index
        %get3A_1075 = arith.index_cast %get3A_1073 : i32 to index
        %get3A_1076 = arith.constant 64 : index
        %get3A_1077 = tpu.vector_load %arg11[%get3A_1074, %get3A_1075, %get3A_1076] {strides = array<i32>} : memref<16x32x128xf32, #tpu.memory_space<vmem>>, vector<16xf32>,
        %pack3A_1078 = tpu.pack_subelements %get3A_1072, %get3A_1077 {pack_format = #tpu.pack_format<interleaved>, positions = array<i32: 0, 1>} : vector<16xf32>, vector<16xf32> -> vector<32xbf16>
        %bitcast3A_1079 = vector.bitcast %pack3A_1078 : vector<32xbf16> to vector<16xi32>
        %add3A_1080 = arith.constant 0 : i32
        %add3A_1081 = vector.broadcast %add3A_1080 : i32 to vector<16xi32>
        %add3A_1082 = arith.addi %mul3A_91, %add3A_1081 : vector<16xi32>
        tpu.vector_store_idx %arg12[%add3A_1067, %add3A_1082], %bitcast3A_1079 : memref<8x128xi32, #tpu.memory_space<vmem>>[vector<16xi32>, vector<16xi32>], vector<16xi32>,
        %get3A_1083 = arith.constant 1 : i32
        %get3A_1084 = arith.index_cast %and3A_64 : i32 to index
        %get3A_1085 = arith.index_cast %get3A_1083 : i32 to index
        %get3A_1086 = arith.constant 64 : index
        %get3A_1087 = tpu.vector_load %arg11[%get3A_1084, %get3A_1085, %get3A_1086] {strides = array<i32>} : memref<16x32x128xf32, #tpu.memory_space<vmem>>, vector<16xf32>,
        %get3A_1088 = arith.constant 17 : i32
        %get3A_1089 = arith.index_cast %and3A_64 : i32 to index
        %get3A_1090 = arith.index_cast %get3A_1088 : i32 to index
        %get3A_1091 = arith.constant 64 : index
        %get3A_1092 = tpu.vector_load %arg11[%get3A_1089, %get3A_1090, %get3A_1091] {strides = array<i32>} : memref<16x32x128xf32, #tpu.memory_space<vmem>>, vector<16xf32>,
        %pack3A_1093 = tpu.pack_subelements %get3A_1087, %get3A_1092 {pack_format = #tpu.pack_format<interleaved>, positions = array<i32: 0, 1>} : vector<16xf32>, vector<16xf32> -> vector<32xbf16>
        %bitcast3A_1094 = vector.bitcast %pack3A_1093 : vector<32xbf16> to vector<16xi32>
        %add3A_1095 = arith.constant 1 : i32
        %add3A_1096 = vector.broadcast %add3A_1095 : i32 to vector<16xi32>
        %add3A_1097 = arith.addi %mul3A_91, %add3A_1096 : vector<16xi32>
        tpu.vector_store_idx %arg12[%add3A_1067, %add3A_1097], %bitcast3A_1094 : memref<8x128xi32, #tpu.memory_space<vmem>>[vector<16xi32>, vector<16xi32>], vector<16xi32>,
        %get3A_1098 = arith.constant 2 : i32
        %get3A_1099 = arith.index_cast %and3A_64 : i32 to index
        %get3A_1100 = arith.index_cast %get3A_1098 : i32 to index
        %get3A_1101 = arith.constant 64 : index
        %get3A_1102 = tpu.vector_load %arg11[%get3A_1099, %get3A_1100, %get3A_1101] {strides = array<i32>} : memref<16x32x128xf32, #tpu.memory_space<vmem>>, vector<16xf32>,
        %get3A_1103 = arith.constant 18 : i32
        %get3A_1104 = arith.index_cast %and3A_64 : i32 to index
        %get3A_1105 = arith.index_cast %get3A_1103 : i32 to index
        %get3A_1106 = arith.constant 64 : index
        %get3A_1107 = tpu.vector_load %arg11[%get3A_1104, %get3A_1105, %get3A_1106] {strides = array<i32>} : memref<16x32x128xf32, #tpu.memory_space<vmem>>, vector<16xf32>,
        %pack3A_1108 = tpu.pack_subelements %get3A_1102, %get3A_1107 {pack_format = #tpu.pack_format<interleaved>, positions = array<i32: 0, 1>} : vector<16xf32>, vector<16xf32> -> vector<32xbf16>
        %bitcast3A_1109 = vector.bitcast %pack3A_1108 : vector<32xbf16> to vector<16xi32>
        %add3A_1110 = arith.constant 2 : i32
        %add3A_1111 = vector.broadcast %add3A_1110 : i32 to vector<16xi32>
        %add3A_1112 = arith.addi %mul3A_91, %add3A_1111 : vector<16xi32>
        tpu.vector_store_idx %arg12[%add3A_1067, %add3A_1112], %bitcast3A_1109 : memref<8x128xi32, #tpu.memory_space<vmem>>[vector<16xi32>, vector<16xi32>], vector<16xi32>,
        %get3A_1113 = arith.constant 3 : i32
        %get3A_1114 = arith.index_cast %and3A_64 : i32 to index
        %get3A_1115 = arith.index_cast %get3A_1113 : i32 to index
        %get3A_1116 = arith.constant 64 : index
        %get3A_1117 = tpu.vector_load %arg11[%get3A_1114, %get3A_1115, %get3A_1116] {strides = array<i32>} : memref<16x32x128xf32, #tpu.memory_space<vmem>>, vector<16xf32>,
        %get3A_1118 = arith.constant 19 : i32
        %get3A_1119 = arith.index_cast %and3A_64 : i32 to index
        %get3A_1120 = arith.index_cast %get3A_1118 : i32 to index
        %get3A_1121 = arith.constant 64 : index
        %get3A_1122 = tpu.vector_load %arg11[%get3A_1119, %get3A_1120, %get3A_1121] {strides = array<i32>} : memref<16x32x128xf32, #tpu.memory_space<vmem>>, vector<16xf32>,
        %pack3A_1123 = tpu.pack_subelements %get3A_1117, %get3A_1122 {pack_format = #tpu.pack_format<interleaved>, positions = array<i32: 0, 1>} : vector<16xf32>, vector<16xf32> -> vector<32xbf16>
        %bitcast3A_1124 = vector.bitcast %pack3A_1123 : vector<32xbf16> to vector<16xi32>
        %add3A_1125 = arith.constant 3 : i32
        %add3A_1126 = vector.broadcast %add3A_1125 : i32 to vector<16xi32>
        %add3A_1127 = arith.addi %mul3A_91, %add3A_1126 : vector<16xi32>
        tpu.vector_store_idx %arg12[%add3A_1067, %add3A_1127], %bitcast3A_1124 : memref<8x128xi32, #tpu.memory_space<vmem>>[vector<16xi32>, vector<16xi32>], vector<16xi32>,
        %get3A_1128 = arith.constant 4 : i32
        %get3A_1129 = arith.index_cast %and3A_64 : i32 to index
        %get3A_1130 = arith.index_cast %get3A_1128 : i32 to index
        %get3A_1131 = arith.constant 64 : index
        %get3A_1132 = tpu.vector_load %arg11[%get3A_1129, %get3A_1130, %get3A_1131] {strides = array<i32>} : memref<16x32x128xf32, #tpu.memory_space<vmem>>, vector<16xf32>,
        %get3A_1133 = arith.constant 20 : i32
        %get3A_1134 = arith.index_cast %and3A_64 : i32 to index
        %get3A_1135 = arith.index_cast %get3A_1133 : i32 to index
        %get3A_1136 = arith.constant 64 : index
        %get3A_1137 = tpu.vector_load %arg11[%get3A_1134, %get3A_1135, %get3A_1136] {strides = array<i32>} : memref<16x32x128xf32, #tpu.memory_space<vmem>>, vector<16xf32>,
        %pack3A_1138 = tpu.pack_subelements %get3A_1132, %get3A_1137 {pack_format = #tpu.pack_format<interleaved>, positions = array<i32: 0, 1>} : vector<16xf32>, vector<16xf32> -> vector<32xbf16>
        %bitcast3A_1139 = vector.bitcast %pack3A_1138 : vector<32xbf16> to vector<16xi32>
        %add3A_1140 = arith.constant 4 : i32
        %add3A_1141 = vector.broadcast %add3A_1140 : i32 to vector<16xi32>
        %add3A_1142 = arith.addi %mul3A_91, %add3A_1141 : vector<16xi32>
        tpu.vector_store_idx %arg12[%add3A_1067, %add3A_1142], %bitcast3A_1139 : memref<8x128xi32, #tpu.memory_space<vmem>>[vector<16xi32>, vector<16xi32>], vector<16xi32>,
        %get3A_1143 = arith.constant 5 : i32
        %get3A_1144 = arith.index_cast %and3A_64 : i32 to index
        %get3A_1145 = arith.index_cast %get3A_1143 : i32 to index
        %get3A_1146 = arith.constant 64 : index
        %get3A_1147 = tpu.vector_load %arg11[%get3A_1144, %get3A_1145, %get3A_1146] {strides = array<i32>} : memref<16x32x128xf32, #tpu.memory_space<vmem>>, vector<16xf32>,
        %get3A_1148 = arith.constant 21 : i32
        %get3A_1149 = arith.index_cast %and3A_64 : i32 to index
        %get3A_1150 = arith.index_cast %get3A_1148 : i32 to index
        %get3A_1151 = arith.constant 64 : index
        %get3A_1152 = tpu.vector_load %arg11[%get3A_1149, %get3A_1150, %get3A_1151] {strides = array<i32>} : memref<16x32x128xf32, #tpu.memory_space<vmem>>, vector<16xf32>,
        %pack3A_1153 = tpu.pack_subelements %get3A_1147, %get3A_1152 {pack_format = #tpu.pack_format<interleaved>, positions = array<i32: 0, 1>} : vector<16xf32>, vector<16xf32> -> vector<32xbf16>
        %bitcast3A_1154 = vector.bitcast %pack3A_1153 : vector<32xbf16> to vector<16xi32>
        %add3A_1155 = arith.constant 5 : i32
        %add3A_1156 = vector.broadcast %add3A_1155 : i32 to vector<16xi32>
        %add3A_1157 = arith.addi %mul3A_91, %add3A_1156 : vector<16xi32>
        tpu.vector_store_idx %arg12[%add3A_1067, %add3A_1157], %bitcast3A_1154 : memref<8x128xi32, #tpu.memory_space<vmem>>[vector<16xi32>, vector<16xi32>], vector<16xi32>,
        %get3A_1158 = arith.constant 6 : i32
        %get3A_1159 = arith.index_cast %and3A_64 : i32 to index
        %get3A_1160 = arith.index_cast %get3A_1158 : i32 to index
        %get3A_1161 = arith.constant 64 : index
        %get3A_1162 = tpu.vector_load %arg11[%get3A_1159, %get3A_1160, %get3A_1161] {strides = array<i32>} : memref<16x32x128xf32, #tpu.memory_space<vmem>>, vector<16xf32>,
        %get3A_1163 = arith.constant 22 : i32
        %get3A_1164 = arith.index_cast %and3A_64 : i32 to index
        %get3A_1165 = arith.index_cast %get3A_1163 : i32 to index
        %get3A_1166 = arith.constant 64 : index
        %get3A_1167 = tpu.vector_load %arg11[%get3A_1164, %get3A_1165, %get3A_1166] {strides = array<i32>} : memref<16x32x128xf32, #tpu.memory_space<vmem>>, vector<16xf32>,
        %pack3A_1168 = tpu.pack_subelements %get3A_1162, %get3A_1167 {pack_format = #tpu.pack_format<interleaved>, positions = array<i32: 0, 1>} : vector<16xf32>, vector<16xf32> -> vector<32xbf16>
        %bitcast3A_1169 = vector.bitcast %pack3A_1168 : vector<32xbf16> to vector<16xi32>
        %add3A_1170 = arith.constant 6 : i32
        %add3A_1171 = vector.broadcast %add3A_1170 : i32 to vector<16xi32>
        %add3A_1172 = arith.addi %mul3A_91, %add3A_1171 : vector<16xi32>
        tpu.vector_store_idx %arg12[%add3A_1067, %add3A_1172], %bitcast3A_1169 : memref<8x128xi32, #tpu.memory_space<vmem>>[vector<16xi32>, vector<16xi32>], vector<16xi32>,
        %get3A_1173 = arith.constant 7 : i32
        %get3A_1174 = arith.index_cast %and3A_64 : i32 to index
        %get3A_1175 = arith.index_cast %get3A_1173 : i32 to index
        %get3A_1176 = arith.constant 64 : index
        %get3A_1177 = tpu.vector_load %arg11[%get3A_1174, %get3A_1175, %get3A_1176] {strides = array<i32>} : memref<16x32x128xf32, #tpu.memory_space<vmem>>, vector<16xf32>,
        %get3A_1178 = arith.constant 23 : i32
        %get3A_1179 = arith.index_cast %and3A_64 : i32 to index
        %get3A_1180 = arith.index_cast %get3A_1178 : i32 to index
        %get3A_1181 = arith.constant 64 : index
        %get3A_1182 = tpu.vector_load %arg11[%get3A_1179, %get3A_1180, %get3A_1181] {strides = array<i32>} : memref<16x32x128xf32, #tpu.memory_space<vmem>>, vector<16xf32>,
        %pack3A_1183 = tpu.pack_subelements %get3A_1177, %get3A_1182 {pack_format = #tpu.pack_format<interleaved>, positions = array<i32: 0, 1>} : vector<16xf32>, vector<16xf32> -> vector<32xbf16>
        %bitcast3A_1184 = vector.bitcast %pack3A_1183 : vector<32xbf16> to vector<16xi32>
        %add3A_1185 = arith.constant 7 : i32
        %add3A_1186 = vector.broadcast %add3A_1185 : i32 to vector<16xi32>
        %add3A_1187 = arith.addi %mul3A_91, %add3A_1186 : vector<16xi32>
        tpu.vector_store_idx %arg12[%add3A_1067, %add3A_1187], %bitcast3A_1184 : memref<8x128xi32, #tpu.memory_space<vmem>>[vector<16xi32>, vector<16xi32>], vector<16xi32>,
        %get3A_1188 = arith.constant 8 : i32
        %get3A_1189 = arith.index_cast %and3A_64 : i32 to index
        %get3A_1190 = arith.index_cast %get3A_1188 : i32 to index
        %get3A_1191 = arith.constant 64 : index
        %get3A_1192 = tpu.vector_load %arg11[%get3A_1189, %get3A_1190, %get3A_1191] {strides = array<i32>} : memref<16x32x128xf32, #tpu.memory_space<vmem>>, vector<16xf32>,
        %get3A_1193 = arith.constant 24 : i32
        %get3A_1194 = arith.index_cast %and3A_64 : i32 to index
        %get3A_1195 = arith.index_cast %get3A_1193 : i32 to index
        %get3A_1196 = arith.constant 64 : index
        %get3A_1197 = tpu.vector_load %arg11[%get3A_1194, %get3A_1195, %get3A_1196] {strides = array<i32>} : memref<16x32x128xf32, #tpu.memory_space<vmem>>, vector<16xf32>,
        %pack3A_1198 = tpu.pack_subelements %get3A_1192, %get3A_1197 {pack_format = #tpu.pack_format<interleaved>, positions = array<i32: 0, 1>} : vector<16xf32>, vector<16xf32> -> vector<32xbf16>
        %bitcast3A_1199 = vector.bitcast %pack3A_1198 : vector<32xbf16> to vector<16xi32>
        %add3A_1200 = arith.constant 8 : i32
        %add3A_1201 = vector.broadcast %add3A_1200 : i32 to vector<16xi32>
        %add3A_1202 = arith.addi %mul3A_91, %add3A_1201 : vector<16xi32>
        tpu.vector_store_idx %arg12[%add3A_1067, %add3A_1202], %bitcast3A_1199 : memref<8x128xi32, #tpu.memory_space<vmem>>[vector<16xi32>, vector<16xi32>], vector<16xi32>,
        %get3A_1203 = arith.constant 9 : i32
        %get3A_1204 = arith.index_cast %and3A_64 : i32 to index
        %get3A_1205 = arith.index_cast %get3A_1203 : i32 to index
        %get3A_1206 = arith.constant 64 : index
        %get3A_1207 = tpu.vector_load %arg11[%get3A_1204, %get3A_1205, %get3A_1206] {strides = array<i32>} : memref<16x32x128xf32, #tpu.memory_space<vmem>>, vector<16xf32>,
        %get3A_1208 = arith.constant 25 : i32
        %get3A_1209 = arith.index_cast %and3A_64 : i32 to index
        %get3A_1210 = arith.index_cast %get3A_1208 : i32 to index
        %get3A_1211 = arith.constant 64 : index
        %get3A_1212 = tpu.vector_load %arg11[%get3A_1209, %get3A_1210, %get3A_1211] {strides = array<i32>} : memref<16x32x128xf32, #tpu.memory_space<vmem>>, vector<16xf32>,
        %pack3A_1213 = tpu.pack_subelements %get3A_1207, %get3A_1212 {pack_format = #tpu.pack_format<interleaved>, positions = array<i32: 0, 1>} : vector<16xf32>, vector<16xf32> -> vector<32xbf16>
        %bitcast3A_1214 = vector.bitcast %pack3A_1213 : vector<32xbf16> to vector<16xi32>
        %add3A_1215 = arith.constant 9 : i32
        %add3A_1216 = vector.broadcast %add3A_1215 : i32 to vector<16xi32>
        %add3A_1217 = arith.addi %mul3A_91, %add3A_1216 : vector<16xi32>
        tpu.vector_store_idx %arg12[%add3A_1067, %add3A_1217], %bitcast3A_1214 : memref<8x128xi32, #tpu.memory_space<vmem>>[vector<16xi32>, vector<16xi32>], vector<16xi32>,
        %get3A_1218 = arith.constant 10 : i32
        %get3A_1219 = arith.index_cast %and3A_64 : i32 to index
        %get3A_1220 = arith.index_cast %get3A_1218 : i32 to index
        %get3A_1221 = arith.constant 64 : index
        %get3A_1222 = tpu.vector_load %arg11[%get3A_1219, %get3A_1220, %get3A_1221] {strides = array<i32>} : memref<16x32x128xf32, #tpu.memory_space<vmem>>, vector<16xf32>,
        %get3A_1223 = arith.constant 26 : i32
        %get3A_1224 = arith.index_cast %and3A_64 : i32 to index
        %get3A_1225 = arith.index_cast %get3A_1223 : i32 to index
        %get3A_1226 = arith.constant 64 : index
        %get3A_1227 = tpu.vector_load %arg11[%get3A_1224, %get3A_1225, %get3A_1226] {strides = array<i32>} : memref<16x32x128xf32, #tpu.memory_space<vmem>>, vector<16xf32>,
        %pack3A_1228 = tpu.pack_subelements %get3A_1222, %get3A_1227 {pack_format = #tpu.pack_format<interleaved>, positions = array<i32: 0, 1>} : vector<16xf32>, vector<16xf32> -> vector<32xbf16>
        %bitcast3A_1229 = vector.bitcast %pack3A_1228 : vector<32xbf16> to vector<16xi32>
        %add3A_1230 = arith.constant 10 : i32
        %add3A_1231 = vector.broadcast %add3A_1230 : i32 to vector<16xi32>
        %add3A_1232 = arith.addi %mul3A_91, %add3A_1231 : vector<16xi32>
        tpu.vector_store_idx %arg12[%add3A_1067, %add3A_1232], %bitcast3A_1229 : memref<8x128xi32, #tpu.memory_space<vmem>>[vector<16xi32>, vector<16xi32>], vector<16xi32>,
        %get3A_1233 = arith.constant 11 : i32
        %get3A_1234 = arith.index_cast %and3A_64 : i32 to index
        %get3A_1235 = arith.index_cast %get3A_1233 : i32 to index
        %get3A_1236 = arith.constant 64 : index
        %get3A_1237 = tpu.vector_load %arg11[%get3A_1234, %get3A_1235, %get3A_1236] {strides = array<i32>} : memref<16x32x128xf32, #tpu.memory_space<vmem>>, vector<16xf32>,
        %get3A_1238 = arith.constant 27 : i32
        %get3A_1239 = arith.index_cast %and3A_64 : i32 to index
        %get3A_1240 = arith.index_cast %get3A_1238 : i32 to index
        %get3A_1241 = arith.constant 64 : index
        %get3A_1242 = tpu.vector_load %arg11[%get3A_1239, %get3A_1240, %get3A_1241] {strides = array<i32>} : memref<16x32x128xf32, #tpu.memory_space<vmem>>, vector<16xf32>,
        %pack3A_1243 = tpu.pack_subelements %get3A_1237, %get3A_1242 {pack_format = #tpu.pack_format<interleaved>, positions = array<i32: 0, 1>} : vector<16xf32>, vector<16xf32> -> vector<32xbf16>
        %bitcast3A_1244 = vector.bitcast %pack3A_1243 : vector<32xbf16> to vector<16xi32>
        %add3A_1245 = arith.constant 11 : i32
        %add3A_1246 = vector.broadcast %add3A_1245 : i32 to vector<16xi32>
        %add3A_1247 = arith.addi %mul3A_91, %add3A_1246 : vector<16xi32>
        tpu.vector_store_idx %arg12[%add3A_1067, %add3A_1247], %bitcast3A_1244 : memref<8x128xi32, #tpu.memory_space<vmem>>[vector<16xi32>, vector<16xi32>], vector<16xi32>,
        %get3A_1248 = arith.constant 12 : i32
        %get3A_1249 = arith.index_cast %and3A_64 : i32 to index
        %get3A_1250 = arith.index_cast %get3A_1248 : i32 to index
        %get3A_1251 = arith.constant 64 : index
        %get3A_1252 = tpu.vector_load %arg11[%get3A_1249, %get3A_1250, %get3A_1251] {strides = array<i32>} : memref<16x32x128xf32, #tpu.memory_space<vmem>>, vector<16xf32>,
        %get3A_1253 = arith.constant 28 : i32
        %get3A_1254 = arith.index_cast %and3A_64 : i32 to index
        %get3A_1255 = arith.index_cast %get3A_1253 : i32 to index
        %get3A_1256 = arith.constant 64 : index
        %get3A_1257 = tpu.vector_load %arg11[%get3A_1254, %get3A_1255, %get3A_1256] {strides = array<i32>} : memref<16x32x128xf32, #tpu.memory_space<vmem>>, vector<16xf32>,
        %pack3A_1258 = tpu.pack_subelements %get3A_1252, %get3A_1257 {pack_format = #tpu.pack_format<interleaved>, positions = array<i32: 0, 1>} : vector<16xf32>, vector<16xf32> -> vector<32xbf16>
        %bitcast3A_1259 = vector.bitcast %pack3A_1258 : vector<32xbf16> to vector<16xi32>
        %add3A_1260 = arith.constant 12 : i32
        %add3A_1261 = vector.broadcast %add3A_1260 : i32 to vector<16xi32>
        %add3A_1262 = arith.addi %mul3A_91, %add3A_1261 : vector<16xi32>
        tpu.vector_store_idx %arg12[%add3A_1067, %add3A_1262], %bitcast3A_1259 : memref<8x128xi32, #tpu.memory_space<vmem>>[vector<16xi32>, vector<16xi32>], vector<16xi32>,
        %get3A_1263 = arith.constant 13 : i32
        %get3A_1264 = arith.index_cast %and3A_64 : i32 to index
        %get3A_1265 = arith.index_cast %get3A_1263 : i32 to index
        %get3A_1266 = arith.constant 64 : index
        %get3A_1267 = tpu.vector_load %arg11[%get3A_1264, %get3A_1265, %get3A_1266] {strides = array<i32>} : memref<16x32x128xf32, #tpu.memory_space<vmem>>, vector<16xf32>,
        %get3A_1268 = arith.constant 29 : i32
        %get3A_1269 = arith.index_cast %and3A_64 : i32 to index
        %get3A_1270 = arith.index_cast %get3A_1268 : i32 to index
        %get3A_1271 = arith.constant 64 : index
        %get3A_1272 = tpu.vector_load %arg11[%get3A_1269, %get3A_1270, %get3A_1271] {strides = array<i32>} : memref<16x32x128xf32, #tpu.memory_space<vmem>>, vector<16xf32>,
        %pack3A_1273 = tpu.pack_subelements %get3A_1267, %get3A_1272 {pack_format = #tpu.pack_format<interleaved>, positions = array<i32: 0, 1>} : vector<16xf32>, vector<16xf32> -> vector<32xbf16>
        %bitcast3A_1274 = vector.bitcast %pack3A_1273 : vector<32xbf16> to vector<16xi32>
        %add3A_1275 = arith.constant 13 : i32
        %add3A_1276 = vector.broadcast %add3A_1275 : i32 to vector<16xi32>
        %add3A_1277 = arith.addi %mul3A_91, %add3A_1276 : vector<16xi32>
        tpu.vector_store_idx %arg12[%add3A_1067, %add3A_1277], %bitcast3A_1274 : memref<8x128xi32, #tpu.memory_space<vmem>>[vector<16xi32>, vector<16xi32>], vector<16xi32>,
        %get3A_1278 = arith.constant 14 : i32
        %get3A_1279 = arith.index_cast %and3A_64 : i32 to index
        %get3A_1280 = arith.index_cast %get3A_1278 : i32 to index
        %get3A_1281 = arith.constant 64 : index
        %get3A_1282 = tpu.vector_load %arg11[%get3A_1279, %get3A_1280, %get3A_1281] {strides = array<i32>} : memref<16x32x128xf32, #tpu.memory_space<vmem>>, vector<16xf32>,
        %get3A_1283 = arith.constant 30 : i32
        %get3A_1284 = arith.index_cast %and3A_64 : i32 to index
        %get3A_1285 = arith.index_cast %get3A_1283 : i32 to index
        %get3A_1286 = arith.constant 64 : index
        %get3A_1287 = tpu.vector_load %arg11[%get3A_1284, %get3A_1285, %get3A_1286] {strides = array<i32>} : memref<16x32x128xf32, #tpu.memory_space<vmem>>, vector<16xf32>,
        %pack3A_1288 = tpu.pack_subelements %get3A_1282, %get3A_1287 {pack_format = #tpu.pack_format<interleaved>, positions = array<i32: 0, 1>} : vector<16xf32>, vector<16xf32> -> vector<32xbf16>
        %bitcast3A_1289 = vector.bitcast %pack3A_1288 : vector<32xbf16> to vector<16xi32>
        %add3A_1290 = arith.constant 14 : i32
        %add3A_1291 = vector.broadcast %add3A_1290 : i32 to vector<16xi32>
        %add3A_1292 = arith.addi %mul3A_91, %add3A_1291 : vector<16xi32>
        tpu.vector_store_idx %arg12[%add3A_1067, %add3A_1292], %bitcast3A_1289 : memref<8x128xi32, #tpu.memory_space<vmem>>[vector<16xi32>, vector<16xi32>], vector<16xi32>,
        %get3A_1293 = arith.constant 15 : i32
        %get3A_1294 = arith.index_cast %and3A_64 : i32 to index
        %get3A_1295 = arith.index_cast %get3A_1293 : i32 to index
        %get3A_1296 = arith.constant 64 : index
        %get3A_1297 = tpu.vector_load %arg11[%get3A_1294, %get3A_1295, %get3A_1296] {strides = array<i32>} : memref<16x32x128xf32, #tpu.memory_space<vmem>>, vector<16xf32>,
        %get3A_1298 = arith.constant 31 : i32
        %get3A_1299 = arith.index_cast %and3A_64 : i32 to index
        %get3A_1300 = arith.index_cast %get3A_1298 : i32 to index
        %get3A_1301 = arith.constant 64 : index
        %get3A_1302 = tpu.vector_load %arg11[%get3A_1299, %get3A_1300, %get3A_1301] {strides = array<i32>} : memref<16x32x128xf32, #tpu.memory_space<vmem>>, vector<16xf32>,
        %pack3A_1303 = tpu.pack_subelements %get3A_1297, %get3A_1302 {pack_format = #tpu.pack_format<interleaved>, positions = array<i32: 0, 1>} : vector<16xf32>, vector<16xf32> -> vector<32xbf16>
        %bitcast3A_1304 = vector.bitcast %pack3A_1303 : vector<32xbf16> to vector<16xi32>
        %add3A_1305 = arith.constant 15 : i32
        %add3A_1306 = vector.broadcast %add3A_1305 : i32 to vector<16xi32>
        %add3A_1307 = arith.addi %mul3A_91, %add3A_1306 : vector<16xi32>
        tpu.vector_store_idx %arg12[%add3A_1067, %add3A_1307], %bitcast3A_1304 : memref<8x128xi32, #tpu.memory_space<vmem>>[vector<16xi32>, vector<16xi32>], vector<16xi32>,
        %add3A_1308 = arith.constant 2 : i32
        %add3A_1309 = vector.broadcast %add3A_1308 : i32 to vector<16xi32>
        %add3A_1310 = arith.addi %add3A_1309, %shift_right_arithmetic3A_85 : vector<16xi32>
        %get3A_1311 = arith.constant 0 : i32
        %get3A_1312 = arith.index_cast %and3A_64 : i32 to index
        %get3A_1313 = arith.index_cast %get3A_1311 : i32 to index
        %get3A_1314 = arith.constant 80 : index
        %get3A_1315 = tpu.vector_load %arg11[%get3A_1312, %get3A_1313, %get3A_1314] {strides = array<i32>} : memref<16x32x128xf32, #tpu.memory_space<vmem>>, vector<16xf32>,
        %get3A_1316 = arith.constant 16 : i32
        %get3A_1317 = arith.index_cast %and3A_64 : i32 to index
        %get3A_1318 = arith.index_cast %get3A_1316 : i32 to index
        %get3A_1319 = arith.constant 80 : index
        %get3A_1320 = tpu.vector_load %arg11[%get3A_1317, %get3A_1318, %get3A_1319] {strides = array<i32>} : memref<16x32x128xf32, #tpu.memory_space<vmem>>, vector<16xf32>,
        %pack3A_1321 = tpu.pack_subelements %get3A_1315, %get3A_1320 {pack_format = #tpu.pack_format<interleaved>, positions = array<i32: 0, 1>} : vector<16xf32>, vector<16xf32> -> vector<32xbf16>
        %bitcast3A_1322 = vector.bitcast %pack3A_1321 : vector<32xbf16> to vector<16xi32>
        %add3A_1323 = arith.constant 0 : i32
        %add3A_1324 = vector.broadcast %add3A_1323 : i32 to vector<16xi32>
        %add3A_1325 = arith.addi %mul3A_91, %add3A_1324 : vector<16xi32>
        tpu.vector_store_idx %arg12[%add3A_1310, %add3A_1325], %bitcast3A_1322 : memref<8x128xi32, #tpu.memory_space<vmem>>[vector<16xi32>, vector<16xi32>], vector<16xi32>,
        %get3A_1326 = arith.constant 1 : i32
        %get3A_1327 = arith.index_cast %and3A_64 : i32 to index
        %get3A_1328 = arith.index_cast %get3A_1326 : i32 to index
        %get3A_1329 = arith.constant 80 : index
        %get3A_1330 = tpu.vector_load %arg11[%get3A_1327, %get3A_1328, %get3A_1329] {strides = array<i32>} : memref<16x32x128xf32, #tpu.memory_space<vmem>>, vector<16xf32>,
        %get3A_1331 = arith.constant 17 : i32
        %get3A_1332 = arith.index_cast %and3A_64 : i32 to index
        %get3A_1333 = arith.index_cast %get3A_1331 : i32 to index
        %get3A_1334 = arith.constant 80 : index
        %get3A_1335 = tpu.vector_load %arg11[%get3A_1332, %get3A_1333, %get3A_1334] {strides = array<i32>} : memref<16x32x128xf32, #tpu.memory_space<vmem>>, vector<16xf32>,
        %pack3A_1336 = tpu.pack_subelements %get3A_1330, %get3A_1335 {pack_format = #tpu.pack_format<interleaved>, positions = array<i32: 0, 1>} : vector<16xf32>, vector<16xf32> -> vector<32xbf16>
        %bitcast3A_1337 = vector.bitcast %pack3A_1336 : vector<32xbf16> to vector<16xi32>
        %add3A_1338 = arith.constant 1 : i32
        %add3A_1339 = vector.broadcast %add3A_1338 : i32 to vector<16xi32>
        %add3A_1340 = arith.addi %mul3A_91, %add3A_1339 : vector<16xi32>
        tpu.vector_store_idx %arg12[%add3A_1310, %add3A_1340], %bitcast3A_1337 : memref<8x128xi32, #tpu.memory_space<vmem>>[vector<16xi32>, vector<16xi32>], vector<16xi32>,
        %get3A_1341 = arith.constant 2 : i32
        %get3A_1342 = arith.index_cast %and3A_64 : i32 to index
        %get3A_1343 = arith.index_cast %get3A_1341 : i32 to index
        %get3A_1344 = arith.constant 80 : index
        %get3A_1345 = tpu.vector_load %arg11[%get3A_1342, %get3A_1343, %get3A_1344] {strides = array<i32>} : memref<16x32x128xf32, #tpu.memory_space<vmem>>, vector<16xf32>,
        %get3A_1346 = arith.constant 18 : i32
        %get3A_1347 = arith.index_cast %and3A_64 : i32 to index
        %get3A_1348 = arith.index_cast %get3A_1346 : i32 to index
        %get3A_1349 = arith.constant 80 : index
        %get3A_1350 = tpu.vector_load %arg11[%get3A_1347, %get3A_1348, %get3A_1349] {strides = array<i32>} : memref<16x32x128xf32, #tpu.memory_space<vmem>>, vector<16xf32>,
        %pack3A_1351 = tpu.pack_subelements %get3A_1345, %get3A_1350 {pack_format = #tpu.pack_format<interleaved>, positions = array<i32: 0, 1>} : vector<16xf32>, vector<16xf32> -> vector<32xbf16>
        %bitcast3A_1352 = vector.bitcast %pack3A_1351 : vector<32xbf16> to vector<16xi32>
        %add3A_1353 = arith.constant 2 : i32
        %add3A_1354 = vector.broadcast %add3A_1353 : i32 to vector<16xi32>
        %add3A_1355 = arith.addi %mul3A_91, %add3A_1354 : vector<16xi32>
        tpu.vector_store_idx %arg12[%add3A_1310, %add3A_1355], %bitcast3A_1352 : memref<8x128xi32, #tpu.memory_space<vmem>>[vector<16xi32>, vector<16xi32>], vector<16xi32>,
        %get3A_1356 = arith.constant 3 : i32
        %get3A_1357 = arith.index_cast %and3A_64 : i32 to index
        %get3A_1358 = arith.index_cast %get3A_1356 : i32 to index
        %get3A_1359 = arith.constant 80 : index
        %get3A_1360 = tpu.vector_load %arg11[%get3A_1357, %get3A_1358, %get3A_1359] {strides = array<i32>} : memref<16x32x128xf32, #tpu.memory_space<vmem>>, vector<16xf32>,
        %get3A_1361 = arith.constant 19 : i32
        %get3A_1362 = arith.index_cast %and3A_64 : i32 to index
        %get3A_1363 = arith.index_cast %get3A_1361 : i32 to index
        %get3A_1364 = arith.constant 80 : index
        %get3A_1365 = tpu.vector_load %arg11[%get3A_1362, %get3A_1363, %get3A_1364] {strides = array<i32>} : memref<16x32x128xf32, #tpu.memory_space<vmem>>, vector<16xf32>,
        %pack3A_1366 = tpu.pack_subelements %get3A_1360, %get3A_1365 {pack_format = #tpu.pack_format<interleaved>, positions = array<i32: 0, 1>} : vector<16xf32>, vector<16xf32> -> vector<32xbf16>
        %bitcast3A_1367 = vector.bitcast %pack3A_1366 : vector<32xbf16> to vector<16xi32>
        %add3A_1368 = arith.constant 3 : i32
        %add3A_1369 = vector.broadcast %add3A_1368 : i32 to vector<16xi32>
        %add3A_1370 = arith.addi %mul3A_91, %add3A_1369 : vector<16xi32>
        tpu.vector_store_idx %arg12[%add3A_1310, %add3A_1370], %bitcast3A_1367 : memref<8x128xi32, #tpu.memory_space<vmem>>[vector<16xi32>, vector<16xi32>], vector<16xi32>,
        %get3A_1371 = arith.constant 4 : i32
        %get3A_1372 = arith.index_cast %and3A_64 : i32 to index
        %get3A_1373 = arith.index_cast %get3A_1371 : i32 to index
        %get3A_1374 = arith.constant 80 : index
        %get3A_1375 = tpu.vector_load %arg11[%get3A_1372, %get3A_1373, %get3A_1374] {strides = array<i32>} : memref<16x32x128xf32, #tpu.memory_space<vmem>>, vector<16xf32>,
        %get3A_1376 = arith.constant 20 : i32
        %get3A_1377 = arith.index_cast %and3A_64 : i32 to index
        %get3A_1378 = arith.index_cast %get3A_1376 : i32 to index
        %get3A_1379 = arith.constant 80 : index
        %get3A_1380 = tpu.vector_load %arg11[%get3A_1377, %get3A_1378, %get3A_1379] {strides = array<i32>} : memref<16x32x128xf32, #tpu.memory_space<vmem>>, vector<16xf32>,
        %pack3A_1381 = tpu.pack_subelements %get3A_1375, %get3A_1380 {pack_format = #tpu.pack_format<interleaved>, positions = array<i32: 0, 1>} : vector<16xf32>, vector<16xf32> -> vector<32xbf16>
        %bitcast3A_1382 = vector.bitcast %pack3A_1381 : vector<32xbf16> to vector<16xi32>
        %add3A_1383 = arith.constant 4 : i32
        %add3A_1384 = vector.broadcast %add3A_1383 : i32 to vector<16xi32>
        %add3A_1385 = arith.addi %mul3A_91, %add3A_1384 : vector<16xi32>
        tpu.vector_store_idx %arg12[%add3A_1310, %add3A_1385], %bitcast3A_1382 : memref<8x128xi32, #tpu.memory_space<vmem>>[vector<16xi32>, vector<16xi32>], vector<16xi32>,
        %get3A_1386 = arith.constant 5 : i32
        %get3A_1387 = arith.index_cast %and3A_64 : i32 to index
        %get3A_1388 = arith.index_cast %get3A_1386 : i32 to index
        %get3A_1389 = arith.constant 80 : index
        %get3A_1390 = tpu.vector_load %arg11[%get3A_1387, %get3A_1388, %get3A_1389] {strides = array<i32>} : memref<16x32x128xf32, #tpu.memory_space<vmem>>, vector<16xf32>,
        %get3A_1391 = arith.constant 21 : i32
        %get3A_1392 = arith.index_cast %and3A_64 : i32 to index
        %get3A_1393 = arith.index_cast %get3A_1391 : i32 to index
        %get3A_1394 = arith.constant 80 : index
        %get3A_1395 = tpu.vector_load %arg11[%get3A_1392, %get3A_1393, %get3A_1394] {strides = array<i32>} : memref<16x32x128xf32, #tpu.memory_space<vmem>>, vector<16xf32>,
        %pack3A_1396 = tpu.pack_subelements %get3A_1390, %get3A_1395 {pack_format = #tpu.pack_format<interleaved>, positions = array<i32: 0, 1>} : vector<16xf32>, vector<16xf32> -> vector<32xbf16>
        %bitcast3A_1397 = vector.bitcast %pack3A_1396 : vector<32xbf16> to vector<16xi32>
        %add3A_1398 = arith.constant 5 : i32
        %add3A_1399 = vector.broadcast %add3A_1398 : i32 to vector<16xi32>
        %add3A_1400 = arith.addi %mul3A_91, %add3A_1399 : vector<16xi32>
        tpu.vector_store_idx %arg12[%add3A_1310, %add3A_1400], %bitcast3A_1397 : memref<8x128xi32, #tpu.memory_space<vmem>>[vector<16xi32>, vector<16xi32>], vector<16xi32>,
        %get3A_1401 = arith.constant 6 : i32
        %get3A_1402 = arith.index_cast %and3A_64 : i32 to index
        %get3A_1403 = arith.index_cast %get3A_1401 : i32 to index
        %get3A_1404 = arith.constant 80 : index
        %get3A_1405 = tpu.vector_load %arg11[%get3A_1402, %get3A_1403, %get3A_1404] {strides = array<i32>} : memref<16x32x128xf32, #tpu.memory_space<vmem>>, vector<16xf32>,
        %get3A_1406 = arith.constant 22 : i32
        %get3A_1407 = arith.index_cast %and3A_64 : i32 to index
        %get3A_1408 = arith.index_cast %get3A_1406 : i32 to index
        %get3A_1409 = arith.constant 80 : index
        %get3A_1410 = tpu.vector_load %arg11[%get3A_1407, %get3A_1408, %get3A_1409] {strides = array<i32>} : memref<16x32x128xf32, #tpu.memory_space<vmem>>, vector<16xf32>,
        %pack3A_1411 = tpu.pack_subelements %get3A_1405, %get3A_1410 {pack_format = #tpu.pack_format<interleaved>, positions = array<i32: 0, 1>} : vector<16xf32>, vector<16xf32> -> vector<32xbf16>
        %bitcast3A_1412 = vector.bitcast %pack3A_1411 : vector<32xbf16> to vector<16xi32>
        %add3A_1413 = arith.constant 6 : i32
        %add3A_1414 = vector.broadcast %add3A_1413 : i32 to vector<16xi32>
        %add3A_1415 = arith.addi %mul3A_91, %add3A_1414 : vector<16xi32>
        tpu.vector_store_idx %arg12[%add3A_1310, %add3A_1415], %bitcast3A_1412 : memref<8x128xi32, #tpu.memory_space<vmem>>[vector<16xi32>, vector<16xi32>], vector<16xi32>,
        %get3A_1416 = arith.constant 7 : i32
        %get3A_1417 = arith.index_cast %and3A_64 : i32 to index
        %get3A_1418 = arith.index_cast %get3A_1416 : i32 to index
        %get3A_1419 = arith.constant 80 : index
        %get3A_1420 = tpu.vector_load %arg11[%get3A_1417, %get3A_1418, %get3A_1419] {strides = array<i32>} : memref<16x32x128xf32, #tpu.memory_space<vmem>>, vector<16xf32>,
        %get3A_1421 = arith.constant 23 : i32
        %get3A_1422 = arith.index_cast %and3A_64 : i32 to index
        %get3A_1423 = arith.index_cast %get3A_1421 : i32 to index
        %get3A_1424 = arith.constant 80 : index
        %get3A_1425 = tpu.vector_load %arg11[%get3A_1422, %get3A_1423, %get3A_1424] {strides = array<i32>} : memref<16x32x128xf32, #tpu.memory_space<vmem>>, vector<16xf32>,
        %pack3A_1426 = tpu.pack_subelements %get3A_1420, %get3A_1425 {pack_format = #tpu.pack_format<interleaved>, positions = array<i32: 0, 1>} : vector<16xf32>, vector<16xf32> -> vector<32xbf16>
        %bitcast3A_1427 = vector.bitcast %pack3A_1426 : vector<32xbf16> to vector<16xi32>
        %add3A_1428 = arith.constant 7 : i32
        %add3A_1429 = vector.broadcast %add3A_1428 : i32 to vector<16xi32>
        %add3A_1430 = arith.addi %mul3A_91, %add3A_1429 : vector<16xi32>
        tpu.vector_store_idx %arg12[%add3A_1310, %add3A_1430], %bitcast3A_1427 : memref<8x128xi32, #tpu.memory_space<vmem>>[vector<16xi32>, vector<16xi32>], vector<16xi32>,
        %get3A_1431 = arith.constant 8 : i32
        %get3A_1432 = arith.index_cast %and3A_64 : i32 to index
        %get3A_1433 = arith.index_cast %get3A_1431 : i32 to index
        %get3A_1434 = arith.constant 80 : index
        %get3A_1435 = tpu.vector_load %arg11[%get3A_1432, %get3A_1433, %get3A_1434] {strides = array<i32>} : memref<16x32x128xf32, #tpu.memory_space<vmem>>, vector<16xf32>,
        %get3A_1436 = arith.constant 24 : i32
        %get3A_1437 = arith.index_cast %and3A_64 : i32 to index
        %get3A_1438 = arith.index_cast %get3A_1436 : i32 to index
        %get3A_1439 = arith.constant 80 : index
        %get3A_1440 = tpu.vector_load %arg11[%get3A_1437, %get3A_1438, %get3A_1439] {strides = array<i32>} : memref<16x32x128xf32, #tpu.memory_space<vmem>>, vector<16xf32>,
        %pack3A_1441 = tpu.pack_subelements %get3A_1435, %get3A_1440 {pack_format = #tpu.pack_format<interleaved>, positions = array<i32: 0, 1>} : vector<16xf32>, vector<16xf32> -> vector<32xbf16>
        %bitcast3A_1442 = vector.bitcast %pack3A_1441 : vector<32xbf16> to vector<16xi32>
        %add3A_1443 = arith.constant 8 : i32
        %add3A_1444 = vector.broadcast %add3A_1443 : i32 to vector<16xi32>
        %add3A_1445 = arith.addi %mul3A_91, %add3A_1444 : vector<16xi32>
        tpu.vector_store_idx %arg12[%add3A_1310, %add3A_1445], %bitcast3A_1442 : memref<8x128xi32, #tpu.memory_space<vmem>>[vector<16xi32>, vector<16xi32>], vector<16xi32>,
        %get3A_1446 = arith.constant 9 : i32
        %get3A_1447 = arith.index_cast %and3A_64 : i32 to index
        %get3A_1448 = arith.index_cast %get3A_1446 : i32 to index
        %get3A_1449 = arith.constant 80 : index
        %get3A_1450 = tpu.vector_load %arg11[%get3A_1447, %get3A_1448, %get3A_1449] {strides = array<i32>} : memref<16x32x128xf32, #tpu.memory_space<vmem>>, vector<16xf32>,
        %get3A_1451 = arith.constant 25 : i32
        %get3A_1452 = arith.index_cast %and3A_64 : i32 to index
        %get3A_1453 = arith.index_cast %get3A_1451 : i32 to index
        %get3A_1454 = arith.constant 80 : index
        %get3A_1455 = tpu.vector_load %arg11[%get3A_1452, %get3A_1453, %get3A_1454] {strides = array<i32>} : memref<16x32x128xf32, #tpu.memory_space<vmem>>, vector<16xf32>,
        %pack3A_1456 = tpu.pack_subelements %get3A_1450, %get3A_1455 {pack_format = #tpu.pack_format<interleaved>, positions = array<i32: 0, 1>} : vector<16xf32>, vector<16xf32> -> vector<32xbf16>
        %bitcast3A_1457 = vector.bitcast %pack3A_1456 : vector<32xbf16> to vector<16xi32>
        %add3A_1458 = arith.constant 9 : i32
        %add3A_1459 = vector.broadcast %add3A_1458 : i32 to vector<16xi32>
        %add3A_1460 = arith.addi %mul3A_91, %add3A_1459 : vector<16xi32>
        tpu.vector_store_idx %arg12[%add3A_1310, %add3A_1460], %bitcast3A_1457 : memref<8x128xi32, #tpu.memory_space<vmem>>[vector<16xi32>, vector<16xi32>], vector<16xi32>,
        %get3A_1461 = arith.constant 10 : i32
        %get3A_1462 = arith.index_cast %and3A_64 : i32 to index
        %get3A_1463 = arith.index_cast %get3A_1461 : i32 to index
        %get3A_1464 = arith.constant 80 : index
        %get3A_1465 = tpu.vector_load %arg11[%get3A_1462, %get3A_1463, %get3A_1464] {strides = array<i32>} : memref<16x32x128xf32, #tpu.memory_space<vmem>>, vector<16xf32>,
        %get3A_1466 = arith.constant 26 : i32
        %get3A_1467 = arith.index_cast %and3A_64 : i32 to index
        %get3A_1468 = arith.index_cast %get3A_1466 : i32 to index
        %get3A_1469 = arith.constant 80 : index
        %get3A_1470 = tpu.vector_load %arg11[%get3A_1467, %get3A_1468, %get3A_1469] {strides = array<i32>} : memref<16x32x128xf32, #tpu.memory_space<vmem>>, vector<16xf32>,
        %pack3A_1471 = tpu.pack_subelements %get3A_1465, %get3A_1470 {pack_format = #tpu.pack_format<interleaved>, positions = array<i32: 0, 1>} : vector<16xf32>, vector<16xf32> -> vector<32xbf16>
        %bitcast3A_1472 = vector.bitcast %pack3A_1471 : vector<32xbf16> to vector<16xi32>
        %add3A_1473 = arith.constant 10 : i32
        %add3A_1474 = vector.broadcast %add3A_1473 : i32 to vector<16xi32>
        %add3A_1475 = arith.addi %mul3A_91, %add3A_1474 : vector<16xi32>
        tpu.vector_store_idx %arg12[%add3A_1310, %add3A_1475], %bitcast3A_1472 : memref<8x128xi32, #tpu.memory_space<vmem>>[vector<16xi32>, vector<16xi32>], vector<16xi32>,
        %get3A_1476 = arith.constant 11 : i32
        %get3A_1477 = arith.index_cast %and3A_64 : i32 to index
        %get3A_1478 = arith.index_cast %get3A_1476 : i32 to index
        %get3A_1479 = arith.constant 80 : index
        %get3A_1480 = tpu.vector_load %arg11[%get3A_1477, %get3A_1478, %get3A_1479] {strides = array<i32>} : memref<16x32x128xf32, #tpu.memory_space<vmem>>, vector<16xf32>,
        %get3A_1481 = arith.constant 27 : i32
        %get3A_1482 = arith.index_cast %and3A_64 : i32 to index
        %get3A_1483 = arith.index_cast %get3A_1481 : i32 to index
        %get3A_1484 = arith.constant 80 : index
        %get3A_1485 = tpu.vector_load %arg11[%get3A_1482, %get3A_1483, %get3A_1484] {strides = array<i32>} : memref<16x32x128xf32, #tpu.memory_space<vmem>>, vector<16xf32>,
        %pack3A_1486 = tpu.pack_subelements %get3A_1480, %get3A_1485 {pack_format = #tpu.pack_format<interleaved>, positions = array<i32: 0, 1>} : vector<16xf32>, vector<16xf32> -> vector<32xbf16>
        %bitcast3A_1487 = vector.bitcast %pack3A_1486 : vector<32xbf16> to vector<16xi32>
        %add3A_1488 = arith.constant 11 : i32
        %add3A_1489 = vector.broadcast %add3A_1488 : i32 to vector<16xi32>
        %add3A_1490 = arith.addi %mul3A_91, %add3A_1489 : vector<16xi32>
        tpu.vector_store_idx %arg12[%add3A_1310, %add3A_1490], %bitcast3A_1487 : memref<8x128xi32, #tpu.memory_space<vmem>>[vector<16xi32>, vector<16xi32>], vector<16xi32>,
        %get3A_1491 = arith.constant 12 : i32
        %get3A_1492 = arith.index_cast %and3A_64 : i32 to index
        %get3A_1493 = arith.index_cast %get3A_1491 : i32 to index
        %get3A_1494 = arith.constant 80 : index
        %get3A_1495 = tpu.vector_load %arg11[%get3A_1492, %get3A_1493, %get3A_1494] {strides = array<i32>} : memref<16x32x128xf32, #tpu.memory_space<vmem>>, vector<16xf32>,
        %get3A_1496 = arith.constant 28 : i32
        %get3A_1497 = arith.index_cast %and3A_64 : i32 to index
        %get3A_1498 = arith.index_cast %get3A_1496 : i32 to index
        %get3A_1499 = arith.constant 80 : index
        %get3A_1500 = tpu.vector_load %arg11[%get3A_1497, %get3A_1498, %get3A_1499] {strides = array<i32>} : memref<16x32x128xf32, #tpu.memory_space<vmem>>, vector<16xf32>,
        %pack3A_1501 = tpu.pack_subelements %get3A_1495, %get3A_1500 {pack_format = #tpu.pack_format<interleaved>, positions = array<i32: 0, 1>} : vector<16xf32>, vector<16xf32> -> vector<32xbf16>
        %bitcast3A_1502 = vector.bitcast %pack3A_1501 : vector<32xbf16> to vector<16xi32>
        %add3A_1503 = arith.constant 12 : i32
        %add3A_1504 = vector.broadcast %add3A_1503 : i32 to vector<16xi32>
        %add3A_1505 = arith.addi %mul3A_91, %add3A_1504 : vector<16xi32>
        tpu.vector_store_idx %arg12[%add3A_1310, %add3A_1505], %bitcast3A_1502 : memref<8x128xi32, #tpu.memory_space<vmem>>[vector<16xi32>, vector<16xi32>], vector<16xi32>,
        %get3A_1506 = arith.constant 13 : i32
        %get3A_1507 = arith.index_cast %and3A_64 : i32 to index
        %get3A_1508 = arith.index_cast %get3A_1506 : i32 to index
        %get3A_1509 = arith.constant 80 : index
        %get3A_1510 = tpu.vector_load %arg11[%get3A_1507, %get3A_1508, %get3A_1509] {strides = array<i32>} : memref<16x32x128xf32, #tpu.memory_space<vmem>>, vector<16xf32>,
        %get3A_1511 = arith.constant 29 : i32
        %get3A_1512 = arith.index_cast %and3A_64 : i32 to index
        %get3A_1513 = arith.index_cast %get3A_1511 : i32 to index
        %get3A_1514 = arith.constant 80 : index
        %get3A_1515 = tpu.vector_load %arg11[%get3A_1512, %get3A_1513, %get3A_1514] {strides = array<i32>} : memref<16x32x128xf32, #tpu.memory_space<vmem>>, vector<16xf32>,
        %pack3A_1516 = tpu.pack_subelements %get3A_1510, %get3A_1515 {pack_format = #tpu.pack_format<interleaved>, positions = array<i32: 0, 1>} : vector<16xf32>, vector<16xf32> -> vector<32xbf16>
        %bitcast3A_1517 = vector.bitcast %pack3A_1516 : vector<32xbf16> to vector<16xi32>
        %add3A_1518 = arith.constant 13 : i32
        %add3A_1519 = vector.broadcast %add3A_1518 : i32 to vector<16xi32>
        %add3A_1520 = arith.addi %mul3A_91, %add3A_1519 : vector<16xi32>
        tpu.vector_store_idx %arg12[%add3A_1310, %add3A_1520], %bitcast3A_1517 : memref<8x128xi32, #tpu.memory_space<vmem>>[vector<16xi32>, vector<16xi32>], vector<16xi32>,
        %get3A_1521 = arith.constant 14 : i32
        %get3A_1522 = arith.index_cast %and3A_64 : i32 to index
        %get3A_1523 = arith.index_cast %get3A_1521 : i32 to index
        %get3A_1524 = arith.constant 80 : index
        %get3A_1525 = tpu.vector_load %arg11[%get3A_1522, %get3A_1523, %get3A_1524] {strides = array<i32>} : memref<16x32x128xf32, #tpu.memory_space<vmem>>, vector<16xf32>,
        %get3A_1526 = arith.constant 30 : i32
        %get3A_1527 = arith.index_cast %and3A_64 : i32 to index
        %get3A_1528 = arith.index_cast %get3A_1526 : i32 to index
        %get3A_1529 = arith.constant 80 : index
        %get3A_1530 = tpu.vector_load %arg11[%get3A_1527, %get3A_1528, %get3A_1529] {strides = array<i32>} : memref<16x32x128xf32, #tpu.memory_space<vmem>>, vector<16xf32>,
        %pack3A_1531 = tpu.pack_subelements %get3A_1525, %get3A_1530 {pack_format = #tpu.pack_format<interleaved>, positions = array<i32: 0, 1>} : vector<16xf32>, vector<16xf32> -> vector<32xbf16>
        %bitcast3A_1532 = vector.bitcast %pack3A_1531 : vector<32xbf16> to vector<16xi32>
        %add3A_1533 = arith.constant 14 : i32
        %add3A_1534 = vector.broadcast %add3A_1533 : i32 to vector<16xi32>
        %add3A_1535 = arith.addi %mul3A_91, %add3A_1534 : vector<16xi32>
        tpu.vector_store_idx %arg12[%add3A_1310, %add3A_1535], %bitcast3A_1532 : memref<8x128xi32, #tpu.memory_space<vmem>>[vector<16xi32>, vector<16xi32>], vector<16xi32>,
        %get3A_1536 = arith.constant 15 : i32
        %get3A_1537 = arith.index_cast %and3A_64 : i32 to index
        %get3A_1538 = arith.index_cast %get3A_1536 : i32 to index
        %get3A_1539 = arith.constant 80 : index
        %get3A_1540 = tpu.vector_load %arg11[%get3A_1537, %get3A_1538, %get3A_1539] {strides = array<i32>} : memref<16x32x128xf32, #tpu.memory_space<vmem>>, vector<16xf32>,
        %get3A_1541 = arith.constant 31 : i32
        %get3A_1542 = arith.index_cast %and3A_64 : i32 to index
        %get3A_1543 = arith.index_cast %get3A_1541 : i32 to index
        %get3A_1544 = arith.constant 80 : index
        %get3A_1545 = tpu.vector_load %arg11[%get3A_1542, %get3A_1543, %get3A_1544] {strides = array<i32>} : memref<16x32x128xf32, #tpu.memory_space<vmem>>, vector<16xf32>,
        %pack3A_1546 = tpu.pack_subelements %get3A_1540, %get3A_1545 {pack_format = #tpu.pack_format<interleaved>, positions = array<i32: 0, 1>} : vector<16xf32>, vector<16xf32> -> vector<32xbf16>
        %bitcast3A_1547 = vector.bitcast %pack3A_1546 : vector<32xbf16> to vector<16xi32>
        %add3A_1548 = arith.constant 15 : i32
        %add3A_1549 = vector.broadcast %add3A_1548 : i32 to vector<16xi32>
        %add3A_1550 = arith.addi %mul3A_91, %add3A_1549 : vector<16xi32>
        tpu.vector_store_idx %arg12[%add3A_1310, %add3A_1550], %bitcast3A_1547 : memref<8x128xi32, #tpu.memory_space<vmem>>[vector<16xi32>, vector<16xi32>], vector<16xi32>,
        %add3A_1551 = arith.constant 4 : i32
        %add3A_1552 = vector.broadcast %add3A_1551 : i32 to vector<16xi32>
        %add3A_1553 = arith.addi %add3A_1552, %shift_right_arithmetic3A_85 : vector<16xi32>
        %get3A_1554 = arith.constant 0 : i32
        %get3A_1555 = arith.index_cast %and3A_64 : i32 to index
        %get3A_1556 = arith.index_cast %get3A_1554 : i32 to index
        %get3A_1557 = arith.constant 96 : index
        %get3A_1558 = tpu.vector_load %arg11[%get3A_1555, %get3A_1556, %get3A_1557] {strides = array<i32>} : memref<16x32x128xf32, #tpu.memory_space<vmem>>, vector<16xf32>,
        %get3A_1559 = arith.constant 16 : i32
        %get3A_1560 = arith.index_cast %and3A_64 : i32 to index
        %get3A_1561 = arith.index_cast %get3A_1559 : i32 to index
        %get3A_1562 = arith.constant 96 : index
        %get3A_1563 = tpu.vector_load %arg11[%get3A_1560, %get3A_1561, %get3A_1562] {strides = array<i32>} : memref<16x32x128xf32, #tpu.memory_space<vmem>>, vector<16xf32>,
        %pack3A_1564 = tpu.pack_subelements %get3A_1558, %get3A_1563 {pack_format = #tpu.pack_format<interleaved>, positions = array<i32: 0, 1>} : vector<16xf32>, vector<16xf32> -> vector<32xbf16>
        %bitcast3A_1565 = vector.bitcast %pack3A_1564 : vector<32xbf16> to vector<16xi32>
        %add3A_1566 = arith.constant 0 : i32
        %add3A_1567 = vector.broadcast %add3A_1566 : i32 to vector<16xi32>
        %add3A_1568 = arith.addi %mul3A_91, %add3A_1567 : vector<16xi32>
        tpu.vector_store_idx %arg12[%add3A_1553, %add3A_1568], %bitcast3A_1565 : memref<8x128xi32, #tpu.memory_space<vmem>>[vector<16xi32>, vector<16xi32>], vector<16xi32>,
        %get3A_1569 = arith.constant 1 : i32
        %get3A_1570 = arith.index_cast %and3A_64 : i32 to index
        %get3A_1571 = arith.index_cast %get3A_1569 : i32 to index
        %get3A_1572 = arith.constant 96 : index
        %get3A_1573 = tpu.vector_load %arg11[%get3A_1570, %get3A_1571, %get3A_1572] {strides = array<i32>} : memref<16x32x128xf32, #tpu.memory_space<vmem>>, vector<16xf32>,
        %get3A_1574 = arith.constant 17 : i32
        %get3A_1575 = arith.index_cast %and3A_64 : i32 to index
        %get3A_1576 = arith.index_cast %get3A_1574 : i32 to index
        %get3A_1577 = arith.constant 96 : index
        %get3A_1578 = tpu.vector_load %arg11[%get3A_1575, %get3A_1576, %get3A_1577] {strides = array<i32>} : memref<16x32x128xf32, #tpu.memory_space<vmem>>, vector<16xf32>,
        %pack3A_1579 = tpu.pack_subelements %get3A_1573, %get3A_1578 {pack_format = #tpu.pack_format<interleaved>, positions = array<i32: 0, 1>} : vector<16xf32>, vector<16xf32> -> vector<32xbf16>
        %bitcast3A_1580 = vector.bitcast %pack3A_1579 : vector<32xbf16> to vector<16xi32>
        %add3A_1581 = arith.constant 1 : i32
        %add3A_1582 = vector.broadcast %add3A_1581 : i32 to vector<16xi32>
        %add3A_1583 = arith.addi %mul3A_91, %add3A_1582 : vector<16xi32>
        tpu.vector_store_idx %arg12[%add3A_1553, %add3A_1583], %bitcast3A_1580 : memref<8x128xi32, #tpu.memory_space<vmem>>[vector<16xi32>, vector<16xi32>], vector<16xi32>,
        %get3A_1584 = arith.constant 2 : i32
        %get3A_1585 = arith.index_cast %and3A_64 : i32 to index
        %get3A_1586 = arith.index_cast %get3A_1584 : i32 to index
        %get3A_1587 = arith.constant 96 : index
        %get3A_1588 = tpu.vector_load %arg11[%get3A_1585, %get3A_1586, %get3A_1587] {strides = array<i32>} : memref<16x32x128xf32, #tpu.memory_space<vmem>>, vector<16xf32>,
        %get3A_1589 = arith.constant 18 : i32
        %get3A_1590 = arith.index_cast %and3A_64 : i32 to index
        %get3A_1591 = arith.index_cast %get3A_1589 : i32 to index
        %get3A_1592 = arith.constant 96 : index
        %get3A_1593 = tpu.vector_load %arg11[%get3A_1590, %get3A_1591, %get3A_1592] {strides = array<i32>} : memref<16x32x128xf32, #tpu.memory_space<vmem>>, vector<16xf32>,
        %pack3A_1594 = tpu.pack_subelements %get3A_1588, %get3A_1593 {pack_format = #tpu.pack_format<interleaved>, positions = array<i32: 0, 1>} : vector<16xf32>, vector<16xf32> -> vector<32xbf16>
        %bitcast3A_1595 = vector.bitcast %pack3A_1594 : vector<32xbf16> to vector<16xi32>
        %add3A_1596 = arith.constant 2 : i32
        %add3A_1597 = vector.broadcast %add3A_1596 : i32 to vector<16xi32>
        %add3A_1598 = arith.addi %mul3A_91, %add3A_1597 : vector<16xi32>
        tpu.vector_store_idx %arg12[%add3A_1553, %add3A_1598], %bitcast3A_1595 : memref<8x128xi32, #tpu.memory_space<vmem>>[vector<16xi32>, vector<16xi32>], vector<16xi32>,
        %get3A_1599 = arith.constant 3 : i32
        %get3A_1600 = arith.index_cast %and3A_64 : i32 to index
        %get3A_1601 = arith.index_cast %get3A_1599 : i32 to index
        %get3A_1602 = arith.constant 96 : index
        %get3A_1603 = tpu.vector_load %arg11[%get3A_1600, %get3A_1601, %get3A_1602] {strides = array<i32>} : memref<16x32x128xf32, #tpu.memory_space<vmem>>, vector<16xf32>,
        %get3A_1604 = arith.constant 19 : i32
        %get3A_1605 = arith.index_cast %and3A_64 : i32 to index
        %get3A_1606 = arith.index_cast %get3A_1604 : i32 to index
        %get3A_1607 = arith.constant 96 : index
        %get3A_1608 = tpu.vector_load %arg11[%get3A_1605, %get3A_1606, %get3A_1607] {strides = array<i32>} : memref<16x32x128xf32, #tpu.memory_space<vmem>>, vector<16xf32>,
        %pack3A_1609 = tpu.pack_subelements %get3A_1603, %get3A_1608 {pack_format = #tpu.pack_format<interleaved>, positions = array<i32: 0, 1>} : vector<16xf32>, vector<16xf32> -> vector<32xbf16>
        %bitcast3A_1610 = vector.bitcast %pack3A_1609 : vector<32xbf16> to vector<16xi32>
        %add3A_1611 = arith.constant 3 : i32
        %add3A_1612 = vector.broadcast %add3A_1611 : i32 to vector<16xi32>
        %add3A_1613 = arith.addi %mul3A_91, %add3A_1612 : vector<16xi32>
        tpu.vector_store_idx %arg12[%add3A_1553, %add3A_1613], %bitcast3A_1610 : memref<8x128xi32, #tpu.memory_space<vmem>>[vector<16xi32>, vector<16xi32>], vector<16xi32>,
        %get3A_1614 = arith.constant 4 : i32
        %get3A_1615 = arith.index_cast %and3A_64 : i32 to index
        %get3A_1616 = arith.index_cast %get3A_1614 : i32 to index
        %get3A_1617 = arith.constant 96 : index
        %get3A_1618 = tpu.vector_load %arg11[%get3A_1615, %get3A_1616, %get3A_1617] {strides = array<i32>} : memref<16x32x128xf32, #tpu.memory_space<vmem>>, vector<16xf32>,
        %get3A_1619 = arith.constant 20 : i32
        %get3A_1620 = arith.index_cast %and3A_64 : i32 to index
        %get3A_1621 = arith.index_cast %get3A_1619 : i32 to index
        %get3A_1622 = arith.constant 96 : index
        %get3A_1623 = tpu.vector_load %arg11[%get3A_1620, %get3A_1621, %get3A_1622] {strides = array<i32>} : memref<16x32x128xf32, #tpu.memory_space<vmem>>, vector<16xf32>,
        %pack3A_1624 = tpu.pack_subelements %get3A_1618, %get3A_1623 {pack_format = #tpu.pack_format<interleaved>, positions = array<i32: 0, 1>} : vector<16xf32>, vector<16xf32> -> vector<32xbf16>
        %bitcast3A_1625 = vector.bitcast %pack3A_1624 : vector<32xbf16> to vector<16xi32>
        %add3A_1626 = arith.constant 4 : i32
        %add3A_1627 = vector.broadcast %add3A_1626 : i32 to vector<16xi32>
        %add3A_1628 = arith.addi %mul3A_91, %add3A_1627 : vector<16xi32>
        tpu.vector_store_idx %arg12[%add3A_1553, %add3A_1628], %bitcast3A_1625 : memref<8x128xi32, #tpu.memory_space<vmem>>[vector<16xi32>, vector<16xi32>], vector<16xi32>,
        %get3A_1629 = arith.constant 5 : i32
        %get3A_1630 = arith.index_cast %and3A_64 : i32 to index
        %get3A_1631 = arith.index_cast %get3A_1629 : i32 to index
        %get3A_1632 = arith.constant 96 : index
        %get3A_1633 = tpu.vector_load %arg11[%get3A_1630, %get3A_1631, %get3A_1632] {strides = array<i32>} : memref<16x32x128xf32, #tpu.memory_space<vmem>>, vector<16xf32>,
        %get3A_1634 = arith.constant 21 : i32
        %get3A_1635 = arith.index_cast %and3A_64 : i32 to index
        %get3A_1636 = arith.index_cast %get3A_1634 : i32 to index
        %get3A_1637 = arith.constant 96 : index
        %get3A_1638 = tpu.vector_load %arg11[%get3A_1635, %get3A_1636, %get3A_1637] {strides = array<i32>} : memref<16x32x128xf32, #tpu.memory_space<vmem>>, vector<16xf32>,
        %pack3A_1639 = tpu.pack_subelements %get3A_1633, %get3A_1638 {pack_format = #tpu.pack_format<interleaved>, positions = array<i32: 0, 1>} : vector<16xf32>, vector<16xf32> -> vector<32xbf16>
        %bitcast3A_1640 = vector.bitcast %pack3A_1639 : vector<32xbf16> to vector<16xi32>
        %add3A_1641 = arith.constant 5 : i32
        %add3A_1642 = vector.broadcast %add3A_1641 : i32 to vector<16xi32>
        %add3A_1643 = arith.addi %mul3A_91, %add3A_1642 : vector<16xi32>
        tpu.vector_store_idx %arg12[%add3A_1553, %add3A_1643], %bitcast3A_1640 : memref<8x128xi32, #tpu.memory_space<vmem>>[vector<16xi32>, vector<16xi32>], vector<16xi32>,
        %get3A_1644 = arith.constant 6 : i32
        %get3A_1645 = arith.index_cast %and3A_64 : i32 to index
        %get3A_1646 = arith.index_cast %get3A_1644 : i32 to index
        %get3A_1647 = arith.constant 96 : index
        %get3A_1648 = tpu.vector_load %arg11[%get3A_1645, %get3A_1646, %get3A_1647] {strides = array<i32>} : memref<16x32x128xf32, #tpu.memory_space<vmem>>, vector<16xf32>,
        %get3A_1649 = arith.constant 22 : i32
        %get3A_1650 = arith.index_cast %and3A_64 : i32 to index
        %get3A_1651 = arith.index_cast %get3A_1649 : i32 to index
        %get3A_1652 = arith.constant 96 : index
        %get3A_1653 = tpu.vector_load %arg11[%get3A_1650, %get3A_1651, %get3A_1652] {strides = array<i32>} : memref<16x32x128xf32, #tpu.memory_space<vmem>>, vector<16xf32>,
        %pack3A_1654 = tpu.pack_subelements %get3A_1648, %get3A_1653 {pack_format = #tpu.pack_format<interleaved>, positions = array<i32: 0, 1>} : vector<16xf32>, vector<16xf32> -> vector<32xbf16>
        %bitcast3A_1655 = vector.bitcast %pack3A_1654 : vector<32xbf16> to vector<16xi32>
        %add3A_1656 = arith.constant 6 : i32
        %add3A_1657 = vector.broadcast %add3A_1656 : i32 to vector<16xi32>
        %add3A_1658 = arith.addi %mul3A_91, %add3A_1657 : vector<16xi32>
        tpu.vector_store_idx %arg12[%add3A_1553, %add3A_1658], %bitcast3A_1655 : memref<8x128xi32, #tpu.memory_space<vmem>>[vector<16xi32>, vector<16xi32>], vector<16xi32>,
        %get3A_1659 = arith.constant 7 : i32
        %get3A_1660 = arith.index_cast %and3A_64 : i32 to index
        %get3A_1661 = arith.index_cast %get3A_1659 : i32 to index
        %get3A_1662 = arith.constant 96 : index
        %get3A_1663 = tpu.vector_load %arg11[%get3A_1660, %get3A_1661, %get3A_1662] {strides = array<i32>} : memref<16x32x128xf32, #tpu.memory_space<vmem>>, vector<16xf32>,
        %get3A_1664 = arith.constant 23 : i32
        %get3A_1665 = arith.index_cast %and3A_64 : i32 to index
        %get3A_1666 = arith.index_cast %get3A_1664 : i32 to index
        %get3A_1667 = arith.constant 96 : index
        %get3A_1668 = tpu.vector_load %arg11[%get3A_1665, %get3A_1666, %get3A_1667] {strides = array<i32>} : memref<16x32x128xf32, #tpu.memory_space<vmem>>, vector<16xf32>,
        %pack3A_1669 = tpu.pack_subelements %get3A_1663, %get3A_1668 {pack_format = #tpu.pack_format<interleaved>, positions = array<i32: 0, 1>} : vector<16xf32>, vector<16xf32> -> vector<32xbf16>
        %bitcast3A_1670 = vector.bitcast %pack3A_1669 : vector<32xbf16> to vector<16xi32>
        %add3A_1671 = arith.constant 7 : i32
        %add3A_1672 = vector.broadcast %add3A_1671 : i32 to vector<16xi32>
        %add3A_1673 = arith.addi %mul3A_91, %add3A_1672 : vector<16xi32>
        tpu.vector_store_idx %arg12[%add3A_1553, %add3A_1673], %bitcast3A_1670 : memref<8x128xi32, #tpu.memory_space<vmem>>[vector<16xi32>, vector<16xi32>], vector<16xi32>,
        %get3A_1674 = arith.constant 8 : i32
        %get3A_1675 = arith.index_cast %and3A_64 : i32 to index
        %get3A_1676 = arith.index_cast %get3A_1674 : i32 to index
        %get3A_1677 = arith.constant 96 : index
        %get3A_1678 = tpu.vector_load %arg11[%get3A_1675, %get3A_1676, %get3A_1677] {strides = array<i32>} : memref<16x32x128xf32, #tpu.memory_space<vmem>>, vector<16xf32>,
        %get3A_1679 = arith.constant 24 : i32
        %get3A_1680 = arith.index_cast %and3A_64 : i32 to index
        %get3A_1681 = arith.index_cast %get3A_1679 : i32 to index
        %get3A_1682 = arith.constant 96 : index
        %get3A_1683 = tpu.vector_load %arg11[%get3A_1680, %get3A_1681, %get3A_1682] {strides = array<i32>} : memref<16x32x128xf32, #tpu.memory_space<vmem>>, vector<16xf32>,
        %pack3A_1684 = tpu.pack_subelements %get3A_1678, %get3A_1683 {pack_format = #tpu.pack_format<interleaved>, positions = array<i32: 0, 1>} : vector<16xf32>, vector<16xf32> -> vector<32xbf16>
        %bitcast3A_1685 = vector.bitcast %pack3A_1684 : vector<32xbf16> to vector<16xi32>
        %add3A_1686 = arith.constant 8 : i32
        %add3A_1687 = vector.broadcast %add3A_1686 : i32 to vector<16xi32>
        %add3A_1688 = arith.addi %mul3A_91, %add3A_1687 : vector<16xi32>
        tpu.vector_store_idx %arg12[%add3A_1553, %add3A_1688], %bitcast3A_1685 : memref<8x128xi32, #tpu.memory_space<vmem>>[vector<16xi32>, vector<16xi32>], vector<16xi32>,
        %get3A_1689 = arith.constant 9 : i32
        %get3A_1690 = arith.index_cast %and3A_64 : i32 to index
        %get3A_1691 = arith.index_cast %get3A_1689 : i32 to index
        %get3A_1692 = arith.constant 96 : index
        %get3A_1693 = tpu.vector_load %arg11[%get3A_1690, %get3A_1691, %get3A_1692] {strides = array<i32>} : memref<16x32x128xf32, #tpu.memory_space<vmem>>, vector<16xf32>,
        %get3A_1694 = arith.constant 25 : i32
        %get3A_1695 = arith.index_cast %and3A_64 : i32 to index
        %get3A_1696 = arith.index_cast %get3A_1694 : i32 to index
        %get3A_1697 = arith.constant 96 : index
        %get3A_1698 = tpu.vector_load %arg11[%get3A_1695, %get3A_1696, %get3A_1697] {strides = array<i32>} : memref<16x32x128xf32, #tpu.memory_space<vmem>>, vector<16xf32>,
        %pack3A_1699 = tpu.pack_subelements %get3A_1693, %get3A_1698 {pack_format = #tpu.pack_format<interleaved>, positions = array<i32: 0, 1>} : vector<16xf32>, vector<16xf32> -> vector<32xbf16>
        %bitcast3A_1700 = vector.bitcast %pack3A_1699 : vector<32xbf16> to vector<16xi32>
        %add3A_1701 = arith.constant 9 : i32
        %add3A_1702 = vector.broadcast %add3A_1701 : i32 to vector<16xi32>
        %add3A_1703 = arith.addi %mul3A_91, %add3A_1702 : vector<16xi32>
        tpu.vector_store_idx %arg12[%add3A_1553, %add3A_1703], %bitcast3A_1700 : memref<8x128xi32, #tpu.memory_space<vmem>>[vector<16xi32>, vector<16xi32>], vector<16xi32>,
        %get3A_1704 = arith.constant 10 : i32
        %get3A_1705 = arith.index_cast %and3A_64 : i32 to index
        %get3A_1706 = arith.index_cast %get3A_1704 : i32 to index
        %get3A_1707 = arith.constant 96 : index
        %get3A_1708 = tpu.vector_load %arg11[%get3A_1705, %get3A_1706, %get3A_1707] {strides = array<i32>} : memref<16x32x128xf32, #tpu.memory_space<vmem>>, vector<16xf32>,
        %get3A_1709 = arith.constant 26 : i32
        %get3A_1710 = arith.index_cast %and3A_64 : i32 to index
        %get3A_1711 = arith.index_cast %get3A_1709 : i32 to index
        %get3A_1712 = arith.constant 96 : index
        %get3A_1713 = tpu.vector_load %arg11[%get3A_1710, %get3A_1711, %get3A_1712] {strides = array<i32>} : memref<16x32x128xf32, #tpu.memory_space<vmem>>, vector<16xf32>,
        %pack3A_1714 = tpu.pack_subelements %get3A_1708, %get3A_1713 {pack_format = #tpu.pack_format<interleaved>, positions = array<i32: 0, 1>} : vector<16xf32>, vector<16xf32> -> vector<32xbf16>
        %bitcast3A_1715 = vector.bitcast %pack3A_1714 : vector<32xbf16> to vector<16xi32>
        %add3A_1716 = arith.constant 10 : i32
        %add3A_1717 = vector.broadcast %add3A_1716 : i32 to vector<16xi32>
        %add3A_1718 = arith.addi %mul3A_91, %add3A_1717 : vector<16xi32>
        tpu.vector_store_idx %arg12[%add3A_1553, %add3A_1718], %bitcast3A_1715 : memref<8x128xi32, #tpu.memory_space<vmem>>[vector<16xi32>, vector<16xi32>], vector<16xi32>,
        %get3A_1719 = arith.constant 11 : i32
        %get3A_1720 = arith.index_cast %and3A_64 : i32 to index
        %get3A_1721 = arith.index_cast %get3A_1719 : i32 to index
        %get3A_1722 = arith.constant 96 : index
        %get3A_1723 = tpu.vector_load %arg11[%get3A_1720, %get3A_1721, %get3A_1722] {strides = array<i32>} : memref<16x32x128xf32, #tpu.memory_space<vmem>>, vector<16xf32>,
        %get3A_1724 = arith.constant 27 : i32
        %get3A_1725 = arith.index_cast %and3A_64 : i32 to index
        %get3A_1726 = arith.index_cast %get3A_1724 : i32 to index
        %get3A_1727 = arith.constant 96 : index
        %get3A_1728 = tpu.vector_load %arg11[%get3A_1725, %get3A_1726, %get3A_1727] {strides = array<i32>} : memref<16x32x128xf32, #tpu.memory_space<vmem>>, vector<16xf32>,
        %pack3A_1729 = tpu.pack_subelements %get3A_1723, %get3A_1728 {pack_format = #tpu.pack_format<interleaved>, positions = array<i32: 0, 1>} : vector<16xf32>, vector<16xf32> -> vector<32xbf16>
        %bitcast3A_1730 = vector.bitcast %pack3A_1729 : vector<32xbf16> to vector<16xi32>
        %add3A_1731 = arith.constant 11 : i32
        %add3A_1732 = vector.broadcast %add3A_1731 : i32 to vector<16xi32>
        %add3A_1733 = arith.addi %mul3A_91, %add3A_1732 : vector<16xi32>
        tpu.vector_store_idx %arg12[%add3A_1553, %add3A_1733], %bitcast3A_1730 : memref<8x128xi32, #tpu.memory_space<vmem>>[vector<16xi32>, vector<16xi32>], vector<16xi32>,
        %get3A_1734 = arith.constant 12 : i32
        %get3A_1735 = arith.index_cast %and3A_64 : i32 to index
        %get3A_1736 = arith.index_cast %get3A_1734 : i32 to index
        %get3A_1737 = arith.constant 96 : index
        %get3A_1738 = tpu.vector_load %arg11[%get3A_1735, %get3A_1736, %get3A_1737] {strides = array<i32>} : memref<16x32x128xf32, #tpu.memory_space<vmem>>, vector<16xf32>,
        %get3A_1739 = arith.constant 28 : i32
        %get3A_1740 = arith.index_cast %and3A_64 : i32 to index
        %get3A_1741 = arith.index_cast %get3A_1739 : i32 to index
        %get3A_1742 = arith.constant 96 : index
        %get3A_1743 = tpu.vector_load %arg11[%get3A_1740, %get3A_1741, %get3A_1742] {strides = array<i32>} : memref<16x32x128xf32, #tpu.memory_space<vmem>>, vector<16xf32>,
        %pack3A_1744 = tpu.pack_subelements %get3A_1738, %get3A_1743 {pack_format = #tpu.pack_format<interleaved>, positions = array<i32: 0, 1>} : vector<16xf32>, vector<16xf32> -> vector<32xbf16>
        %bitcast3A_1745 = vector.bitcast %pack3A_1744 : vector<32xbf16> to vector<16xi32>
        %add3A_1746 = arith.constant 12 : i32
        %add3A_1747 = vector.broadcast %add3A_1746 : i32 to vector<16xi32>
        %add3A_1748 = arith.addi %mul3A_91, %add3A_1747 : vector<16xi32>
        tpu.vector_store_idx %arg12[%add3A_1553, %add3A_1748], %bitcast3A_1745 : memref<8x128xi32, #tpu.memory_space<vmem>>[vector<16xi32>, vector<16xi32>], vector<16xi32>,
        %get3A_1749 = arith.constant 13 : i32
        %get3A_1750 = arith.index_cast %and3A_64 : i32 to index
        %get3A_1751 = arith.index_cast %get3A_1749 : i32 to index
        %get3A_1752 = arith.constant 96 : index
        %get3A_1753 = tpu.vector_load %arg11[%get3A_1750, %get3A_1751, %get3A_1752] {strides = array<i32>} : memref<16x32x128xf32, #tpu.memory_space<vmem>>, vector<16xf32>,
        %get3A_1754 = arith.constant 29 : i32
        %get3A_1755 = arith.index_cast %and3A_64 : i32 to index
        %get3A_1756 = arith.index_cast %get3A_1754 : i32 to index
        %get3A_1757 = arith.constant 96 : index
        %get3A_1758 = tpu.vector_load %arg11[%get3A_1755, %get3A_1756, %get3A_1757] {strides = array<i32>} : memref<16x32x128xf32, #tpu.memory_space<vmem>>, vector<16xf32>,
        %pack3A_1759 = tpu.pack_subelements %get3A_1753, %get3A_1758 {pack_format = #tpu.pack_format<interleaved>, positions = array<i32: 0, 1>} : vector<16xf32>, vector<16xf32> -> vector<32xbf16>
        %bitcast3A_1760 = vector.bitcast %pack3A_1759 : vector<32xbf16> to vector<16xi32>
        %add3A_1761 = arith.constant 13 : i32
        %add3A_1762 = vector.broadcast %add3A_1761 : i32 to vector<16xi32>
        %add3A_1763 = arith.addi %mul3A_91, %add3A_1762 : vector<16xi32>
        tpu.vector_store_idx %arg12[%add3A_1553, %add3A_1763], %bitcast3A_1760 : memref<8x128xi32, #tpu.memory_space<vmem>>[vector<16xi32>, vector<16xi32>], vector<16xi32>,
        %get3A_1764 = arith.constant 14 : i32
        %get3A_1765 = arith.index_cast %and3A_64 : i32 to index
        %get3A_1766 = arith.index_cast %get3A_1764 : i32 to index
        %get3A_1767 = arith.constant 96 : index
        %get3A_1768 = tpu.vector_load %arg11[%get3A_1765, %get3A_1766, %get3A_1767] {strides = array<i32>} : memref<16x32x128xf32, #tpu.memory_space<vmem>>, vector<16xf32>,
        %get3A_1769 = arith.constant 30 : i32
        %get3A_1770 = arith.index_cast %and3A_64 : i32 to index
        %get3A_1771 = arith.index_cast %get3A_1769 : i32 to index
        %get3A_1772 = arith.constant 96 : index
        %get3A_1773 = tpu.vector_load %arg11[%get3A_1770, %get3A_1771, %get3A_1772] {strides = array<i32>} : memref<16x32x128xf32, #tpu.memory_space<vmem>>, vector<16xf32>,
        %pack3A_1774 = tpu.pack_subelements %get3A_1768, %get3A_1773 {pack_format = #tpu.pack_format<interleaved>, positions = array<i32: 0, 1>} : vector<16xf32>, vector<16xf32> -> vector<32xbf16>
        %bitcast3A_1775 = vector.bitcast %pack3A_1774 : vector<32xbf16> to vector<16xi32>
        %add3A_1776 = arith.constant 14 : i32
        %add3A_1777 = vector.broadcast %add3A_1776 : i32 to vector<16xi32>
        %add3A_1778 = arith.addi %mul3A_91, %add3A_1777 : vector<16xi32>
        tpu.vector_store_idx %arg12[%add3A_1553, %add3A_1778], %bitcast3A_1775 : memref<8x128xi32, #tpu.memory_space<vmem>>[vector<16xi32>, vector<16xi32>], vector<16xi32>,
        %get3A_1779 = arith.constant 15 : i32
        %get3A_1780 = arith.index_cast %and3A_64 : i32 to index
        %get3A_1781 = arith.index_cast %get3A_1779 : i32 to index
        %get3A_1782 = arith.constant 96 : index
        %get3A_1783 = tpu.vector_load %arg11[%get3A_1780, %get3A_1781, %get3A_1782] {strides = array<i32>} : memref<16x32x128xf32, #tpu.memory_space<vmem>>, vector<16xf32>,
        %get3A_1784 = arith.constant 31 : i32
        %get3A_1785 = arith.index_cast %and3A_64 : i32 to index
        %get3A_1786 = arith.index_cast %get3A_1784 : i32 to index
        %get3A_1787 = arith.constant 96 : index
        %get3A_1788 = tpu.vector_load %arg11[%get3A_1785, %get3A_1786, %get3A_1787] {strides = array<i32>} : memref<16x32x128xf32, #tpu.memory_space<vmem>>, vector<16xf32>,
        %pack3A_1789 = tpu.pack_subelements %get3A_1783, %get3A_1788 {pack_format = #tpu.pack_format<interleaved>, positions = array<i32: 0, 1>} : vector<16xf32>, vector<16xf32> -> vector<32xbf16>
        %bitcast3A_1790 = vector.bitcast %pack3A_1789 : vector<32xbf16> to vector<16xi32>
        %add3A_1791 = arith.constant 15 : i32
        %add3A_1792 = vector.broadcast %add3A_1791 : i32 to vector<16xi32>
        %add3A_1793 = arith.addi %mul3A_91, %add3A_1792 : vector<16xi32>
        tpu.vector_store_idx %arg12[%add3A_1553, %add3A_1793], %bitcast3A_1790 : memref<8x128xi32, #tpu.memory_space<vmem>>[vector<16xi32>, vector<16xi32>], vector<16xi32>,
        %add3A_1794 = arith.constant 6 : i32
        %add3A_1795 = vector.broadcast %add3A_1794 : i32 to vector<16xi32>
        %add3A_1796 = arith.addi %add3A_1795, %shift_right_arithmetic3A_85 : vector<16xi32>
        %get3A_1797 = arith.constant 0 : i32
        %get3A_1798 = arith.index_cast %and3A_64 : i32 to index
        %get3A_1799 = arith.index_cast %get3A_1797 : i32 to index
        %get3A_1800 = arith.constant 112 : index
        %get3A_1801 = tpu.vector_load %arg11[%get3A_1798, %get3A_1799, %get3A_1800] {strides = array<i32>} : memref<16x32x128xf32, #tpu.memory_space<vmem>>, vector<16xf32>,
        %get3A_1802 = arith.constant 16 : i32
        %get3A_1803 = arith.index_cast %and3A_64 : i32 to index
        %get3A_1804 = arith.index_cast %get3A_1802 : i32 to index
        %get3A_1805 = arith.constant 112 : index
        %get3A_1806 = tpu.vector_load %arg11[%get3A_1803, %get3A_1804, %get3A_1805] {strides = array<i32>} : memref<16x32x128xf32, #tpu.memory_space<vmem>>, vector<16xf32>,
        %pack3A_1807 = tpu.pack_subelements %get3A_1801, %get3A_1806 {pack_format = #tpu.pack_format<interleaved>, positions = array<i32: 0, 1>} : vector<16xf32>, vector<16xf32> -> vector<32xbf16>
        %bitcast3A_1808 = vector.bitcast %pack3A_1807 : vector<32xbf16> to vector<16xi32>
        %add3A_1809 = arith.constant 0 : i32
        %add3A_1810 = vector.broadcast %add3A_1809 : i32 to vector<16xi32>
        %add3A_1811 = arith.addi %mul3A_91, %add3A_1810 : vector<16xi32>
        tpu.vector_store_idx %arg12[%add3A_1796, %add3A_1811], %bitcast3A_1808 : memref<8x128xi32, #tpu.memory_space<vmem>>[vector<16xi32>, vector<16xi32>], vector<16xi32>,
        %get3A_1812 = arith.constant 1 : i32
        %get3A_1813 = arith.index_cast %and3A_64 : i32 to index
        %get3A_1814 = arith.index_cast %get3A_1812 : i32 to index
        %get3A_1815 = arith.constant 112 : index
        %get3A_1816 = tpu.vector_load %arg11[%get3A_1813, %get3A_1814, %get3A_1815] {strides = array<i32>} : memref<16x32x128xf32, #tpu.memory_space<vmem>>, vector<16xf32>,
        %get3A_1817 = arith.constant 17 : i32
        %get3A_1818 = arith.index_cast %and3A_64 : i32 to index
        %get3A_1819 = arith.index_cast %get3A_1817 : i32 to index
        %get3A_1820 = arith.constant 112 : index
        %get3A_1821 = tpu.vector_load %arg11[%get3A_1818, %get3A_1819, %get3A_1820] {strides = array<i32>} : memref<16x32x128xf32, #tpu.memory_space<vmem>>, vector<16xf32>,
        %pack3A_1822 = tpu.pack_subelements %get3A_1816, %get3A_1821 {pack_format = #tpu.pack_format<interleaved>, positions = array<i32: 0, 1>} : vector<16xf32>, vector<16xf32> -> vector<32xbf16>
        %bitcast3A_1823 = vector.bitcast %pack3A_1822 : vector<32xbf16> to vector<16xi32>
        %add3A_1824 = arith.constant 1 : i32
        %add3A_1825 = vector.broadcast %add3A_1824 : i32 to vector<16xi32>
        %add3A_1826 = arith.addi %mul3A_91, %add3A_1825 : vector<16xi32>
        tpu.vector_store_idx %arg12[%add3A_1796, %add3A_1826], %bitcast3A_1823 : memref<8x128xi32, #tpu.memory_space<vmem>>[vector<16xi32>, vector<16xi32>], vector<16xi32>,
        %get3A_1827 = arith.constant 2 : i32
        %get3A_1828 = arith.index_cast %and3A_64 : i32 to index
        %get3A_1829 = arith.index_cast %get3A_1827 : i32 to index
        %get3A_1830 = arith.constant 112 : index
        %get3A_1831 = tpu.vector_load %arg11[%get3A_1828, %get3A_1829, %get3A_1830] {strides = array<i32>} : memref<16x32x128xf32, #tpu.memory_space<vmem>>, vector<16xf32>,
        %get3A_1832 = arith.constant 18 : i32
        %get3A_1833 = arith.index_cast %and3A_64 : i32 to index
        %get3A_1834 = arith.index_cast %get3A_1832 : i32 to index
        %get3A_1835 = arith.constant 112 : index
        %get3A_1836 = tpu.vector_load %arg11[%get3A_1833, %get3A_1834, %get3A_1835] {strides = array<i32>} : memref<16x32x128xf32, #tpu.memory_space<vmem>>, vector<16xf32>,
        %pack3A_1837 = tpu.pack_subelements %get3A_1831, %get3A_1836 {pack_format = #tpu.pack_format<interleaved>, positions = array<i32: 0, 1>} : vector<16xf32>, vector<16xf32> -> vector<32xbf16>
        %bitcast3A_1838 = vector.bitcast %pack3A_1837 : vector<32xbf16> to vector<16xi32>
        %add3A_1839 = arith.constant 2 : i32
        %add3A_1840 = vector.broadcast %add3A_1839 : i32 to vector<16xi32>
        %add3A_1841 = arith.addi %mul3A_91, %add3A_1840 : vector<16xi32>
        tpu.vector_store_idx %arg12[%add3A_1796, %add3A_1841], %bitcast3A_1838 : memref<8x128xi32, #tpu.memory_space<vmem>>[vector<16xi32>, vector<16xi32>], vector<16xi32>,
        %get3A_1842 = arith.constant 3 : i32
        %get3A_1843 = arith.index_cast %and3A_64 : i32 to index
        %get3A_1844 = arith.index_cast %get3A_1842 : i32 to index
        %get3A_1845 = arith.constant 112 : index
        %get3A_1846 = tpu.vector_load %arg11[%get3A_1843, %get3A_1844, %get3A_1845] {strides = array<i32>} : memref<16x32x128xf32, #tpu.memory_space<vmem>>, vector<16xf32>,
        %get3A_1847 = arith.constant 19 : i32
        %get3A_1848 = arith.index_cast %and3A_64 : i32 to index
        %get3A_1849 = arith.index_cast %get3A_1847 : i32 to index
        %get3A_1850 = arith.constant 112 : index
        %get3A_1851 = tpu.vector_load %arg11[%get3A_1848, %get3A_1849, %get3A_1850] {strides = array<i32>} : memref<16x32x128xf32, #tpu.memory_space<vmem>>, vector<16xf32>,
        %pack3A_1852 = tpu.pack_subelements %get3A_1846, %get3A_1851 {pack_format = #tpu.pack_format<interleaved>, positions = array<i32: 0, 1>} : vector<16xf32>, vector<16xf32> -> vector<32xbf16>
        %bitcast3A_1853 = vector.bitcast %pack3A_1852 : vector<32xbf16> to vector<16xi32>
        %add3A_1854 = arith.constant 3 : i32
        %add3A_1855 = vector.broadcast %add3A_1854 : i32 to vector<16xi32>
        %add3A_1856 = arith.addi %mul3A_91, %add3A_1855 : vector<16xi32>
        tpu.vector_store_idx %arg12[%add3A_1796, %add3A_1856], %bitcast3A_1853 : memref<8x128xi32, #tpu.memory_space<vmem>>[vector<16xi32>, vector<16xi32>], vector<16xi32>,
        %get3A_1857 = arith.constant 4 : i32
        %get3A_1858 = arith.index_cast %and3A_64 : i32 to index
        %get3A_1859 = arith.index_cast %get3A_1857 : i32 to index
        %get3A_1860 = arith.constant 112 : index
        %get3A_1861 = tpu.vector_load %arg11[%get3A_1858, %get3A_1859, %get3A_1860] {strides = array<i32>} : memref<16x32x128xf32, #tpu.memory_space<vmem>>, vector<16xf32>,
        %get3A_1862 = arith.constant 20 : i32
        %get3A_1863 = arith.index_cast %and3A_64 : i32 to index
        %get3A_1864 = arith.index_cast %get3A_1862 : i32 to index
        %get3A_1865 = arith.constant 112 : index
        %get3A_1866 = tpu.vector_load %arg11[%get3A_1863, %get3A_1864, %get3A_1865] {strides = array<i32>} : memref<16x32x128xf32, #tpu.memory_space<vmem>>, vector<16xf32>,
        %pack3A_1867 = tpu.pack_subelements %get3A_1861, %get3A_1866 {pack_format = #tpu.pack_format<interleaved>, positions = array<i32: 0, 1>} : vector<16xf32>, vector<16xf32> -> vector<32xbf16>
        %bitcast3A_1868 = vector.bitcast %pack3A_1867 : vector<32xbf16> to vector<16xi32>
        %add3A_1869 = arith.constant 4 : i32
        %add3A_1870 = vector.broadcast %add3A_1869 : i32 to vector<16xi32>
        %add3A_1871 = arith.addi %mul3A_91, %add3A_1870 : vector<16xi32>
        tpu.vector_store_idx %arg12[%add3A_1796, %add3A_1871], %bitcast3A_1868 : memref<8x128xi32, #tpu.memory_space<vmem>>[vector<16xi32>, vector<16xi32>], vector<16xi32>,
        %get3A_1872 = arith.constant 5 : i32
        %get3A_1873 = arith.index_cast %and3A_64 : i32 to index
        %get3A_1874 = arith.index_cast %get3A_1872 : i32 to index
        %get3A_1875 = arith.constant 112 : index
        %get3A_1876 = tpu.vector_load %arg11[%get3A_1873, %get3A_1874, %get3A_1875] {strides = array<i32>} : memref<16x32x128xf32, #tpu.memory_space<vmem>>, vector<16xf32>,
        %get3A_1877 = arith.constant 21 : i32
        %get3A_1878 = arith.index_cast %and3A_64 : i32 to index
        %get3A_1879 = arith.index_cast %get3A_1877 : i32 to index
        %get3A_1880 = arith.constant 112 : index
        %get3A_1881 = tpu.vector_load %arg11[%get3A_1878, %get3A_1879, %get3A_1880] {strides = array<i32>} : memref<16x32x128xf32, #tpu.memory_space<vmem>>, vector<16xf32>,
        %pack3A_1882 = tpu.pack_subelements %get3A_1876, %get3A_1881 {pack_format = #tpu.pack_format<interleaved>, positions = array<i32: 0, 1>} : vector<16xf32>, vector<16xf32> -> vector<32xbf16>
        %bitcast3A_1883 = vector.bitcast %pack3A_1882 : vector<32xbf16> to vector<16xi32>
        %add3A_1884 = arith.constant 5 : i32
        %add3A_1885 = vector.broadcast %add3A_1884 : i32 to vector<16xi32>
        %add3A_1886 = arith.addi %mul3A_91, %add3A_1885 : vector<16xi32>
        tpu.vector_store_idx %arg12[%add3A_1796, %add3A_1886], %bitcast3A_1883 : memref<8x128xi32, #tpu.memory_space<vmem>>[vector<16xi32>, vector<16xi32>], vector<16xi32>,
        %get3A_1887 = arith.constant 6 : i32
        %get3A_1888 = arith.index_cast %and3A_64 : i32 to index
        %get3A_1889 = arith.index_cast %get3A_1887 : i32 to index
        %get3A_1890 = arith.constant 112 : index
        %get3A_1891 = tpu.vector_load %arg11[%get3A_1888, %get3A_1889, %get3A_1890] {strides = array<i32>} : memref<16x32x128xf32, #tpu.memory_space<vmem>>, vector<16xf32>,
        %get3A_1892 = arith.constant 22 : i32
        %get3A_1893 = arith.index_cast %and3A_64 : i32 to index
        %get3A_1894 = arith.index_cast %get3A_1892 : i32 to index
        %get3A_1895 = arith.constant 112 : index
        %get3A_1896 = tpu.vector_load %arg11[%get3A_1893, %get3A_1894, %get3A_1895] {strides = array<i32>} : memref<16x32x128xf32, #tpu.memory_space<vmem>>, vector<16xf32>,
        %pack3A_1897 = tpu.pack_subelements %get3A_1891, %get3A_1896 {pack_format = #tpu.pack_format<interleaved>, positions = array<i32: 0, 1>} : vector<16xf32>, vector<16xf32> -> vector<32xbf16>
        %bitcast3A_1898 = vector.bitcast %pack3A_1897 : vector<32xbf16> to vector<16xi32>
        %add3A_1899 = arith.constant 6 : i32
        %add3A_1900 = vector.broadcast %add3A_1899 : i32 to vector<16xi32>
        %add3A_1901 = arith.addi %mul3A_91, %add3A_1900 : vector<16xi32>
        tpu.vector_store_idx %arg12[%add3A_1796, %add3A_1901], %bitcast3A_1898 : memref<8x128xi32, #tpu.memory_space<vmem>>[vector<16xi32>, vector<16xi32>], vector<16xi32>,
        %get3A_1902 = arith.constant 7 : i32
        %get3A_1903 = arith.index_cast %and3A_64 : i32 to index
        %get3A_1904 = arith.index_cast %get3A_1902 : i32 to index
        %get3A_1905 = arith.constant 112 : index
        %get3A_1906 = tpu.vector_load %arg11[%get3A_1903, %get3A_1904, %get3A_1905] {strides = array<i32>} : memref<16x32x128xf32, #tpu.memory_space<vmem>>, vector<16xf32>,
        %get3A_1907 = arith.constant 23 : i32
        %get3A_1908 = arith.index_cast %and3A_64 : i32 to index
        %get3A_1909 = arith.index_cast %get3A_1907 : i32 to index
        %get3A_1910 = arith.constant 112 : index
        %get3A_1911 = tpu.vector_load %arg11[%get3A_1908, %get3A_1909, %get3A_1910] {strides = array<i32>} : memref<16x32x128xf32, #tpu.memory_space<vmem>>, vector<16xf32>,
        %pack3A_1912 = tpu.pack_subelements %get3A_1906, %get3A_1911 {pack_format = #tpu.pack_format<interleaved>, positions = array<i32: 0, 1>} : vector<16xf32>, vector<16xf32> -> vector<32xbf16>
        %bitcast3A_1913 = vector.bitcast %pack3A_1912 : vector<32xbf16> to vector<16xi32>
        %add3A_1914 = arith.constant 7 : i32
        %add3A_1915 = vector.broadcast %add3A_1914 : i32 to vector<16xi32>
        %add3A_1916 = arith.addi %mul3A_91, %add3A_1915 : vector<16xi32>
        tpu.vector_store_idx %arg12[%add3A_1796, %add3A_1916], %bitcast3A_1913 : memref<8x128xi32, #tpu.memory_space<vmem>>[vector<16xi32>, vector<16xi32>], vector<16xi32>,
        %get3A_1917 = arith.constant 8 : i32
        %get3A_1918 = arith.index_cast %and3A_64 : i32 to index
        %get3A_1919 = arith.index_cast %get3A_1917 : i32 to index
        %get3A_1920 = arith.constant 112 : index
        %get3A_1921 = tpu.vector_load %arg11[%get3A_1918, %get3A_1919, %get3A_1920] {strides = array<i32>} : memref<16x32x128xf32, #tpu.memory_space<vmem>>, vector<16xf32>,
        %get3A_1922 = arith.constant 24 : i32
        %get3A_1923 = arith.index_cast %and3A_64 : i32 to index
        %get3A_1924 = arith.index_cast %get3A_1922 : i32 to index
        %get3A_1925 = arith.constant 112 : index
        %get3A_1926 = tpu.vector_load %arg11[%get3A_1923, %get3A_1924, %get3A_1925] {strides = array<i32>} : memref<16x32x128xf32, #tpu.memory_space<vmem>>, vector<16xf32>,
        %pack3A_1927 = tpu.pack_subelements %get3A_1921, %get3A_1926 {pack_format = #tpu.pack_format<interleaved>, positions = array<i32: 0, 1>} : vector<16xf32>, vector<16xf32> -> vector<32xbf16>
        %bitcast3A_1928 = vector.bitcast %pack3A_1927 : vector<32xbf16> to vector<16xi32>
        %add3A_1929 = arith.constant 8 : i32
        %add3A_1930 = vector.broadcast %add3A_1929 : i32 to vector<16xi32>
        %add3A_1931 = arith.addi %mul3A_91, %add3A_1930 : vector<16xi32>
        tpu.vector_store_idx %arg12[%add3A_1796, %add3A_1931], %bitcast3A_1928 : memref<8x128xi32, #tpu.memory_space<vmem>>[vector<16xi32>, vector<16xi32>], vector<16xi32>,
        %get3A_1932 = arith.constant 9 : i32
        %get3A_1933 = arith.index_cast %and3A_64 : i32 to index
        %get3A_1934 = arith.index_cast %get3A_1932 : i32 to index
        %get3A_1935 = arith.constant 112 : index
        %get3A_1936 = tpu.vector_load %arg11[%get3A_1933, %get3A_1934, %get3A_1935] {strides = array<i32>} : memref<16x32x128xf32, #tpu.memory_space<vmem>>, vector<16xf32>,
        %get3A_1937 = arith.constant 25 : i32
        %get3A_1938 = arith.index_cast %and3A_64 : i32 to index
        %get3A_1939 = arith.index_cast %get3A_1937 : i32 to index
        %get3A_1940 = arith.constant 112 : index
        %get3A_1941 = tpu.vector_load %arg11[%get3A_1938, %get3A_1939, %get3A_1940] {strides = array<i32>} : memref<16x32x128xf32, #tpu.memory_space<vmem>>, vector<16xf32>,
        %pack3A_1942 = tpu.pack_subelements %get3A_1936, %get3A_1941 {pack_format = #tpu.pack_format<interleaved>, positions = array<i32: 0, 1>} : vector<16xf32>, vector<16xf32> -> vector<32xbf16>
        %bitcast3A_1943 = vector.bitcast %pack3A_1942 : vector<32xbf16> to vector<16xi32>
        %add3A_1944 = arith.constant 9 : i32
        %add3A_1945 = vector.broadcast %add3A_1944 : i32 to vector<16xi32>
        %add3A_1946 = arith.addi %mul3A_91, %add3A_1945 : vector<16xi32>
        tpu.vector_store_idx %arg12[%add3A_1796, %add3A_1946], %bitcast3A_1943 : memref<8x128xi32, #tpu.memory_space<vmem>>[vector<16xi32>, vector<16xi32>], vector<16xi32>,
        %get3A_1947 = arith.constant 10 : i32
        %get3A_1948 = arith.index_cast %and3A_64 : i32 to index
        %get3A_1949 = arith.index_cast %get3A_1947 : i32 to index
        %get3A_1950 = arith.constant 112 : index
        %get3A_1951 = tpu.vector_load %arg11[%get3A_1948, %get3A_1949, %get3A_1950] {strides = array<i32>} : memref<16x32x128xf32, #tpu.memory_space<vmem>>, vector<16xf32>,
        %get3A_1952 = arith.constant 26 : i32
        %get3A_1953 = arith.index_cast %and3A_64 : i32 to index
        %get3A_1954 = arith.index_cast %get3A_1952 : i32 to index
        %get3A_1955 = arith.constant 112 : index
        %get3A_1956 = tpu.vector_load %arg11[%get3A_1953, %get3A_1954, %get3A_1955] {strides = array<i32>} : memref<16x32x128xf32, #tpu.memory_space<vmem>>, vector<16xf32>,
        %pack3A_1957 = tpu.pack_subelements %get3A_1951, %get3A_1956 {pack_format = #tpu.pack_format<interleaved>, positions = array<i32: 0, 1>} : vector<16xf32>, vector<16xf32> -> vector<32xbf16>
        %bitcast3A_1958 = vector.bitcast %pack3A_1957 : vector<32xbf16> to vector<16xi32>
        %add3A_1959 = arith.constant 10 : i32
        %add3A_1960 = vector.broadcast %add3A_1959 : i32 to vector<16xi32>
        %add3A_1961 = arith.addi %mul3A_91, %add3A_1960 : vector<16xi32>
        tpu.vector_store_idx %arg12[%add3A_1796, %add3A_1961], %bitcast3A_1958 : memref<8x128xi32, #tpu.memory_space<vmem>>[vector<16xi32>, vector<16xi32>], vector<16xi32>,
        %get3A_1962 = arith.constant 11 : i32
        %get3A_1963 = arith.index_cast %and3A_64 : i32 to index
        %get3A_1964 = arith.index_cast %get3A_1962 : i32 to index
        %get3A_1965 = arith.constant 112 : index
        %get3A_1966 = tpu.vector_load %arg11[%get3A_1963, %get3A_1964, %get3A_1965] {strides = array<i32>} : memref<16x32x128xf32, #tpu.memory_space<vmem>>, vector<16xf32>,
        %get3A_1967 = arith.constant 27 : i32
        %get3A_1968 = arith.index_cast %and3A_64 : i32 to index
        %get3A_1969 = arith.index_cast %get3A_1967 : i32 to index
        %get3A_1970 = arith.constant 112 : index
        %get3A_1971 = tpu.vector_load %arg11[%get3A_1968, %get3A_1969, %get3A_1970] {strides = array<i32>} : memref<16x32x128xf32, #tpu.memory_space<vmem>>, vector<16xf32>,
        %pack3A_1972 = tpu.pack_subelements %get3A_1966, %get3A_1971 {pack_format = #tpu.pack_format<interleaved>, positions = array<i32: 0, 1>} : vector<16xf32>, vector<16xf32> -> vector<32xbf16>
        %bitcast3A_1973 = vector.bitcast %pack3A_1972 : vector<32xbf16> to vector<16xi32>
        %add3A_1974 = arith.constant 11 : i32
        %add3A_1975 = vector.broadcast %add3A_1974 : i32 to vector<16xi32>
        %add3A_1976 = arith.addi %mul3A_91, %add3A_1975 : vector<16xi32>
        tpu.vector_store_idx %arg12[%add3A_1796, %add3A_1976], %bitcast3A_1973 : memref<8x128xi32, #tpu.memory_space<vmem>>[vector<16xi32>, vector<16xi32>], vector<16xi32>,
        %get3A_1977 = arith.constant 12 : i32
        %get3A_1978 = arith.index_cast %and3A_64 : i32 to index
        %get3A_1979 = arith.index_cast %get3A_1977 : i32 to index
        %get3A_1980 = arith.constant 112 : index
        %get3A_1981 = tpu.vector_load %arg11[%get3A_1978, %get3A_1979, %get3A_1980] {strides = array<i32>} : memref<16x32x128xf32, #tpu.memory_space<vmem>>, vector<16xf32>,
        %get3A_1982 = arith.constant 28 : i32
        %get3A_1983 = arith.index_cast %and3A_64 : i32 to index
        %get3A_1984 = arith.index_cast %get3A_1982 : i32 to index
        %get3A_1985 = arith.constant 112 : index
        %get3A_1986 = tpu.vector_load %arg11[%get3A_1983, %get3A_1984, %get3A_1985] {strides = array<i32>} : memref<16x32x128xf32, #tpu.memory_space<vmem>>, vector<16xf32>,
        %pack3A_1987 = tpu.pack_subelements %get3A_1981, %get3A_1986 {pack_format = #tpu.pack_format<interleaved>, positions = array<i32: 0, 1>} : vector<16xf32>, vector<16xf32> -> vector<32xbf16>
        %bitcast3A_1988 = vector.bitcast %pack3A_1987 : vector<32xbf16> to vector<16xi32>
        %add3A_1989 = arith.constant 12 : i32
        %add3A_1990 = vector.broadcast %add3A_1989 : i32 to vector<16xi32>
        %add3A_1991 = arith.addi %mul3A_91, %add3A_1990 : vector<16xi32>
        tpu.vector_store_idx %arg12[%add3A_1796, %add3A_1991], %bitcast3A_1988 : memref<8x128xi32, #tpu.memory_space<vmem>>[vector<16xi32>, vector<16xi32>], vector<16xi32>,
        %get3A_1992 = arith.constant 13 : i32
        %get3A_1993 = arith.index_cast %and3A_64 : i32 to index
        %get3A_1994 = arith.index_cast %get3A_1992 : i32 to index
        %get3A_1995 = arith.constant 112 : index
        %get3A_1996 = tpu.vector_load %arg11[%get3A_1993, %get3A_1994, %get3A_1995] {strides = array<i32>} : memref<16x32x128xf32, #tpu.memory_space<vmem>>, vector<16xf32>,
        %get3A_1997 = arith.constant 29 : i32
        %get3A_1998 = arith.index_cast %and3A_64 : i32 to index
        %get3A_1999 = arith.index_cast %get3A_1997 : i32 to index
        %get3A_2000 = arith.constant 112 : index
        %get3A_2001 = tpu.vector_load %arg11[%get3A_1998, %get3A_1999, %get3A_2000] {strides = array<i32>} : memref<16x32x128xf32, #tpu.memory_space<vmem>>, vector<16xf32>,
        %pack3A_2002 = tpu.pack_subelements %get3A_1996, %get3A_2001 {pack_format = #tpu.pack_format<interleaved>, positions = array<i32: 0, 1>} : vector<16xf32>, vector<16xf32> -> vector<32xbf16>
        %bitcast3A_2003 = vector.bitcast %pack3A_2002 : vector<32xbf16> to vector<16xi32>
        %add3A_2004 = arith.constant 13 : i32
        %add3A_2005 = vector.broadcast %add3A_2004 : i32 to vector<16xi32>
        %add3A_2006 = arith.addi %mul3A_91, %add3A_2005 : vector<16xi32>
        tpu.vector_store_idx %arg12[%add3A_1796, %add3A_2006], %bitcast3A_2003 : memref<8x128xi32, #tpu.memory_space<vmem>>[vector<16xi32>, vector<16xi32>], vector<16xi32>,
        %get3A_2007 = arith.constant 14 : i32
        %get3A_2008 = arith.index_cast %and3A_64 : i32 to index
        %get3A_2009 = arith.index_cast %get3A_2007 : i32 to index
        %get3A_2010 = arith.constant 112 : index
        %get3A_2011 = tpu.vector_load %arg11[%get3A_2008, %get3A_2009, %get3A_2010] {strides = array<i32>} : memref<16x32x128xf32, #tpu.memory_space<vmem>>, vector<16xf32>,
        %get3A_2012 = arith.constant 30 : i32
        %get3A_2013 = arith.index_cast %and3A_64 : i32 to index
        %get3A_2014 = arith.index_cast %get3A_2012 : i32 to index
        %get3A_2015 = arith.constant 112 : index
        %get3A_2016 = tpu.vector_load %arg11[%get3A_2013, %get3A_2014, %get3A_2015] {strides = array<i32>} : memref<16x32x128xf32, #tpu.memory_space<vmem>>, vector<16xf32>,
        %pack3A_2017 = tpu.pack_subelements %get3A_2011, %get3A_2016 {pack_format = #tpu.pack_format<interleaved>, positions = array<i32: 0, 1>} : vector<16xf32>, vector<16xf32> -> vector<32xbf16>
        %bitcast3A_2018 = vector.bitcast %pack3A_2017 : vector<32xbf16> to vector<16xi32>
        %add3A_2019 = arith.constant 14 : i32
        %add3A_2020 = vector.broadcast %add3A_2019 : i32 to vector<16xi32>
        %add3A_2021 = arith.addi %mul3A_91, %add3A_2020 : vector<16xi32>
        tpu.vector_store_idx %arg12[%add3A_1796, %add3A_2021], %bitcast3A_2018 : memref<8x128xi32, #tpu.memory_space<vmem>>[vector<16xi32>, vector<16xi32>], vector<16xi32>,
        %get3A_2022 = arith.constant 15 : i32
        %get3A_2023 = arith.index_cast %and3A_64 : i32 to index
        %get3A_2024 = arith.index_cast %get3A_2022 : i32 to index
        %get3A_2025 = arith.constant 112 : index
        %get3A_2026 = tpu.vector_load %arg11[%get3A_2023, %get3A_2024, %get3A_2025] {strides = array<i32>} : memref<16x32x128xf32, #tpu.memory_space<vmem>>, vector<16xf32>,
        %get3A_2027 = arith.constant 31 : i32
        %get3A_2028 = arith.index_cast %and3A_64 : i32 to index
        %get3A_2029 = arith.index_cast %get3A_2027 : i32 to index
        %get3A_2030 = arith.constant 112 : index
        %get3A_2031 = tpu.vector_load %arg11[%get3A_2028, %get3A_2029, %get3A_2030] {strides = array<i32>} : memref<16x32x128xf32, #tpu.memory_space<vmem>>, vector<16xf32>,
        %pack3A_2032 = tpu.pack_subelements %get3A_2026, %get3A_2031 {pack_format = #tpu.pack_format<interleaved>, positions = array<i32: 0, 1>} : vector<16xf32>, vector<16xf32> -> vector<32xbf16>
        %bitcast3A_2033 = vector.bitcast %pack3A_2032 : vector<32xbf16> to vector<16xi32>
        %add3A_2034 = arith.constant 15 : i32
        %add3A_2035 = vector.broadcast %add3A_2034 : i32 to vector<16xi32>
        %add3A_2036 = arith.addi %mul3A_91, %add3A_2035 : vector<16xi32>
        tpu.vector_store_idx %arg12[%add3A_1796, %add3A_2036], %bitcast3A_2033 : memref<8x128xi32, #tpu.memory_space<vmem>>[vector<16xi32>, vector<16xi32>], vector<16xi32>,
        %mul3A_2037 = arith.constant 16 : i32
        %mul3A_2038 = arith.muli %add3A_62, %mul3A_2037 : i32
        %add3A_2039 = arith.constant 8 : i32
        %add3A_2040 = arith.addi %mul3A_2038, %add3A_2039 : i32
        "tpu.region"() ({
          %run_scoped3A = tpu.sem_alloc : memref<!tpu.dma_semaphore, #tpu.memory_space<semaphore_mem>>
          %dma_start3A_2041 = arith.constant 0 : i32
          %dma_start3A_2042 = tpu.memref_slice %arg7[%add3A_2040, %dma_start3A_2041] : memref<12512x128xi32, #tpu.memory_space<hbm>> -> memref<8x128xi32, #tpu.memory_space<hbm>>
          %dma_start3A_2043 = arith.constant 0 : i32
          %dma_start3A_2044 = tpu.memref_slice %arg7[%add3A_2040, %dma_start3A_2043] : memref<12512x128xi32, #tpu.memory_space<hbm>> -> memref<8x128xi32, #tpu.memory_space<hbm>>
          tpu.enqueue_dma source(%arg12 : memref<8x128xi32, #tpu.memory_space<vmem>>) target(%dma_start3A_2044 : memref<8x128xi32, #tpu.memory_space<hbm>>) target_semaphore(%run_scoped3A : memref<!tpu.dma_semaphore, #tpu.memory_space<semaphore_mem>>)
          %dma_wait3A_2045 = arith.constant 0 : i32
          %dma_wait3A_2046 = tpu.memref_slice %arg7[%add3A_2040, %dma_wait3A_2045] : memref<12512x128xi32, #tpu.memory_space<hbm>> -> memref<8x128xi32, #tpu.memory_space<hbm>>
          %dma_wait3A_2047 = arith.constant 0 : i32
          %dma_wait3A_2048 = tpu.memref_slice %arg7[%add3A_2040, %dma_wait3A_2047] : memref<12512x128xi32, #tpu.memory_space<hbm>> -> memref<8x128xi32, #tpu.memory_space<hbm>>
          tpu.wait_dma2 semaphore(%run_scoped3A : memref<!tpu.dma_semaphore, #tpu.memory_space<semaphore_mem>>) src(%arg12 : memref<8x128xi32, #tpu.memory_space<vmem>>) dst(%dma_wait3A_2048 : memref<8x128xi32, #tpu.memory_space<hbm>>)
          tpu.yield
        }) : () -> ()
      } else {
      }
    }
    %scan3A_11 = arith.constant 49 : i32
    %barrier3A = arith.constant 0 : index
    tpu.barrier barrier_id(%barrier3A)
    %scan3A_12 = arith.constant 0 : i32
    %scan3A_13 = arith.constant 0 : i32
    %scan3A_14 = arith.constant 32 : i32
    %scan3A_15 = arith.addi %scan3A_13, %scan3A_14 : i32
    %scan3A_16 = arith.constant 1 : i32
    scf.for %scan3A_48 = %scan3A_13 to %scan3A_15 step %scan3A_16  : i32 {
      %mul3A_49 = arith.constant 16 : i32
      %mul3A_50 = arith.muli %scan3A_48, %mul3A_49 : i32
      %get3A = arith.index_cast %mul3A_50 : i32 to index
      %get3A_51 = tpu.vector_load %arg8[%get3A] {strides = array<i32>} : memref<512xi32, #tpu.memory_space<vmem>>, vector<16xi32>,
      %shift_right_arithmetic3A = arith.constant 3 : i32
      %shift_right_arithmetic3A_52 = vector.broadcast %shift_right_arithmetic3A : i32 to vector<16xi32>
      %shift_right_arithmetic3A_53 = arith.shrsi %get3A_51, %shift_right_arithmetic3A_52 : vector<16xi32>
      %swap3A = arith.index_cast %mul3A_50 : i32 to index
      %swap3A_54 = tpu.vector_load %arg10[%swap3A] {strides = array<i32>} : memref<512xi32, #tpu.memory_space<vmem>>, vector<16xi32>,
      tpu.vector_store %arg10[%swap3A], %shift_right_arithmetic3A_53 {strides = array<i32>} : memref<512xi32, #tpu.memory_space<vmem>>, vector<16xi32>,
    }
    %scan3A_17 = arith.constant 32 : i32
    %dma_start3A = arith.constant 0 : i32
    %dma_start3A_18 = tpu.memref_slice %arg10[%dma_start3A] : memref<512xi32, #tpu.memory_space<vmem>> -> memref<256xi32, #tpu.memory_space<vmem>>
    %dma_start3A_19 = arith.constant 0 : i32
    %dma_start3A_20 = arith.constant 0 : i32
    %dma_start3A_21 = tpu.memref_slice %arg7[%dma_start3A_19, %dma_start3A_20] : memref<12512x128xi32, #tpu.memory_space<hbm>> -> memref<12512x128xi32, #tpu.memory_space<hbm>>
    tpu.enqueue_indirect_dma source(%dma_start3A_21 : memref<12512x128xi32, #tpu.memory_space<hbm>>) target(%arg13 : memref<256x128xi32, #tpu.memory_space<vmem>>) offsets(%dma_start3A_18 : memref<256xi32, #tpu.memory_space<vmem>>) semaphore(%arg17 : memref<!tpu.dma_semaphore, #tpu.memory_space<semaphore_mem>>)
    %dma_wait3A = arith.constant 0 : i32
    %dma_wait3A_22 = tpu.memref_slice %arg10[%dma_wait3A] : memref<512xi32, #tpu.memory_space<vmem>> -> memref<256xi32, #tpu.memory_space<vmem>>
    %dma_wait3A_23 = arith.constant 0 : i32
    %dma_wait3A_24 = arith.constant 0 : i32
    %dma_wait3A_25 = tpu.memref_slice %arg7[%dma_wait3A_23, %dma_wait3A_24] : memref<12512x128xi32, #tpu.memory_space<hbm>> -> memref<12512x128xi32, #tpu.memory_space<hbm>>
    tpu.wait_indirect_dma semaphore(%arg17 : memref<!tpu.dma_semaphore, #tpu.memory_space<semaphore_mem>>) src(%dma_wait3A_25 : memref<12512x128xi32, #tpu.memory_space<hbm>>) dst(%arg13 : memref<256x128xi32, #tpu.memory_space<vmem>>)
    %scan3A_26 = arith.constant 0 : i32
    %scan3A_27 = arith.constant 0 : i32
    %scan3A_28 = arith.constant 16 : i32
    %scan3A_29 = arith.addi %scan3A_27, %scan3A_28 : i32
    %scan3A_30 = arith.constant 1 : i32
    scf.for %scan3A_48 = %scan3A_27 to %scan3A_29 step %scan3A_30  : i32 {
      %mul3A_49 = arith.constant 16 : i32
      %mul3A_50 = arith.muli %scan3A_48, %mul3A_49 : i32
      %get3A = arith.index_cast %mul3A_50 : i32 to index
      %get3A_51 = tpu.vector_load %arg9[%get3A] {strides = array<i32>} : memref<512xi32, #tpu.memory_space<vmem>>, vector<16xi32>,
      %shift_right_arithmetic3A = arith.constant 7 : i32
      %shift_right_arithmetic3A_52 = vector.broadcast %shift_right_arithmetic3A : i32 to vector<16xi32>
      %shift_right_arithmetic3A_53 = arith.shrsi %get3A_51, %shift_right_arithmetic3A_52 : vector<16xi32>
      %shift_left3A = arith.constant 7 : i32
      %shift_left3A_54 = vector.broadcast %shift_left3A : i32 to vector<16xi32>
      %shift_left3A_55 = arith.shli %shift_right_arithmetic3A_53, %shift_left3A_54 : vector<16xi32>
      %and3A = arith.constant 127 : i32
      %and3A_56 = vector.broadcast %and3A : i32 to vector<16xi32>
      %and3A_57 = arith.andi %get3A_51, %and3A_56 : vector<16xi32>
      %sub3A = arith.constant 0 : i32
      %sub3A_58 = arith.subi %scan3A_48, %sub3A : i32
      %mul3A_59 = arith.constant 16 : i32
      %mul3A_60 = arith.muli %sub3A_58, %mul3A_59 : i32
      %add3A_61 = vector.broadcast %mul3A_60 : i32 to vector<16xi32>
      %add3A_62 = arith.addi %add3A_61, %iota3A : vector<16xi32>
      %mul3A_63 = arith.constant 16 : i32
      %mul3A_64 = arith.muli %scan3A_48, %mul3A_63 : i32
      %get3A_65 = arith.index_cast %mul3A_64 : i32 to index
      %get3A_66 = tpu.vector_load %arg8[%get3A_65] {strides = array<i32>} : memref<512xi32, #tpu.memory_space<vmem>>, vector<16xi32>,
      %and3A_67 = arith.constant 7 : i32
      %and3A_68 = vector.broadcast %and3A_67 : i32 to vector<16xi32>
      %and3A_69 = arith.andi %get3A_66, %and3A_68 : vector<16xi32>
      %shift_left3A_70 = arith.constant 4 : i32
      %shift_left3A_71 = vector.broadcast %shift_left3A_70 : i32 to vector<16xi32>
      %shift_left3A_72 = arith.shli %and3A_69, %shift_left3A_71 : vector<16xi32>
      %broadcast_in_dim3A = arith.constant 0.000000e+00 : f32
      %broadcast_in_dim3A_73 = vector.broadcast %broadcast_in_dim3A : f32 to vector<16xf32>
      %slice3A = vector.extract_strided_slice %shift_left3A_55 {offsets = [0], sizes = [1], strides = [1]} : vector<16xi32> to vector<1xi32>
      %squeeze3A = vector.extract %slice3A[0] : i32 from vector<1xi32>
      %multiple_of3A = tpu.assume_multiple %squeeze3A, 128 : i32
      %dma_start3A_74 = arith.constant 0 : i32
      %dma_start3A_75 = arith.constant 0 : i32
      %dma_start3A_76 = arith.constant 0 : i32
      %dma_start3A_77 = tpu.memref_slice %arg11[%dma_start3A_74, %dma_start3A_75, %dma_start3A_76] : memref<16x32x128xf32, #tpu.memory_space<vmem>> -> memref<1x32x128xf32, #tpu.memory_space<vmem>>
      %dma_start3A_78 = tpu.memref_squeeze %dma_start3A_77 : memref<1x32x128xf32, #tpu.memory_space<vmem>> -> memref<32x128xf32, #tpu.memory_space<vmem>>
      %dma_start3A_79 = arith.constant 0 : i32
      %dma_start3A_80 = tpu.memref_slice %arg5[%dma_start3A_79, %multiple_of3A] : memref<32x1000000xf32, #tpu.memory_space<hbm>> -> memref<32x128xf32, #tpu.memory_space<hbm>>
      %dma_start3A_81 = arith.constant 0 : i32
      %dma_start3A_82 = arith.constant 0 : i32
      %dma_start3A_83 = tpu.memref_slice %arg11[%dma_start3A_74, %dma_start3A_81, %dma_start3A_82] : memref<16x32x128xf32, #tpu.memory_space<vmem>> -> memref<1x32x128xf32, #tpu.memory_space<vmem>>
      %dma_start3A_84 = tpu.memref_squeeze %dma_start3A_83 : memref<1x32x128xf32, #tpu.memory_space<vmem>> -> memref<32x128xf32, #tpu.memory_space<vmem>>
      %dma_start3A_85 = arith.constant 0 : i32
      %dma_start3A_86 = tpu.memref_slice %arg5[%dma_start3A_85, %multiple_of3A] : memref<32x1000000xf32, #tpu.memory_space<hbm>> -> memref<32x128xf32, #tpu.memory_space<hbm>>
      tpu.enqueue_dma source(%dma_start3A_86 : memref<32x128xf32, #tpu.memory_space<hbm>>) target(%dma_start3A_84 : memref<32x128xf32, #tpu.memory_space<vmem>>) target_semaphore(%arg15 : memref<!tpu.dma_semaphore, #tpu.memory_space<semaphore_mem>>)
      %slice3A_87 = vector.extract_strided_slice %shift_left3A_55 {offsets = [1], sizes = [1], strides = [1]} : vector<16xi32> to vector<1xi32>
      %squeeze3A_88 = vector.extract %slice3A_87[0] : i32 from vector<1xi32>
      %multiple_of3A_89 = tpu.assume_multiple %squeeze3A_88, 128 : i32
      %dma_start3A_90 = arith.constant 1 : i32
      %dma_start3A_91 = arith.constant 0 : i32
      %dma_start3A_92 = arith.constant 0 : i32
      %dma_start3A_93 = tpu.memref_slice %arg11[%dma_start3A_90, %dma_start3A_91, %dma_start3A_92] : memref<16x32x128xf32, #tpu.memory_space<vmem>> -> memref<1x32x128xf32, #tpu.memory_space<vmem>>
      %dma_start3A_94 = tpu.memref_squeeze %dma_start3A_93 : memref<1x32x128xf32, #tpu.memory_space<vmem>> -> memref<32x128xf32, #tpu.memory_space<vmem>>
      %dma_start3A_95 = arith.constant 0 : i32
      %dma_start3A_96 = tpu.memref_slice %arg5[%dma_start3A_95, %multiple_of3A_89] : memref<32x1000000xf32, #tpu.memory_space<hbm>> -> memref<32x128xf32, #tpu.memory_space<hbm>>
      %dma_start3A_97 = arith.constant 0 : i32
      %dma_start3A_98 = arith.constant 0 : i32
      %dma_start3A_99 = tpu.memref_slice %arg11[%dma_start3A_90, %dma_start3A_97, %dma_start3A_98] : memref<16x32x128xf32, #tpu.memory_space<vmem>> -> memref<1x32x128xf32, #tpu.memory_space<vmem>>
      %dma_start3A_100 = tpu.memref_squeeze %dma_start3A_99 : memref<1x32x128xf32, #tpu.memory_space<vmem>> -> memref<32x128xf32, #tpu.memory_space<vmem>>
      %dma_start3A_101 = arith.constant 0 : i32
      %dma_start3A_102 = tpu.memref_slice %arg5[%dma_start3A_101, %multiple_of3A_89] : memref<32x1000000xf32, #tpu.memory_space<hbm>> -> memref<32x128xf32, #tpu.memory_space<hbm>>
      tpu.enqueue_dma source(%dma_start3A_102 : memref<32x128xf32, #tpu.memory_space<hbm>>) target(%dma_start3A_100 : memref<32x128xf32, #tpu.memory_space<vmem>>) target_semaphore(%arg15 : memref<!tpu.dma_semaphore, #tpu.memory_space<semaphore_mem>>)
      %slice3A_103 = vector.extract_strided_slice %shift_left3A_55 {offsets = [2], sizes = [1], strides = [1]} : vector<16xi32> to vector<1xi32>
      %squeeze3A_104 = vector.extract %slice3A_103[0] : i32 from vector<1xi32>
      %multiple_of3A_105 = tpu.assume_multiple %squeeze3A_104, 128 : i32
      %dma_start3A_106 = arith.constant 2 : i32
      %dma_start3A_107 = arith.constant 0 : i32
      %dma_start3A_108 = arith.constant 0 : i32
      %dma_start3A_109 = tpu.memref_slice %arg11[%dma_start3A_106, %dma_start3A_107, %dma_start3A_108] : memref<16x32x128xf32, #tpu.memory_space<vmem>> -> memref<1x32x128xf32, #tpu.memory_space<vmem>>
      %dma_start3A_110 = tpu.memref_squeeze %dma_start3A_109 : memref<1x32x128xf32, #tpu.memory_space<vmem>> -> memref<32x128xf32, #tpu.memory_space<vmem>>
      %dma_start3A_111 = arith.constant 0 : i32
      %dma_start3A_112 = tpu.memref_slice %arg5[%dma_start3A_111, %multiple_of3A_105] : memref<32x1000000xf32, #tpu.memory_space<hbm>> -> memref<32x128xf32, #tpu.memory_space<hbm>>
      %dma_start3A_113 = arith.constant 0 : i32
      %dma_start3A_114 = arith.constant 0 : i32
      %dma_start3A_115 = tpu.memref_slice %arg11[%dma_start3A_106, %dma_start3A_113, %dma_start3A_114] : memref<16x32x128xf32, #tpu.memory_space<vmem>> -> memref<1x32x128xf32, #tpu.memory_space<vmem>>
      %dma_start3A_116 = tpu.memref_squeeze %dma_start3A_115 : memref<1x32x128xf32, #tpu.memory_space<vmem>> -> memref<32x128xf32, #tpu.memory_space<vmem>>
      %dma_start3A_117 = arith.constant 0 : i32
      %dma_start3A_118 = tpu.memref_slice %arg5[%dma_start3A_117, %multiple_of3A_105] : memref<32x1000000xf32, #tpu.memory_space<hbm>> -> memref<32x128xf32, #tpu.memory_space<hbm>>
      tpu.enqueue_dma source(%dma_start3A_118 : memref<32x128xf32, #tpu.memory_space<hbm>>) target(%dma_start3A_116 : memref<32x128xf32, #tpu.memory_space<vmem>>) target_semaphore(%arg15 : memref<!tpu.dma_semaphore, #tpu.memory_space<semaphore_mem>>)
      %slice3A_119 = vector.extract_strided_slice %shift_left3A_55 {offsets = [3], sizes = [1], strides = [1]} : vector<16xi32> to vector<1xi32>
      %squeeze3A_120 = vector.extract %slice3A_119[0] : i32 from vector<1xi32>
      %multiple_of3A_121 = tpu.assume_multiple %squeeze3A_120, 128 : i32
      %dma_start3A_122 = arith.constant 3 : i32
      %dma_start3A_123 = arith.constant 0 : i32
      %dma_start3A_124 = arith.constant 0 : i32
      %dma_start3A_125 = tpu.memref_slice %arg11[%dma_start3A_122, %dma_start3A_123, %dma_start3A_124] : memref<16x32x128xf32, #tpu.memory_space<vmem>> -> memref<1x32x128xf32, #tpu.memory_space<vmem>>
      %dma_start3A_126 = tpu.memref_squeeze %dma_start3A_125 : memref<1x32x128xf32, #tpu.memory_space<vmem>> -> memref<32x128xf32, #tpu.memory_space<vmem>>
      %dma_start3A_127 = arith.constant 0 : i32
      %dma_start3A_128 = tpu.memref_slice %arg5[%dma_start3A_127, %multiple_of3A_121] : memref<32x1000000xf32, #tpu.memory_space<hbm>> -> memref<32x128xf32, #tpu.memory_space<hbm>>
      %dma_start3A_129 = arith.constant 0 : i32
      %dma_start3A_130 = arith.constant 0 : i32
      %dma_start3A_131 = tpu.memref_slice %arg11[%dma_start3A_122, %dma_start3A_129, %dma_start3A_130] : memref<16x32x128xf32, #tpu.memory_space<vmem>> -> memref<1x32x128xf32, #tpu.memory_space<vmem>>
      %dma_start3A_132 = tpu.memref_squeeze %dma_start3A_131 : memref<1x32x128xf32, #tpu.memory_space<vmem>> -> memref<32x128xf32, #tpu.memory_space<vmem>>
      %dma_start3A_133 = arith.constant 0 : i32
      %dma_start3A_134 = tpu.memref_slice %arg5[%dma_start3A_133, %multiple_of3A_121] : memref<32x1000000xf32, #tpu.memory_space<hbm>> -> memref<32x128xf32, #tpu.memory_space<hbm>>
      tpu.enqueue_dma source(%dma_start3A_134 : memref<32x128xf32, #tpu.memory_space<hbm>>) target(%dma_start3A_132 : memref<32x128xf32, #tpu.memory_space<vmem>>) target_semaphore(%arg15 : memref<!tpu.dma_semaphore, #tpu.memory_space<semaphore_mem>>)
      %slice3A_135 = vector.extract_strided_slice %shift_left3A_55 {offsets = [4], sizes = [1], strides = [1]} : vector<16xi32> to vector<1xi32>
      %squeeze3A_136 = vector.extract %slice3A_135[0] : i32 from vector<1xi32>
      %multiple_of3A_137 = tpu.assume_multiple %squeeze3A_136, 128 : i32
      %dma_start3A_138 = arith.constant 4 : i32
      %dma_start3A_139 = arith.constant 0 : i32
      %dma_start3A_140 = arith.constant 0 : i32
      %dma_start3A_141 = tpu.memref_slice %arg11[%dma_start3A_138, %dma_start3A_139, %dma_start3A_140] : memref<16x32x128xf32, #tpu.memory_space<vmem>> -> memref<1x32x128xf32, #tpu.memory_space<vmem>>
      %dma_start3A_142 = tpu.memref_squeeze %dma_start3A_141 : memref<1x32x128xf32, #tpu.memory_space<vmem>> -> memref<32x128xf32, #tpu.memory_space<vmem>>
      %dma_start3A_143 = arith.constant 0 : i32
      %dma_start3A_144 = tpu.memref_slice %arg5[%dma_start3A_143, %multiple_of3A_137] : memref<32x1000000xf32, #tpu.memory_space<hbm>> -> memref<32x128xf32, #tpu.memory_space<hbm>>
      %dma_start3A_145 = arith.constant 0 : i32
      %dma_start3A_146 = arith.constant 0 : i32
      %dma_start3A_147 = tpu.memref_slice %arg11[%dma_start3A_138, %dma_start3A_145, %dma_start3A_146] : memref<16x32x128xf32, #tpu.memory_space<vmem>> -> memref<1x32x128xf32, #tpu.memory_space<vmem>>
      %dma_start3A_148 = tpu.memref_squeeze %dma_start3A_147 : memref<1x32x128xf32, #tpu.memory_space<vmem>> -> memref<32x128xf32, #tpu.memory_space<vmem>>
      %dma_start3A_149 = arith.constant 0 : i32
      %dma_start3A_150 = tpu.memref_slice %arg5[%dma_start3A_149, %multiple_of3A_137] : memref<32x1000000xf32, #tpu.memory_space<hbm>> -> memref<32x128xf32, #tpu.memory_space<hbm>>
      tpu.enqueue_dma source(%dma_start3A_150 : memref<32x128xf32, #tpu.memory_space<hbm>>) target(%dma_start3A_148 : memref<32x128xf32, #tpu.memory_space<vmem>>) target_semaphore(%arg15 : memref<!tpu.dma_semaphore, #tpu.memory_space<semaphore_mem>>)
      %slice3A_151 = vector.extract_strided_slice %shift_left3A_55 {offsets = [5], sizes = [1], strides = [1]} : vector<16xi32> to vector<1xi32>
      %squeeze3A_152 = vector.extract %slice3A_151[0] : i32 from vector<1xi32>
      %multiple_of3A_153 = tpu.assume_multiple %squeeze3A_152, 128 : i32
      %dma_start3A_154 = arith.constant 5 : i32
      %dma_start3A_155 = arith.constant 0 : i32
      %dma_start3A_156 = arith.constant 0 : i32
      %dma_start3A_157 = tpu.memref_slice %arg11[%dma_start3A_154, %dma_start3A_155, %dma_start3A_156] : memref<16x32x128xf32, #tpu.memory_space<vmem>> -> memref<1x32x128xf32, #tpu.memory_space<vmem>>
      %dma_start3A_158 = tpu.memref_squeeze %dma_start3A_157 : memref<1x32x128xf32, #tpu.memory_space<vmem>> -> memref<32x128xf32, #tpu.memory_space<vmem>>
      %dma_start3A_159 = arith.constant 0 : i32
      %dma_start3A_160 = tpu.memref_slice %arg5[%dma_start3A_159, %multiple_of3A_153] : memref<32x1000000xf32, #tpu.memory_space<hbm>> -> memref<32x128xf32, #tpu.memory_space<hbm>>
      %dma_start3A_161 = arith.constant 0 : i32
      %dma_start3A_162 = arith.constant 0 : i32
      %dma_start3A_163 = tpu.memref_slice %arg11[%dma_start3A_154, %dma_start3A_161, %dma_start3A_162] : memref<16x32x128xf32, #tpu.memory_space<vmem>> -> memref<1x32x128xf32, #tpu.memory_space<vmem>>
      %dma_start3A_164 = tpu.memref_squeeze %dma_start3A_163 : memref<1x32x128xf32, #tpu.memory_space<vmem>> -> memref<32x128xf32, #tpu.memory_space<vmem>>
      %dma_start3A_165 = arith.constant 0 : i32
      %dma_start3A_166 = tpu.memref_slice %arg5[%dma_start3A_165, %multiple_of3A_153] : memref<32x1000000xf32, #tpu.memory_space<hbm>> -> memref<32x128xf32, #tpu.memory_space<hbm>>
      tpu.enqueue_dma source(%dma_start3A_166 : memref<32x128xf32, #tpu.memory_space<hbm>>) target(%dma_start3A_164 : memref<32x128xf32, #tpu.memory_space<vmem>>) target_semaphore(%arg15 : memref<!tpu.dma_semaphore, #tpu.memory_space<semaphore_mem>>)
      %slice3A_167 = vector.extract_strided_slice %shift_left3A_55 {offsets = [6], sizes = [1], strides = [1]} : vector<16xi32> to vector<1xi32>
      %squeeze3A_168 = vector.extract %slice3A_167[0] : i32 from vector<1xi32>
      %multiple_of3A_169 = tpu.assume_multiple %squeeze3A_168, 128 : i32
      %dma_start3A_170 = arith.constant 6 : i32
      %dma_start3A_171 = arith.constant 0 : i32
      %dma_start3A_172 = arith.constant 0 : i32
      %dma_start3A_173 = tpu.memref_slice %arg11[%dma_start3A_170, %dma_start3A_171, %dma_start3A_172] : memref<16x32x128xf32, #tpu.memory_space<vmem>> -> memref<1x32x128xf32, #tpu.memory_space<vmem>>
      %dma_start3A_174 = tpu.memref_squeeze %dma_start3A_173 : memref<1x32x128xf32, #tpu.memory_space<vmem>> -> memref<32x128xf32, #tpu.memory_space<vmem>>
      %dma_start3A_175 = arith.constant 0 : i32
      %dma_start3A_176 = tpu.memref_slice %arg5[%dma_start3A_175, %multiple_of3A_169] : memref<32x1000000xf32, #tpu.memory_space<hbm>> -> memref<32x128xf32, #tpu.memory_space<hbm>>
      %dma_start3A_177 = arith.constant 0 : i32
      %dma_start3A_178 = arith.constant 0 : i32
      %dma_start3A_179 = tpu.memref_slice %arg11[%dma_start3A_170, %dma_start3A_177, %dma_start3A_178] : memref<16x32x128xf32, #tpu.memory_space<vmem>> -> memref<1x32x128xf32, #tpu.memory_space<vmem>>
      %dma_start3A_180 = tpu.memref_squeeze %dma_start3A_179 : memref<1x32x128xf32, #tpu.memory_space<vmem>> -> memref<32x128xf32, #tpu.memory_space<vmem>>
      %dma_start3A_181 = arith.constant 0 : i32
      %dma_start3A_182 = tpu.memref_slice %arg5[%dma_start3A_181, %multiple_of3A_169] : memref<32x1000000xf32, #tpu.memory_space<hbm>> -> memref<32x128xf32, #tpu.memory_space<hbm>>
      tpu.enqueue_dma source(%dma_start3A_182 : memref<32x128xf32, #tpu.memory_space<hbm>>) target(%dma_start3A_180 : memref<32x128xf32, #tpu.memory_space<vmem>>) target_semaphore(%arg15 : memref<!tpu.dma_semaphore, #tpu.memory_space<semaphore_mem>>)
      %slice3A_183 = vector.extract_strided_slice %shift_left3A_55 {offsets = [7], sizes = [1], strides = [1]} : vector<16xi32> to vector<1xi32>
      %squeeze3A_184 = vector.extract %slice3A_183[0] : i32 from vector<1xi32>
      %multiple_of3A_185 = tpu.assume_multiple %squeeze3A_184, 128 : i32
      %dma_start3A_186 = arith.constant 7 : i32
      %dma_start3A_187 = arith.constant 0 : i32
      %dma_start3A_188 = arith.constant 0 : i32
      %dma_start3A_189 = tpu.memref_slice %arg11[%dma_start3A_186, %dma_start3A_187, %dma_start3A_188] : memref<16x32x128xf32, #tpu.memory_space<vmem>> -> memref<1x32x128xf32, #tpu.memory_space<vmem>>
      %dma_start3A_190 = tpu.memref_squeeze %dma_start3A_189 : memref<1x32x128xf32, #tpu.memory_space<vmem>> -> memref<32x128xf32, #tpu.memory_space<vmem>>
      %dma_start3A_191 = arith.constant 0 : i32
      %dma_start3A_192 = tpu.memref_slice %arg5[%dma_start3A_191, %multiple_of3A_185] : memref<32x1000000xf32, #tpu.memory_space<hbm>> -> memref<32x128xf32, #tpu.memory_space<hbm>>
      %dma_start3A_193 = arith.constant 0 : i32
      %dma_start3A_194 = arith.constant 0 : i32
      %dma_start3A_195 = tpu.memref_slice %arg11[%dma_start3A_186, %dma_start3A_193, %dma_start3A_194] : memref<16x32x128xf32, #tpu.memory_space<vmem>> -> memref<1x32x128xf32, #tpu.memory_space<vmem>>
      %dma_start3A_196 = tpu.memref_squeeze %dma_start3A_195 : memref<1x32x128xf32, #tpu.memory_space<vmem>> -> memref<32x128xf32, #tpu.memory_space<vmem>>
      %dma_start3A_197 = arith.constant 0 : i32
      %dma_start3A_198 = tpu.memref_slice %arg5[%dma_start3A_197, %multiple_of3A_185] : memref<32x1000000xf32, #tpu.memory_space<hbm>> -> memref<32x128xf32, #tpu.memory_space<hbm>>
      tpu.enqueue_dma source(%dma_start3A_198 : memref<32x128xf32, #tpu.memory_space<hbm>>) target(%dma_start3A_196 : memref<32x128xf32, #tpu.memory_space<vmem>>) target_semaphore(%arg15 : memref<!tpu.dma_semaphore, #tpu.memory_space<semaphore_mem>>)
      %slice3A_199 = vector.extract_strided_slice %shift_left3A_55 {offsets = [8], sizes = [1], strides = [1]} : vector<16xi32> to vector<1xi32>
      %squeeze3A_200 = vector.extract %slice3A_199[0] : i32 from vector<1xi32>
      %multiple_of3A_201 = tpu.assume_multiple %squeeze3A_200, 128 : i32
      %dma_start3A_202 = arith.constant 8 : i32
      %dma_start3A_203 = arith.constant 0 : i32
      %dma_start3A_204 = arith.constant 0 : i32
      %dma_start3A_205 = tpu.memref_slice %arg11[%dma_start3A_202, %dma_start3A_203, %dma_start3A_204] : memref<16x32x128xf32, #tpu.memory_space<vmem>> -> memref<1x32x128xf32, #tpu.memory_space<vmem>>
      %dma_start3A_206 = tpu.memref_squeeze %dma_start3A_205 : memref<1x32x128xf32, #tpu.memory_space<vmem>> -> memref<32x128xf32, #tpu.memory_space<vmem>>
      %dma_start3A_207 = arith.constant 0 : i32
      %dma_start3A_208 = tpu.memref_slice %arg5[%dma_start3A_207, %multiple_of3A_201] : memref<32x1000000xf32, #tpu.memory_space<hbm>> -> memref<32x128xf32, #tpu.memory_space<hbm>>
      %dma_start3A_209 = arith.constant 0 : i32
      %dma_start3A_210 = arith.constant 0 : i32
      %dma_start3A_211 = tpu.memref_slice %arg11[%dma_start3A_202, %dma_start3A_209, %dma_start3A_210] : memref<16x32x128xf32, #tpu.memory_space<vmem>> -> memref<1x32x128xf32, #tpu.memory_space<vmem>>
      %dma_start3A_212 = tpu.memref_squeeze %dma_start3A_211 : memref<1x32x128xf32, #tpu.memory_space<vmem>> -> memref<32x128xf32, #tpu.memory_space<vmem>>
      %dma_start3A_213 = arith.constant 0 : i32
      %dma_start3A_214 = tpu.memref_slice %arg5[%dma_start3A_213, %multiple_of3A_201] : memref<32x1000000xf32, #tpu.memory_space<hbm>> -> memref<32x128xf32, #tpu.memory_space<hbm>>
      tpu.enqueue_dma source(%dma_start3A_214 : memref<32x128xf32, #tpu.memory_space<hbm>>) target(%dma_start3A_212 : memref<32x128xf32, #tpu.memory_space<vmem>>) target_semaphore(%arg15 : memref<!tpu.dma_semaphore, #tpu.memory_space<semaphore_mem>>)
      %slice3A_215 = vector.extract_strided_slice %shift_left3A_55 {offsets = [9], sizes = [1], strides = [1]} : vector<16xi32> to vector<1xi32>
      %squeeze3A_216 = vector.extract %slice3A_215[0] : i32 from vector<1xi32>
      %multiple_of3A_217 = tpu.assume_multiple %squeeze3A_216, 128 : i32
      %dma_start3A_218 = arith.constant 9 : i32
      %dma_start3A_219 = arith.constant 0 : i32
      %dma_start3A_220 = arith.constant 0 : i32
      %dma_start3A_221 = tpu.memref_slice %arg11[%dma_start3A_218, %dma_start3A_219, %dma_start3A_220] : memref<16x32x128xf32, #tpu.memory_space<vmem>> -> memref<1x32x128xf32, #tpu.memory_space<vmem>>
      %dma_start3A_222 = tpu.memref_squeeze %dma_start3A_221 : memref<1x32x128xf32, #tpu.memory_space<vmem>> -> memref<32x128xf32, #tpu.memory_space<vmem>>
      %dma_start3A_223 = arith.constant 0 : i32
      %dma_start3A_224 = tpu.memref_slice %arg5[%dma_start3A_223, %multiple_of3A_217] : memref<32x1000000xf32, #tpu.memory_space<hbm>> -> memref<32x128xf32, #tpu.memory_space<hbm>>
      %dma_start3A_225 = arith.constant 0 : i32
      %dma_start3A_226 = arith.constant 0 : i32
      %dma_start3A_227 = tpu.memref_slice %arg11[%dma_start3A_218, %dma_start3A_225, %dma_start3A_226] : memref<16x32x128xf32, #tpu.memory_space<vmem>> -> memref<1x32x128xf32, #tpu.memory_space<vmem>>
      %dma_start3A_228 = tpu.memref_squeeze %dma_start3A_227 : memref<1x32x128xf32, #tpu.memory_space<vmem>> -> memref<32x128xf32, #tpu.memory_space<vmem>>
      %dma_start3A_229 = arith.constant 0 : i32
      %dma_start3A_230 = tpu.memref_slice %arg5[%dma_start3A_229, %multiple_of3A_217] : memref<32x1000000xf32, #tpu.memory_space<hbm>> -> memref<32x128xf32, #tpu.memory_space<hbm>>
      tpu.enqueue_dma source(%dma_start3A_230 : memref<32x128xf32, #tpu.memory_space<hbm>>) target(%dma_start3A_228 : memref<32x128xf32, #tpu.memory_space<vmem>>) target_semaphore(%arg15 : memref<!tpu.dma_semaphore, #tpu.memory_space<semaphore_mem>>)
      %slice3A_231 = vector.extract_strided_slice %shift_left3A_55 {offsets = [10], sizes = [1], strides = [1]} : vector<16xi32> to vector<1xi32>
      %squeeze3A_232 = vector.extract %slice3A_231[0] : i32 from vector<1xi32>
      %multiple_of3A_233 = tpu.assume_multiple %squeeze3A_232, 128 : i32
      %dma_start3A_234 = arith.constant 10 : i32
      %dma_start3A_235 = arith.constant 0 : i32
      %dma_start3A_236 = arith.constant 0 : i32
      %dma_start3A_237 = tpu.memref_slice %arg11[%dma_start3A_234, %dma_start3A_235, %dma_start3A_236] : memref<16x32x128xf32, #tpu.memory_space<vmem>> -> memref<1x32x128xf32, #tpu.memory_space<vmem>>
      %dma_start3A_238 = tpu.memref_squeeze %dma_start3A_237 : memref<1x32x128xf32, #tpu.memory_space<vmem>> -> memref<32x128xf32, #tpu.memory_space<vmem>>
      %dma_start3A_239 = arith.constant 0 : i32
      %dma_start3A_240 = tpu.memref_slice %arg5[%dma_start3A_239, %multiple_of3A_233] : memref<32x1000000xf32, #tpu.memory_space<hbm>> -> memref<32x128xf32, #tpu.memory_space<hbm>>
      %dma_start3A_241 = arith.constant 0 : i32
      %dma_start3A_242 = arith.constant 0 : i32
      %dma_start3A_243 = tpu.memref_slice %arg11[%dma_start3A_234, %dma_start3A_241, %dma_start3A_242] : memref<16x32x128xf32, #tpu.memory_space<vmem>> -> memref<1x32x128xf32, #tpu.memory_space<vmem>>
      %dma_start3A_244 = tpu.memref_squeeze %dma_start3A_243 : memref<1x32x128xf32, #tpu.memory_space<vmem>> -> memref<32x128xf32, #tpu.memory_space<vmem>>
      %dma_start3A_245 = arith.constant 0 : i32
      %dma_start3A_246 = tpu.memref_slice %arg5[%dma_start3A_245, %multiple_of3A_233] : memref<32x1000000xf32, #tpu.memory_space<hbm>> -> memref<32x128xf32, #tpu.memory_space<hbm>>
      tpu.enqueue_dma source(%dma_start3A_246 : memref<32x128xf32, #tpu.memory_space<hbm>>) target(%dma_start3A_244 : memref<32x128xf32, #tpu.memory_space<vmem>>) target_semaphore(%arg15 : memref<!tpu.dma_semaphore, #tpu.memory_space<semaphore_mem>>)
      %slice3A_247 = vector.extract_strided_slice %shift_left3A_55 {offsets = [11], sizes = [1], strides = [1]} : vector<16xi32> to vector<1xi32>
      %squeeze3A_248 = vector.extract %slice3A_247[0] : i32 from vector<1xi32>
      %multiple_of3A_249 = tpu.assume_multiple %squeeze3A_248, 128 : i32
      %dma_start3A_250 = arith.constant 11 : i32
      %dma_start3A_251 = arith.constant 0 : i32
      %dma_start3A_252 = arith.constant 0 : i32
      %dma_start3A_253 = tpu.memref_slice %arg11[%dma_start3A_250, %dma_start3A_251, %dma_start3A_252] : memref<16x32x128xf32, #tpu.memory_space<vmem>> -> memref<1x32x128xf32, #tpu.memory_space<vmem>>
      %dma_start3A_254 = tpu.memref_squeeze %dma_start3A_253 : memref<1x32x128xf32, #tpu.memory_space<vmem>> -> memref<32x128xf32, #tpu.memory_space<vmem>>
      %dma_start3A_255 = arith.constant 0 : i32
      %dma_start3A_256 = tpu.memref_slice %arg5[%dma_start3A_255, %multiple_of3A_249] : memref<32x1000000xf32, #tpu.memory_space<hbm>> -> memref<32x128xf32, #tpu.memory_space<hbm>>
      %dma_start3A_257 = arith.constant 0 : i32
      %dma_start3A_258 = arith.constant 0 : i32
      %dma_start3A_259 = tpu.memref_slice %arg11[%dma_start3A_250, %dma_start3A_257, %dma_start3A_258] : memref<16x32x128xf32, #tpu.memory_space<vmem>> -> memref<1x32x128xf32, #tpu.memory_space<vmem>>
      %dma_start3A_260 = tpu.memref_squeeze %dma_start3A_259 : memref<1x32x128xf32, #tpu.memory_space<vmem>> -> memref<32x128xf32, #tpu.memory_space<vmem>>
      %dma_start3A_261 = arith.constant 0 : i32
      %dma_start3A_262 = tpu.memref_slice %arg5[%dma_start3A_261, %multiple_of3A_249] : memref<32x1000000xf32, #tpu.memory_space<hbm>> -> memref<32x128xf32, #tpu.memory_space<hbm>>
      tpu.enqueue_dma source(%dma_start3A_262 : memref<32x128xf32, #tpu.memory_space<hbm>>) target(%dma_start3A_260 : memref<32x128xf32, #tpu.memory_space<vmem>>) target_semaphore(%arg15 : memref<!tpu.dma_semaphore, #tpu.memory_space<semaphore_mem>>)
      %slice3A_263 = vector.extract_strided_slice %shift_left3A_55 {offsets = [12], sizes = [1], strides = [1]} : vector<16xi32> to vector<1xi32>
      %squeeze3A_264 = vector.extract %slice3A_263[0] : i32 from vector<1xi32>
      %multiple_of3A_265 = tpu.assume_multiple %squeeze3A_264, 128 : i32
      %dma_start3A_266 = arith.constant 12 : i32
      %dma_start3A_267 = arith.constant 0 : i32
      %dma_start3A_268 = arith.constant 0 : i32
      %dma_start3A_269 = tpu.memref_slice %arg11[%dma_start3A_266, %dma_start3A_267, %dma_start3A_268] : memref<16x32x128xf32, #tpu.memory_space<vmem>> -> memref<1x32x128xf32, #tpu.memory_space<vmem>>
      %dma_start3A_270 = tpu.memref_squeeze %dma_start3A_269 : memref<1x32x128xf32, #tpu.memory_space<vmem>> -> memref<32x128xf32, #tpu.memory_space<vmem>>
      %dma_start3A_271 = arith.constant 0 : i32
      %dma_start3A_272 = tpu.memref_slice %arg5[%dma_start3A_271, %multiple_of3A_265] : memref<32x1000000xf32, #tpu.memory_space<hbm>> -> memref<32x128xf32, #tpu.memory_space<hbm>>
      %dma_start3A_273 = arith.constant 0 : i32
      %dma_start3A_274 = arith.constant 0 : i32
      %dma_start3A_275 = tpu.memref_slice %arg11[%dma_start3A_266, %dma_start3A_273, %dma_start3A_274] : memref<16x32x128xf32, #tpu.memory_space<vmem>> -> memref<1x32x128xf32, #tpu.memory_space<vmem>>
      %dma_start3A_276 = tpu.memref_squeeze %dma_start3A_275 : memref<1x32x128xf32, #tpu.memory_space<vmem>> -> memref<32x128xf32, #tpu.memory_space<vmem>>
      %dma_start3A_277 = arith.constant 0 : i32
      %dma_start3A_278 = tpu.memref_slice %arg5[%dma_start3A_277, %multiple_of3A_265] : memref<32x1000000xf32, #tpu.memory_space<hbm>> -> memref<32x128xf32, #tpu.memory_space<hbm>>
      tpu.enqueue_dma source(%dma_start3A_278 : memref<32x128xf32, #tpu.memory_space<hbm>>) target(%dma_start3A_276 : memref<32x128xf32, #tpu.memory_space<vmem>>) target_semaphore(%arg15 : memref<!tpu.dma_semaphore, #tpu.memory_space<semaphore_mem>>)
      %slice3A_279 = vector.extract_strided_slice %shift_left3A_55 {offsets = [13], sizes = [1], strides = [1]} : vector<16xi32> to vector<1xi32>
      %squeeze3A_280 = vector.extract %slice3A_279[0] : i32 from vector<1xi32>
      %multiple_of3A_281 = tpu.assume_multiple %squeeze3A_280, 128 : i32
      %dma_start3A_282 = arith.constant 13 : i32
      %dma_start3A_283 = arith.constant 0 : i32
      %dma_start3A_284 = arith.constant 0 : i32
      %dma_start3A_285 = tpu.memref_slice %arg11[%dma_start3A_282, %dma_start3A_283, %dma_start3A_284] : memref<16x32x128xf32, #tpu.memory_space<vmem>> -> memref<1x32x128xf32, #tpu.memory_space<vmem>>
      %dma_start3A_286 = tpu.memref_squeeze %dma_start3A_285 : memref<1x32x128xf32, #tpu.memory_space<vmem>> -> memref<32x128xf32, #tpu.memory_space<vmem>>
      %dma_start3A_287 = arith.constant 0 : i32
      %dma_start3A_288 = tpu.memref_slice %arg5[%dma_start3A_287, %multiple_of3A_281] : memref<32x1000000xf32, #tpu.memory_space<hbm>> -> memref<32x128xf32, #tpu.memory_space<hbm>>
      %dma_start3A_289 = arith.constant 0 : i32
      %dma_start3A_290 = arith.constant 0 : i32
      %dma_start3A_291 = tpu.memref_slice %arg11[%dma_start3A_282, %dma_start3A_289, %dma_start3A_290] : memref<16x32x128xf32, #tpu.memory_space<vmem>> -> memref<1x32x128xf32, #tpu.memory_space<vmem>>
      %dma_start3A_292 = tpu.memref_squeeze %dma_start3A_291 : memref<1x32x128xf32, #tpu.memory_space<vmem>> -> memref<32x128xf32, #tpu.memory_space<vmem>>
      %dma_start3A_293 = arith.constant 0 : i32
      %dma_start3A_294 = tpu.memref_slice %arg5[%dma_start3A_293, %multiple_of3A_281] : memref<32x1000000xf32, #tpu.memory_space<hbm>> -> memref<32x128xf32, #tpu.memory_space<hbm>>
      tpu.enqueue_dma source(%dma_start3A_294 : memref<32x128xf32, #tpu.memory_space<hbm>>) target(%dma_start3A_292 : memref<32x128xf32, #tpu.memory_space<vmem>>) target_semaphore(%arg15 : memref<!tpu.dma_semaphore, #tpu.memory_space<semaphore_mem>>)
      %slice3A_295 = vector.extract_strided_slice %shift_left3A_55 {offsets = [14], sizes = [1], strides = [1]} : vector<16xi32> to vector<1xi32>
      %squeeze3A_296 = vector.extract %slice3A_295[0] : i32 from vector<1xi32>
      %multiple_of3A_297 = tpu.assume_multiple %squeeze3A_296, 128 : i32
      %dma_start3A_298 = arith.constant 14 : i32
      %dma_start3A_299 = arith.constant 0 : i32
      %dma_start3A_300 = arith.constant 0 : i32
      %dma_start3A_301 = tpu.memref_slice %arg11[%dma_start3A_298, %dma_start3A_299, %dma_start3A_300] : memref<16x32x128xf32, #tpu.memory_space<vmem>> -> memref<1x32x128xf32, #tpu.memory_space<vmem>>
      %dma_start3A_302 = tpu.memref_squeeze %dma_start3A_301 : memref<1x32x128xf32, #tpu.memory_space<vmem>> -> memref<32x128xf32, #tpu.memory_space<vmem>>
      %dma_start3A_303 = arith.constant 0 : i32
      %dma_start3A_304 = tpu.memref_slice %arg5[%dma_start3A_303, %multiple_of3A_297] : memref<32x1000000xf32, #tpu.memory_space<hbm>> -> memref<32x128xf32, #tpu.memory_space<hbm>>
      %dma_start3A_305 = arith.constant 0 : i32
      %dma_start3A_306 = arith.constant 0 : i32
      %dma_start3A_307 = tpu.memref_slice %arg11[%dma_start3A_298, %dma_start3A_305, %dma_start3A_306] : memref<16x32x128xf32, #tpu.memory_space<vmem>> -> memref<1x32x128xf32, #tpu.memory_space<vmem>>
      %dma_start3A_308 = tpu.memref_squeeze %dma_start3A_307 : memref<1x32x128xf32, #tpu.memory_space<vmem>> -> memref<32x128xf32, #tpu.memory_space<vmem>>
      %dma_start3A_309 = arith.constant 0 : i32
      %dma_start3A_310 = tpu.memref_slice %arg5[%dma_start3A_309, %multiple_of3A_297] : memref<32x1000000xf32, #tpu.memory_space<hbm>> -> memref<32x128xf32, #tpu.memory_space<hbm>>
      tpu.enqueue_dma source(%dma_start3A_310 : memref<32x128xf32, #tpu.memory_space<hbm>>) target(%dma_start3A_308 : memref<32x128xf32, #tpu.memory_space<vmem>>) target_semaphore(%arg15 : memref<!tpu.dma_semaphore, #tpu.memory_space<semaphore_mem>>)
      %slice3A_311 = vector.extract_strided_slice %shift_left3A_55 {offsets = [15], sizes = [1], strides = [1]} : vector<16xi32> to vector<1xi32>
      %squeeze3A_312 = vector.extract %slice3A_311[0] : i32 from vector<1xi32>
      %multiple_of3A_313 = tpu.assume_multiple %squeeze3A_312, 128 : i32
      %dma_start3A_314 = arith.constant 15 : i32
      %dma_start3A_315 = arith.constant 0 : i32
      %dma_start3A_316 = arith.constant 0 : i32
      %dma_start3A_317 = tpu.memref_slice %arg11[%dma_start3A_314, %dma_start3A_315, %dma_start3A_316] : memref<16x32x128xf32, #tpu.memory_space<vmem>> -> memref<1x32x128xf32, #tpu.memory_space<vmem>>
      %dma_start3A_318 = tpu.memref_squeeze %dma_start3A_317 : memref<1x32x128xf32, #tpu.memory_space<vmem>> -> memref<32x128xf32, #tpu.memory_space<vmem>>
      %dma_start3A_319 = arith.constant 0 : i32
      %dma_start3A_320 = tpu.memref_slice %arg5[%dma_start3A_319, %multiple_of3A_313] : memref<32x1000000xf32, #tpu.memory_space<hbm>> -> memref<32x128xf32, #tpu.memory_space<hbm>>
      %dma_start3A_321 = arith.constant 0 : i32
      %dma_start3A_322 = arith.constant 0 : i32
      %dma_start3A_323 = tpu.memref_slice %arg11[%dma_start3A_314, %dma_start3A_321, %dma_start3A_322] : memref<16x32x128xf32, #tpu.memory_space<vmem>> -> memref<1x32x128xf32, #tpu.memory_space<vmem>>
      %dma_start3A_324 = tpu.memref_squeeze %dma_start3A_323 : memref<1x32x128xf32, #tpu.memory_space<vmem>> -> memref<32x128xf32, #tpu.memory_space<vmem>>
      %dma_start3A_325 = arith.constant 0 : i32
      %dma_start3A_326 = tpu.memref_slice %arg5[%dma_start3A_325, %multiple_of3A_313] : memref<32x1000000xf32, #tpu.memory_space<hbm>> -> memref<32x128xf32, #tpu.memory_space<hbm>>
      tpu.enqueue_dma source(%dma_start3A_326 : memref<32x128xf32, #tpu.memory_space<hbm>>) target(%dma_start3A_324 : memref<32x128xf32, #tpu.memory_space<vmem>>) target_semaphore(%arg15 : memref<!tpu.dma_semaphore, #tpu.memory_space<semaphore_mem>>)
      %scan3A_327 = arith.constant 0 : i32
      %scan3A_328 = arith.constant 0 : i32
      %scan3A_329 = arith.constant 16 : i32
      %scan3A_330 = arith.addi %scan3A_328, %scan3A_329 : i32
      %scan3A_331 = arith.constant 2 : i32
      scf.for %scan3A_717 = %scan3A_328 to %scan3A_330 step %scan3A_331  : i32 {
        %dma_wait3A_718 = arith.constant 0 : i32
        %dma_wait3A_719 = arith.constant 0 : i32
        %dma_wait3A_720 = tpu.memref_slice %arg11[%scan3A_717, %dma_wait3A_718, %dma_wait3A_719] : memref<16x32x128xf32, #tpu.memory_space<vmem>> -> memref<1x32x128xf32, #tpu.memory_space<vmem>>
        %dma_wait3A_721 = tpu.memref_squeeze %dma_wait3A_720 : memref<1x32x128xf32, #tpu.memory_space<vmem>> -> memref<32x128xf32, #tpu.memory_space<vmem>>
        %dma_wait3A_722 = arith.constant 0 : i32
        %dma_wait3A_723 = arith.constant 0 : i32
        %dma_wait3A_724 = tpu.memref_slice %arg5[%dma_wait3A_722, %dma_wait3A_723] : memref<32x1000000xf32, #tpu.memory_space<hbm>> -> memref<32x128xf32, #tpu.memory_space<hbm>>
        %dma_wait3A_725 = arith.constant 0 : i32
        %dma_wait3A_726 = arith.constant 0 : i32
        %dma_wait3A_727 = tpu.memref_slice %arg11[%scan3A_717, %dma_wait3A_725, %dma_wait3A_726] : memref<16x32x128xf32, #tpu.memory_space<vmem>> -> memref<1x32x128xf32, #tpu.memory_space<vmem>>
        %dma_wait3A_728 = tpu.memref_squeeze %dma_wait3A_727 : memref<1x32x128xf32, #tpu.memory_space<vmem>> -> memref<32x128xf32, #tpu.memory_space<vmem>>
        %dma_wait3A_729 = arith.constant 0 : i32
        %dma_wait3A_730 = arith.constant 0 : i32
        %dma_wait3A_731 = tpu.memref_slice %arg5[%dma_wait3A_729, %dma_wait3A_730] : memref<32x1000000xf32, #tpu.memory_space<hbm>> -> memref<32x128xf32, #tpu.memory_space<hbm>>
        tpu.wait_dma2 semaphore(%arg15 : memref<!tpu.dma_semaphore, #tpu.memory_space<semaphore_mem>>) src(%dma_wait3A_731 : memref<32x128xf32, #tpu.memory_space<hbm>>) dst(%dma_wait3A_728 : memref<32x128xf32, #tpu.memory_space<vmem>>)
        %scan3A_732 = arith.constant 1 : i32
        %scan3A_733 = arith.addi %scan3A_717, %scan3A_732 : i32
        %dma_wait3A_734 = arith.constant 0 : i32
        %dma_wait3A_735 = arith.constant 0 : i32
        %dma_wait3A_736 = tpu.memref_slice %arg11[%scan3A_733, %dma_wait3A_734, %dma_wait3A_735] : memref<16x32x128xf32, #tpu.memory_space<vmem>> -> memref<1x32x128xf32, #tpu.memory_space<vmem>>
        %dma_wait3A_737 = tpu.memref_squeeze %dma_wait3A_736 : memref<1x32x128xf32, #tpu.memory_space<vmem>> -> memref<32x128xf32, #tpu.memory_space<vmem>>
        %dma_wait3A_738 = arith.constant 0 : i32
        %dma_wait3A_739 = arith.constant 0 : i32
        %dma_wait3A_740 = tpu.memref_slice %arg5[%dma_wait3A_738, %dma_wait3A_739] : memref<32x1000000xf32, #tpu.memory_space<hbm>> -> memref<32x128xf32, #tpu.memory_space<hbm>>
        %dma_wait3A_741 = arith.constant 0 : i32
        %dma_wait3A_742 = arith.constant 0 : i32
        %dma_wait3A_743 = tpu.memref_slice %arg11[%scan3A_733, %dma_wait3A_741, %dma_wait3A_742] : memref<16x32x128xf32, #tpu.memory_space<vmem>> -> memref<1x32x128xf32, #tpu.memory_space<vmem>>
        %dma_wait3A_744 = tpu.memref_squeeze %dma_wait3A_743 : memref<1x32x128xf32, #tpu.memory_space<vmem>> -> memref<32x128xf32, #tpu.memory_space<vmem>>
        %dma_wait3A_745 = arith.constant 0 : i32
        %dma_wait3A_746 = arith.constant 0 : i32
        %dma_wait3A_747 = tpu.memref_slice %arg5[%dma_wait3A_745, %dma_wait3A_746] : memref<32x1000000xf32, #tpu.memory_space<hbm>> -> memref<32x128xf32, #tpu.memory_space<hbm>>
        tpu.wait_dma2 semaphore(%arg15 : memref<!tpu.dma_semaphore, #tpu.memory_space<semaphore_mem>>) src(%dma_wait3A_747 : memref<32x128xf32, #tpu.memory_space<hbm>>) dst(%dma_wait3A_744 : memref<32x128xf32, #tpu.memory_space<vmem>>)
      }
      %scan3A_332 = arith.constant 16 : i32
      %broadcast_in_dim3A_333 = arith.constant 0 : i32
      %broadcast_in_dim3A_334 = vector.broadcast %broadcast_in_dim3A_333 : i32 to vector<16xi32>
      %gather3A = tpu.vector_load_idx %arg11[%iota3A, %broadcast_in_dim3A_334, %and3A_57] : memref<16x32x128xf32, #tpu.memory_space<vmem>>[vector<16xi32>, vector<16xi32>, vector<16xi32>], vector<16xf32>,
      %add3A_335 = arith.constant 0 : i32
      %add3A_336 = vector.broadcast %add3A_335 : i32 to vector<16xi32>
      %add3A_337 = arith.addi %shift_left3A_72, %add3A_336 : vector<16xi32>
      %gather3A_338 = tpu.vector_load_idx %arg13[%add3A_62, %add3A_337] : memref<256x128xi32, #tpu.memory_space<vmem>>[vector<16xi32>, vector<16xi32>], vector<16xi32>,
      %bitcast3A = vector.bitcast %gather3A_338 : vector<16xi32> to vector<32xbf16>
      %unpack3A = tpu.unpack_subelements %bitcast3A, 0 {pack_format = #tpu.pack_format<interleaved>} : vector<32xbf16> -> vector<16xf32>
      %unpack3A_339 = tpu.unpack_subelements %bitcast3A, 1 {pack_format = #tpu.pack_format<interleaved>} : vector<32xbf16> -> vector<16xf32>
      %mul3A_340 = arith.mulf %unpack3A, %gather3A : vector<16xf32>
      %add3A_341 = arith.addf %broadcast_in_dim3A_73, %mul3A_340 : vector<16xf32>
      %broadcast_in_dim3A_342 = arith.constant 1 : i32
      %broadcast_in_dim3A_343 = vector.broadcast %broadcast_in_dim3A_342 : i32 to vector<16xi32>
      %gather3A_344 = tpu.vector_load_idx %arg11[%iota3A, %broadcast_in_dim3A_343, %and3A_57] : memref<16x32x128xf32, #tpu.memory_space<vmem>>[vector<16xi32>, vector<16xi32>, vector<16xi32>], vector<16xf32>,
      %add3A_345 = arith.constant 1 : i32
      %add3A_346 = vector.broadcast %add3A_345 : i32 to vector<16xi32>
      %add3A_347 = arith.addi %shift_left3A_72, %add3A_346 : vector<16xi32>
      %gather3A_348 = tpu.vector_load_idx %arg13[%add3A_62, %add3A_347] : memref<256x128xi32, #tpu.memory_space<vmem>>[vector<16xi32>, vector<16xi32>], vector<16xi32>,
      %bitcast3A_349 = vector.bitcast %gather3A_348 : vector<16xi32> to vector<32xbf16>
      %unpack3A_350 = tpu.unpack_subelements %bitcast3A_349, 0 {pack_format = #tpu.pack_format<interleaved>} : vector<32xbf16> -> vector<16xf32>
      %unpack3A_351 = tpu.unpack_subelements %bitcast3A_349, 1 {pack_format = #tpu.pack_format<interleaved>} : vector<32xbf16> -> vector<16xf32>
      %mul3A_352 = arith.mulf %unpack3A_350, %gather3A_344 : vector<16xf32>
      %add3A_353 = arith.addf %add3A_341, %mul3A_352 : vector<16xf32>
      %broadcast_in_dim3A_354 = arith.constant 2 : i32
      %broadcast_in_dim3A_355 = vector.broadcast %broadcast_in_dim3A_354 : i32 to vector<16xi32>
      %gather3A_356 = tpu.vector_load_idx %arg11[%iota3A, %broadcast_in_dim3A_355, %and3A_57] : memref<16x32x128xf32, #tpu.memory_space<vmem>>[vector<16xi32>, vector<16xi32>, vector<16xi32>], vector<16xf32>,
      %add3A_357 = arith.constant 2 : i32
      %add3A_358 = vector.broadcast %add3A_357 : i32 to vector<16xi32>
      %add3A_359 = arith.addi %shift_left3A_72, %add3A_358 : vector<16xi32>
      %gather3A_360 = tpu.vector_load_idx %arg13[%add3A_62, %add3A_359] : memref<256x128xi32, #tpu.memory_space<vmem>>[vector<16xi32>, vector<16xi32>], vector<16xi32>,
      %bitcast3A_361 = vector.bitcast %gather3A_360 : vector<16xi32> to vector<32xbf16>
      %unpack3A_362 = tpu.unpack_subelements %bitcast3A_361, 0 {pack_format = #tpu.pack_format<interleaved>} : vector<32xbf16> -> vector<16xf32>
      %unpack3A_363 = tpu.unpack_subelements %bitcast3A_361, 1 {pack_format = #tpu.pack_format<interleaved>} : vector<32xbf16> -> vector<16xf32>
      %mul3A_364 = arith.mulf %unpack3A_362, %gather3A_356 : vector<16xf32>
      %add3A_365 = arith.addf %add3A_353, %mul3A_364 : vector<16xf32>
      %broadcast_in_dim3A_366 = arith.constant 3 : i32
      %broadcast_in_dim3A_367 = vector.broadcast %broadcast_in_dim3A_366 : i32 to vector<16xi32>
      %gather3A_368 = tpu.vector_load_idx %arg11[%iota3A, %broadcast_in_dim3A_367, %and3A_57] : memref<16x32x128xf32, #tpu.memory_space<vmem>>[vector<16xi32>, vector<16xi32>, vector<16xi32>], vector<16xf32>,
      %add3A_369 = arith.constant 3 : i32
      %add3A_370 = vector.broadcast %add3A_369 : i32 to vector<16xi32>
      %add3A_371 = arith.addi %shift_left3A_72, %add3A_370 : vector<16xi32>
      %gather3A_372 = tpu.vector_load_idx %arg13[%add3A_62, %add3A_371] : memref<256x128xi32, #tpu.memory_space<vmem>>[vector<16xi32>, vector<16xi32>], vector<16xi32>,
      %bitcast3A_373 = vector.bitcast %gather3A_372 : vector<16xi32> to vector<32xbf16>
      %unpack3A_374 = tpu.unpack_subelements %bitcast3A_373, 0 {pack_format = #tpu.pack_format<interleaved>} : vector<32xbf16> -> vector<16xf32>
      %unpack3A_375 = tpu.unpack_subelements %bitcast3A_373, 1 {pack_format = #tpu.pack_format<interleaved>} : vector<32xbf16> -> vector<16xf32>
      %mul3A_376 = arith.mulf %unpack3A_374, %gather3A_368 : vector<16xf32>
      %add3A_377 = arith.addf %add3A_365, %mul3A_376 : vector<16xf32>
      %broadcast_in_dim3A_378 = arith.constant 4 : i32
      %broadcast_in_dim3A_379 = vector.broadcast %broadcast_in_dim3A_378 : i32 to vector<16xi32>
      %gather3A_380 = tpu.vector_load_idx %arg11[%iota3A, %broadcast_in_dim3A_379, %and3A_57] : memref<16x32x128xf32, #tpu.memory_space<vmem>>[vector<16xi32>, vector<16xi32>, vector<16xi32>], vector<16xf32>,
      %add3A_381 = arith.constant 4 : i32
      %add3A_382 = vector.broadcast %add3A_381 : i32 to vector<16xi32>
      %add3A_383 = arith.addi %shift_left3A_72, %add3A_382 : vector<16xi32>
      %gather3A_384 = tpu.vector_load_idx %arg13[%add3A_62, %add3A_383] : memref<256x128xi32, #tpu.memory_space<vmem>>[vector<16xi32>, vector<16xi32>], vector<16xi32>,
      %bitcast3A_385 = vector.bitcast %gather3A_384 : vector<16xi32> to vector<32xbf16>
      %unpack3A_386 = tpu.unpack_subelements %bitcast3A_385, 0 {pack_format = #tpu.pack_format<interleaved>} : vector<32xbf16> -> vector<16xf32>
      %unpack3A_387 = tpu.unpack_subelements %bitcast3A_385, 1 {pack_format = #tpu.pack_format<interleaved>} : vector<32xbf16> -> vector<16xf32>
      %mul3A_388 = arith.mulf %unpack3A_386, %gather3A_380 : vector<16xf32>
      %add3A_389 = arith.addf %add3A_377, %mul3A_388 : vector<16xf32>
      %broadcast_in_dim3A_390 = arith.constant 5 : i32
      %broadcast_in_dim3A_391 = vector.broadcast %broadcast_in_dim3A_390 : i32 to vector<16xi32>
      %gather3A_392 = tpu.vector_load_idx %arg11[%iota3A, %broadcast_in_dim3A_391, %and3A_57] : memref<16x32x128xf32, #tpu.memory_space<vmem>>[vector<16xi32>, vector<16xi32>, vector<16xi32>], vector<16xf32>,
      %add3A_393 = arith.constant 5 : i32
      %add3A_394 = vector.broadcast %add3A_393 : i32 to vector<16xi32>
      %add3A_395 = arith.addi %shift_left3A_72, %add3A_394 : vector<16xi32>
      %gather3A_396 = tpu.vector_load_idx %arg13[%add3A_62, %add3A_395] : memref<256x128xi32, #tpu.memory_space<vmem>>[vector<16xi32>, vector<16xi32>], vector<16xi32>,
      %bitcast3A_397 = vector.bitcast %gather3A_396 : vector<16xi32> to vector<32xbf16>
      %unpack3A_398 = tpu.unpack_subelements %bitcast3A_397, 0 {pack_format = #tpu.pack_format<interleaved>} : vector<32xbf16> -> vector<16xf32>
      %unpack3A_399 = tpu.unpack_subelements %bitcast3A_397, 1 {pack_format = #tpu.pack_format<interleaved>} : vector<32xbf16> -> vector<16xf32>
      %mul3A_400 = arith.mulf %unpack3A_398, %gather3A_392 : vector<16xf32>
      %add3A_401 = arith.addf %add3A_389, %mul3A_400 : vector<16xf32>
      %broadcast_in_dim3A_402 = arith.constant 6 : i32
      %broadcast_in_dim3A_403 = vector.broadcast %broadcast_in_dim3A_402 : i32 to vector<16xi32>
      %gather3A_404 = tpu.vector_load_idx %arg11[%iota3A, %broadcast_in_dim3A_403, %and3A_57] : memref<16x32x128xf32, #tpu.memory_space<vmem>>[vector<16xi32>, vector<16xi32>, vector<16xi32>], vector<16xf32>,
      %add3A_405 = arith.constant 6 : i32
      %add3A_406 = vector.broadcast %add3A_405 : i32 to vector<16xi32>
      %add3A_407 = arith.addi %shift_left3A_72, %add3A_406 : vector<16xi32>
      %gather3A_408 = tpu.vector_load_idx %arg13[%add3A_62, %add3A_407] : memref<256x128xi32, #tpu.memory_space<vmem>>[vector<16xi32>, vector<16xi32>], vector<16xi32>,
      %bitcast3A_409 = vector.bitcast %gather3A_408 : vector<16xi32> to vector<32xbf16>
      %unpack3A_410 = tpu.unpack_subelements %bitcast3A_409, 0 {pack_format = #tpu.pack_format<interleaved>} : vector<32xbf16> -> vector<16xf32>
      %unpack3A_411 = tpu.unpack_subelements %bitcast3A_409, 1 {pack_format = #tpu.pack_format<interleaved>} : vector<32xbf16> -> vector<16xf32>
      %mul3A_412 = arith.mulf %unpack3A_410, %gather3A_404 : vector<16xf32>
      %add3A_413 = arith.addf %add3A_401, %mul3A_412 : vector<16xf32>
      %broadcast_in_dim3A_414 = arith.constant 7 : i32
      %broadcast_in_dim3A_415 = vector.broadcast %broadcast_in_dim3A_414 : i32 to vector<16xi32>
      %gather3A_416 = tpu.vector_load_idx %arg11[%iota3A, %broadcast_in_dim3A_415, %and3A_57] : memref<16x32x128xf32, #tpu.memory_space<vmem>>[vector<16xi32>, vector<16xi32>, vector<16xi32>], vector<16xf32>,
      %add3A_417 = arith.constant 7 : i32
      %add3A_418 = vector.broadcast %add3A_417 : i32 to vector<16xi32>
      %add3A_419 = arith.addi %shift_left3A_72, %add3A_418 : vector<16xi32>
      %gather3A_420 = tpu.vector_load_idx %arg13[%add3A_62, %add3A_419] : memref<256x128xi32, #tpu.memory_space<vmem>>[vector<16xi32>, vector<16xi32>], vector<16xi32>,
      %bitcast3A_421 = vector.bitcast %gather3A_420 : vector<16xi32> to vector<32xbf16>
      %unpack3A_422 = tpu.unpack_subelements %bitcast3A_421, 0 {pack_format = #tpu.pack_format<interleaved>} : vector<32xbf16> -> vector<16xf32>
      %unpack3A_423 = tpu.unpack_subelements %bitcast3A_421, 1 {pack_format = #tpu.pack_format<interleaved>} : vector<32xbf16> -> vector<16xf32>
      %mul3A_424 = arith.mulf %unpack3A_422, %gather3A_416 : vector<16xf32>
      %add3A_425 = arith.addf %add3A_413, %mul3A_424 : vector<16xf32>
      %broadcast_in_dim3A_426 = arith.constant 8 : i32
      %broadcast_in_dim3A_427 = vector.broadcast %broadcast_in_dim3A_426 : i32 to vector<16xi32>
      %gather3A_428 = tpu.vector_load_idx %arg11[%iota3A, %broadcast_in_dim3A_427, %and3A_57] : memref<16x32x128xf32, #tpu.memory_space<vmem>>[vector<16xi32>, vector<16xi32>, vector<16xi32>], vector<16xf32>,
      %add3A_429 = arith.constant 8 : i32
      %add3A_430 = vector.broadcast %add3A_429 : i32 to vector<16xi32>
      %add3A_431 = arith.addi %shift_left3A_72, %add3A_430 : vector<16xi32>
      %gather3A_432 = tpu.vector_load_idx %arg13[%add3A_62, %add3A_431] : memref<256x128xi32, #tpu.memory_space<vmem>>[vector<16xi32>, vector<16xi32>], vector<16xi32>,
      %bitcast3A_433 = vector.bitcast %gather3A_432 : vector<16xi32> to vector<32xbf16>
      %unpack3A_434 = tpu.unpack_subelements %bitcast3A_433, 0 {pack_format = #tpu.pack_format<interleaved>} : vector<32xbf16> -> vector<16xf32>
      %unpack3A_435 = tpu.unpack_subelements %bitcast3A_433, 1 {pack_format = #tpu.pack_format<interleaved>} : vector<32xbf16> -> vector<16xf32>
      %mul3A_436 = arith.mulf %unpack3A_434, %gather3A_428 : vector<16xf32>
      %add3A_437 = arith.addf %add3A_425, %mul3A_436 : vector<16xf32>
      %broadcast_in_dim3A_438 = arith.constant 9 : i32
      %broadcast_in_dim3A_439 = vector.broadcast %broadcast_in_dim3A_438 : i32 to vector<16xi32>
      %gather3A_440 = tpu.vector_load_idx %arg11[%iota3A, %broadcast_in_dim3A_439, %and3A_57] : memref<16x32x128xf32, #tpu.memory_space<vmem>>[vector<16xi32>, vector<16xi32>, vector<16xi32>], vector<16xf32>,
      %add3A_441 = arith.constant 9 : i32
      %add3A_442 = vector.broadcast %add3A_441 : i32 to vector<16xi32>
      %add3A_443 = arith.addi %shift_left3A_72, %add3A_442 : vector<16xi32>
      %gather3A_444 = tpu.vector_load_idx %arg13[%add3A_62, %add3A_443] : memref<256x128xi32, #tpu.memory_space<vmem>>[vector<16xi32>, vector<16xi32>], vector<16xi32>,
      %bitcast3A_445 = vector.bitcast %gather3A_444 : vector<16xi32> to vector<32xbf16>
      %unpack3A_446 = tpu.unpack_subelements %bitcast3A_445, 0 {pack_format = #tpu.pack_format<interleaved>} : vector<32xbf16> -> vector<16xf32>
      %unpack3A_447 = tpu.unpack_subelements %bitcast3A_445, 1 {pack_format = #tpu.pack_format<interleaved>} : vector<32xbf16> -> vector<16xf32>
      %mul3A_448 = arith.mulf %unpack3A_446, %gather3A_440 : vector<16xf32>
      %add3A_449 = arith.addf %add3A_437, %mul3A_448 : vector<16xf32>
      %broadcast_in_dim3A_450 = arith.constant 10 : i32
      %broadcast_in_dim3A_451 = vector.broadcast %broadcast_in_dim3A_450 : i32 to vector<16xi32>
      %gather3A_452 = tpu.vector_load_idx %arg11[%iota3A, %broadcast_in_dim3A_451, %and3A_57] : memref<16x32x128xf32, #tpu.memory_space<vmem>>[vector<16xi32>, vector<16xi32>, vector<16xi32>], vector<16xf32>,
      %add3A_453 = arith.constant 10 : i32
      %add3A_454 = vector.broadcast %add3A_453 : i32 to vector<16xi32>
      %add3A_455 = arith.addi %shift_left3A_72, %add3A_454 : vector<16xi32>
      %gather3A_456 = tpu.vector_load_idx %arg13[%add3A_62, %add3A_455] : memref<256x128xi32, #tpu.memory_space<vmem>>[vector<16xi32>, vector<16xi32>], vector<16xi32>,
      %bitcast3A_457 = vector.bitcast %gather3A_456 : vector<16xi32> to vector<32xbf16>
      %unpack3A_458 = tpu.unpack_subelements %bitcast3A_457, 0 {pack_format = #tpu.pack_format<interleaved>} : vector<32xbf16> -> vector<16xf32>
      %unpack3A_459 = tpu.unpack_subelements %bitcast3A_457, 1 {pack_format = #tpu.pack_format<interleaved>} : vector<32xbf16> -> vector<16xf32>
      %mul3A_460 = arith.mulf %unpack3A_458, %gather3A_452 : vector<16xf32>
      %add3A_461 = arith.addf %add3A_449, %mul3A_460 : vector<16xf32>
      %broadcast_in_dim3A_462 = arith.constant 11 : i32
      %broadcast_in_dim3A_463 = vector.broadcast %broadcast_in_dim3A_462 : i32 to vector<16xi32>
      %gather3A_464 = tpu.vector_load_idx %arg11[%iota3A, %broadcast_in_dim3A_463, %and3A_57] : memref<16x32x128xf32, #tpu.memory_space<vmem>>[vector<16xi32>, vector<16xi32>, vector<16xi32>], vector<16xf32>,
      %add3A_465 = arith.constant 11 : i32
      %add3A_466 = vector.broadcast %add3A_465 : i32 to vector<16xi32>
      %add3A_467 = arith.addi %shift_left3A_72, %add3A_466 : vector<16xi32>
      %gather3A_468 = tpu.vector_load_idx %arg13[%add3A_62, %add3A_467] : memref<256x128xi32, #tpu.memory_space<vmem>>[vector<16xi32>, vector<16xi32>], vector<16xi32>,
      %bitcast3A_469 = vector.bitcast %gather3A_468 : vector<16xi32> to vector<32xbf16>
      %unpack3A_470 = tpu.unpack_subelements %bitcast3A_469, 0 {pack_format = #tpu.pack_format<interleaved>} : vector<32xbf16> -> vector<16xf32>
      %unpack3A_471 = tpu.unpack_subelements %bitcast3A_469, 1 {pack_format = #tpu.pack_format<interleaved>} : vector<32xbf16> -> vector<16xf32>
      %mul3A_472 = arith.mulf %unpack3A_470, %gather3A_464 : vector<16xf32>
      %add3A_473 = arith.addf %add3A_461, %mul3A_472 : vector<16xf32>
      %broadcast_in_dim3A_474 = arith.constant 12 : i32
      %broadcast_in_dim3A_475 = vector.broadcast %broadcast_in_dim3A_474 : i32 to vector<16xi32>
      %gather3A_476 = tpu.vector_load_idx %arg11[%iota3A, %broadcast_in_dim3A_475, %and3A_57] : memref<16x32x128xf32, #tpu.memory_space<vmem>>[vector<16xi32>, vector<16xi32>, vector<16xi32>], vector<16xf32>,
      %add3A_477 = arith.constant 12 : i32
      %add3A_478 = vector.broadcast %add3A_477 : i32 to vector<16xi32>
      %add3A_479 = arith.addi %shift_left3A_72, %add3A_478 : vector<16xi32>
      %gather3A_480 = tpu.vector_load_idx %arg13[%add3A_62, %add3A_479] : memref<256x128xi32, #tpu.memory_space<vmem>>[vector<16xi32>, vector<16xi32>], vector<16xi32>,
      %bitcast3A_481 = vector.bitcast %gather3A_480 : vector<16xi32> to vector<32xbf16>
      %unpack3A_482 = tpu.unpack_subelements %bitcast3A_481, 0 {pack_format = #tpu.pack_format<interleaved>} : vector<32xbf16> -> vector<16xf32>
      %unpack3A_483 = tpu.unpack_subelements %bitcast3A_481, 1 {pack_format = #tpu.pack_format<interleaved>} : vector<32xbf16> -> vector<16xf32>
      %mul3A_484 = arith.mulf %unpack3A_482, %gather3A_476 : vector<16xf32>
      %add3A_485 = arith.addf %add3A_473, %mul3A_484 : vector<16xf32>
      %broadcast_in_dim3A_486 = arith.constant 13 : i32
      %broadcast_in_dim3A_487 = vector.broadcast %broadcast_in_dim3A_486 : i32 to vector<16xi32>
      %gather3A_488 = tpu.vector_load_idx %arg11[%iota3A, %broadcast_in_dim3A_487, %and3A_57] : memref<16x32x128xf32, #tpu.memory_space<vmem>>[vector<16xi32>, vector<16xi32>, vector<16xi32>], vector<16xf32>,
      %add3A_489 = arith.constant 13 : i32
      %add3A_490 = vector.broadcast %add3A_489 : i32 to vector<16xi32>
      %add3A_491 = arith.addi %shift_left3A_72, %add3A_490 : vector<16xi32>
      %gather3A_492 = tpu.vector_load_idx %arg13[%add3A_62, %add3A_491] : memref<256x128xi32, #tpu.memory_space<vmem>>[vector<16xi32>, vector<16xi32>], vector<16xi32>,
      %bitcast3A_493 = vector.bitcast %gather3A_492 : vector<16xi32> to vector<32xbf16>
      %unpack3A_494 = tpu.unpack_subelements %bitcast3A_493, 0 {pack_format = #tpu.pack_format<interleaved>} : vector<32xbf16> -> vector<16xf32>
      %unpack3A_495 = tpu.unpack_subelements %bitcast3A_493, 1 {pack_format = #tpu.pack_format<interleaved>} : vector<32xbf16> -> vector<16xf32>
      %mul3A_496 = arith.mulf %unpack3A_494, %gather3A_488 : vector<16xf32>
      %add3A_497 = arith.addf %add3A_485, %mul3A_496 : vector<16xf32>
      %broadcast_in_dim3A_498 = arith.constant 14 : i32
      %broadcast_in_dim3A_499 = vector.broadcast %broadcast_in_dim3A_498 : i32 to vector<16xi32>
      %gather3A_500 = tpu.vector_load_idx %arg11[%iota3A, %broadcast_in_dim3A_499, %and3A_57] : memref<16x32x128xf32, #tpu.memory_space<vmem>>[vector<16xi32>, vector<16xi32>, vector<16xi32>], vector<16xf32>,
      %add3A_501 = arith.constant 14 : i32
      %add3A_502 = vector.broadcast %add3A_501 : i32 to vector<16xi32>
      %add3A_503 = arith.addi %shift_left3A_72, %add3A_502 : vector<16xi32>
      %gather3A_504 = tpu.vector_load_idx %arg13[%add3A_62, %add3A_503] : memref<256x128xi32, #tpu.memory_space<vmem>>[vector<16xi32>, vector<16xi32>], vector<16xi32>,
      %bitcast3A_505 = vector.bitcast %gather3A_504 : vector<16xi32> to vector<32xbf16>
      %unpack3A_506 = tpu.unpack_subelements %bitcast3A_505, 0 {pack_format = #tpu.pack_format<interleaved>} : vector<32xbf16> -> vector<16xf32>
      %unpack3A_507 = tpu.unpack_subelements %bitcast3A_505, 1 {pack_format = #tpu.pack_format<interleaved>} : vector<32xbf16> -> vector<16xf32>
      %mul3A_508 = arith.mulf %unpack3A_506, %gather3A_500 : vector<16xf32>
      %add3A_509 = arith.addf %add3A_497, %mul3A_508 : vector<16xf32>
      %broadcast_in_dim3A_510 = arith.constant 15 : i32
      %broadcast_in_dim3A_511 = vector.broadcast %broadcast_in_dim3A_510 : i32 to vector<16xi32>
      %gather3A_512 = tpu.vector_load_idx %arg11[%iota3A, %broadcast_in_dim3A_511, %and3A_57] : memref<16x32x128xf32, #tpu.memory_space<vmem>>[vector<16xi32>, vector<16xi32>, vector<16xi32>], vector<16xf32>,
      %add3A_513 = arith.constant 15 : i32
      %add3A_514 = vector.broadcast %add3A_513 : i32 to vector<16xi32>
      %add3A_515 = arith.addi %shift_left3A_72, %add3A_514 : vector<16xi32>
      %gather3A_516 = tpu.vector_load_idx %arg13[%add3A_62, %add3A_515] : memref<256x128xi32, #tpu.memory_space<vmem>>[vector<16xi32>, vector<16xi32>], vector<16xi32>,
      %bitcast3A_517 = vector.bitcast %gather3A_516 : vector<16xi32> to vector<32xbf16>
      %unpack3A_518 = tpu.unpack_subelements %bitcast3A_517, 0 {pack_format = #tpu.pack_format<interleaved>} : vector<32xbf16> -> vector<16xf32>
      %unpack3A_519 = tpu.unpack_subelements %bitcast3A_517, 1 {pack_format = #tpu.pack_format<interleaved>} : vector<32xbf16> -> vector<16xf32>
      %mul3A_520 = arith.mulf %unpack3A_518, %gather3A_512 : vector<16xf32>
      %add3A_521 = arith.addf %add3A_509, %mul3A_520 : vector<16xf32>
      %broadcast_in_dim3A_522 = arith.constant 16 : i32
      %broadcast_in_dim3A_523 = vector.broadcast %broadcast_in_dim3A_522 : i32 to vector<16xi32>
      %gather3A_524 = tpu.vector_load_idx %arg11[%iota3A, %broadcast_in_dim3A_523, %and3A_57] : memref<16x32x128xf32, #tpu.memory_space<vmem>>[vector<16xi32>, vector<16xi32>, vector<16xi32>], vector<16xf32>,
      %add3A_525 = arith.constant 0 : i32
      %add3A_526 = vector.broadcast %add3A_525 : i32 to vector<16xi32>
      %add3A_527 = arith.addi %shift_left3A_72, %add3A_526 : vector<16xi32>
      %gather3A_528 = tpu.vector_load_idx %arg13[%add3A_62, %add3A_527] : memref<256x128xi32, #tpu.memory_space<vmem>>[vector<16xi32>, vector<16xi32>], vector<16xi32>,
      %bitcast3A_529 = vector.bitcast %gather3A_528 : vector<16xi32> to vector<32xbf16>
      %unpack3A_530 = tpu.unpack_subelements %bitcast3A_529, 0 {pack_format = #tpu.pack_format<interleaved>} : vector<32xbf16> -> vector<16xf32>
      %unpack3A_531 = tpu.unpack_subelements %bitcast3A_529, 1 {pack_format = #tpu.pack_format<interleaved>} : vector<32xbf16> -> vector<16xf32>
      %mul3A_532 = arith.mulf %unpack3A_531, %gather3A_524 : vector<16xf32>
      %add3A_533 = arith.addf %add3A_521, %mul3A_532 : vector<16xf32>
      %broadcast_in_dim3A_534 = arith.constant 17 : i32
      %broadcast_in_dim3A_535 = vector.broadcast %broadcast_in_dim3A_534 : i32 to vector<16xi32>
      %gather3A_536 = tpu.vector_load_idx %arg11[%iota3A, %broadcast_in_dim3A_535, %and3A_57] : memref<16x32x128xf32, #tpu.memory_space<vmem>>[vector<16xi32>, vector<16xi32>, vector<16xi32>], vector<16xf32>,
      %add3A_537 = arith.constant 1 : i32
      %add3A_538 = vector.broadcast %add3A_537 : i32 to vector<16xi32>
      %add3A_539 = arith.addi %shift_left3A_72, %add3A_538 : vector<16xi32>
      %gather3A_540 = tpu.vector_load_idx %arg13[%add3A_62, %add3A_539] : memref<256x128xi32, #tpu.memory_space<vmem>>[vector<16xi32>, vector<16xi32>], vector<16xi32>,
      %bitcast3A_541 = vector.bitcast %gather3A_540 : vector<16xi32> to vector<32xbf16>
      %unpack3A_542 = tpu.unpack_subelements %bitcast3A_541, 0 {pack_format = #tpu.pack_format<interleaved>} : vector<32xbf16> -> vector<16xf32>
      %unpack3A_543 = tpu.unpack_subelements %bitcast3A_541, 1 {pack_format = #tpu.pack_format<interleaved>} : vector<32xbf16> -> vector<16xf32>
      %mul3A_544 = arith.mulf %unpack3A_543, %gather3A_536 : vector<16xf32>
      %add3A_545 = arith.addf %add3A_533, %mul3A_544 : vector<16xf32>
      %broadcast_in_dim3A_546 = arith.constant 18 : i32
      %broadcast_in_dim3A_547 = vector.broadcast %broadcast_in_dim3A_546 : i32 to vector<16xi32>
      %gather3A_548 = tpu.vector_load_idx %arg11[%iota3A, %broadcast_in_dim3A_547, %and3A_57] : memref<16x32x128xf32, #tpu.memory_space<vmem>>[vector<16xi32>, vector<16xi32>, vector<16xi32>], vector<16xf32>,
      %add3A_549 = arith.constant 2 : i32
      %add3A_550 = vector.broadcast %add3A_549 : i32 to vector<16xi32>
      %add3A_551 = arith.addi %shift_left3A_72, %add3A_550 : vector<16xi32>
      %gather3A_552 = tpu.vector_load_idx %arg13[%add3A_62, %add3A_551] : memref<256x128xi32, #tpu.memory_space<vmem>>[vector<16xi32>, vector<16xi32>], vector<16xi32>,
      %bitcast3A_553 = vector.bitcast %gather3A_552 : vector<16xi32> to vector<32xbf16>
      %unpack3A_554 = tpu.unpack_subelements %bitcast3A_553, 0 {pack_format = #tpu.pack_format<interleaved>} : vector<32xbf16> -> vector<16xf32>
      %unpack3A_555 = tpu.unpack_subelements %bitcast3A_553, 1 {pack_format = #tpu.pack_format<interleaved>} : vector<32xbf16> -> vector<16xf32>
      %mul3A_556 = arith.mulf %unpack3A_555, %gather3A_548 : vector<16xf32>
      %add3A_557 = arith.addf %add3A_545, %mul3A_556 : vector<16xf32>
      %broadcast_in_dim3A_558 = arith.constant 19 : i32
      %broadcast_in_dim3A_559 = vector.broadcast %broadcast_in_dim3A_558 : i32 to vector<16xi32>
      %gather3A_560 = tpu.vector_load_idx %arg11[%iota3A, %broadcast_in_dim3A_559, %and3A_57] : memref<16x32x128xf32, #tpu.memory_space<vmem>>[vector<16xi32>, vector<16xi32>, vector<16xi32>], vector<16xf32>,
      %add3A_561 = arith.constant 3 : i32
      %add3A_562 = vector.broadcast %add3A_561 : i32 to vector<16xi32>
      %add3A_563 = arith.addi %shift_left3A_72, %add3A_562 : vector<16xi32>
      %gather3A_564 = tpu.vector_load_idx %arg13[%add3A_62, %add3A_563] : memref<256x128xi32, #tpu.memory_space<vmem>>[vector<16xi32>, vector<16xi32>], vector<16xi32>,
      %bitcast3A_565 = vector.bitcast %gather3A_564 : vector<16xi32> to vector<32xbf16>
      %unpack3A_566 = tpu.unpack_subelements %bitcast3A_565, 0 {pack_format = #tpu.pack_format<interleaved>} : vector<32xbf16> -> vector<16xf32>
      %unpack3A_567 = tpu.unpack_subelements %bitcast3A_565, 1 {pack_format = #tpu.pack_format<interleaved>} : vector<32xbf16> -> vector<16xf32>
      %mul3A_568 = arith.mulf %unpack3A_567, %gather3A_560 : vector<16xf32>
      %add3A_569 = arith.addf %add3A_557, %mul3A_568 : vector<16xf32>
      %broadcast_in_dim3A_570 = arith.constant 20 : i32
      %broadcast_in_dim3A_571 = vector.broadcast %broadcast_in_dim3A_570 : i32 to vector<16xi32>
      %gather3A_572 = tpu.vector_load_idx %arg11[%iota3A, %broadcast_in_dim3A_571, %and3A_57] : memref<16x32x128xf32, #tpu.memory_space<vmem>>[vector<16xi32>, vector<16xi32>, vector<16xi32>], vector<16xf32>,
      %add3A_573 = arith.constant 4 : i32
      %add3A_574 = vector.broadcast %add3A_573 : i32 to vector<16xi32>
      %add3A_575 = arith.addi %shift_left3A_72, %add3A_574 : vector<16xi32>
      %gather3A_576 = tpu.vector_load_idx %arg13[%add3A_62, %add3A_575] : memref<256x128xi32, #tpu.memory_space<vmem>>[vector<16xi32>, vector<16xi32>], vector<16xi32>,
      %bitcast3A_577 = vector.bitcast %gather3A_576 : vector<16xi32> to vector<32xbf16>
      %unpack3A_578 = tpu.unpack_subelements %bitcast3A_577, 0 {pack_format = #tpu.pack_format<interleaved>} : vector<32xbf16> -> vector<16xf32>
      %unpack3A_579 = tpu.unpack_subelements %bitcast3A_577, 1 {pack_format = #tpu.pack_format<interleaved>} : vector<32xbf16> -> vector<16xf32>
      %mul3A_580 = arith.mulf %unpack3A_579, %gather3A_572 : vector<16xf32>
      %add3A_581 = arith.addf %add3A_569, %mul3A_580 : vector<16xf32>
      %broadcast_in_dim3A_582 = arith.constant 21 : i32
      %broadcast_in_dim3A_583 = vector.broadcast %broadcast_in_dim3A_582 : i32 to vector<16xi32>
      %gather3A_584 = tpu.vector_load_idx %arg11[%iota3A, %broadcast_in_dim3A_583, %and3A_57] : memref<16x32x128xf32, #tpu.memory_space<vmem>>[vector<16xi32>, vector<16xi32>, vector<16xi32>], vector<16xf32>,
      %add3A_585 = arith.constant 5 : i32
      %add3A_586 = vector.broadcast %add3A_585 : i32 to vector<16xi32>
      %add3A_587 = arith.addi %shift_left3A_72, %add3A_586 : vector<16xi32>
      %gather3A_588 = tpu.vector_load_idx %arg13[%add3A_62, %add3A_587] : memref<256x128xi32, #tpu.memory_space<vmem>>[vector<16xi32>, vector<16xi32>], vector<16xi32>,
      %bitcast3A_589 = vector.bitcast %gather3A_588 : vector<16xi32> to vector<32xbf16>
      %unpack3A_590 = tpu.unpack_subelements %bitcast3A_589, 0 {pack_format = #tpu.pack_format<interleaved>} : vector<32xbf16> -> vector<16xf32>
      %unpack3A_591 = tpu.unpack_subelements %bitcast3A_589, 1 {pack_format = #tpu.pack_format<interleaved>} : vector<32xbf16> -> vector<16xf32>
      %mul3A_592 = arith.mulf %unpack3A_591, %gather3A_584 : vector<16xf32>
      %add3A_593 = arith.addf %add3A_581, %mul3A_592 : vector<16xf32>
      %broadcast_in_dim3A_594 = arith.constant 22 : i32
      %broadcast_in_dim3A_595 = vector.broadcast %broadcast_in_dim3A_594 : i32 to vector<16xi32>
      %gather3A_596 = tpu.vector_load_idx %arg11[%iota3A, %broadcast_in_dim3A_595, %and3A_57] : memref<16x32x128xf32, #tpu.memory_space<vmem>>[vector<16xi32>, vector<16xi32>, vector<16xi32>], vector<16xf32>,
      %add3A_597 = arith.constant 6 : i32
      %add3A_598 = vector.broadcast %add3A_597 : i32 to vector<16xi32>
      %add3A_599 = arith.addi %shift_left3A_72, %add3A_598 : vector<16xi32>
      %gather3A_600 = tpu.vector_load_idx %arg13[%add3A_62, %add3A_599] : memref<256x128xi32, #tpu.memory_space<vmem>>[vector<16xi32>, vector<16xi32>], vector<16xi32>,
      %bitcast3A_601 = vector.bitcast %gather3A_600 : vector<16xi32> to vector<32xbf16>
      %unpack3A_602 = tpu.unpack_subelements %bitcast3A_601, 0 {pack_format = #tpu.pack_format<interleaved>} : vector<32xbf16> -> vector<16xf32>
      %unpack3A_603 = tpu.unpack_subelements %bitcast3A_601, 1 {pack_format = #tpu.pack_format<interleaved>} : vector<32xbf16> -> vector<16xf32>
      %mul3A_604 = arith.mulf %unpack3A_603, %gather3A_596 : vector<16xf32>
      %add3A_605 = arith.addf %add3A_593, %mul3A_604 : vector<16xf32>
      %broadcast_in_dim3A_606 = arith.constant 23 : i32
      %broadcast_in_dim3A_607 = vector.broadcast %broadcast_in_dim3A_606 : i32 to vector<16xi32>
      %gather3A_608 = tpu.vector_load_idx %arg11[%iota3A, %broadcast_in_dim3A_607, %and3A_57] : memref<16x32x128xf32, #tpu.memory_space<vmem>>[vector<16xi32>, vector<16xi32>, vector<16xi32>], vector<16xf32>,
      %add3A_609 = arith.constant 7 : i32
      %add3A_610 = vector.broadcast %add3A_609 : i32 to vector<16xi32>
      %add3A_611 = arith.addi %shift_left3A_72, %add3A_610 : vector<16xi32>
      %gather3A_612 = tpu.vector_load_idx %arg13[%add3A_62, %add3A_611] : memref<256x128xi32, #tpu.memory_space<vmem>>[vector<16xi32>, vector<16xi32>], vector<16xi32>,
      %bitcast3A_613 = vector.bitcast %gather3A_612 : vector<16xi32> to vector<32xbf16>
      %unpack3A_614 = tpu.unpack_subelements %bitcast3A_613, 0 {pack_format = #tpu.pack_format<interleaved>} : vector<32xbf16> -> vector<16xf32>
      %unpack3A_615 = tpu.unpack_subelements %bitcast3A_613, 1 {pack_format = #tpu.pack_format<interleaved>} : vector<32xbf16> -> vector<16xf32>
      %mul3A_616 = arith.mulf %unpack3A_615, %gather3A_608 : vector<16xf32>
      %add3A_617 = arith.addf %add3A_605, %mul3A_616 : vector<16xf32>
      %broadcast_in_dim3A_618 = arith.constant 24 : i32
      %broadcast_in_dim3A_619 = vector.broadcast %broadcast_in_dim3A_618 : i32 to vector<16xi32>
      %gather3A_620 = tpu.vector_load_idx %arg11[%iota3A, %broadcast_in_dim3A_619, %and3A_57] : memref<16x32x128xf32, #tpu.memory_space<vmem>>[vector<16xi32>, vector<16xi32>, vector<16xi32>], vector<16xf32>,
      %add3A_621 = arith.constant 8 : i32
      %add3A_622 = vector.broadcast %add3A_621 : i32 to vector<16xi32>
      %add3A_623 = arith.addi %shift_left3A_72, %add3A_622 : vector<16xi32>
      %gather3A_624 = tpu.vector_load_idx %arg13[%add3A_62, %add3A_623] : memref<256x128xi32, #tpu.memory_space<vmem>>[vector<16xi32>, vector<16xi32>], vector<16xi32>,
      %bitcast3A_625 = vector.bitcast %gather3A_624 : vector<16xi32> to vector<32xbf16>
      %unpack3A_626 = tpu.unpack_subelements %bitcast3A_625, 0 {pack_format = #tpu.pack_format<interleaved>} : vector<32xbf16> -> vector<16xf32>
      %unpack3A_627 = tpu.unpack_subelements %bitcast3A_625, 1 {pack_format = #tpu.pack_format<interleaved>} : vector<32xbf16> -> vector<16xf32>
      %mul3A_628 = arith.mulf %unpack3A_627, %gather3A_620 : vector<16xf32>
      %add3A_629 = arith.addf %add3A_617, %mul3A_628 : vector<16xf32>
      %broadcast_in_dim3A_630 = arith.constant 25 : i32
      %broadcast_in_dim3A_631 = vector.broadcast %broadcast_in_dim3A_630 : i32 to vector<16xi32>
      %gather3A_632 = tpu.vector_load_idx %arg11[%iota3A, %broadcast_in_dim3A_631, %and3A_57] : memref<16x32x128xf32, #tpu.memory_space<vmem>>[vector<16xi32>, vector<16xi32>, vector<16xi32>], vector<16xf32>,
      %add3A_633 = arith.constant 9 : i32
      %add3A_634 = vector.broadcast %add3A_633 : i32 to vector<16xi32>
      %add3A_635 = arith.addi %shift_left3A_72, %add3A_634 : vector<16xi32>
      %gather3A_636 = tpu.vector_load_idx %arg13[%add3A_62, %add3A_635] : memref<256x128xi32, #tpu.memory_space<vmem>>[vector<16xi32>, vector<16xi32>], vector<16xi32>,
      %bitcast3A_637 = vector.bitcast %gather3A_636 : vector<16xi32> to vector<32xbf16>
      %unpack3A_638 = tpu.unpack_subelements %bitcast3A_637, 0 {pack_format = #tpu.pack_format<interleaved>} : vector<32xbf16> -> vector<16xf32>
      %unpack3A_639 = tpu.unpack_subelements %bitcast3A_637, 1 {pack_format = #tpu.pack_format<interleaved>} : vector<32xbf16> -> vector<16xf32>
      %mul3A_640 = arith.mulf %unpack3A_639, %gather3A_632 : vector<16xf32>
      %add3A_641 = arith.addf %add3A_629, %mul3A_640 : vector<16xf32>
      %broadcast_in_dim3A_642 = arith.constant 26 : i32
      %broadcast_in_dim3A_643 = vector.broadcast %broadcast_in_dim3A_642 : i32 to vector<16xi32>
      %gather3A_644 = tpu.vector_load_idx %arg11[%iota3A, %broadcast_in_dim3A_643, %and3A_57] : memref<16x32x128xf32, #tpu.memory_space<vmem>>[vector<16xi32>, vector<16xi32>, vector<16xi32>], vector<16xf32>,
      %add3A_645 = arith.constant 10 : i32
      %add3A_646 = vector.broadcast %add3A_645 : i32 to vector<16xi32>
      %add3A_647 = arith.addi %shift_left3A_72, %add3A_646 : vector<16xi32>
      %gather3A_648 = tpu.vector_load_idx %arg13[%add3A_62, %add3A_647] : memref<256x128xi32, #tpu.memory_space<vmem>>[vector<16xi32>, vector<16xi32>], vector<16xi32>,
      %bitcast3A_649 = vector.bitcast %gather3A_648 : vector<16xi32> to vector<32xbf16>
      %unpack3A_650 = tpu.unpack_subelements %bitcast3A_649, 0 {pack_format = #tpu.pack_format<interleaved>} : vector<32xbf16> -> vector<16xf32>
      %unpack3A_651 = tpu.unpack_subelements %bitcast3A_649, 1 {pack_format = #tpu.pack_format<interleaved>} : vector<32xbf16> -> vector<16xf32>
      %mul3A_652 = arith.mulf %unpack3A_651, %gather3A_644 : vector<16xf32>
      %add3A_653 = arith.addf %add3A_641, %mul3A_652 : vector<16xf32>
      %broadcast_in_dim3A_654 = arith.constant 27 : i32
      %broadcast_in_dim3A_655 = vector.broadcast %broadcast_in_dim3A_654 : i32 to vector<16xi32>
      %gather3A_656 = tpu.vector_load_idx %arg11[%iota3A, %broadcast_in_dim3A_655, %and3A_57] : memref<16x32x128xf32, #tpu.memory_space<vmem>>[vector<16xi32>, vector<16xi32>, vector<16xi32>], vector<16xf32>,
      %add3A_657 = arith.constant 11 : i32
      %add3A_658 = vector.broadcast %add3A_657 : i32 to vector<16xi32>
      %add3A_659 = arith.addi %shift_left3A_72, %add3A_658 : vector<16xi32>
      %gather3A_660 = tpu.vector_load_idx %arg13[%add3A_62, %add3A_659] : memref<256x128xi32, #tpu.memory_space<vmem>>[vector<16xi32>, vector<16xi32>], vector<16xi32>,
      %bitcast3A_661 = vector.bitcast %gather3A_660 : vector<16xi32> to vector<32xbf16>
      %unpack3A_662 = tpu.unpack_subelements %bitcast3A_661, 0 {pack_format = #tpu.pack_format<interleaved>} : vector<32xbf16> -> vector<16xf32>
      %unpack3A_663 = tpu.unpack_subelements %bitcast3A_661, 1 {pack_format = #tpu.pack_format<interleaved>} : vector<32xbf16> -> vector<16xf32>
      %mul3A_664 = arith.mulf %unpack3A_663, %gather3A_656 : vector<16xf32>
      %add3A_665 = arith.addf %add3A_653, %mul3A_664 : vector<16xf32>
      %broadcast_in_dim3A_666 = arith.constant 28 : i32
      %broadcast_in_dim3A_667 = vector.broadcast %broadcast_in_dim3A_666 : i32 to vector<16xi32>
      %gather3A_668 = tpu.vector_load_idx %arg11[%iota3A, %broadcast_in_dim3A_667, %and3A_57] : memref<16x32x128xf32, #tpu.memory_space<vmem>>[vector<16xi32>, vector<16xi32>, vector<16xi32>], vector<16xf32>,
      %add3A_669 = arith.constant 12 : i32
      %add3A_670 = vector.broadcast %add3A_669 : i32 to vector<16xi32>
      %add3A_671 = arith.addi %shift_left3A_72, %add3A_670 : vector<16xi32>
      %gather3A_672 = tpu.vector_load_idx %arg13[%add3A_62, %add3A_671] : memref<256x128xi32, #tpu.memory_space<vmem>>[vector<16xi32>, vector<16xi32>], vector<16xi32>,
      %bitcast3A_673 = vector.bitcast %gather3A_672 : vector<16xi32> to vector<32xbf16>
      %unpack3A_674 = tpu.unpack_subelements %bitcast3A_673, 0 {pack_format = #tpu.pack_format<interleaved>} : vector<32xbf16> -> vector<16xf32>
      %unpack3A_675 = tpu.unpack_subelements %bitcast3A_673, 1 {pack_format = #tpu.pack_format<interleaved>} : vector<32xbf16> -> vector<16xf32>
      %mul3A_676 = arith.mulf %unpack3A_675, %gather3A_668 : vector<16xf32>
      %add3A_677 = arith.addf %add3A_665, %mul3A_676 : vector<16xf32>
      %broadcast_in_dim3A_678 = arith.constant 29 : i32
      %broadcast_in_dim3A_679 = vector.broadcast %broadcast_in_dim3A_678 : i32 to vector<16xi32>
      %gather3A_680 = tpu.vector_load_idx %arg11[%iota3A, %broadcast_in_dim3A_679, %and3A_57] : memref<16x32x128xf32, #tpu.memory_space<vmem>>[vector<16xi32>, vector<16xi32>, vector<16xi32>], vector<16xf32>,
      %add3A_681 = arith.constant 13 : i32
      %add3A_682 = vector.broadcast %add3A_681 : i32 to vector<16xi32>
      %add3A_683 = arith.addi %shift_left3A_72, %add3A_682 : vector<16xi32>
      %gather3A_684 = tpu.vector_load_idx %arg13[%add3A_62, %add3A_683] : memref<256x128xi32, #tpu.memory_space<vmem>>[vector<16xi32>, vector<16xi32>], vector<16xi32>,
      %bitcast3A_685 = vector.bitcast %gather3A_684 : vector<16xi32> to vector<32xbf16>
      %unpack3A_686 = tpu.unpack_subelements %bitcast3A_685, 0 {pack_format = #tpu.pack_format<interleaved>} : vector<32xbf16> -> vector<16xf32>
      %unpack3A_687 = tpu.unpack_subelements %bitcast3A_685, 1 {pack_format = #tpu.pack_format<interleaved>} : vector<32xbf16> -> vector<16xf32>
      %mul3A_688 = arith.mulf %unpack3A_687, %gather3A_680 : vector<16xf32>
      %add3A_689 = arith.addf %add3A_677, %mul3A_688 : vector<16xf32>
      %broadcast_in_dim3A_690 = arith.constant 30 : i32
      %broadcast_in_dim3A_691 = vector.broadcast %broadcast_in_dim3A_690 : i32 to vector<16xi32>
      %gather3A_692 = tpu.vector_load_idx %arg11[%iota3A, %broadcast_in_dim3A_691, %and3A_57] : memref<16x32x128xf32, #tpu.memory_space<vmem>>[vector<16xi32>, vector<16xi32>, vector<16xi32>], vector<16xf32>,
      %add3A_693 = arith.constant 14 : i32
      %add3A_694 = vector.broadcast %add3A_693 : i32 to vector<16xi32>
      %add3A_695 = arith.addi %shift_left3A_72, %add3A_694 : vector<16xi32>
      %gather3A_696 = tpu.vector_load_idx %arg13[%add3A_62, %add3A_695] : memref<256x128xi32, #tpu.memory_space<vmem>>[vector<16xi32>, vector<16xi32>], vector<16xi32>,
      %bitcast3A_697 = vector.bitcast %gather3A_696 : vector<16xi32> to vector<32xbf16>
      %unpack3A_698 = tpu.unpack_subelements %bitcast3A_697, 0 {pack_format = #tpu.pack_format<interleaved>} : vector<32xbf16> -> vector<16xf32>
      %unpack3A_699 = tpu.unpack_subelements %bitcast3A_697, 1 {pack_format = #tpu.pack_format<interleaved>} : vector<32xbf16> -> vector<16xf32>
      %mul3A_700 = arith.mulf %unpack3A_699, %gather3A_692 : vector<16xf32>
      %add3A_701 = arith.addf %add3A_689, %mul3A_700 : vector<16xf32>
      %broadcast_in_dim3A_702 = arith.constant 31 : i32
      %broadcast_in_dim3A_703 = vector.broadcast %broadcast_in_dim3A_702 : i32 to vector<16xi32>
      %gather3A_704 = tpu.vector_load_idx %arg11[%iota3A, %broadcast_in_dim3A_703, %and3A_57] : memref<16x32x128xf32, #tpu.memory_space<vmem>>[vector<16xi32>, vector<16xi32>, vector<16xi32>], vector<16xf32>,
      %add3A_705 = arith.constant 15 : i32
      %add3A_706 = vector.broadcast %add3A_705 : i32 to vector<16xi32>
      %add3A_707 = arith.addi %shift_left3A_72, %add3A_706 : vector<16xi32>
      %gather3A_708 = tpu.vector_load_idx %arg13[%add3A_62, %add3A_707] : memref<256x128xi32, #tpu.memory_space<vmem>>[vector<16xi32>, vector<16xi32>], vector<16xi32>,
      %bitcast3A_709 = vector.bitcast %gather3A_708 : vector<16xi32> to vector<32xbf16>
      %unpack3A_710 = tpu.unpack_subelements %bitcast3A_709, 0 {pack_format = #tpu.pack_format<interleaved>} : vector<32xbf16> -> vector<16xf32>
      %unpack3A_711 = tpu.unpack_subelements %bitcast3A_709, 1 {pack_format = #tpu.pack_format<interleaved>} : vector<32xbf16> -> vector<16xf32>
      %mul3A_712 = arith.mulf %unpack3A_711, %gather3A_704 : vector<16xf32>
      %add3A_713 = arith.addf %add3A_701, %mul3A_712 : vector<16xf32>
      %mul3A_714 = arith.constant 16 : i32
      %mul3A_715 = arith.muli %scan3A_48, %mul3A_714 : i32
      %swap3A = arith.index_cast %mul3A_715 : i32 to index
      %swap3A_716 = tpu.vector_load %arg14[%swap3A] {strides = array<i32>} : memref<512xf32, #tpu.memory_space<vmem>>, vector<16xf32>,
      tpu.vector_store %arg14[%swap3A], %add3A_713 {strides = array<i32>} : memref<512xf32, #tpu.memory_space<vmem>>, vector<16xf32>,
    }
    %scan3A_31 = arith.constant 16 : i32
    %dma_start3A_32 = arith.constant 256 : i32
    %dma_start3A_33 = tpu.memref_slice %arg10[%dma_start3A_32] : memref<512xi32, #tpu.memory_space<vmem>> -> memref<256xi32, #tpu.memory_space<vmem>>
    %dma_start3A_34 = arith.constant 0 : i32
    %dma_start3A_35 = arith.constant 0 : i32
    %dma_start3A_36 = tpu.memref_slice %arg7[%dma_start3A_34, %dma_start3A_35] : memref<12512x128xi32, #tpu.memory_space<hbm>> -> memref<12512x128xi32, #tpu.memory_space<hbm>>
    tpu.enqueue_indirect_dma source(%dma_start3A_36 : memref<12512x128xi32, #tpu.memory_space<hbm>>) target(%arg13 : memref<256x128xi32, #tpu.memory_space<vmem>>) offsets(%dma_start3A_33 : memref<256xi32, #tpu.memory_space<vmem>>) semaphore(%arg17 : memref<!tpu.dma_semaphore, #tpu.memory_space<semaphore_mem>>)
    %dma_wait3A_37 = arith.constant 256 : i32
    %dma_wait3A_38 = tpu.memref_slice %arg10[%dma_wait3A_37] : memref<512xi32, #tpu.memory_space<vmem>> -> memref<256xi32, #tpu.memory_space<vmem>>
    %dma_wait3A_39 = arith.constant 0 : i32
    %dma_wait3A_40 = arith.constant 0 : i32
    %dma_wait3A_41 = tpu.memref_slice %arg7[%dma_wait3A_39, %dma_wait3A_40] : memref<12512x128xi32, #tpu.memory_space<hbm>> -> memref<12512x128xi32, #tpu.memory_space<hbm>>
    tpu.wait_indirect_dma semaphore(%arg17 : memref<!tpu.dma_semaphore, #tpu.memory_space<semaphore_mem>>) src(%dma_wait3A_41 : memref<12512x128xi32, #tpu.memory_space<hbm>>) dst(%arg13 : memref<256x128xi32, #tpu.memory_space<vmem>>)
    %scan3A_42 = arith.constant 0 : i32
    %scan3A_43 = arith.constant 16 : i32
    %scan3A_44 = arith.constant 16 : i32
    %scan3A_45 = arith.addi %scan3A_43, %scan3A_44 : i32
    %scan3A_46 = arith.constant 1 : i32
    scf.for %scan3A_48 = %scan3A_43 to %scan3A_45 step %scan3A_46  : i32 {
      %mul3A_49 = arith.constant 16 : i32
      %mul3A_50 = arith.muli %scan3A_48, %mul3A_49 : i32
      %get3A = arith.index_cast %mul3A_50 : i32 to index
      %get3A_51 = tpu.vector_load %arg9[%get3A] {strides = array<i32>} : memref<512xi32, #tpu.memory_space<vmem>>, vector<16xi32>,
      %shift_right_arithmetic3A = arith.constant 7 : i32
      %shift_right_arithmetic3A_52 = vector.broadcast %shift_right_arithmetic3A : i32 to vector<16xi32>
      %shift_right_arithmetic3A_53 = arith.shrsi %get3A_51, %shift_right_arithmetic3A_52 : vector<16xi32>
      %shift_left3A = arith.constant 7 : i32
      %shift_left3A_54 = vector.broadcast %shift_left3A : i32 to vector<16xi32>
      %shift_left3A_55 = arith.shli %shift_right_arithmetic3A_53, %shift_left3A_54 : vector<16xi32>
      %and3A = arith.constant 127 : i32
      %and3A_56 = vector.broadcast %and3A : i32 to vector<16xi32>
      %and3A_57 = arith.andi %get3A_51, %and3A_56 : vector<16xi32>
      %sub3A = arith.constant 16 : i32
      %sub3A_58 = arith.subi %scan3A_48, %sub3A : i32
      %mul3A_59 = arith.constant 16 : i32
      %mul3A_60 = arith.muli %sub3A_58, %mul3A_59 : i32
      %add3A_61 = vector.broadcast %mul3A_60 : i32 to vector<16xi32>
      %add3A_62 = arith.addi %add3A_61, %iota3A : vector<16xi32>
      %mul3A_63 = arith.constant 16 : i32
      %mul3A_64 = arith.muli %scan3A_48, %mul3A_63 : i32
      %get3A_65 = arith.index_cast %mul3A_64 : i32 to index
      %get3A_66 = tpu.vector_load %arg8[%get3A_65] {strides = array<i32>} : memref<512xi32, #tpu.memory_space<vmem>>, vector<16xi32>,
      %and3A_67 = arith.constant 7 : i32
      %and3A_68 = vector.broadcast %and3A_67 : i32 to vector<16xi32>
      %and3A_69 = arith.andi %get3A_66, %and3A_68 : vector<16xi32>
      %shift_left3A_70 = arith.constant 4 : i32
      %shift_left3A_71 = vector.broadcast %shift_left3A_70 : i32 to vector<16xi32>
      %shift_left3A_72 = arith.shli %and3A_69, %shift_left3A_71 : vector<16xi32>
      %broadcast_in_dim3A = arith.constant 0.000000e+00 : f32
      %broadcast_in_dim3A_73 = vector.broadcast %broadcast_in_dim3A : f32 to vector<16xf32>
      %slice3A = vector.extract_strided_slice %shift_left3A_55 {offsets = [0], sizes = [1], strides = [1]} : vector<16xi32> to vector<1xi32>
      %squeeze3A = vector.extract %slice3A[0] : i32 from vector<1xi32>
      %multiple_of3A = tpu.assume_multiple %squeeze3A, 128 : i32
      %dma_start3A_74 = arith.constant 0 : i32
      %dma_start3A_75 = arith.constant 0 : i32
      %dma_start3A_76 = arith.constant 0 : i32
      %dma_start3A_77 = tpu.memref_slice %arg11[%dma_start3A_74, %dma_start3A_75, %dma_start3A_76] : memref<16x32x128xf32, #tpu.memory_space<vmem>> -> memref<1x32x128xf32, #tpu.memory_space<vmem>>
      %dma_start3A_78 = tpu.memref_squeeze %dma_start3A_77 : memref<1x32x128xf32, #tpu.memory_space<vmem>> -> memref<32x128xf32, #tpu.memory_space<vmem>>
      %dma_start3A_79 = arith.constant 0 : i32
      %dma_start3A_80 = tpu.memref_slice %arg5[%dma_start3A_79, %multiple_of3A] : memref<32x1000000xf32, #tpu.memory_space<hbm>> -> memref<32x128xf32, #tpu.memory_space<hbm>>
      %dma_start3A_81 = arith.constant 0 : i32
      %dma_start3A_82 = arith.constant 0 : i32
      %dma_start3A_83 = tpu.memref_slice %arg11[%dma_start3A_74, %dma_start3A_81, %dma_start3A_82] : memref<16x32x128xf32, #tpu.memory_space<vmem>> -> memref<1x32x128xf32, #tpu.memory_space<vmem>>
      %dma_start3A_84 = tpu.memref_squeeze %dma_start3A_83 : memref<1x32x128xf32, #tpu.memory_space<vmem>> -> memref<32x128xf32, #tpu.memory_space<vmem>>
      %dma_start3A_85 = arith.constant 0 : i32
      %dma_start3A_86 = tpu.memref_slice %arg5[%dma_start3A_85, %multiple_of3A] : memref<32x1000000xf32, #tpu.memory_space<hbm>> -> memref<32x128xf32, #tpu.memory_space<hbm>>
      tpu.enqueue_dma source(%dma_start3A_86 : memref<32x128xf32, #tpu.memory_space<hbm>>) target(%dma_start3A_84 : memref<32x128xf32, #tpu.memory_space<vmem>>) target_semaphore(%arg15 : memref<!tpu.dma_semaphore, #tpu.memory_space<semaphore_mem>>)
      %slice3A_87 = vector.extract_strided_slice %shift_left3A_55 {offsets = [1], sizes = [1], strides = [1]} : vector<16xi32> to vector<1xi32>
      %squeeze3A_88 = vector.extract %slice3A_87[0] : i32 from vector<1xi32>
      %multiple_of3A_89 = tpu.assume_multiple %squeeze3A_88, 128 : i32
      %dma_start3A_90 = arith.constant 1 : i32
      %dma_start3A_91 = arith.constant 0 : i32
      %dma_start3A_92 = arith.constant 0 : i32
      %dma_start3A_93 = tpu.memref_slice %arg11[%dma_start3A_90, %dma_start3A_91, %dma_start3A_92] : memref<16x32x128xf32, #tpu.memory_space<vmem>> -> memref<1x32x128xf32, #tpu.memory_space<vmem>>
      %dma_start3A_94 = tpu.memref_squeeze %dma_start3A_93 : memref<1x32x128xf32, #tpu.memory_space<vmem>> -> memref<32x128xf32, #tpu.memory_space<vmem>>
      %dma_start3A_95 = arith.constant 0 : i32
      %dma_start3A_96 = tpu.memref_slice %arg5[%dma_start3A_95, %multiple_of3A_89] : memref<32x1000000xf32, #tpu.memory_space<hbm>> -> memref<32x128xf32, #tpu.memory_space<hbm>>
      %dma_start3A_97 = arith.constant 0 : i32
      %dma_start3A_98 = arith.constant 0 : i32
      %dma_start3A_99 = tpu.memref_slice %arg11[%dma_start3A_90, %dma_start3A_97, %dma_start3A_98] : memref<16x32x128xf32, #tpu.memory_space<vmem>> -> memref<1x32x128xf32, #tpu.memory_space<vmem>>
      %dma_start3A_100 = tpu.memref_squeeze %dma_start3A_99 : memref<1x32x128xf32, #tpu.memory_space<vmem>> -> memref<32x128xf32, #tpu.memory_space<vmem>>
      %dma_start3A_101 = arith.constant 0 : i32
      %dma_start3A_102 = tpu.memref_slice %arg5[%dma_start3A_101, %multiple_of3A_89] : memref<32x1000000xf32, #tpu.memory_space<hbm>> -> memref<32x128xf32, #tpu.memory_space<hbm>>
      tpu.enqueue_dma source(%dma_start3A_102 : memref<32x128xf32, #tpu.memory_space<hbm>>) target(%dma_start3A_100 : memref<32x128xf32, #tpu.memory_space<vmem>>) target_semaphore(%arg15 : memref<!tpu.dma_semaphore, #tpu.memory_space<semaphore_mem>>)
      %slice3A_103 = vector.extract_strided_slice %shift_left3A_55 {offsets = [2], sizes = [1], strides = [1]} : vector<16xi32> to vector<1xi32>
      %squeeze3A_104 = vector.extract %slice3A_103[0] : i32 from vector<1xi32>
      %multiple_of3A_105 = tpu.assume_multiple %squeeze3A_104, 128 : i32
      %dma_start3A_106 = arith.constant 2 : i32
      %dma_start3A_107 = arith.constant 0 : i32
      %dma_start3A_108 = arith.constant 0 : i32
      %dma_start3A_109 = tpu.memref_slice %arg11[%dma_start3A_106, %dma_start3A_107, %dma_start3A_108] : memref<16x32x128xf32, #tpu.memory_space<vmem>> -> memref<1x32x128xf32, #tpu.memory_space<vmem>>
      %dma_start3A_110 = tpu.memref_squeeze %dma_start3A_109 : memref<1x32x128xf32, #tpu.memory_space<vmem>> -> memref<32x128xf32, #tpu.memory_space<vmem>>
      %dma_start3A_111 = arith.constant 0 : i32
      %dma_start3A_112 = tpu.memref_slice %arg5[%dma_start3A_111, %multiple_of3A_105] : memref<32x1000000xf32, #tpu.memory_space<hbm>> -> memref<32x128xf32, #tpu.memory_space<hbm>>
      %dma_start3A_113 = arith.constant 0 : i32
      %dma_start3A_114 = arith.constant 0 : i32
      %dma_start3A_115 = tpu.memref_slice %arg11[%dma_start3A_106, %dma_start3A_113, %dma_start3A_114] : memref<16x32x128xf32, #tpu.memory_space<vmem>> -> memref<1x32x128xf32, #tpu.memory_space<vmem>>
      %dma_start3A_116 = tpu.memref_squeeze %dma_start3A_115 : memref<1x32x128xf32, #tpu.memory_space<vmem>> -> memref<32x128xf32, #tpu.memory_space<vmem>>
      %dma_start3A_117 = arith.constant 0 : i32
      %dma_start3A_118 = tpu.memref_slice %arg5[%dma_start3A_117, %multiple_of3A_105] : memref<32x1000000xf32, #tpu.memory_space<hbm>> -> memref<32x128xf32, #tpu.memory_space<hbm>>
      tpu.enqueue_dma source(%dma_start3A_118 : memref<32x128xf32, #tpu.memory_space<hbm>>) target(%dma_start3A_116 : memref<32x128xf32, #tpu.memory_space<vmem>>) target_semaphore(%arg15 : memref<!tpu.dma_semaphore, #tpu.memory_space<semaphore_mem>>)
      %slice3A_119 = vector.extract_strided_slice %shift_left3A_55 {offsets = [3], sizes = [1], strides = [1]} : vector<16xi32> to vector<1xi32>
      %squeeze3A_120 = vector.extract %slice3A_119[0] : i32 from vector<1xi32>
      %multiple_of3A_121 = tpu.assume_multiple %squeeze3A_120, 128 : i32
      %dma_start3A_122 = arith.constant 3 : i32
      %dma_start3A_123 = arith.constant 0 : i32
      %dma_start3A_124 = arith.constant 0 : i32
      %dma_start3A_125 = tpu.memref_slice %arg11[%dma_start3A_122, %dma_start3A_123, %dma_start3A_124] : memref<16x32x128xf32, #tpu.memory_space<vmem>> -> memref<1x32x128xf32, #tpu.memory_space<vmem>>
      %dma_start3A_126 = tpu.memref_squeeze %dma_start3A_125 : memref<1x32x128xf32, #tpu.memory_space<vmem>> -> memref<32x128xf32, #tpu.memory_space<vmem>>
      %dma_start3A_127 = arith.constant 0 : i32
      %dma_start3A_128 = tpu.memref_slice %arg5[%dma_start3A_127, %multiple_of3A_121] : memref<32x1000000xf32, #tpu.memory_space<hbm>> -> memref<32x128xf32, #tpu.memory_space<hbm>>
      %dma_start3A_129 = arith.constant 0 : i32
      %dma_start3A_130 = arith.constant 0 : i32
      %dma_start3A_131 = tpu.memref_slice %arg11[%dma_start3A_122, %dma_start3A_129, %dma_start3A_130] : memref<16x32x128xf32, #tpu.memory_space<vmem>> -> memref<1x32x128xf32, #tpu.memory_space<vmem>>
      %dma_start3A_132 = tpu.memref_squeeze %dma_start3A_131 : memref<1x32x128xf32, #tpu.memory_space<vmem>> -> memref<32x128xf32, #tpu.memory_space<vmem>>
      %dma_start3A_133 = arith.constant 0 : i32
      %dma_start3A_134 = tpu.memref_slice %arg5[%dma_start3A_133, %multiple_of3A_121] : memref<32x1000000xf32, #tpu.memory_space<hbm>> -> memref<32x128xf32, #tpu.memory_space<hbm>>
      tpu.enqueue_dma source(%dma_start3A_134 : memref<32x128xf32, #tpu.memory_space<hbm>>) target(%dma_start3A_132 : memref<32x128xf32, #tpu.memory_space<vmem>>) target_semaphore(%arg15 : memref<!tpu.dma_semaphore, #tpu.memory_space<semaphore_mem>>)
      %slice3A_135 = vector.extract_strided_slice %shift_left3A_55 {offsets = [4], sizes = [1], strides = [1]} : vector<16xi32> to vector<1xi32>
      %squeeze3A_136 = vector.extract %slice3A_135[0] : i32 from vector<1xi32>
      %multiple_of3A_137 = tpu.assume_multiple %squeeze3A_136, 128 : i32
      %dma_start3A_138 = arith.constant 4 : i32
      %dma_start3A_139 = arith.constant 0 : i32
      %dma_start3A_140 = arith.constant 0 : i32
      %dma_start3A_141 = tpu.memref_slice %arg11[%dma_start3A_138, %dma_start3A_139, %dma_start3A_140] : memref<16x32x128xf32, #tpu.memory_space<vmem>> -> memref<1x32x128xf32, #tpu.memory_space<vmem>>
      %dma_start3A_142 = tpu.memref_squeeze %dma_start3A_141 : memref<1x32x128xf32, #tpu.memory_space<vmem>> -> memref<32x128xf32, #tpu.memory_space<vmem>>
      %dma_start3A_143 = arith.constant 0 : i32
      %dma_start3A_144 = tpu.memref_slice %arg5[%dma_start3A_143, %multiple_of3A_137] : memref<32x1000000xf32, #tpu.memory_space<hbm>> -> memref<32x128xf32, #tpu.memory_space<hbm>>
      %dma_start3A_145 = arith.constant 0 : i32
      %dma_start3A_146 = arith.constant 0 : i32
      %dma_start3A_147 = tpu.memref_slice %arg11[%dma_start3A_138, %dma_start3A_145, %dma_start3A_146] : memref<16x32x128xf32, #tpu.memory_space<vmem>> -> memref<1x32x128xf32, #tpu.memory_space<vmem>>
      %dma_start3A_148 = tpu.memref_squeeze %dma_start3A_147 : memref<1x32x128xf32, #tpu.memory_space<vmem>> -> memref<32x128xf32, #tpu.memory_space<vmem>>
      %dma_start3A_149 = arith.constant 0 : i32
      %dma_start3A_150 = tpu.memref_slice %arg5[%dma_start3A_149, %multiple_of3A_137] : memref<32x1000000xf32, #tpu.memory_space<hbm>> -> memref<32x128xf32, #tpu.memory_space<hbm>>
      tpu.enqueue_dma source(%dma_start3A_150 : memref<32x128xf32, #tpu.memory_space<hbm>>) target(%dma_start3A_148 : memref<32x128xf32, #tpu.memory_space<vmem>>) target_semaphore(%arg15 : memref<!tpu.dma_semaphore, #tpu.memory_space<semaphore_mem>>)
      %slice3A_151 = vector.extract_strided_slice %shift_left3A_55 {offsets = [5], sizes = [1], strides = [1]} : vector<16xi32> to vector<1xi32>
      %squeeze3A_152 = vector.extract %slice3A_151[0] : i32 from vector<1xi32>
      %multiple_of3A_153 = tpu.assume_multiple %squeeze3A_152, 128 : i32
      %dma_start3A_154 = arith.constant 5 : i32
      %dma_start3A_155 = arith.constant 0 : i32
      %dma_start3A_156 = arith.constant 0 : i32
      %dma_start3A_157 = tpu.memref_slice %arg11[%dma_start3A_154, %dma_start3A_155, %dma_start3A_156] : memref<16x32x128xf32, #tpu.memory_space<vmem>> -> memref<1x32x128xf32, #tpu.memory_space<vmem>>
      %dma_start3A_158 = tpu.memref_squeeze %dma_start3A_157 : memref<1x32x128xf32, #tpu.memory_space<vmem>> -> memref<32x128xf32, #tpu.memory_space<vmem>>
      %dma_start3A_159 = arith.constant 0 : i32
      %dma_start3A_160 = tpu.memref_slice %arg5[%dma_start3A_159, %multiple_of3A_153] : memref<32x1000000xf32, #tpu.memory_space<hbm>> -> memref<32x128xf32, #tpu.memory_space<hbm>>
      %dma_start3A_161 = arith.constant 0 : i32
      %dma_start3A_162 = arith.constant 0 : i32
      %dma_start3A_163 = tpu.memref_slice %arg11[%dma_start3A_154, %dma_start3A_161, %dma_start3A_162] : memref<16x32x128xf32, #tpu.memory_space<vmem>> -> memref<1x32x128xf32, #tpu.memory_space<vmem>>
      %dma_start3A_164 = tpu.memref_squeeze %dma_start3A_163 : memref<1x32x128xf32, #tpu.memory_space<vmem>> -> memref<32x128xf32, #tpu.memory_space<vmem>>
      %dma_start3A_165 = arith.constant 0 : i32
      %dma_start3A_166 = tpu.memref_slice %arg5[%dma_start3A_165, %multiple_of3A_153] : memref<32x1000000xf32, #tpu.memory_space<hbm>> -> memref<32x128xf32, #tpu.memory_space<hbm>>
      tpu.enqueue_dma source(%dma_start3A_166 : memref<32x128xf32, #tpu.memory_space<hbm>>) target(%dma_start3A_164 : memref<32x128xf32, #tpu.memory_space<vmem>>) target_semaphore(%arg15 : memref<!tpu.dma_semaphore, #tpu.memory_space<semaphore_mem>>)
      %slice3A_167 = vector.extract_strided_slice %shift_left3A_55 {offsets = [6], sizes = [1], strides = [1]} : vector<16xi32> to vector<1xi32>
      %squeeze3A_168 = vector.extract %slice3A_167[0] : i32 from vector<1xi32>
      %multiple_of3A_169 = tpu.assume_multiple %squeeze3A_168, 128 : i32
      %dma_start3A_170 = arith.constant 6 : i32
      %dma_start3A_171 = arith.constant 0 : i32
      %dma_start3A_172 = arith.constant 0 : i32
      %dma_start3A_173 = tpu.memref_slice %arg11[%dma_start3A_170, %dma_start3A_171, %dma_start3A_172] : memref<16x32x128xf32, #tpu.memory_space<vmem>> -> memref<1x32x128xf32, #tpu.memory_space<vmem>>
      %dma_start3A_174 = tpu.memref_squeeze %dma_start3A_173 : memref<1x32x128xf32, #tpu.memory_space<vmem>> -> memref<32x128xf32, #tpu.memory_space<vmem>>
      %dma_start3A_175 = arith.constant 0 : i32
      %dma_start3A_176 = tpu.memref_slice %arg5[%dma_start3A_175, %multiple_of3A_169] : memref<32x1000000xf32, #tpu.memory_space<hbm>> -> memref<32x128xf32, #tpu.memory_space<hbm>>
      %dma_start3A_177 = arith.constant 0 : i32
      %dma_start3A_178 = arith.constant 0 : i32
      %dma_start3A_179 = tpu.memref_slice %arg11[%dma_start3A_170, %dma_start3A_177, %dma_start3A_178] : memref<16x32x128xf32, #tpu.memory_space<vmem>> -> memref<1x32x128xf32, #tpu.memory_space<vmem>>
      %dma_start3A_180 = tpu.memref_squeeze %dma_start3A_179 : memref<1x32x128xf32, #tpu.memory_space<vmem>> -> memref<32x128xf32, #tpu.memory_space<vmem>>
      %dma_start3A_181 = arith.constant 0 : i32
      %dma_start3A_182 = tpu.memref_slice %arg5[%dma_start3A_181, %multiple_of3A_169] : memref<32x1000000xf32, #tpu.memory_space<hbm>> -> memref<32x128xf32, #tpu.memory_space<hbm>>
      tpu.enqueue_dma source(%dma_start3A_182 : memref<32x128xf32, #tpu.memory_space<hbm>>) target(%dma_start3A_180 : memref<32x128xf32, #tpu.memory_space<vmem>>) target_semaphore(%arg15 : memref<!tpu.dma_semaphore, #tpu.memory_space<semaphore_mem>>)
      %slice3A_183 = vector.extract_strided_slice %shift_left3A_55 {offsets = [7], sizes = [1], strides = [1]} : vector<16xi32> to vector<1xi32>
      %squeeze3A_184 = vector.extract %slice3A_183[0] : i32 from vector<1xi32>
      %multiple_of3A_185 = tpu.assume_multiple %squeeze3A_184, 128 : i32
      %dma_start3A_186 = arith.constant 7 : i32
      %dma_start3A_187 = arith.constant 0 : i32
      %dma_start3A_188 = arith.constant 0 : i32
      %dma_start3A_189 = tpu.memref_slice %arg11[%dma_start3A_186, %dma_start3A_187, %dma_start3A_188] : memref<16x32x128xf32, #tpu.memory_space<vmem>> -> memref<1x32x128xf32, #tpu.memory_space<vmem>>
      %dma_start3A_190 = tpu.memref_squeeze %dma_start3A_189 : memref<1x32x128xf32, #tpu.memory_space<vmem>> -> memref<32x128xf32, #tpu.memory_space<vmem>>
      %dma_start3A_191 = arith.constant 0 : i32
      %dma_start3A_192 = tpu.memref_slice %arg5[%dma_start3A_191, %multiple_of3A_185] : memref<32x1000000xf32, #tpu.memory_space<hbm>> -> memref<32x128xf32, #tpu.memory_space<hbm>>
      %dma_start3A_193 = arith.constant 0 : i32
      %dma_start3A_194 = arith.constant 0 : i32
      %dma_start3A_195 = tpu.memref_slice %arg11[%dma_start3A_186, %dma_start3A_193, %dma_start3A_194] : memref<16x32x128xf32, #tpu.memory_space<vmem>> -> memref<1x32x128xf32, #tpu.memory_space<vmem>>
      %dma_start3A_196 = tpu.memref_squeeze %dma_start3A_195 : memref<1x32x128xf32, #tpu.memory_space<vmem>> -> memref<32x128xf32, #tpu.memory_space<vmem>>
      %dma_start3A_197 = arith.constant 0 : i32
      %dma_start3A_198 = tpu.memref_slice %arg5[%dma_start3A_197, %multiple_of3A_185] : memref<32x1000000xf32, #tpu.memory_space<hbm>> -> memref<32x128xf32, #tpu.memory_space<hbm>>
      tpu.enqueue_dma source(%dma_start3A_198 : memref<32x128xf32, #tpu.memory_space<hbm>>) target(%dma_start3A_196 : memref<32x128xf32, #tpu.memory_space<vmem>>) target_semaphore(%arg15 : memref<!tpu.dma_semaphore, #tpu.memory_space<semaphore_mem>>)
      %slice3A_199 = vector.extract_strided_slice %shift_left3A_55 {offsets = [8], sizes = [1], strides = [1]} : vector<16xi32> to vector<1xi32>
      %squeeze3A_200 = vector.extract %slice3A_199[0] : i32 from vector<1xi32>
      %multiple_of3A_201 = tpu.assume_multiple %squeeze3A_200, 128 : i32
      %dma_start3A_202 = arith.constant 8 : i32
      %dma_start3A_203 = arith.constant 0 : i32
      %dma_start3A_204 = arith.constant 0 : i32
      %dma_start3A_205 = tpu.memref_slice %arg11[%dma_start3A_202, %dma_start3A_203, %dma_start3A_204] : memref<16x32x128xf32, #tpu.memory_space<vmem>> -> memref<1x32x128xf32, #tpu.memory_space<vmem>>
      %dma_start3A_206 = tpu.memref_squeeze %dma_start3A_205 : memref<1x32x128xf32, #tpu.memory_space<vmem>> -> memref<32x128xf32, #tpu.memory_space<vmem>>
      %dma_start3A_207 = arith.constant 0 : i32
      %dma_start3A_208 = tpu.memref_slice %arg5[%dma_start3A_207, %multiple_of3A_201] : memref<32x1000000xf32, #tpu.memory_space<hbm>> -> memref<32x128xf32, #tpu.memory_space<hbm>>
      %dma_start3A_209 = arith.constant 0 : i32
      %dma_start3A_210 = arith.constant 0 : i32
      %dma_start3A_211 = tpu.memref_slice %arg11[%dma_start3A_202, %dma_start3A_209, %dma_start3A_210] : memref<16x32x128xf32, #tpu.memory_space<vmem>> -> memref<1x32x128xf32, #tpu.memory_space<vmem>>
      %dma_start3A_212 = tpu.memref_squeeze %dma_start3A_211 : memref<1x32x128xf32, #tpu.memory_space<vmem>> -> memref<32x128xf32, #tpu.memory_space<vmem>>
      %dma_start3A_213 = arith.constant 0 : i32
      %dma_start3A_214 = tpu.memref_slice %arg5[%dma_start3A_213, %multiple_of3A_201] : memref<32x1000000xf32, #tpu.memory_space<hbm>> -> memref<32x128xf32, #tpu.memory_space<hbm>>
      tpu.enqueue_dma source(%dma_start3A_214 : memref<32x128xf32, #tpu.memory_space<hbm>>) target(%dma_start3A_212 : memref<32x128xf32, #tpu.memory_space<vmem>>) target_semaphore(%arg15 : memref<!tpu.dma_semaphore, #tpu.memory_space<semaphore_mem>>)
      %slice3A_215 = vector.extract_strided_slice %shift_left3A_55 {offsets = [9], sizes = [1], strides = [1]} : vector<16xi32> to vector<1xi32>
      %squeeze3A_216 = vector.extract %slice3A_215[0] : i32 from vector<1xi32>
      %multiple_of3A_217 = tpu.assume_multiple %squeeze3A_216, 128 : i32
      %dma_start3A_218 = arith.constant 9 : i32
      %dma_start3A_219 = arith.constant 0 : i32
      %dma_start3A_220 = arith.constant 0 : i32
      %dma_start3A_221 = tpu.memref_slice %arg11[%dma_start3A_218, %dma_start3A_219, %dma_start3A_220] : memref<16x32x128xf32, #tpu.memory_space<vmem>> -> memref<1x32x128xf32, #tpu.memory_space<vmem>>
      %dma_start3A_222 = tpu.memref_squeeze %dma_start3A_221 : memref<1x32x128xf32, #tpu.memory_space<vmem>> -> memref<32x128xf32, #tpu.memory_space<vmem>>
      %dma_start3A_223 = arith.constant 0 : i32
      %dma_start3A_224 = tpu.memref_slice %arg5[%dma_start3A_223, %multiple_of3A_217] : memref<32x1000000xf32, #tpu.memory_space<hbm>> -> memref<32x128xf32, #tpu.memory_space<hbm>>
      %dma_start3A_225 = arith.constant 0 : i32
      %dma_start3A_226 = arith.constant 0 : i32
      %dma_start3A_227 = tpu.memref_slice %arg11[%dma_start3A_218, %dma_start3A_225, %dma_start3A_226] : memref<16x32x128xf32, #tpu.memory_space<vmem>> -> memref<1x32x128xf32, #tpu.memory_space<vmem>>
      %dma_start3A_228 = tpu.memref_squeeze %dma_start3A_227 : memref<1x32x128xf32, #tpu.memory_space<vmem>> -> memref<32x128xf32, #tpu.memory_space<vmem>>
      %dma_start3A_229 = arith.constant 0 : i32
      %dma_start3A_230 = tpu.memref_slice %arg5[%dma_start3A_229, %multiple_of3A_217] : memref<32x1000000xf32, #tpu.memory_space<hbm>> -> memref<32x128xf32, #tpu.memory_space<hbm>>
      tpu.enqueue_dma source(%dma_start3A_230 : memref<32x128xf32, #tpu.memory_space<hbm>>) target(%dma_start3A_228 : memref<32x128xf32, #tpu.memory_space<vmem>>) target_semaphore(%arg15 : memref<!tpu.dma_semaphore, #tpu.memory_space<semaphore_mem>>)
      %slice3A_231 = vector.extract_strided_slice %shift_left3A_55 {offsets = [10], sizes = [1], strides = [1]} : vector<16xi32> to vector<1xi32>
      %squeeze3A_232 = vector.extract %slice3A_231[0] : i32 from vector<1xi32>
      %multiple_of3A_233 = tpu.assume_multiple %squeeze3A_232, 128 : i32
      %dma_start3A_234 = arith.constant 10 : i32
      %dma_start3A_235 = arith.constant 0 : i32
      %dma_start3A_236 = arith.constant 0 : i32
      %dma_start3A_237 = tpu.memref_slice %arg11[%dma_start3A_234, %dma_start3A_235, %dma_start3A_236] : memref<16x32x128xf32, #tpu.memory_space<vmem>> -> memref<1x32x128xf32, #tpu.memory_space<vmem>>
      %dma_start3A_238 = tpu.memref_squeeze %dma_start3A_237 : memref<1x32x128xf32, #tpu.memory_space<vmem>> -> memref<32x128xf32, #tpu.memory_space<vmem>>
      %dma_start3A_239 = arith.constant 0 : i32
      %dma_start3A_240 = tpu.memref_slice %arg5[%dma_start3A_239, %multiple_of3A_233] : memref<32x1000000xf32, #tpu.memory_space<hbm>> -> memref<32x128xf32, #tpu.memory_space<hbm>>
      %dma_start3A_241 = arith.constant 0 : i32
      %dma_start3A_242 = arith.constant 0 : i32
      %dma_start3A_243 = tpu.memref_slice %arg11[%dma_start3A_234, %dma_start3A_241, %dma_start3A_242] : memref<16x32x128xf32, #tpu.memory_space<vmem>> -> memref<1x32x128xf32, #tpu.memory_space<vmem>>
      %dma_start3A_244 = tpu.memref_squeeze %dma_start3A_243 : memref<1x32x128xf32, #tpu.memory_space<vmem>> -> memref<32x128xf32, #tpu.memory_space<vmem>>
      %dma_start3A_245 = arith.constant 0 : i32
      %dma_start3A_246 = tpu.memref_slice %arg5[%dma_start3A_245, %multiple_of3A_233] : memref<32x1000000xf32, #tpu.memory_space<hbm>> -> memref<32x128xf32, #tpu.memory_space<hbm>>
      tpu.enqueue_dma source(%dma_start3A_246 : memref<32x128xf32, #tpu.memory_space<hbm>>) target(%dma_start3A_244 : memref<32x128xf32, #tpu.memory_space<vmem>>) target_semaphore(%arg15 : memref<!tpu.dma_semaphore, #tpu.memory_space<semaphore_mem>>)
      %slice3A_247 = vector.extract_strided_slice %shift_left3A_55 {offsets = [11], sizes = [1], strides = [1]} : vector<16xi32> to vector<1xi32>
      %squeeze3A_248 = vector.extract %slice3A_247[0] : i32 from vector<1xi32>
      %multiple_of3A_249 = tpu.assume_multiple %squeeze3A_248, 128 : i32
      %dma_start3A_250 = arith.constant 11 : i32
      %dma_start3A_251 = arith.constant 0 : i32
      %dma_start3A_252 = arith.constant 0 : i32
      %dma_start3A_253 = tpu.memref_slice %arg11[%dma_start3A_250, %dma_start3A_251, %dma_start3A_252] : memref<16x32x128xf32, #tpu.memory_space<vmem>> -> memref<1x32x128xf32, #tpu.memory_space<vmem>>
      %dma_start3A_254 = tpu.memref_squeeze %dma_start3A_253 : memref<1x32x128xf32, #tpu.memory_space<vmem>> -> memref<32x128xf32, #tpu.memory_space<vmem>>
      %dma_start3A_255 = arith.constant 0 : i32
      %dma_start3A_256 = tpu.memref_slice %arg5[%dma_start3A_255, %multiple_of3A_249] : memref<32x1000000xf32, #tpu.memory_space<hbm>> -> memref<32x128xf32, #tpu.memory_space<hbm>>
      %dma_start3A_257 = arith.constant 0 : i32
      %dma_start3A_258 = arith.constant 0 : i32
      %dma_start3A_259 = tpu.memref_slice %arg11[%dma_start3A_250, %dma_start3A_257, %dma_start3A_258] : memref<16x32x128xf32, #tpu.memory_space<vmem>> -> memref<1x32x128xf32, #tpu.memory_space<vmem>>
      %dma_start3A_260 = tpu.memref_squeeze %dma_start3A_259 : memref<1x32x128xf32, #tpu.memory_space<vmem>> -> memref<32x128xf32, #tpu.memory_space<vmem>>
      %dma_start3A_261 = arith.constant 0 : i32
      %dma_start3A_262 = tpu.memref_slice %arg5[%dma_start3A_261, %multiple_of3A_249] : memref<32x1000000xf32, #tpu.memory_space<hbm>> -> memref<32x128xf32, #tpu.memory_space<hbm>>
      tpu.enqueue_dma source(%dma_start3A_262 : memref<32x128xf32, #tpu.memory_space<hbm>>) target(%dma_start3A_260 : memref<32x128xf32, #tpu.memory_space<vmem>>) target_semaphore(%arg15 : memref<!tpu.dma_semaphore, #tpu.memory_space<semaphore_mem>>)
      %slice3A_263 = vector.extract_strided_slice %shift_left3A_55 {offsets = [12], sizes = [1], strides = [1]} : vector<16xi32> to vector<1xi32>
      %squeeze3A_264 = vector.extract %slice3A_263[0] : i32 from vector<1xi32>
      %multiple_of3A_265 = tpu.assume_multiple %squeeze3A_264, 128 : i32
      %dma_start3A_266 = arith.constant 12 : i32
      %dma_start3A_267 = arith.constant 0 : i32
      %dma_start3A_268 = arith.constant 0 : i32
      %dma_start3A_269 = tpu.memref_slice %arg11[%dma_start3A_266, %dma_start3A_267, %dma_start3A_268] : memref<16x32x128xf32, #tpu.memory_space<vmem>> -> memref<1x32x128xf32, #tpu.memory_space<vmem>>
      %dma_start3A_270 = tpu.memref_squeeze %dma_start3A_269 : memref<1x32x128xf32, #tpu.memory_space<vmem>> -> memref<32x128xf32, #tpu.memory_space<vmem>>
      %dma_start3A_271 = arith.constant 0 : i32
      %dma_start3A_272 = tpu.memref_slice %arg5[%dma_start3A_271, %multiple_of3A_265] : memref<32x1000000xf32, #tpu.memory_space<hbm>> -> memref<32x128xf32, #tpu.memory_space<hbm>>
      %dma_start3A_273 = arith.constant 0 : i32
      %dma_start3A_274 = arith.constant 0 : i32
      %dma_start3A_275 = tpu.memref_slice %arg11[%dma_start3A_266, %dma_start3A_273, %dma_start3A_274] : memref<16x32x128xf32, #tpu.memory_space<vmem>> -> memref<1x32x128xf32, #tpu.memory_space<vmem>>
      %dma_start3A_276 = tpu.memref_squeeze %dma_start3A_275 : memref<1x32x128xf32, #tpu.memory_space<vmem>> -> memref<32x128xf32, #tpu.memory_space<vmem>>
      %dma_start3A_277 = arith.constant 0 : i32
      %dma_start3A_278 = tpu.memref_slice %arg5[%dma_start3A_277, %multiple_of3A_265] : memref<32x1000000xf32, #tpu.memory_space<hbm>> -> memref<32x128xf32, #tpu.memory_space<hbm>>
      tpu.enqueue_dma source(%dma_start3A_278 : memref<32x128xf32, #tpu.memory_space<hbm>>) target(%dma_start3A_276 : memref<32x128xf32, #tpu.memory_space<vmem>>) target_semaphore(%arg15 : memref<!tpu.dma_semaphore, #tpu.memory_space<semaphore_mem>>)
      %slice3A_279 = vector.extract_strided_slice %shift_left3A_55 {offsets = [13], sizes = [1], strides = [1]} : vector<16xi32> to vector<1xi32>
      %squeeze3A_280 = vector.extract %slice3A_279[0] : i32 from vector<1xi32>
      %multiple_of3A_281 = tpu.assume_multiple %squeeze3A_280, 128 : i32
      %dma_start3A_282 = arith.constant 13 : i32
      %dma_start3A_283 = arith.constant 0 : i32
      %dma_start3A_284 = arith.constant 0 : i32
      %dma_start3A_285 = tpu.memref_slice %arg11[%dma_start3A_282, %dma_start3A_283, %dma_start3A_284] : memref<16x32x128xf32, #tpu.memory_space<vmem>> -> memref<1x32x128xf32, #tpu.memory_space<vmem>>
      %dma_start3A_286 = tpu.memref_squeeze %dma_start3A_285 : memref<1x32x128xf32, #tpu.memory_space<vmem>> -> memref<32x128xf32, #tpu.memory_space<vmem>>
      %dma_start3A_287 = arith.constant 0 : i32
      %dma_start3A_288 = tpu.memref_slice %arg5[%dma_start3A_287, %multiple_of3A_281] : memref<32x1000000xf32, #tpu.memory_space<hbm>> -> memref<32x128xf32, #tpu.memory_space<hbm>>
      %dma_start3A_289 = arith.constant 0 : i32
      %dma_start3A_290 = arith.constant 0 : i32
      %dma_start3A_291 = tpu.memref_slice %arg11[%dma_start3A_282, %dma_start3A_289, %dma_start3A_290] : memref<16x32x128xf32, #tpu.memory_space<vmem>> -> memref<1x32x128xf32, #tpu.memory_space<vmem>>
      %dma_start3A_292 = tpu.memref_squeeze %dma_start3A_291 : memref<1x32x128xf32, #tpu.memory_space<vmem>> -> memref<32x128xf32, #tpu.memory_space<vmem>>
      %dma_start3A_293 = arith.constant 0 : i32
      %dma_start3A_294 = tpu.memref_slice %arg5[%dma_start3A_293, %multiple_of3A_281] : memref<32x1000000xf32, #tpu.memory_space<hbm>> -> memref<32x128xf32, #tpu.memory_space<hbm>>
      tpu.enqueue_dma source(%dma_start3A_294 : memref<32x128xf32, #tpu.memory_space<hbm>>) target(%dma_start3A_292 : memref<32x128xf32, #tpu.memory_space<vmem>>) target_semaphore(%arg15 : memref<!tpu.dma_semaphore, #tpu.memory_space<semaphore_mem>>)
      %slice3A_295 = vector.extract_strided_slice %shift_left3A_55 {offsets = [14], sizes = [1], strides = [1]} : vector<16xi32> to vector<1xi32>
      %squeeze3A_296 = vector.extract %slice3A_295[0] : i32 from vector<1xi32>
      %multiple_of3A_297 = tpu.assume_multiple %squeeze3A_296, 128 : i32
      %dma_start3A_298 = arith.constant 14 : i32
      %dma_start3A_299 = arith.constant 0 : i32
      %dma_start3A_300 = arith.constant 0 : i32
      %dma_start3A_301 = tpu.memref_slice %arg11[%dma_start3A_298, %dma_start3A_299, %dma_start3A_300] : memref<16x32x128xf32, #tpu.memory_space<vmem>> -> memref<1x32x128xf32, #tpu.memory_space<vmem>>
      %dma_start3A_302 = tpu.memref_squeeze %dma_start3A_301 : memref<1x32x128xf32, #tpu.memory_space<vmem>> -> memref<32x128xf32, #tpu.memory_space<vmem>>
      %dma_start3A_303 = arith.constant 0 : i32
      %dma_start3A_304 = tpu.memref_slice %arg5[%dma_start3A_303, %multiple_of3A_297] : memref<32x1000000xf32, #tpu.memory_space<hbm>> -> memref<32x128xf32, #tpu.memory_space<hbm>>
      %dma_start3A_305 = arith.constant 0 : i32
      %dma_start3A_306 = arith.constant 0 : i32
      %dma_start3A_307 = tpu.memref_slice %arg11[%dma_start3A_298, %dma_start3A_305, %dma_start3A_306] : memref<16x32x128xf32, #tpu.memory_space<vmem>> -> memref<1x32x128xf32, #tpu.memory_space<vmem>>
      %dma_start3A_308 = tpu.memref_squeeze %dma_start3A_307 : memref<1x32x128xf32, #tpu.memory_space<vmem>> -> memref<32x128xf32, #tpu.memory_space<vmem>>
      %dma_start3A_309 = arith.constant 0 : i32
      %dma_start3A_310 = tpu.memref_slice %arg5[%dma_start3A_309, %multiple_of3A_297] : memref<32x1000000xf32, #tpu.memory_space<hbm>> -> memref<32x128xf32, #tpu.memory_space<hbm>>
      tpu.enqueue_dma source(%dma_start3A_310 : memref<32x128xf32, #tpu.memory_space<hbm>>) target(%dma_start3A_308 : memref<32x128xf32, #tpu.memory_space<vmem>>) target_semaphore(%arg15 : memref<!tpu.dma_semaphore, #tpu.memory_space<semaphore_mem>>)
      %slice3A_311 = vector.extract_strided_slice %shift_left3A_55 {offsets = [15], sizes = [1], strides = [1]} : vector<16xi32> to vector<1xi32>
      %squeeze3A_312 = vector.extract %slice3A_311[0] : i32 from vector<1xi32>
      %multiple_of3A_313 = tpu.assume_multiple %squeeze3A_312, 128 : i32
      %dma_start3A_314 = arith.constant 15 : i32
      %dma_start3A_315 = arith.constant 0 : i32
      %dma_start3A_316 = arith.constant 0 : i32
      %dma_start3A_317 = tpu.memref_slice %arg11[%dma_start3A_314, %dma_start3A_315, %dma_start3A_316] : memref<16x32x128xf32, #tpu.memory_space<vmem>> -> memref<1x32x128xf32, #tpu.memory_space<vmem>>
      %dma_start3A_318 = tpu.memref_squeeze %dma_start3A_317 : memref<1x32x128xf32, #tpu.memory_space<vmem>> -> memref<32x128xf32, #tpu.memory_space<vmem>>
      %dma_start3A_319 = arith.constant 0 : i32
      %dma_start3A_320 = tpu.memref_slice %arg5[%dma_start3A_319, %multiple_of3A_313] : memref<32x1000000xf32, #tpu.memory_space<hbm>> -> memref<32x128xf32, #tpu.memory_space<hbm>>
      %dma_start3A_321 = arith.constant 0 : i32
      %dma_start3A_322 = arith.constant 0 : i32
      %dma_start3A_323 = tpu.memref_slice %arg11[%dma_start3A_314, %dma_start3A_321, %dma_start3A_322] : memref<16x32x128xf32, #tpu.memory_space<vmem>> -> memref<1x32x128xf32, #tpu.memory_space<vmem>>
      %dma_start3A_324 = tpu.memref_squeeze %dma_start3A_323 : memref<1x32x128xf32, #tpu.memory_space<vmem>> -> memref<32x128xf32, #tpu.memory_space<vmem>>
      %dma_start3A_325 = arith.constant 0 : i32
      %dma_start3A_326 = tpu.memref_slice %arg5[%dma_start3A_325, %multiple_of3A_313] : memref<32x1000000xf32, #tpu.memory_space<hbm>> -> memref<32x128xf32, #tpu.memory_space<hbm>>
      tpu.enqueue_dma source(%dma_start3A_326 : memref<32x128xf32, #tpu.memory_space<hbm>>) target(%dma_start3A_324 : memref<32x128xf32, #tpu.memory_space<vmem>>) target_semaphore(%arg15 : memref<!tpu.dma_semaphore, #tpu.memory_space<semaphore_mem>>)
      %scan3A_327 = arith.constant 0 : i32
      %scan3A_328 = arith.constant 0 : i32
      %scan3A_329 = arith.constant 16 : i32
      %scan3A_330 = arith.addi %scan3A_328, %scan3A_329 : i32
      %scan3A_331 = arith.constant 2 : i32
      scf.for %scan3A_717 = %scan3A_328 to %scan3A_330 step %scan3A_331  : i32 {
        %dma_wait3A_718 = arith.constant 0 : i32
        %dma_wait3A_719 = arith.constant 0 : i32
        %dma_wait3A_720 = tpu.memref_slice %arg11[%scan3A_717, %dma_wait3A_718, %dma_wait3A_719] : memref<16x32x128xf32, #tpu.memory_space<vmem>> -> memref<1x32x128xf32, #tpu.memory_space<vmem>>
        %dma_wait3A_721 = tpu.memref_squeeze %dma_wait3A_720 : memref<1x32x128xf32, #tpu.memory_space<vmem>> -> memref<32x128xf32, #tpu.memory_space<vmem>>
        %dma_wait3A_722 = arith.constant 0 : i32
        %dma_wait3A_723 = arith.constant 0 : i32
        %dma_wait3A_724 = tpu.memref_slice %arg5[%dma_wait3A_722, %dma_wait3A_723] : memref<32x1000000xf32, #tpu.memory_space<hbm>> -> memref<32x128xf32, #tpu.memory_space<hbm>>
        %dma_wait3A_725 = arith.constant 0 : i32
        %dma_wait3A_726 = arith.constant 0 : i32
        %dma_wait3A_727 = tpu.memref_slice %arg11[%scan3A_717, %dma_wait3A_725, %dma_wait3A_726] : memref<16x32x128xf32, #tpu.memory_space<vmem>> -> memref<1x32x128xf32, #tpu.memory_space<vmem>>
        %dma_wait3A_728 = tpu.memref_squeeze %dma_wait3A_727 : memref<1x32x128xf32, #tpu.memory_space<vmem>> -> memref<32x128xf32, #tpu.memory_space<vmem>>
        %dma_wait3A_729 = arith.constant 0 : i32
        %dma_wait3A_730 = arith.constant 0 : i32
        %dma_wait3A_731 = tpu.memref_slice %arg5[%dma_wait3A_729, %dma_wait3A_730] : memref<32x1000000xf32, #tpu.memory_space<hbm>> -> memref<32x128xf32, #tpu.memory_space<hbm>>
        tpu.wait_dma2 semaphore(%arg15 : memref<!tpu.dma_semaphore, #tpu.memory_space<semaphore_mem>>) src(%dma_wait3A_731 : memref<32x128xf32, #tpu.memory_space<hbm>>) dst(%dma_wait3A_728 : memref<32x128xf32, #tpu.memory_space<vmem>>)
        %scan3A_732 = arith.constant 1 : i32
        %scan3A_733 = arith.addi %scan3A_717, %scan3A_732 : i32
        %dma_wait3A_734 = arith.constant 0 : i32
        %dma_wait3A_735 = arith.constant 0 : i32
        %dma_wait3A_736 = tpu.memref_slice %arg11[%scan3A_733, %dma_wait3A_734, %dma_wait3A_735] : memref<16x32x128xf32, #tpu.memory_space<vmem>> -> memref<1x32x128xf32, #tpu.memory_space<vmem>>
        %dma_wait3A_737 = tpu.memref_squeeze %dma_wait3A_736 : memref<1x32x128xf32, #tpu.memory_space<vmem>> -> memref<32x128xf32, #tpu.memory_space<vmem>>
        %dma_wait3A_738 = arith.constant 0 : i32
        %dma_wait3A_739 = arith.constant 0 : i32
        %dma_wait3A_740 = tpu.memref_slice %arg5[%dma_wait3A_738, %dma_wait3A_739] : memref<32x1000000xf32, #tpu.memory_space<hbm>> -> memref<32x128xf32, #tpu.memory_space<hbm>>
        %dma_wait3A_741 = arith.constant 0 : i32
        %dma_wait3A_742 = arith.constant 0 : i32
        %dma_wait3A_743 = tpu.memref_slice %arg11[%scan3A_733, %dma_wait3A_741, %dma_wait3A_742] : memref<16x32x128xf32, #tpu.memory_space<vmem>> -> memref<1x32x128xf32, #tpu.memory_space<vmem>>
        %dma_wait3A_744 = tpu.memref_squeeze %dma_wait3A_743 : memref<1x32x128xf32, #tpu.memory_space<vmem>> -> memref<32x128xf32, #tpu.memory_space<vmem>>
        %dma_wait3A_745 = arith.constant 0 : i32
        %dma_wait3A_746 = arith.constant 0 : i32
        %dma_wait3A_747 = tpu.memref_slice %arg5[%dma_wait3A_745, %dma_wait3A_746] : memref<32x1000000xf32, #tpu.memory_space<hbm>> -> memref<32x128xf32, #tpu.memory_space<hbm>>
        tpu.wait_dma2 semaphore(%arg15 : memref<!tpu.dma_semaphore, #tpu.memory_space<semaphore_mem>>) src(%dma_wait3A_747 : memref<32x128xf32, #tpu.memory_space<hbm>>) dst(%dma_wait3A_744 : memref<32x128xf32, #tpu.memory_space<vmem>>)
      }
      %scan3A_332 = arith.constant 16 : i32
      %broadcast_in_dim3A_333 = arith.constant 0 : i32
      %broadcast_in_dim3A_334 = vector.broadcast %broadcast_in_dim3A_333 : i32 to vector<16xi32>
      %gather3A = tpu.vector_load_idx %arg11[%iota3A, %broadcast_in_dim3A_334, %and3A_57] : memref<16x32x128xf32, #tpu.memory_space<vmem>>[vector<16xi32>, vector<16xi32>, vector<16xi32>], vector<16xf32>,
      %add3A_335 = arith.constant 0 : i32
      %add3A_336 = vector.broadcast %add3A_335 : i32 to vector<16xi32>
      %add3A_337 = arith.addi %shift_left3A_72, %add3A_336 : vector<16xi32>
      %gather3A_338 = tpu.vector_load_idx %arg13[%add3A_62, %add3A_337] : memref<256x128xi32, #tpu.memory_space<vmem>>[vector<16xi32>, vector<16xi32>], vector<16xi32>,
      %bitcast3A = vector.bitcast %gather3A_338 : vector<16xi32> to vector<32xbf16>
      %unpack3A = tpu.unpack_subelements %bitcast3A, 0 {pack_format = #tpu.pack_format<interleaved>} : vector<32xbf16> -> vector<16xf32>
      %unpack3A_339 = tpu.unpack_subelements %bitcast3A, 1 {pack_format = #tpu.pack_format<interleaved>} : vector<32xbf16> -> vector<16xf32>
      %mul3A_340 = arith.mulf %unpack3A, %gather3A : vector<16xf32>
      %add3A_341 = arith.addf %broadcast_in_dim3A_73, %mul3A_340 : vector<16xf32>
      %broadcast_in_dim3A_342 = arith.constant 1 : i32
      %broadcast_in_dim3A_343 = vector.broadcast %broadcast_in_dim3A_342 : i32 to vector<16xi32>
      %gather3A_344 = tpu.vector_load_idx %arg11[%iota3A, %broadcast_in_dim3A_343, %and3A_57] : memref<16x32x128xf32, #tpu.memory_space<vmem>>[vector<16xi32>, vector<16xi32>, vector<16xi32>], vector<16xf32>,
      %add3A_345 = arith.constant 1 : i32
      %add3A_346 = vector.broadcast %add3A_345 : i32 to vector<16xi32>
      %add3A_347 = arith.addi %shift_left3A_72, %add3A_346 : vector<16xi32>
      %gather3A_348 = tpu.vector_load_idx %arg13[%add3A_62, %add3A_347] : memref<256x128xi32, #tpu.memory_space<vmem>>[vector<16xi32>, vector<16xi32>], vector<16xi32>,
      %bitcast3A_349 = vector.bitcast %gather3A_348 : vector<16xi32> to vector<32xbf16>
      %unpack3A_350 = tpu.unpack_subelements %bitcast3A_349, 0 {pack_format = #tpu.pack_format<interleaved>} : vector<32xbf16> -> vector<16xf32>
      %unpack3A_351 = tpu.unpack_subelements %bitcast3A_349, 1 {pack_format = #tpu.pack_format<interleaved>} : vector<32xbf16> -> vector<16xf32>
      %mul3A_352 = arith.mulf %unpack3A_350, %gather3A_344 : vector<16xf32>
      %add3A_353 = arith.addf %add3A_341, %mul3A_352 : vector<16xf32>
      %broadcast_in_dim3A_354 = arith.constant 2 : i32
      %broadcast_in_dim3A_355 = vector.broadcast %broadcast_in_dim3A_354 : i32 to vector<16xi32>
      %gather3A_356 = tpu.vector_load_idx %arg11[%iota3A, %broadcast_in_dim3A_355, %and3A_57] : memref<16x32x128xf32, #tpu.memory_space<vmem>>[vector<16xi32>, vector<16xi32>, vector<16xi32>], vector<16xf32>,
      %add3A_357 = arith.constant 2 : i32
      %add3A_358 = vector.broadcast %add3A_357 : i32 to vector<16xi32>
      %add3A_359 = arith.addi %shift_left3A_72, %add3A_358 : vector<16xi32>
      %gather3A_360 = tpu.vector_load_idx %arg13[%add3A_62, %add3A_359] : memref<256x128xi32, #tpu.memory_space<vmem>>[vector<16xi32>, vector<16xi32>], vector<16xi32>,
      %bitcast3A_361 = vector.bitcast %gather3A_360 : vector<16xi32> to vector<32xbf16>
      %unpack3A_362 = tpu.unpack_subelements %bitcast3A_361, 0 {pack_format = #tpu.pack_format<interleaved>} : vector<32xbf16> -> vector<16xf32>
      %unpack3A_363 = tpu.unpack_subelements %bitcast3A_361, 1 {pack_format = #tpu.pack_format<interleaved>} : vector<32xbf16> -> vector<16xf32>
      %mul3A_364 = arith.mulf %unpack3A_362, %gather3A_356 : vector<16xf32>
      %add3A_365 = arith.addf %add3A_353, %mul3A_364 : vector<16xf32>
      %broadcast_in_dim3A_366 = arith.constant 3 : i32
      %broadcast_in_dim3A_367 = vector.broadcast %broadcast_in_dim3A_366 : i32 to vector<16xi32>
      %gather3A_368 = tpu.vector_load_idx %arg11[%iota3A, %broadcast_in_dim3A_367, %and3A_57] : memref<16x32x128xf32, #tpu.memory_space<vmem>>[vector<16xi32>, vector<16xi32>, vector<16xi32>], vector<16xf32>,
      %add3A_369 = arith.constant 3 : i32
      %add3A_370 = vector.broadcast %add3A_369 : i32 to vector<16xi32>
      %add3A_371 = arith.addi %shift_left3A_72, %add3A_370 : vector<16xi32>
      %gather3A_372 = tpu.vector_load_idx %arg13[%add3A_62, %add3A_371] : memref<256x128xi32, #tpu.memory_space<vmem>>[vector<16xi32>, vector<16xi32>], vector<16xi32>,
      %bitcast3A_373 = vector.bitcast %gather3A_372 : vector<16xi32> to vector<32xbf16>
      %unpack3A_374 = tpu.unpack_subelements %bitcast3A_373, 0 {pack_format = #tpu.pack_format<interleaved>} : vector<32xbf16> -> vector<16xf32>
      %unpack3A_375 = tpu.unpack_subelements %bitcast3A_373, 1 {pack_format = #tpu.pack_format<interleaved>} : vector<32xbf16> -> vector<16xf32>
      %mul3A_376 = arith.mulf %unpack3A_374, %gather3A_368 : vector<16xf32>
      %add3A_377 = arith.addf %add3A_365, %mul3A_376 : vector<16xf32>
      %broadcast_in_dim3A_378 = arith.constant 4 : i32
      %broadcast_in_dim3A_379 = vector.broadcast %broadcast_in_dim3A_378 : i32 to vector<16xi32>
      %gather3A_380 = tpu.vector_load_idx %arg11[%iota3A, %broadcast_in_dim3A_379, %and3A_57] : memref<16x32x128xf32, #tpu.memory_space<vmem>>[vector<16xi32>, vector<16xi32>, vector<16xi32>], vector<16xf32>,
      %add3A_381 = arith.constant 4 : i32
      %add3A_382 = vector.broadcast %add3A_381 : i32 to vector<16xi32>
      %add3A_383 = arith.addi %shift_left3A_72, %add3A_382 : vector<16xi32>
      %gather3A_384 = tpu.vector_load_idx %arg13[%add3A_62, %add3A_383] : memref<256x128xi32, #tpu.memory_space<vmem>>[vector<16xi32>, vector<16xi32>], vector<16xi32>,
      %bitcast3A_385 = vector.bitcast %gather3A_384 : vector<16xi32> to vector<32xbf16>
      %unpack3A_386 = tpu.unpack_subelements %bitcast3A_385, 0 {pack_format = #tpu.pack_format<interleaved>} : vector<32xbf16> -> vector<16xf32>
      %unpack3A_387 = tpu.unpack_subelements %bitcast3A_385, 1 {pack_format = #tpu.pack_format<interleaved>} : vector<32xbf16> -> vector<16xf32>
      %mul3A_388 = arith.mulf %unpack3A_386, %gather3A_380 : vector<16xf32>
      %add3A_389 = arith.addf %add3A_377, %mul3A_388 : vector<16xf32>
      %broadcast_in_dim3A_390 = arith.constant 5 : i32
      %broadcast_in_dim3A_391 = vector.broadcast %broadcast_in_dim3A_390 : i32 to vector<16xi32>
      %gather3A_392 = tpu.vector_load_idx %arg11[%iota3A, %broadcast_in_dim3A_391, %and3A_57] : memref<16x32x128xf32, #tpu.memory_space<vmem>>[vector<16xi32>, vector<16xi32>, vector<16xi32>], vector<16xf32>,
      %add3A_393 = arith.constant 5 : i32
      %add3A_394 = vector.broadcast %add3A_393 : i32 to vector<16xi32>
      %add3A_395 = arith.addi %shift_left3A_72, %add3A_394 : vector<16xi32>
      %gather3A_396 = tpu.vector_load_idx %arg13[%add3A_62, %add3A_395] : memref<256x128xi32, #tpu.memory_space<vmem>>[vector<16xi32>, vector<16xi32>], vector<16xi32>,
      %bitcast3A_397 = vector.bitcast %gather3A_396 : vector<16xi32> to vector<32xbf16>
      %unpack3A_398 = tpu.unpack_subelements %bitcast3A_397, 0 {pack_format = #tpu.pack_format<interleaved>} : vector<32xbf16> -> vector<16xf32>
      %unpack3A_399 = tpu.unpack_subelements %bitcast3A_397, 1 {pack_format = #tpu.pack_format<interleaved>} : vector<32xbf16> -> vector<16xf32>
      %mul3A_400 = arith.mulf %unpack3A_398, %gather3A_392 : vector<16xf32>
      %add3A_401 = arith.addf %add3A_389, %mul3A_400 : vector<16xf32>
      %broadcast_in_dim3A_402 = arith.constant 6 : i32
      %broadcast_in_dim3A_403 = vector.broadcast %broadcast_in_dim3A_402 : i32 to vector<16xi32>
      %gather3A_404 = tpu.vector_load_idx %arg11[%iota3A, %broadcast_in_dim3A_403, %and3A_57] : memref<16x32x128xf32, #tpu.memory_space<vmem>>[vector<16xi32>, vector<16xi32>, vector<16xi32>], vector<16xf32>,
      %add3A_405 = arith.constant 6 : i32
      %add3A_406 = vector.broadcast %add3A_405 : i32 to vector<16xi32>
      %add3A_407 = arith.addi %shift_left3A_72, %add3A_406 : vector<16xi32>
      %gather3A_408 = tpu.vector_load_idx %arg13[%add3A_62, %add3A_407] : memref<256x128xi32, #tpu.memory_space<vmem>>[vector<16xi32>, vector<16xi32>], vector<16xi32>,
      %bitcast3A_409 = vector.bitcast %gather3A_408 : vector<16xi32> to vector<32xbf16>
      %unpack3A_410 = tpu.unpack_subelements %bitcast3A_409, 0 {pack_format = #tpu.pack_format<interleaved>} : vector<32xbf16> -> vector<16xf32>
      %unpack3A_411 = tpu.unpack_subelements %bitcast3A_409, 1 {pack_format = #tpu.pack_format<interleaved>} : vector<32xbf16> -> vector<16xf32>
      %mul3A_412 = arith.mulf %unpack3A_410, %gather3A_404 : vector<16xf32>
      %add3A_413 = arith.addf %add3A_401, %mul3A_412 : vector<16xf32>
      %broadcast_in_dim3A_414 = arith.constant 7 : i32
      %broadcast_in_dim3A_415 = vector.broadcast %broadcast_in_dim3A_414 : i32 to vector<16xi32>
      %gather3A_416 = tpu.vector_load_idx %arg11[%iota3A, %broadcast_in_dim3A_415, %and3A_57] : memref<16x32x128xf32, #tpu.memory_space<vmem>>[vector<16xi32>, vector<16xi32>, vector<16xi32>], vector<16xf32>,
      %add3A_417 = arith.constant 7 : i32
      %add3A_418 = vector.broadcast %add3A_417 : i32 to vector<16xi32>
      %add3A_419 = arith.addi %shift_left3A_72, %add3A_418 : vector<16xi32>
      %gather3A_420 = tpu.vector_load_idx %arg13[%add3A_62, %add3A_419] : memref<256x128xi32, #tpu.memory_space<vmem>>[vector<16xi32>, vector<16xi32>], vector<16xi32>,
      %bitcast3A_421 = vector.bitcast %gather3A_420 : vector<16xi32> to vector<32xbf16>
      %unpack3A_422 = tpu.unpack_subelements %bitcast3A_421, 0 {pack_format = #tpu.pack_format<interleaved>} : vector<32xbf16> -> vector<16xf32>
      %unpack3A_423 = tpu.unpack_subelements %bitcast3A_421, 1 {pack_format = #tpu.pack_format<interleaved>} : vector<32xbf16> -> vector<16xf32>
      %mul3A_424 = arith.mulf %unpack3A_422, %gather3A_416 : vector<16xf32>
      %add3A_425 = arith.addf %add3A_413, %mul3A_424 : vector<16xf32>
      %broadcast_in_dim3A_426 = arith.constant 8 : i32
      %broadcast_in_dim3A_427 = vector.broadcast %broadcast_in_dim3A_426 : i32 to vector<16xi32>
      %gather3A_428 = tpu.vector_load_idx %arg11[%iota3A, %broadcast_in_dim3A_427, %and3A_57] : memref<16x32x128xf32, #tpu.memory_space<vmem>>[vector<16xi32>, vector<16xi32>, vector<16xi32>], vector<16xf32>,
      %add3A_429 = arith.constant 8 : i32
      %add3A_430 = vector.broadcast %add3A_429 : i32 to vector<16xi32>
      %add3A_431 = arith.addi %shift_left3A_72, %add3A_430 : vector<16xi32>
      %gather3A_432 = tpu.vector_load_idx %arg13[%add3A_62, %add3A_431] : memref<256x128xi32, #tpu.memory_space<vmem>>[vector<16xi32>, vector<16xi32>], vector<16xi32>,
      %bitcast3A_433 = vector.bitcast %gather3A_432 : vector<16xi32> to vector<32xbf16>
      %unpack3A_434 = tpu.unpack_subelements %bitcast3A_433, 0 {pack_format = #tpu.pack_format<interleaved>} : vector<32xbf16> -> vector<16xf32>
      %unpack3A_435 = tpu.unpack_subelements %bitcast3A_433, 1 {pack_format = #tpu.pack_format<interleaved>} : vector<32xbf16> -> vector<16xf32>
      %mul3A_436 = arith.mulf %unpack3A_434, %gather3A_428 : vector<16xf32>
      %add3A_437 = arith.addf %add3A_425, %mul3A_436 : vector<16xf32>
      %broadcast_in_dim3A_438 = arith.constant 9 : i32
      %broadcast_in_dim3A_439 = vector.broadcast %broadcast_in_dim3A_438 : i32 to vector<16xi32>
      %gather3A_440 = tpu.vector_load_idx %arg11[%iota3A, %broadcast_in_dim3A_439, %and3A_57] : memref<16x32x128xf32, #tpu.memory_space<vmem>>[vector<16xi32>, vector<16xi32>, vector<16xi32>], vector<16xf32>,
      %add3A_441 = arith.constant 9 : i32
      %add3A_442 = vector.broadcast %add3A_441 : i32 to vector<16xi32>
      %add3A_443 = arith.addi %shift_left3A_72, %add3A_442 : vector<16xi32>
      %gather3A_444 = tpu.vector_load_idx %arg13[%add3A_62, %add3A_443] : memref<256x128xi32, #tpu.memory_space<vmem>>[vector<16xi32>, vector<16xi32>], vector<16xi32>,
      %bitcast3A_445 = vector.bitcast %gather3A_444 : vector<16xi32> to vector<32xbf16>
      %unpack3A_446 = tpu.unpack_subelements %bitcast3A_445, 0 {pack_format = #tpu.pack_format<interleaved>} : vector<32xbf16> -> vector<16xf32>
      %unpack3A_447 = tpu.unpack_subelements %bitcast3A_445, 1 {pack_format = #tpu.pack_format<interleaved>} : vector<32xbf16> -> vector<16xf32>
      %mul3A_448 = arith.mulf %unpack3A_446, %gather3A_440 : vector<16xf32>
      %add3A_449 = arith.addf %add3A_437, %mul3A_448 : vector<16xf32>
      %broadcast_in_dim3A_450 = arith.constant 10 : i32
      %broadcast_in_dim3A_451 = vector.broadcast %broadcast_in_dim3A_450 : i32 to vector<16xi32>
      %gather3A_452 = tpu.vector_load_idx %arg11[%iota3A, %broadcast_in_dim3A_451, %and3A_57] : memref<16x32x128xf32, #tpu.memory_space<vmem>>[vector<16xi32>, vector<16xi32>, vector<16xi32>], vector<16xf32>,
      %add3A_453 = arith.constant 10 : i32
      %add3A_454 = vector.broadcast %add3A_453 : i32 to vector<16xi32>
      %add3A_455 = arith.addi %shift_left3A_72, %add3A_454 : vector<16xi32>
      %gather3A_456 = tpu.vector_load_idx %arg13[%add3A_62, %add3A_455] : memref<256x128xi32, #tpu.memory_space<vmem>>[vector<16xi32>, vector<16xi32>], vector<16xi32>,
      %bitcast3A_457 = vector.bitcast %gather3A_456 : vector<16xi32> to vector<32xbf16>
      %unpack3A_458 = tpu.unpack_subelements %bitcast3A_457, 0 {pack_format = #tpu.pack_format<interleaved>} : vector<32xbf16> -> vector<16xf32>
      %unpack3A_459 = tpu.unpack_subelements %bitcast3A_457, 1 {pack_format = #tpu.pack_format<interleaved>} : vector<32xbf16> -> vector<16xf32>
      %mul3A_460 = arith.mulf %unpack3A_458, %gather3A_452 : vector<16xf32>
      %add3A_461 = arith.addf %add3A_449, %mul3A_460 : vector<16xf32>
      %broadcast_in_dim3A_462 = arith.constant 11 : i32
      %broadcast_in_dim3A_463 = vector.broadcast %broadcast_in_dim3A_462 : i32 to vector<16xi32>
      %gather3A_464 = tpu.vector_load_idx %arg11[%iota3A, %broadcast_in_dim3A_463, %and3A_57] : memref<16x32x128xf32, #tpu.memory_space<vmem>>[vector<16xi32>, vector<16xi32>, vector<16xi32>], vector<16xf32>,
      %add3A_465 = arith.constant 11 : i32
      %add3A_466 = vector.broadcast %add3A_465 : i32 to vector<16xi32>
      %add3A_467 = arith.addi %shift_left3A_72, %add3A_466 : vector<16xi32>
      %gather3A_468 = tpu.vector_load_idx %arg13[%add3A_62, %add3A_467] : memref<256x128xi32, #tpu.memory_space<vmem>>[vector<16xi32>, vector<16xi32>], vector<16xi32>,
      %bitcast3A_469 = vector.bitcast %gather3A_468 : vector<16xi32> to vector<32xbf16>
      %unpack3A_470 = tpu.unpack_subelements %bitcast3A_469, 0 {pack_format = #tpu.pack_format<interleaved>} : vector<32xbf16> -> vector<16xf32>
      %unpack3A_471 = tpu.unpack_subelements %bitcast3A_469, 1 {pack_format = #tpu.pack_format<interleaved>} : vector<32xbf16> -> vector<16xf32>
      %mul3A_472 = arith.mulf %unpack3A_470, %gather3A_464 : vector<16xf32>
      %add3A_473 = arith.addf %add3A_461, %mul3A_472 : vector<16xf32>
      %broadcast_in_dim3A_474 = arith.constant 12 : i32
      %broadcast_in_dim3A_475 = vector.broadcast %broadcast_in_dim3A_474 : i32 to vector<16xi32>
      %gather3A_476 = tpu.vector_load_idx %arg11[%iota3A, %broadcast_in_dim3A_475, %and3A_57] : memref<16x32x128xf32, #tpu.memory_space<vmem>>[vector<16xi32>, vector<16xi32>, vector<16xi32>], vector<16xf32>,
      %add3A_477 = arith.constant 12 : i32
      %add3A_478 = vector.broadcast %add3A_477 : i32 to vector<16xi32>
      %add3A_479 = arith.addi %shift_left3A_72, %add3A_478 : vector<16xi32>
      %gather3A_480 = tpu.vector_load_idx %arg13[%add3A_62, %add3A_479] : memref<256x128xi32, #tpu.memory_space<vmem>>[vector<16xi32>, vector<16xi32>], vector<16xi32>,
      %bitcast3A_481 = vector.bitcast %gather3A_480 : vector<16xi32> to vector<32xbf16>
      %unpack3A_482 = tpu.unpack_subelements %bitcast3A_481, 0 {pack_format = #tpu.pack_format<interleaved>} : vector<32xbf16> -> vector<16xf32>
      %unpack3A_483 = tpu.unpack_subelements %bitcast3A_481, 1 {pack_format = #tpu.pack_format<interleaved>} : vector<32xbf16> -> vector<16xf32>
      %mul3A_484 = arith.mulf %unpack3A_482, %gather3A_476 : vector<16xf32>
      %add3A_485 = arith.addf %add3A_473, %mul3A_484 : vector<16xf32>
      %broadcast_in_dim3A_486 = arith.constant 13 : i32
      %broadcast_in_dim3A_487 = vector.broadcast %broadcast_in_dim3A_486 : i32 to vector<16xi32>
      %gather3A_488 = tpu.vector_load_idx %arg11[%iota3A, %broadcast_in_dim3A_487, %and3A_57] : memref<16x32x128xf32, #tpu.memory_space<vmem>>[vector<16xi32>, vector<16xi32>, vector<16xi32>], vector<16xf32>,
      %add3A_489 = arith.constant 13 : i32
      %add3A_490 = vector.broadcast %add3A_489 : i32 to vector<16xi32>
      %add3A_491 = arith.addi %shift_left3A_72, %add3A_490 : vector<16xi32>
      %gather3A_492 = tpu.vector_load_idx %arg13[%add3A_62, %add3A_491] : memref<256x128xi32, #tpu.memory_space<vmem>>[vector<16xi32>, vector<16xi32>], vector<16xi32>,
      %bitcast3A_493 = vector.bitcast %gather3A_492 : vector<16xi32> to vector<32xbf16>
      %unpack3A_494 = tpu.unpack_subelements %bitcast3A_493, 0 {pack_format = #tpu.pack_format<interleaved>} : vector<32xbf16> -> vector<16xf32>
      %unpack3A_495 = tpu.unpack_subelements %bitcast3A_493, 1 {pack_format = #tpu.pack_format<interleaved>} : vector<32xbf16> -> vector<16xf32>
      %mul3A_496 = arith.mulf %unpack3A_494, %gather3A_488 : vector<16xf32>
      %add3A_497 = arith.addf %add3A_485, %mul3A_496 : vector<16xf32>
      %broadcast_in_dim3A_498 = arith.constant 14 : i32
      %broadcast_in_dim3A_499 = vector.broadcast %broadcast_in_dim3A_498 : i32 to vector<16xi32>
      %gather3A_500 = tpu.vector_load_idx %arg11[%iota3A, %broadcast_in_dim3A_499, %and3A_57] : memref<16x32x128xf32, #tpu.memory_space<vmem>>[vector<16xi32>, vector<16xi32>, vector<16xi32>], vector<16xf32>,
      %add3A_501 = arith.constant 14 : i32
      %add3A_502 = vector.broadcast %add3A_501 : i32 to vector<16xi32>
      %add3A_503 = arith.addi %shift_left3A_72, %add3A_502 : vector<16xi32>
      %gather3A_504 = tpu.vector_load_idx %arg13[%add3A_62, %add3A_503] : memref<256x128xi32, #tpu.memory_space<vmem>>[vector<16xi32>, vector<16xi32>], vector<16xi32>,
      %bitcast3A_505 = vector.bitcast %gather3A_504 : vector<16xi32> to vector<32xbf16>
      %unpack3A_506 = tpu.unpack_subelements %bitcast3A_505, 0 {pack_format = #tpu.pack_format<interleaved>} : vector<32xbf16> -> vector<16xf32>
      %unpack3A_507 = tpu.unpack_subelements %bitcast3A_505, 1 {pack_format = #tpu.pack_format<interleaved>} : vector<32xbf16> -> vector<16xf32>
      %mul3A_508 = arith.mulf %unpack3A_506, %gather3A_500 : vector<16xf32>
      %add3A_509 = arith.addf %add3A_497, %mul3A_508 : vector<16xf32>
      %broadcast_in_dim3A_510 = arith.constant 15 : i32
      %broadcast_in_dim3A_511 = vector.broadcast %broadcast_in_dim3A_510 : i32 to vector<16xi32>
      %gather3A_512 = tpu.vector_load_idx %arg11[%iota3A, %broadcast_in_dim3A_511, %and3A_57] : memref<16x32x128xf32, #tpu.memory_space<vmem>>[vector<16xi32>, vector<16xi32>, vector<16xi32>], vector<16xf32>,
      %add3A_513 = arith.constant 15 : i32
      %add3A_514 = vector.broadcast %add3A_513 : i32 to vector<16xi32>
      %add3A_515 = arith.addi %shift_left3A_72, %add3A_514 : vector<16xi32>
      %gather3A_516 = tpu.vector_load_idx %arg13[%add3A_62, %add3A_515] : memref<256x128xi32, #tpu.memory_space<vmem>>[vector<16xi32>, vector<16xi32>], vector<16xi32>,
      %bitcast3A_517 = vector.bitcast %gather3A_516 : vector<16xi32> to vector<32xbf16>
      %unpack3A_518 = tpu.unpack_subelements %bitcast3A_517, 0 {pack_format = #tpu.pack_format<interleaved>} : vector<32xbf16> -> vector<16xf32>
      %unpack3A_519 = tpu.unpack_subelements %bitcast3A_517, 1 {pack_format = #tpu.pack_format<interleaved>} : vector<32xbf16> -> vector<16xf32>
      %mul3A_520 = arith.mulf %unpack3A_518, %gather3A_512 : vector<16xf32>
      %add3A_521 = arith.addf %add3A_509, %mul3A_520 : vector<16xf32>
      %broadcast_in_dim3A_522 = arith.constant 16 : i32
      %broadcast_in_dim3A_523 = vector.broadcast %broadcast_in_dim3A_522 : i32 to vector<16xi32>
      %gather3A_524 = tpu.vector_load_idx %arg11[%iota3A, %broadcast_in_dim3A_523, %and3A_57] : memref<16x32x128xf32, #tpu.memory_space<vmem>>[vector<16xi32>, vector<16xi32>, vector<16xi32>], vector<16xf32>,
      %add3A_525 = arith.constant 0 : i32
      %add3A_526 = vector.broadcast %add3A_525 : i32 to vector<16xi32>
      %add3A_527 = arith.addi %shift_left3A_72, %add3A_526 : vector<16xi32>
      %gather3A_528 = tpu.vector_load_idx %arg13[%add3A_62, %add3A_527] : memref<256x128xi32, #tpu.memory_space<vmem>>[vector<16xi32>, vector<16xi32>], vector<16xi32>,
      %bitcast3A_529 = vector.bitcast %gather3A_528 : vector<16xi32> to vector<32xbf16>
      %unpack3A_530 = tpu.unpack_subelements %bitcast3A_529, 0 {pack_format = #tpu.pack_format<interleaved>} : vector<32xbf16> -> vector<16xf32>
      %unpack3A_531 = tpu.unpack_subelements %bitcast3A_529, 1 {pack_format = #tpu.pack_format<interleaved>} : vector<32xbf16> -> vector<16xf32>
      %mul3A_532 = arith.mulf %unpack3A_531, %gather3A_524 : vector<16xf32>
      %add3A_533 = arith.addf %add3A_521, %mul3A_532 : vector<16xf32>
      %broadcast_in_dim3A_534 = arith.constant 17 : i32
      %broadcast_in_dim3A_535 = vector.broadcast %broadcast_in_dim3A_534 : i32 to vector<16xi32>
      %gather3A_536 = tpu.vector_load_idx %arg11[%iota3A, %broadcast_in_dim3A_535, %and3A_57] : memref<16x32x128xf32, #tpu.memory_space<vmem>>[vector<16xi32>, vector<16xi32>, vector<16xi32>], vector<16xf32>,
      %add3A_537 = arith.constant 1 : i32
      %add3A_538 = vector.broadcast %add3A_537 : i32 to vector<16xi32>
      %add3A_539 = arith.addi %shift_left3A_72, %add3A_538 : vector<16xi32>
      %gather3A_540 = tpu.vector_load_idx %arg13[%add3A_62, %add3A_539] : memref<256x128xi32, #tpu.memory_space<vmem>>[vector<16xi32>, vector<16xi32>], vector<16xi32>,
      %bitcast3A_541 = vector.bitcast %gather3A_540 : vector<16xi32> to vector<32xbf16>
      %unpack3A_542 = tpu.unpack_subelements %bitcast3A_541, 0 {pack_format = #tpu.pack_format<interleaved>} : vector<32xbf16> -> vector<16xf32>
      %unpack3A_543 = tpu.unpack_subelements %bitcast3A_541, 1 {pack_format = #tpu.pack_format<interleaved>} : vector<32xbf16> -> vector<16xf32>
      %mul3A_544 = arith.mulf %unpack3A_543, %gather3A_536 : vector<16xf32>
      %add3A_545 = arith.addf %add3A_533, %mul3A_544 : vector<16xf32>
      %broadcast_in_dim3A_546 = arith.constant 18 : i32
      %broadcast_in_dim3A_547 = vector.broadcast %broadcast_in_dim3A_546 : i32 to vector<16xi32>
      %gather3A_548 = tpu.vector_load_idx %arg11[%iota3A, %broadcast_in_dim3A_547, %and3A_57] : memref<16x32x128xf32, #tpu.memory_space<vmem>>[vector<16xi32>, vector<16xi32>, vector<16xi32>], vector<16xf32>,
      %add3A_549 = arith.constant 2 : i32
      %add3A_550 = vector.broadcast %add3A_549 : i32 to vector<16xi32>
      %add3A_551 = arith.addi %shift_left3A_72, %add3A_550 : vector<16xi32>
      %gather3A_552 = tpu.vector_load_idx %arg13[%add3A_62, %add3A_551] : memref<256x128xi32, #tpu.memory_space<vmem>>[vector<16xi32>, vector<16xi32>], vector<16xi32>,
      %bitcast3A_553 = vector.bitcast %gather3A_552 : vector<16xi32> to vector<32xbf16>
      %unpack3A_554 = tpu.unpack_subelements %bitcast3A_553, 0 {pack_format = #tpu.pack_format<interleaved>} : vector<32xbf16> -> vector<16xf32>
      %unpack3A_555 = tpu.unpack_subelements %bitcast3A_553, 1 {pack_format = #tpu.pack_format<interleaved>} : vector<32xbf16> -> vector<16xf32>
      %mul3A_556 = arith.mulf %unpack3A_555, %gather3A_548 : vector<16xf32>
      %add3A_557 = arith.addf %add3A_545, %mul3A_556 : vector<16xf32>
      %broadcast_in_dim3A_558 = arith.constant 19 : i32
      %broadcast_in_dim3A_559 = vector.broadcast %broadcast_in_dim3A_558 : i32 to vector<16xi32>
      %gather3A_560 = tpu.vector_load_idx %arg11[%iota3A, %broadcast_in_dim3A_559, %and3A_57] : memref<16x32x128xf32, #tpu.memory_space<vmem>>[vector<16xi32>, vector<16xi32>, vector<16xi32>], vector<16xf32>,
      %add3A_561 = arith.constant 3 : i32
      %add3A_562 = vector.broadcast %add3A_561 : i32 to vector<16xi32>
      %add3A_563 = arith.addi %shift_left3A_72, %add3A_562 : vector<16xi32>
      %gather3A_564 = tpu.vector_load_idx %arg13[%add3A_62, %add3A_563] : memref<256x128xi32, #tpu.memory_space<vmem>>[vector<16xi32>, vector<16xi32>], vector<16xi32>,
      %bitcast3A_565 = vector.bitcast %gather3A_564 : vector<16xi32> to vector<32xbf16>
      %unpack3A_566 = tpu.unpack_subelements %bitcast3A_565, 0 {pack_format = #tpu.pack_format<interleaved>} : vector<32xbf16> -> vector<16xf32>
      %unpack3A_567 = tpu.unpack_subelements %bitcast3A_565, 1 {pack_format = #tpu.pack_format<interleaved>} : vector<32xbf16> -> vector<16xf32>
      %mul3A_568 = arith.mulf %unpack3A_567, %gather3A_560 : vector<16xf32>
      %add3A_569 = arith.addf %add3A_557, %mul3A_568 : vector<16xf32>
      %broadcast_in_dim3A_570 = arith.constant 20 : i32
      %broadcast_in_dim3A_571 = vector.broadcast %broadcast_in_dim3A_570 : i32 to vector<16xi32>
      %gather3A_572 = tpu.vector_load_idx %arg11[%iota3A, %broadcast_in_dim3A_571, %and3A_57] : memref<16x32x128xf32, #tpu.memory_space<vmem>>[vector<16xi32>, vector<16xi32>, vector<16xi32>], vector<16xf32>,
      %add3A_573 = arith.constant 4 : i32
      %add3A_574 = vector.broadcast %add3A_573 : i32 to vector<16xi32>
      %add3A_575 = arith.addi %shift_left3A_72, %add3A_574 : vector<16xi32>
      %gather3A_576 = tpu.vector_load_idx %arg13[%add3A_62, %add3A_575] : memref<256x128xi32, #tpu.memory_space<vmem>>[vector<16xi32>, vector<16xi32>], vector<16xi32>,
      %bitcast3A_577 = vector.bitcast %gather3A_576 : vector<16xi32> to vector<32xbf16>
      %unpack3A_578 = tpu.unpack_subelements %bitcast3A_577, 0 {pack_format = #tpu.pack_format<interleaved>} : vector<32xbf16> -> vector<16xf32>
      %unpack3A_579 = tpu.unpack_subelements %bitcast3A_577, 1 {pack_format = #tpu.pack_format<interleaved>} : vector<32xbf16> -> vector<16xf32>
      %mul3A_580 = arith.mulf %unpack3A_579, %gather3A_572 : vector<16xf32>
      %add3A_581 = arith.addf %add3A_569, %mul3A_580 : vector<16xf32>
      %broadcast_in_dim3A_582 = arith.constant 21 : i32
      %broadcast_in_dim3A_583 = vector.broadcast %broadcast_in_dim3A_582 : i32 to vector<16xi32>
      %gather3A_584 = tpu.vector_load_idx %arg11[%iota3A, %broadcast_in_dim3A_583, %and3A_57] : memref<16x32x128xf32, #tpu.memory_space<vmem>>[vector<16xi32>, vector<16xi32>, vector<16xi32>], vector<16xf32>,
      %add3A_585 = arith.constant 5 : i32
      %add3A_586 = vector.broadcast %add3A_585 : i32 to vector<16xi32>
      %add3A_587 = arith.addi %shift_left3A_72, %add3A_586 : vector<16xi32>
      %gather3A_588 = tpu.vector_load_idx %arg13[%add3A_62, %add3A_587] : memref<256x128xi32, #tpu.memory_space<vmem>>[vector<16xi32>, vector<16xi32>], vector<16xi32>,
      %bitcast3A_589 = vector.bitcast %gather3A_588 : vector<16xi32> to vector<32xbf16>
      %unpack3A_590 = tpu.unpack_subelements %bitcast3A_589, 0 {pack_format = #tpu.pack_format<interleaved>} : vector<32xbf16> -> vector<16xf32>
      %unpack3A_591 = tpu.unpack_subelements %bitcast3A_589, 1 {pack_format = #tpu.pack_format<interleaved>} : vector<32xbf16> -> vector<16xf32>
      %mul3A_592 = arith.mulf %unpack3A_591, %gather3A_584 : vector<16xf32>
      %add3A_593 = arith.addf %add3A_581, %mul3A_592 : vector<16xf32>
      %broadcast_in_dim3A_594 = arith.constant 22 : i32
      %broadcast_in_dim3A_595 = vector.broadcast %broadcast_in_dim3A_594 : i32 to vector<16xi32>
      %gather3A_596 = tpu.vector_load_idx %arg11[%iota3A, %broadcast_in_dim3A_595, %and3A_57] : memref<16x32x128xf32, #tpu.memory_space<vmem>>[vector<16xi32>, vector<16xi32>, vector<16xi32>], vector<16xf32>,
      %add3A_597 = arith.constant 6 : i32
      %add3A_598 = vector.broadcast %add3A_597 : i32 to vector<16xi32>
      %add3A_599 = arith.addi %shift_left3A_72, %add3A_598 : vector<16xi32>
      %gather3A_600 = tpu.vector_load_idx %arg13[%add3A_62, %add3A_599] : memref<256x128xi32, #tpu.memory_space<vmem>>[vector<16xi32>, vector<16xi32>], vector<16xi32>,
      %bitcast3A_601 = vector.bitcast %gather3A_600 : vector<16xi32> to vector<32xbf16>
      %unpack3A_602 = tpu.unpack_subelements %bitcast3A_601, 0 {pack_format = #tpu.pack_format<interleaved>} : vector<32xbf16> -> vector<16xf32>
      %unpack3A_603 = tpu.unpack_subelements %bitcast3A_601, 1 {pack_format = #tpu.pack_format<interleaved>} : vector<32xbf16> -> vector<16xf32>
      %mul3A_604 = arith.mulf %unpack3A_603, %gather3A_596 : vector<16xf32>
      %add3A_605 = arith.addf %add3A_593, %mul3A_604 : vector<16xf32>
      %broadcast_in_dim3A_606 = arith.constant 23 : i32
      %broadcast_in_dim3A_607 = vector.broadcast %broadcast_in_dim3A_606 : i32 to vector<16xi32>
      %gather3A_608 = tpu.vector_load_idx %arg11[%iota3A, %broadcast_in_dim3A_607, %and3A_57] : memref<16x32x128xf32, #tpu.memory_space<vmem>>[vector<16xi32>, vector<16xi32>, vector<16xi32>], vector<16xf32>,
      %add3A_609 = arith.constant 7 : i32
      %add3A_610 = vector.broadcast %add3A_609 : i32 to vector<16xi32>
      %add3A_611 = arith.addi %shift_left3A_72, %add3A_610 : vector<16xi32>
      %gather3A_612 = tpu.vector_load_idx %arg13[%add3A_62, %add3A_611] : memref<256x128xi32, #tpu.memory_space<vmem>>[vector<16xi32>, vector<16xi32>], vector<16xi32>,
      %bitcast3A_613 = vector.bitcast %gather3A_612 : vector<16xi32> to vector<32xbf16>
      %unpack3A_614 = tpu.unpack_subelements %bitcast3A_613, 0 {pack_format = #tpu.pack_format<interleaved>} : vector<32xbf16> -> vector<16xf32>
      %unpack3A_615 = tpu.unpack_subelements %bitcast3A_613, 1 {pack_format = #tpu.pack_format<interleaved>} : vector<32xbf16> -> vector<16xf32>
      %mul3A_616 = arith.mulf %unpack3A_615, %gather3A_608 : vector<16xf32>
      %add3A_617 = arith.addf %add3A_605, %mul3A_616 : vector<16xf32>
      %broadcast_in_dim3A_618 = arith.constant 24 : i32
      %broadcast_in_dim3A_619 = vector.broadcast %broadcast_in_dim3A_618 : i32 to vector<16xi32>
      %gather3A_620 = tpu.vector_load_idx %arg11[%iota3A, %broadcast_in_dim3A_619, %and3A_57] : memref<16x32x128xf32, #tpu.memory_space<vmem>>[vector<16xi32>, vector<16xi32>, vector<16xi32>], vector<16xf32>,
      %add3A_621 = arith.constant 8 : i32
      %add3A_622 = vector.broadcast %add3A_621 : i32 to vector<16xi32>
      %add3A_623 = arith.addi %shift_left3A_72, %add3A_622 : vector<16xi32>
      %gather3A_624 = tpu.vector_load_idx %arg13[%add3A_62, %add3A_623] : memref<256x128xi32, #tpu.memory_space<vmem>>[vector<16xi32>, vector<16xi32>], vector<16xi32>,
      %bitcast3A_625 = vector.bitcast %gather3A_624 : vector<16xi32> to vector<32xbf16>
      %unpack3A_626 = tpu.unpack_subelements %bitcast3A_625, 0 {pack_format = #tpu.pack_format<interleaved>} : vector<32xbf16> -> vector<16xf32>
      %unpack3A_627 = tpu.unpack_subelements %bitcast3A_625, 1 {pack_format = #tpu.pack_format<interleaved>} : vector<32xbf16> -> vector<16xf32>
      %mul3A_628 = arith.mulf %unpack3A_627, %gather3A_620 : vector<16xf32>
      %add3A_629 = arith.addf %add3A_617, %mul3A_628 : vector<16xf32>
      %broadcast_in_dim3A_630 = arith.constant 25 : i32
      %broadcast_in_dim3A_631 = vector.broadcast %broadcast_in_dim3A_630 : i32 to vector<16xi32>
      %gather3A_632 = tpu.vector_load_idx %arg11[%iota3A, %broadcast_in_dim3A_631, %and3A_57] : memref<16x32x128xf32, #tpu.memory_space<vmem>>[vector<16xi32>, vector<16xi32>, vector<16xi32>], vector<16xf32>,
      %add3A_633 = arith.constant 9 : i32
      %add3A_634 = vector.broadcast %add3A_633 : i32 to vector<16xi32>
      %add3A_635 = arith.addi %shift_left3A_72, %add3A_634 : vector<16xi32>
      %gather3A_636 = tpu.vector_load_idx %arg13[%add3A_62, %add3A_635] : memref<256x128xi32, #tpu.memory_space<vmem>>[vector<16xi32>, vector<16xi32>], vector<16xi32>,
      %bitcast3A_637 = vector.bitcast %gather3A_636 : vector<16xi32> to vector<32xbf16>
      %unpack3A_638 = tpu.unpack_subelements %bitcast3A_637, 0 {pack_format = #tpu.pack_format<interleaved>} : vector<32xbf16> -> vector<16xf32>
      %unpack3A_639 = tpu.unpack_subelements %bitcast3A_637, 1 {pack_format = #tpu.pack_format<interleaved>} : vector<32xbf16> -> vector<16xf32>
      %mul3A_640 = arith.mulf %unpack3A_639, %gather3A_632 : vector<16xf32>
      %add3A_641 = arith.addf %add3A_629, %mul3A_640 : vector<16xf32>
      %broadcast_in_dim3A_642 = arith.constant 26 : i32
      %broadcast_in_dim3A_643 = vector.broadcast %broadcast_in_dim3A_642 : i32 to vector<16xi32>
      %gather3A_644 = tpu.vector_load_idx %arg11[%iota3A, %broadcast_in_dim3A_643, %and3A_57] : memref<16x32x128xf32, #tpu.memory_space<vmem>>[vector<16xi32>, vector<16xi32>, vector<16xi32>], vector<16xf32>,
      %add3A_645 = arith.constant 10 : i32
      %add3A_646 = vector.broadcast %add3A_645 : i32 to vector<16xi32>
      %add3A_647 = arith.addi %shift_left3A_72, %add3A_646 : vector<16xi32>
      %gather3A_648 = tpu.vector_load_idx %arg13[%add3A_62, %add3A_647] : memref<256x128xi32, #tpu.memory_space<vmem>>[vector<16xi32>, vector<16xi32>], vector<16xi32>,
      %bitcast3A_649 = vector.bitcast %gather3A_648 : vector<16xi32> to vector<32xbf16>
      %unpack3A_650 = tpu.unpack_subelements %bitcast3A_649, 0 {pack_format = #tpu.pack_format<interleaved>} : vector<32xbf16> -> vector<16xf32>
      %unpack3A_651 = tpu.unpack_subelements %bitcast3A_649, 1 {pack_format = #tpu.pack_format<interleaved>} : vector<32xbf16> -> vector<16xf32>
      %mul3A_652 = arith.mulf %unpack3A_651, %gather3A_644 : vector<16xf32>
      %add3A_653 = arith.addf %add3A_641, %mul3A_652 : vector<16xf32>
      %broadcast_in_dim3A_654 = arith.constant 27 : i32
      %broadcast_in_dim3A_655 = vector.broadcast %broadcast_in_dim3A_654 : i32 to vector<16xi32>
      %gather3A_656 = tpu.vector_load_idx %arg11[%iota3A, %broadcast_in_dim3A_655, %and3A_57] : memref<16x32x128xf32, #tpu.memory_space<vmem>>[vector<16xi32>, vector<16xi32>, vector<16xi32>], vector<16xf32>,
      %add3A_657 = arith.constant 11 : i32
      %add3A_658 = vector.broadcast %add3A_657 : i32 to vector<16xi32>
      %add3A_659 = arith.addi %shift_left3A_72, %add3A_658 : vector<16xi32>
      %gather3A_660 = tpu.vector_load_idx %arg13[%add3A_62, %add3A_659] : memref<256x128xi32, #tpu.memory_space<vmem>>[vector<16xi32>, vector<16xi32>], vector<16xi32>,
      %bitcast3A_661 = vector.bitcast %gather3A_660 : vector<16xi32> to vector<32xbf16>
      %unpack3A_662 = tpu.unpack_subelements %bitcast3A_661, 0 {pack_format = #tpu.pack_format<interleaved>} : vector<32xbf16> -> vector<16xf32>
      %unpack3A_663 = tpu.unpack_subelements %bitcast3A_661, 1 {pack_format = #tpu.pack_format<interleaved>} : vector<32xbf16> -> vector<16xf32>
      %mul3A_664 = arith.mulf %unpack3A_663, %gather3A_656 : vector<16xf32>
      %add3A_665 = arith.addf %add3A_653, %mul3A_664 : vector<16xf32>
      %broadcast_in_dim3A_666 = arith.constant 28 : i32
      %broadcast_in_dim3A_667 = vector.broadcast %broadcast_in_dim3A_666 : i32 to vector<16xi32>
      %gather3A_668 = tpu.vector_load_idx %arg11[%iota3A, %broadcast_in_dim3A_667, %and3A_57] : memref<16x32x128xf32, #tpu.memory_space<vmem>>[vector<16xi32>, vector<16xi32>, vector<16xi32>], vector<16xf32>,
      %add3A_669 = arith.constant 12 : i32
      %add3A_670 = vector.broadcast %add3A_669 : i32 to vector<16xi32>
      %add3A_671 = arith.addi %shift_left3A_72, %add3A_670 : vector<16xi32>
      %gather3A_672 = tpu.vector_load_idx %arg13[%add3A_62, %add3A_671] : memref<256x128xi32, #tpu.memory_space<vmem>>[vector<16xi32>, vector<16xi32>], vector<16xi32>,
      %bitcast3A_673 = vector.bitcast %gather3A_672 : vector<16xi32> to vector<32xbf16>
      %unpack3A_674 = tpu.unpack_subelements %bitcast3A_673, 0 {pack_format = #tpu.pack_format<interleaved>} : vector<32xbf16> -> vector<16xf32>
      %unpack3A_675 = tpu.unpack_subelements %bitcast3A_673, 1 {pack_format = #tpu.pack_format<interleaved>} : vector<32xbf16> -> vector<16xf32>
      %mul3A_676 = arith.mulf %unpack3A_675, %gather3A_668 : vector<16xf32>
      %add3A_677 = arith.addf %add3A_665, %mul3A_676 : vector<16xf32>
      %broadcast_in_dim3A_678 = arith.constant 29 : i32
      %broadcast_in_dim3A_679 = vector.broadcast %broadcast_in_dim3A_678 : i32 to vector<16xi32>
      %gather3A_680 = tpu.vector_load_idx %arg11[%iota3A, %broadcast_in_dim3A_679, %and3A_57] : memref<16x32x128xf32, #tpu.memory_space<vmem>>[vector<16xi32>, vector<16xi32>, vector<16xi32>], vector<16xf32>,
      %add3A_681 = arith.constant 13 : i32
      %add3A_682 = vector.broadcast %add3A_681 : i32 to vector<16xi32>
      %add3A_683 = arith.addi %shift_left3A_72, %add3A_682 : vector<16xi32>
      %gather3A_684 = tpu.vector_load_idx %arg13[%add3A_62, %add3A_683] : memref<256x128xi32, #tpu.memory_space<vmem>>[vector<16xi32>, vector<16xi32>], vector<16xi32>,
      %bitcast3A_685 = vector.bitcast %gather3A_684 : vector<16xi32> to vector<32xbf16>
      %unpack3A_686 = tpu.unpack_subelements %bitcast3A_685, 0 {pack_format = #tpu.pack_format<interleaved>} : vector<32xbf16> -> vector<16xf32>
      %unpack3A_687 = tpu.unpack_subelements %bitcast3A_685, 1 {pack_format = #tpu.pack_format<interleaved>} : vector<32xbf16> -> vector<16xf32>
      %mul3A_688 = arith.mulf %unpack3A_687, %gather3A_680 : vector<16xf32>
      %add3A_689 = arith.addf %add3A_677, %mul3A_688 : vector<16xf32>
      %broadcast_in_dim3A_690 = arith.constant 30 : i32
      %broadcast_in_dim3A_691 = vector.broadcast %broadcast_in_dim3A_690 : i32 to vector<16xi32>
      %gather3A_692 = tpu.vector_load_idx %arg11[%iota3A, %broadcast_in_dim3A_691, %and3A_57] : memref<16x32x128xf32, #tpu.memory_space<vmem>>[vector<16xi32>, vector<16xi32>, vector<16xi32>], vector<16xf32>,
      %add3A_693 = arith.constant 14 : i32
      %add3A_694 = vector.broadcast %add3A_693 : i32 to vector<16xi32>
      %add3A_695 = arith.addi %shift_left3A_72, %add3A_694 : vector<16xi32>
      %gather3A_696 = tpu.vector_load_idx %arg13[%add3A_62, %add3A_695] : memref<256x128xi32, #tpu.memory_space<vmem>>[vector<16xi32>, vector<16xi32>], vector<16xi32>,
      %bitcast3A_697 = vector.bitcast %gather3A_696 : vector<16xi32> to vector<32xbf16>
      %unpack3A_698 = tpu.unpack_subelements %bitcast3A_697, 0 {pack_format = #tpu.pack_format<interleaved>} : vector<32xbf16> -> vector<16xf32>
      %unpack3A_699 = tpu.unpack_subelements %bitcast3A_697, 1 {pack_format = #tpu.pack_format<interleaved>} : vector<32xbf16> -> vector<16xf32>
      %mul3A_700 = arith.mulf %unpack3A_699, %gather3A_692 : vector<16xf32>
      %add3A_701 = arith.addf %add3A_689, %mul3A_700 : vector<16xf32>
      %broadcast_in_dim3A_702 = arith.constant 31 : i32
      %broadcast_in_dim3A_703 = vector.broadcast %broadcast_in_dim3A_702 : i32 to vector<16xi32>
      %gather3A_704 = tpu.vector_load_idx %arg11[%iota3A, %broadcast_in_dim3A_703, %and3A_57] : memref<16x32x128xf32, #tpu.memory_space<vmem>>[vector<16xi32>, vector<16xi32>, vector<16xi32>], vector<16xf32>,
      %add3A_705 = arith.constant 15 : i32
      %add3A_706 = vector.broadcast %add3A_705 : i32 to vector<16xi32>
      %add3A_707 = arith.addi %shift_left3A_72, %add3A_706 : vector<16xi32>
      %gather3A_708 = tpu.vector_load_idx %arg13[%add3A_62, %add3A_707] : memref<256x128xi32, #tpu.memory_space<vmem>>[vector<16xi32>, vector<16xi32>], vector<16xi32>,
      %bitcast3A_709 = vector.bitcast %gather3A_708 : vector<16xi32> to vector<32xbf16>
      %unpack3A_710 = tpu.unpack_subelements %bitcast3A_709, 0 {pack_format = #tpu.pack_format<interleaved>} : vector<32xbf16> -> vector<16xf32>
      %unpack3A_711 = tpu.unpack_subelements %bitcast3A_709, 1 {pack_format = #tpu.pack_format<interleaved>} : vector<32xbf16> -> vector<16xf32>
      %mul3A_712 = arith.mulf %unpack3A_711, %gather3A_704 : vector<16xf32>
      %add3A_713 = arith.addf %add3A_701, %mul3A_712 : vector<16xf32>
      %mul3A_714 = arith.constant 16 : i32
      %mul3A_715 = arith.muli %scan3A_48, %mul3A_714 : i32
      %swap3A = arith.index_cast %mul3A_715 : i32 to index
      %swap3A_716 = tpu.vector_load %arg14[%swap3A] {strides = array<i32>} : memref<512xf32, #tpu.memory_space<vmem>>, vector<16xf32>,
      tpu.vector_store %arg14[%swap3A], %add3A_713 {strides = array<i32>} : memref<512xf32, #tpu.memory_space<vmem>>, vector<16xf32>,
    }
    %scan3A_47 = arith.constant 16 : i32
    "tpu.region"() ({
      %run_scoped3A = tpu.sem_alloc : memref<!tpu.dma_semaphore, #tpu.memory_space<semaphore_mem>>
      %dma_start3A_48 = tpu.memref_slice %arg6[%mul3A_2] : memref<16384xf32, #tpu.memory_space<hbm>> -> memref<512xf32, #tpu.memory_space<hbm>>
      %dma_start3A_49 = tpu.memref_slice %arg6[%mul3A_2] : memref<16384xf32, #tpu.memory_space<hbm>> -> memref<512xf32, #tpu.memory_space<hbm>>
      tpu.enqueue_dma source(%arg14 : memref<512xf32, #tpu.memory_space<vmem>>) target(%dma_start3A_49 : memref<512xf32, #tpu.memory_space<hbm>>) target_semaphore(%run_scoped3A : memref<!tpu.dma_semaphore, #tpu.memory_space<semaphore_mem>>)
      %dma_wait3A_50 = tpu.memref_slice %arg6[%mul3A_2] : memref<16384xf32, #tpu.memory_space<hbm>> -> memref<512xf32, #tpu.memory_space<hbm>>
      %dma_wait3A_51 = tpu.memref_slice %arg6[%mul3A_2] : memref<16384xf32, #tpu.memory_space<hbm>> -> memref<512xf32, #tpu.memory_space<hbm>>
      tpu.wait_dma2 semaphore(%run_scoped3A : memref<!tpu.dma_semaphore, #tpu.memory_space<semaphore_mem>>) src(%arg14 : memref<512xf32, #tpu.memory_space<vmem>>) dst(%dma_wait3A_51 : memref<512xf32, #tpu.memory_space<hbm>>)
      tpu.yield
    }) : () -> ()
    return
  }
}

</mosaic_0001>

<sc_bundles>
// kernel: _run.3.cloned.1.call-start
scs
__scs_entry_jumppad:
0x0: {  	(pc) =	sbr.rel $0x88, $3  }
0x1: {  	(tag) =	ssettag $0x0;
	lr =	simm.s32 $0x1  }
0x2: {  	[smem:$0x3F9D] =	sst lr;
	_ =	strace $0xD0000000  }
0x3: {  	_ = 	snop  }
0x4: {  	_ = 	snop  }
0x5: {  	_ = 	snop  }
0x6: {  	_ = 	snop  }
0x7: {  	_ = 	snop  }
__scs_overlays_trampoline_lowered:
0x8: {  	[smem:$0x3FAC] =	sst s0  }
0x9: {  	[smem:$0x3FAD] =	sst s1  }
0xa: {  	[smem:$0x3FAE] =	sst s2  }
0xb: {  	[smem:$0x3FAF] =	sst s3  }
0xc: {  	[smem:$0x3FB0] =	sst s4  }
0xd: {  	[smem:$0x3FB1] =	sst s5  }
0xe: {  	[smem:$0x3FB2] =	sst s6  }
0xf: {  	[smem:$0x3FB3] =	sst s7  }
0x10: {  	[smem:$0x3FB4] =	sst s8  }
0x11: {  	[smem:$0x3FB5] =	sst s9;
	s0 =	simm.s32 @!p0 $0x0  }
0x12: {  	s1 =	sld [smem:$0x3F9B];
	s0 =	simm.s32 @p0 $0x1  }
0x13: {  	[smem:$0x3FB6] =	sst s0;
	s0 =	simm.s32 @!p1 $0x0  }
0x14: {  	s2 =	sld [smem:$0x3F9A];
	s0 =	simm.s32 @p1 $0x1  }
0x15: {  	[smem:$0x3FB7] =	sst s0;
	s0 =	simm.s32 @!p2 $0x0  }
0x16: {  	s3 =	sld [smem:$0x3FDB];
	s0 =	simm.s32 @p2 $0x1  }
0x17: {  	s4 =	simm.s32 $0x1BF5;
	[smem:$0x3FB9] =	sst s0  }
0x18: {  	s0 =	sld [smem:$0x3F9C];
	_ =	swait.ge [sflag:s4], $0x0  }
0x19: {  	s7 =	sld [smem:$0x3F9D]  }
0x1a: {  	s8 =	sadd.s32 $0xFFFFE003, lr  }
0x1b: {  	s9 =	sadd.s32 $0xFFFFFEF7, lr;
	s5 =	simm.s32 $0xFFFFFFFF;
	p2 =	slt.u32 s8, $0xFFFFF086  }
0x1c: {  	p1 =	slt.u32 s9, $0xF7A;
	s5 =	simm.s32 @!p2 $0x0  }
0x1d: {  	s5 =	simm.s32 @p1 $0x1;
	p0 =	seq.s32 s7, s2  }
0x1e: {  	s7 =	smul.u32 @!p0 $0xF7A, s2;
	p2 =	seq.s32 @!p0 s5, $0x0  }
0x1f: {  	s9 =	smul.u32 $0xF7A, s1;
	s8 =	simm.s32 @!p0 $0x1BF5;
	p2 =	por !p2, p0  }
0x20: {  	[sflag:s8] =	ssyncset.s32 @!p0 $0xFFFFF086;
	s6 =	sadd.s32 @!p0 s3, s7;
	s7 =	simm.s32 @!p0 $0x108  }
0x21: {  	s3 =	sadd.s32 s3, s9;
	s6 =	sadd.s32 @!p0 $0x88, s6;
	s7 =	simm.s32 @p2 $0x1082  }
0x22: {  	[simem:s7], [sflag:s8] =	dma.local @!p0 [hbm:s6], $0xF7A  }
0x23: {  	s9 =	sor.u32 $0xD0000000, s2;
	s6 =	simm.s32 $0x108;
	_ =	swait.ge @!p0 [sflag:s8], $0x0  }
0x24: {  	s3 =	sadd.s32 $0x88, s3;
	s6 =	simm.s32 @!p1 $0x1082;
	[sflag:s4] =	ssyncset.s32 $0xFFFFF086  }
0x25: {  	[simem:s6], [sflag:s4] =	dma.local [hbm:s3], $0xF7A  }
0x26: {  	[smem:$0x3F9D] =	sst s1;
	(tag) =	ssettag s2;
	_ =	strace s9  }
0x27: {  	s1 =	sld [smem:$0x3FAD]  }
0x28: {  	s2 =	sld [smem:$0x3FAE]  }
0x29: {  	s4 =	sld [smem:$0x3FB0]  }
0x2a: {  	p0 =	seq.s32 s5, $0x0;
	s5 =	sld [smem:$0x3FB1]  }
0x2b: {  	s6 =	sld [smem:$0x3FB2]  }
0x2c: {  	s7 =	sld [smem:$0x3FB3]  }
0x2d: {  	s3 =	simm.s32 $0x108;
	s8 =	sld [smem:$0x3FB4]  }
0x2e: {  	s3 =	simm.s32 @!p0 $0x1082;
	s9 =	sld [smem:$0x3FB5]  }
0x2f: {  	lr =	sadd.s32 s0, s3;
	s0 =	sld [smem:$0x3FAC]  }
0x30: {  	s3 =	sld [smem:$0x3FAF]  }
0x31: {  	[smem:$0x3FB8] =	sst s10  }
0x32: {  	s10 =	sld [smem:$0x3FB6];
	_ =	sdelay $0x3  }
0x33: {  	p0 =	seq.s32 s10, $0x1;
	s10 =	sld [smem:$0x3FB8];
	_ =	sdelay $0x3  }
0x34: {  	[smem:$0x3FB8] =	sst s10  }
0x35: {  	s10 =	sld [smem:$0x3FB7];
	_ =	sdelay $0x3  }
0x36: {  	p1 =	seq.s32 s10, $0x1;
	s10 =	sld [smem:$0x3FB8];
	_ =	sdelay $0x3  }
0x37: {  	[smem:$0x3FB8] =	sst s10  }
0x38: {  	s10 =	sld [smem:$0x3FB9]  }
0x39: {  	_ = 	snop;
	(pc) =	sbr.ind lr, $3  }
0x3a: {  	_ = 	snop  }
0x3b: {  	_ = 	snop  }
0x3c: {  	p2 =	seq.s32 s10, $0x1;
	s10 =	sld [smem:$0x3FB8]  }
0x3d: {  	_ =	shalt  }
0x3e: {  	_ =	shalt  }
0x3f: {  	_ =	shalt  }
0x40: {  	_ =	shalt  }
0x41: {  	_ =	shalt  }
0x42: {  	_ =	shalt  }
0x43: {  	_ =	shalt  }
0x44: {  	_ =	shalt  }
0x45: {  	_ =	shalt  }
0x46: {  	_ =	shalt  }
0x47: {  	_ =	shalt  }
0x48: {  	_ =	shalt  }
0x49: {  	_ =	shalt  }
0x4a: {  	_ =	shalt  }
0x4b: {  	_ =	shalt  }
0x4c: {  	_ =	shalt  }
0x4d: {  	_ =	shalt  }
0x4e: {  	_ =	shalt  }
0x4f: {  	_ =	shalt  }
0x50: {  	_ =	shalt  }
0x51: {  	_ =	shalt  }
0x52: {  	_ =	shalt  }
0x53: {  	_ =	shalt  }
0x54: {  	_ =	shalt  }
0x55: {  	_ =	shalt  }
0x56: {  	_ =	shalt  }
0x57: {  	_ =	shalt  }
0x58: {  	_ =	shalt  }
0x59: {  	_ =	shalt  }
0x5a: {  	_ =	shalt  }
0x5b: {  	_ =	shalt  }
0x5c: {  	_ =	shalt  }
0x5d: {  	_ =	shalt  }
0x5e: {  	_ =	shalt  }
0x5f: {  	_ =	shalt  }
0x60: {  	_ =	shalt  }
0x61: {  	_ =	shalt  }
0x62: {  	_ =	shalt  }
0x63: {  	_ =	shalt  }
0x64: {  	_ =	shalt  }
0x65: {  	_ =	shalt  }
0x66: {  	_ =	shalt  }
0x67: {  	_ =	shalt  }
0x68: {  	_ =	shalt  }
0x69: {  	_ =	shalt  }
0x6a: {  	_ =	shalt  }
0x6b: {  	_ =	shalt  }
0x6c: {  	_ =	shalt  }
0x6d: {  	_ =	shalt  }
0x6e: {  	_ =	shalt  }
0x6f: {  	_ =	shalt  }
0x70: {  	_ =	shalt  }
0x71: {  	_ =	shalt  }
0x72: {  	_ =	shalt  }
0x73: {  	_ =	shalt  }
0x74: {  	_ =	shalt  }
0x75: {  	_ =	shalt  }
0x76: {  	_ =	shalt  }
0x77: {  	_ =	shalt  }
0x78: {  	_ =	shalt  }
0x79: {  	_ =	shalt  }
0x7a: {  	_ =	shalt  }
0x7b: {  	_ =	shalt  }
0x7c: {  	_ =	shalt  }
0x7d: {  	_ =	shalt  }
0x7e: {  	_ =	shalt  }
0x7f: {  	_ =	shalt  }
0x80: {  	_ =	shalt  }
0x81: {  	_ =	shalt  }
0x82: {  	_ =	shalt  }
0x83: {  	_ =	shalt  }
0x84: {  	_ =	shalt  }
0x85: {  	_ =	shalt  }
0x86: {  	_ =	shalt  }
0x87: {  	_ =	shalt  }
.Lfunc_end0:
.L_simem_size_0:
called_computation_lowered:
.L_overlay_start_0:
0x88: {  	s2 =	sld [smem:$0x3FD9]  }
0x89: {  	s3 =	sld [smem:$0x3FFE];
	_ =	sdelay $0x1  }
0x8a: {  	s1 =	srdreg.scid  }
0x8b: {  	s0 =	sand.u32 $0x1, s1  }
0x8c: {  	s17 =	sshll.u32 s0, $0xA;
	s2 =	sadd.s32 s3, s2  }
0x8d: {  	s2 =	sadd.s32 s2, s17  }
0x8e: {  	[smem:$0x3FC4] =	sst s2  }
0x8f: {  	_ = 	snop  }
0x90: {  	s2 =	sld [smem:$0x3FC9]  }
0x91: {  	s18 =	sld [smem:$0x3FC8]  }
0x92: {  	s4 =	sld [smem:$0x3FC7]  }
0x93: {  	s5 =	sld [smem:$0x3FC6]  }
0x94: {  	s6 =	sld [smem:$0x3FD0];
	(tm) =	ssettm $0x1  }
0x95: {  	s7 =	sld [smem:$0x3FFB];
	_ =	sdelay $0x3  }
0x96: {  	_ =	strace s7  }
0x97: {  	s7 =	sld [smem:$0x3FFC];
	_ =	sdelay $0x3  }
0x98: {  	_ =	strace s7  }
0x99: {  	s7 =	sld [smem:$0x3FFD];
	_ =	sdelay $0x3  }
0x9a: {  	_ =	strace s7  }
0x9b: {  	_ =	strace $0x8FFFFFFF  }
0x9c: {  	s19 =	sld [smem:$0x3FDB];
	_ =	sdelay $0x1  }
0x9d: {  	s8 =	simm.s32 $_scs_section_size  }
0x9e: {  	s9 =	simm.s32 $_size__tile_overlayer_lowered;
	s10 =	simm.s32 $_tile_overlayer_lowered  }
0x9f: {  	s22 =	simm.s32 $0x1BFF;
	s21 =	sshll.u32 s10, $0x1;
	s7 =	sadd.s32 s8, s19  }
0xa0: {  	s11 =	simm.s32 $0x0;
	s20 =	sshll.u32 s9, $0x1;
	s9 =	sadd.s32 s21, s7  }
0xa1: {  	[timem:s11], [sflag:s22] =	dma.local [hbm:s9], s20  }
0xa2: {  	_ =	swait.ge [sflag:s22], s20  }
0xa3: {  	s8 =	ssub.s32 $0x0, s20;
	[sflag:s22] =	ssyncset.done $0x0  }
0xa4: {  	[sflag:s22] =	ssyncadd.s32 s8;
	_ =	sdelay $0x1  }
0xa5: {  	s23 =	simm.s32 $0x1B8B  }
0xa6: {  	_ =	swait.ge [sflag:s23], $0x1  }
0xa7: {  	[sflag:s23] =	ssyncset.done $0x0  }
0xa8: {  	s25 =	simm.s32 $0x1B8E;
	s24 =	sld [smem:$0x3FFE];
	[sflag:s23] =	ssyncadd.s32 $0xFFFFFFFF  }
0xa9: {  	s26 =	simm.s32 $execute0_lowered;
	[smem:$0x3FD2] =	sst s25  }
0xaa: {  	s9 =	sshll.u32 s26, $0x1;
	_ =	strace $0x80000046;
	[dreg:$0x1] =	wrdreg $0xFFFFFFFF  }
0xab: {  	s28 =	simm.s32 $_size_execute0_lowered;
	s7 =	sadd.s32 s7, s9;
	[dreg:$0x0] =	wrdreg $0x0  }
0xac: {  	s9 =	sshll.u32 s28, $0x1;
	[dreg:$0x2] =	wrdreg s7  }
0xad: {  	[dreg:$0x3] =	wrdreg s9  }
0xae: {  	[dreg:$0x4] =	wrdreg $0xC0  }
0xaf: {  	_ =	task [dreg:s11], $0x5FFFF  }
0xb0: {  	[dreg:$0x1] =	wrdreg $0xFFFFFFFF  }
0xb1: {  	[dreg:$0x0] =	wrdreg $0x60  }
0xb2: {  	[dreg:$0x2] =	wrdreg s2  }
0xb3: {  	[dreg:$0x3] =	wrdreg s18  }
0xb4: {  	[dreg:$0x4] =	wrdreg s4  }
0xb5: {  	[dreg:$0x5] =	wrdreg s5  }
0xb6: {  	[dreg:$0x6] =	wrdreg s6  }
0xb7: {  	[dreg:$0x7] =	wrdreg s24  }
0xb8: {  	[dreg:$0x8] =	wrdreg $0x9  }
0xb9: {  	_ =	task.clear_ibuf [dreg:s11], $0x9FFFF;
	_ =	strace $0x90000046  }
0xba: {  	s29 =	simm.s32 $0x9;
	_ =	strace $0x80000048  }
0xbb: {  	_ =	swait.ge [sflag:s29], $0x1  }
0xbc: {  	[sflag:s29] =	ssyncadd.s32 $0xFFFFFFFF  }
0xbd: {  	_ =	strace $0x90000048  }
0xbe: {  	_ =	sfence  }
0xbf: {  	s30 =	sld [smem:$0x0];
	_ =	sdelay $0x2  }
0xc0: {  	s31 =	sshll.u32 s1, $0xD;
	s1 =	sshrl.u32 s1, $0x2  }
0xc1: {  	s3 =	sand.u32 $0x4000, s31;
	s1 =	sadd.s32 s1, s30  }
0xc2: {  	s0 =	sor.u32 s3, s0;
	s1 =	sshll.u32 s1, $0x11  }
0xc3: {  	s0 =	sor.u32 s1, s0  }
0xc4: {  	s0 =	sadd.s32 $0x8F2B, s0  }
0xc5: {  	[sflag:s0] =	ssyncadd.remote.s32 $0x1  }
0xc6: {  	_ =	sfence.sel $0xFFFF  }
0xc7: {  	[dreg:$0x0] =	wrdreg $0xFFFFFFFF;
	(pc) =	sbr.abs _section_cstart, $3  }
0xc8: {  	[dreg:$0x1] =	wrdreg $0xFFFFFFFF  }
0xc9: {  	_ =	task.clear_ibuf [dreg:s11], $0x2FFFF;
	_ =	strace $0x9FFFFFFF  }
0xca: {  	(tm) =	ssettm $0x7FFFFFFF  }
0xcb: {  	_ =	shalt  }
tec
execute0_lowered:
.L_overlay_start_1:
0x0: {  	(tag) =	ssettag $0x1  }
0x1: {  	v0 =	vlaneseq.u32  }
0x2: {  	v2 =	vmul.u32 $0x10, v0;
	_ =	sdelay $0x1  }
0x3: {  	v1 =	vor.u32 $0x1, v2  }
0x4: {  	v63 =	vor.u32 $0x2, v2;
	[tilespmem:$0x1FC00] =	vst v1  }
0x5: {  	v4 =	vor.u32 $0x3, v2;
	[tilespmem:$0x1FC10] =	vst v63  }
0x6: {  	v5 =	vor.u32 $0x4, v2;
	[tilespmem:$0x1FC20] =	vst v4  }
0x7: {  	v6 =	vor.u32 $0x5, v2;
	[tilespmem:$0x1FC30] =	vst v5  }
0x8: {  	v7 =	vor.u32 $0x6, v2;
	[tilespmem:$0x1FC40] =	vst v6  }
0x9: {  	v8 =	vor.u32 $0x7, v2;
	[tilespmem:$0x1FC50] =	vst v7  }
0xa: {  	v9 =	vor.u32 $0x8, v2;
	[tilespmem:$0x1FC60] =	vst v8  }
0xb: {  	v10 =	vor.u32 $0x9, v2;
	[tilespmem:$0x1FC70] =	vst v9  }
0xc: {  	v11 =	vor.u32 $0xA, v2;
	[tilespmem:$0x1FC80] =	vst v10  }
0xd: {  	s1 =	rddreg [dreg:$0x0];
	v12 =	vor.u32 $0xB, v2;
	[tilespmem:$0x1FC90] =	vst v11  }
0xe: {  	s2 =	rddreg [dreg:$0x1];
	v13 =	vor.u32 $0xC, v2;
	[tilespmem:$0x1FCA0] =	vst v12  }
0xf: {  	s3 =	rddreg [dreg:$0x2];
	v14 =	vor.u32 $0xD, v2;
	[tilespmem:$0x1FCB0] =	vst v13  }
0x10: {  	s0 =	rddreg [dreg:$0x3];
	v15 =	vor.u32 $0xE, v2;
	[tilespmem:$0x1FCC0] =	vst v14  }
0x11: {  	s4 =	rddreg [dreg:$0x4];
	s10 =	simm.s32 $0x0;
	v16 =	vor.u32 $0xF, v2;
	[tilespmem:$0x1FCD0] =	vst v15  }
0x12: {  	[smem:$0x7FF] =	sst s10;
	v17 =	vor.u32 $0x100, v2;
	[tilespmem:$0x1FCE0] =	vst v16  }
0x13: {  	s5 =	rddreg [dreg:$0x5];
	v18 =	vor.u32 $0x101, v2;
	_ =	strace $0x80000047;
	[tilespmem:$0x1FCF0] =	vst v17  }
0x14: {  	v19 =	vor.u32 $0x102, v2;
	[tilespmem:$0x1FD00] =	vst v18  }
0x15: {  	v0 =	vor.u32 $0x103, v2;
	[tilespmem:$0x1FD10] =	vst v19  }
0x16: {  	v20 =	vor.u32 $0x104, v2;
	[tilespmem:$0x1FD20] =	vst v0  }
0x17: {  	v21 =	vor.u32 $0x105, v2;
	[tilespmem:$0x1FD30] =	vst v20  }
0x18: {  	v22 =	vor.u32 $0x106, v2;
	[tilespmem:$0x1FD40] =	vst v21  }
0x19: {  	v23 =	vor.u32 $0x107, v2;
	[tilespmem:$0x1FD50] =	vst v22  }
0x1a: {  	v24 =	vor.u32 $0x108, v2;
	[tilespmem:$0x1FD60] =	vst v23  }
0x1b: {  	v25 =	vor.u32 $0x109, v2;
	[tilespmem:$0x1FD70] =	vst v24  }
0x1c: {  	v26 =	vor.u32 $0x10A, v2;
	[tilespmem:$0x1FD80] =	vst v25  }
0x1d: {  	v27 =	vor.u32 $0x10B, v2;
	[tilespmem:$0x1FD90] =	vst v26  }
0x1e: {  	v28 =	vor.u32 $0x10C, v2;
	[tilespmem:$0x1FDA0] =	vst v27  }
0x1f: {  	v29 =	vor.u32 $0x10D, v2;
	[tilespmem:$0x1FDB0] =	vst v28  }
0x20: {  	v30 =	vor.u32 $0x10E, v2;
	[tilespmem:$0x1FDC0] =	vst v29  }
0x21: {  	v31 =	vor.u32 $0x10F, v2;
	[tilespmem:$0x1FDD0] =	vst v30  }
0x22: {  	v32 =	vor.u32 $0x200, v2;
	[tilespmem:$0x1FDE0] =	vst v31  }
0x23: {  	v33 =	vor.u32 $0x201, v2;
	[tilespmem:$0x1FDF0] =	vst v32  }
0x24: {  	v34 =	vor.u32 $0x202, v2;
	[tilespmem:$0x1FE00] =	vst v33  }
0x25: {  	v35 =	vor.u32 $0x203, v2;
	[tilespmem:$0x1FE10] =	vst v34  }
0x26: {  	v36 =	vor.u32 $0x204, v2;
	[tilespmem:$0x1FE20] =	vst v35  }
0x27: {  	v37 =	vor.u32 $0x205, v2;
	[tilespmem:$0x1FE30] =	vst v36  }
0x28: {  	v38 =	vor.u32 $0x206, v2;
	[tilespmem:$0x1FE40] =	vst v37  }
0x29: {  	v39 =	vor.u32 $0x207, v2;
	[tilespmem:$0x1FE50] =	vst v38  }
0x2a: {  	v40 =	vor.u32 $0x208, v2;
	[tilespmem:$0x1FE60] =	vst v39  }
0x2b: {  	v41 =	vor.u32 $0x209, v2;
	[tilespmem:$0x1FE70] =	vst v40  }
0x2c: {  	v42 =	vor.u32 $0x20A, v2;
	[tilespmem:$0x1FE80] =	vst v41  }
0x2d: {  	v43 =	vor.u32 $0x20B, v2;
	[tilespmem:$0x1FE90] =	vst v42  }
0x2e: {  	v44 =	vor.u32 $0x20C, v2;
	[tilespmem:$0x1FEA0] =	vst v43  }
0x2f: {  	v45 =	vor.u32 $0x20D, v2;
	[tilespmem:$0x1FEB0] =	vst v44  }
0x30: {  	v46 =	vor.u32 $0x20E, v2;
	[tilespmem:$0x1FEC0] =	vst v45  }
0x31: {  	v47 =	vor.u32 $0x20F, v2;
	[tilespmem:$0x1FED0] =	vst v46  }
0x32: {  	v48 =	vor.u32 $0x300, v2;
	[tilespmem:$0x1FEE0] =	vst v47  }
0x33: {  	s6 =	srdreg.scid;
	s11 =	stileid.u32;
	v49 =	vor.u32 $0x301, v2;
	[tilespmem:$0x1FEF0] =	vst v48  }
0x34: {  	s14 =	simm.s32 $0x400;
	s16 =	simm.s32 $0x600;
	s18 =	simm.s32 $0x10600;
	v50 =	vor.u32 $0x302, v2;
	[tilespmem:$0x1FF00] =	vst v49  }
0x35: {  	s19 =	simm.s32 $0x5;
	s28 =	simm.s32 $0x4600;
	s29 =	simm.s32 $0x5600;
	v51 =	vor.u32 $0x303, v2;
	[tilespmem:$0x1FF10] =	vst v50  }
0x36: {  	s30 =	simm.s32 $0x6600;
	s31 =	simm.s32 $0x7600;
	s13 =	simm.s32 $0xA600;
	v52 =	vor.u32 $0x304, v2;
	[tilespmem:$0x1FF20] =	vst v51  }
0x37: {  	s15 =	simm.s32 $0xB600;
	s6 =	sand.u32 $0x1, s6;
	s9 =	sshll.u32 s11, $0x7;
	v53 =	vor.u32 $0x305, v2;
	[tilespmem:$0x1FF30] =	vst v52  }
0x38: {  	s12 =	sadd.s32 $0x800, s5;
	s7 =	ssub.s32 $0x2, s6;
	s6 =	sshll.u32 s6, $0x6;
	v54 =	vor.u32 $0x306, v2;
	[tilespmem:$0x1FF40] =	vst v53  }
0x39: {  	s25 =	sshll.u32 s11, $0x8;
	s5 =	simm.s32 $0xD600;
	s6 =	sor.u32 s6, s9;
	v55 =	vor.u32 $0x307, v2;
	[tilespmem:$0x1FF50] =	vst v54  }
0x3a: {  	s22 =	sadd.s32 s3, s9;
	s3 =	simm.s32 $0x9600;
	v56 =	vor.u32 $0x308, v2;
	s1 =	sadd.s32 s1, s6;
	[tilespmem:$0x1FF60] =	vst v55  }
0x3b: {  	s8 =	sshrl.u32 s7, $0x1;
	v57 =	vor.u32 $0x309, v2;
	s21 =	sadd.s32 s2, s6;
	[dreg:$0x8] =	wrdreg s1;
	[tilespmem:$0x1FF70] =	vst v56  }
0x3c: {  	s26 =	sadd.s32 $0x800, s22;
	v58 =	vor.u32 $0x30A, v2;
	s23 =	sadd.s32 s4, s6;
	[dreg:$0x9] =	wrdreg s21;
	[tilespmem:$0x1FF80] =	vst v57  }
0x3d: {  	v59 =	vor.u32 $0x30B, v2;
	s9 =	simm.s32 $0x1;
	s20 =	ssub.s32 s7, s8;
	[dreg:$0xb] =	wrdreg s23;
	[tilespmem:$0x1FF90] =	vst v58  }
0x3e: {  	v60 =	vor.u32 $0x30C, v2;
	s6 =	simm.s32 $0xE600;
	s8 =	simm.s32 $0xF600;
	[dreg:$0x7] =	wrdreg s12;
	[tilespmem:$0x1FFA0] =	vst v59  }
0x3f: {  	v61 =	vor.u32 $0x30D, v2;
	s4 =	simm.s32 $0x0;
	s24 =	smax.u32 s20, $0x1;
	[dreg:$0xa] =	wrdreg s22;
	[tilespmem:$0x1FFB0] =	vst v60  }
0x40: {  	v62 =	vor.u32 $0x30E, v2;
	s1 =	sadd.s32 s25, s12;
	[dreg:$0xe] =	wrdreg s26;
	s12 =	simm.s32 $0x4;
	[tilespmem:$0x1FFC0] =	vst v61  }
0x41: {  	s21 =	simm.s32 $0x10A00;
	s23 =	simm.s32 $0x7A1400;
	s25 =	simm.s32 $0x2600;
	[tilespmem:$0x1FFD0] =	vst v62  }
0x42: {  	v63 =	vor.u32 $0x30F, v2;
	s26 =	simm.s32 $0x3600;
	s20 =	simm.s32 $0xC600;
	[tilespmem:$0x1FFE0] =	vst v2;
	[dreg:$0xc] =	wrdreg s24  }
0x43: {  	[tilespmem:$0x1FFF0] =	vst v63;
	[dreg:$0xd] =	wrdreg s1;
	s24 =	simm.s32 $0x1600;
	s1 =	simm.s32 $0x8600  }
.LBB2_1:
0x44: {  	[dreg:$0xf] =	wrdreg s4  }
0x45: {  	s2 =	rddreg [dreg:$0x8]  }
0x46: {  	[tilespmem:s10], [sflag:$0x4] =	stream.linear.gather [hbm4b:s2+s10], $0x200, $0x38;
	[tilespmem:$0x18C00] =	vst v63  }
0x47: {  	_ =	swait.ge [sflag:s12], $0x200  }
0x48: {  	[sflag:s12] =	ssyncset.done $0x0  }
0x49: {  	s11 =	simm.s32 $0x200;
	s7 =	rddreg [dreg:$0x9];
	[sflag:s12] =	ssyncadd.s32 $0xFFFFFE00  }
0x4a: {  	[tilespmem:s11], [sflag:$0x4] =	stream.linear.gather [hbm4b:s7+s10], $0x200, $0x38;
	[tilespmem:$0x18C00] =	vst v63  }
.Ltmp0:
0x4b: {  	_ =	swait.ge [sflag:s12], $0x200;
	(pc) =	sbr.rel .LBB2_2-.Ltmp0, $4  }
0x4c: {  	[sflag:s12] =	ssyncset.done $0x0  }
0x4d: {  	s22 =	simm.s32 $0xC3800;
	s17 =	rddreg [dreg:$0xa];
	[sflag:s12] =	ssyncadd.s32 $0xFFFFFE00  }
0x4e: {  	[tilespmem:s16], [sflag:$0x2] =	stream.strided.gather [hbm4b:s17+s14], $0x1000, s22, s14, $0x38;
	[tilespmem:$0x18C00] =	vst v63  }
0x4f: {  	s7 =	stileid.u32;
	s4 =	rddreg [dreg:$0xe];
	s22 =	simm.s32 $0x0  }
.LBB2_4:
0x50: {  	s22 =	sadd.s32 $0x1000, s22  }
0x51: {  	p0 =	sne.s32 s22, $0x31000  }
.Ltmp1:
0x52: {  	_ = 	snop;
	(pc) =	sbr.rel @!p0 .LBB2_5-.Ltmp1, $2  }
0x53: {  	_ =	sdelay $0x2  }
0x54: {  	s4 =	sadd.s32 $0x800, s4  }
.LBB2_2:
0x55: {  	s2 =	smov.u32 s7;
	s7 =	sadd.s32 $0x10, s7  }
0x56: {  	p0 =	sgt.u32 s7, $0x30D  }
0x57: {  	s10 =	sxor.u32 @!p0 $0xFFFFFFFF, s22  }
0x58: {  	s10 =	sand.u32 @!p0 $0x1000, s10  }
0x59: {  	s11 =	simm.s32 @!p0 $0x400;
	s17 =	simm.s32 @!p0 $0xC3800;
	s10 =	sor.u32 @!p0 $0x600, s10  }
0x5a: {  	[tilespmem:s10], [sflag:$0x2] =	stream.strided.gather @!p0 [hbm4b:s4+s11], $0x1000, s17, s11, $0x38;
	[tilespmem:$0x18C00] =	vst v63  }
0x5b: {  	p0 =	sgt.u32 s2, $0x30D  }
.Ltmp2:
0x5c: {  	_ = 	snop;
	(pc) =	sbr.rel @p0 .LBB2_4-.Ltmp2, $1  }
0x5d: {  	_ =	sdelay $0x3  }
0x5e: {  	s2 =	simm.s32 $0x2  }
0x5f: {  	_ =	swait.ge [sflag:s2], $0x1000  }
0x60: {  	[sflag:s2] =	ssyncset.done $0x0  }
0x61: {  	s11 =	sand.u32 $0x1000, s22;
	v23 =	vld [tilespmem:$0x1FFE0];
	[sflag:s2] =	ssyncadd.s32 $0xFFFFF000  }
0x62: {  	v2 =	vld [tilespmem:s11+$0x600]  }
0x63: {  	v3 =	vld [tilespmem:s11+$0xE00];
	_ =	sdelay $0x4  }
0x64: {  	v2 =	vpack.i.f32.bf16 v3, v2  }
0x65: {  	v5 =	vld [tilespmem:$0x1FC00];
	[tilespmem:v23+s18+$0x0] =	vst.idx.msk $0xffff, v2  }
0x66: {  	v2 =	vld [tilespmem:s11+$0x680]  }
0x67: {  	v61 =	vld [tilespmem:s11+$0xE80];
	_ =	sdelay $0x4  }
0x68: {  	v2 =	vpack.i.f32.bf16 v61, v2  }
0x69: {  	v6 =	vld [tilespmem:$0x1FC10];
	[tilespmem:v5+s18+$0x0] =	vst.idx.msk $0xffff, v2  }
0x6a: {  	v2 =	vld [tilespmem:s11+$0x700]  }
0x6b: {  	v62 =	vld [tilespmem:s11+$0xF00];
	_ =	sdelay $0x4  }
0x6c: {  	v2 =	vpack.i.f32.bf16 v62, v2  }
0x6d: {  	v10 =	vld [tilespmem:$0x1FC20];
	[tilespmem:v6+s18+$0x0] =	vst.idx.msk $0xffff, v2  }
0x6e: {  	v2 =	vld [tilespmem:s11+$0x780]  }
0x6f: {  	v63 =	vld [tilespmem:s11+$0xF80];
	_ =	sdelay $0x4  }
0x70: {  	v2 =	vpack.i.f32.bf16 v63, v2  }
0x71: {  	[tilespmem:v10+s18+$0x0] =	vst.idx.msk $0xffff, v2  }
0x72: {  	v2 =	vld [tilespmem:s11+$0x800]  }
0x73: {  	v7 =	vld [tilespmem:s11+$0x1000];
	_ =	sdelay $0x4  }
0x74: {  	v2 =	vpack.i.f32.bf16 v7, v2;
	v7 =	vld [tilespmem:$0x1FC30];
	_ =	sdelay $0x7  }
0x75: {  	[tilespmem:v7+s18+$0x0] =	vst.idx.msk $0xffff, v2  }
0x76: {  	v2 =	vld [tilespmem:s11+$0x880]  }
0x77: {  	v8 =	vld [tilespmem:s11+$0x1080];
	_ =	sdelay $0x4  }
0x78: {  	v2 =	vpack.i.f32.bf16 v8, v2;
	v8 =	vld [tilespmem:$0x1FC40];
	_ =	sdelay $0x7  }
0x79: {  	[tilespmem:v8+s18+$0x0] =	vst.idx.msk $0xffff, v2  }
0x7a: {  	v2 =	vld [tilespmem:s11+$0x900]  }
0x7b: {  	v9 =	vld [tilespmem:s11+$0x1100];
	_ =	sdelay $0x4  }
0x7c: {  	v2 =	vpack.i.f32.bf16 v9, v2;
	v9 =	vld [tilespmem:$0x1FC50];
	_ =	sdelay $0x7  }
0x7d: {  	[tilespmem:v9+s18+$0x0] =	vst.idx.msk $0xffff, v2  }
0x7e: {  	v2 =	vld [tilespmem:s11+$0x980]  }
0x7f: {  	v11 =	vld [tilespmem:s11+$0x1180];
	_ =	sdelay $0x4  }
0x80: {  	v2 =	vpack.i.f32.bf16 v11, v2;
	v11 =	vld [tilespmem:$0x1FC60];
	_ =	sdelay $0x7  }
0x81: {  	[tilespmem:v11+s18+$0x0] =	vst.idx.msk $0xffff, v2  }
0x82: {  	v2 =	vld [tilespmem:s11+$0xA00]  }
0x83: {  	v12 =	vld [tilespmem:s11+$0x1200];
	_ =	sdelay $0x4  }
0x84: {  	v2 =	vpack.i.f32.bf16 v12, v2;
	v12 =	vld [tilespmem:$0x1FC70];
	_ =	sdelay $0x7  }
0x85: {  	[tilespmem:v12+s18+$0x0] =	vst.idx.msk $0xffff, v2  }
0x86: {  	v2 =	vld [tilespmem:s11+$0xA80]  }
0x87: {  	v13 =	vld [tilespmem:s11+$0x1280];
	_ =	sdelay $0x4  }
0x88: {  	v2 =	vpack.i.f32.bf16 v13, v2;
	v13 =	vld [tilespmem:$0x1FC80];
	_ =	sdelay $0x7  }
0x89: {  	[tilespmem:v13+s18+$0x0] =	vst.idx.msk $0xffff, v2  }
0x8a: {  	v2 =	vld [tilespmem:s11+$0xB00]  }
0x8b: {  	v14 =	vld [tilespmem:s11+$0x1300];
	_ =	sdelay $0x4  }
0x8c: {  	v2 =	vpack.i.f32.bf16 v14, v2;
	v14 =	vld [tilespmem:$0x1FC90];
	_ =	sdelay $0x7  }
0x8d: {  	[tilespmem:v14+s18+$0x0] =	vst.idx.msk $0xffff, v2  }
0x8e: {  	v2 =	vld [tilespmem:s11+$0xB80]  }
0x8f: {  	v15 =	vld [tilespmem:s11+$0x1380];
	_ =	sdelay $0x4  }
0x90: {  	v2 =	vpack.i.f32.bf16 v15, v2;
	v15 =	vld [tilespmem:$0x1FCA0];
	_ =	sdelay $0x7  }
0x91: {  	[tilespmem:v15+s18+$0x0] =	vst.idx.msk $0xffff, v2  }
0x92: {  	v2 =	vld [tilespmem:s11+$0xC00]  }
0x93: {  	v16 =	vld [tilespmem:s11+$0x1400];
	_ =	sdelay $0x4  }
0x94: {  	v2 =	vpack.i.f32.bf16 v16, v2;
	v16 =	vld [tilespmem:$0x1FCB0];
	_ =	sdelay $0x7  }
0x95: {  	[tilespmem:v16+s18+$0x0] =	vst.idx.msk $0xffff, v2  }
0x96: {  	v2 =	vld [tilespmem:s11+$0xC80]  }
0x97: {  	v17 =	vld [tilespmem:s11+$0x1480];
	_ =	sdelay $0x4  }
0x98: {  	v2 =	vpack.i.f32.bf16 v17, v2;
	v17 =	vld [tilespmem:$0x1FCC0];
	_ =	sdelay $0x7  }
0x99: {  	[tilespmem:v17+s18+$0x0] =	vst.idx.msk $0xffff, v2  }
0x9a: {  	v2 =	vld [tilespmem:s11+$0xD00]  }
0x9b: {  	v18 =	vld [tilespmem:s11+$0x1500];
	_ =	sdelay $0x4  }
0x9c: {  	v2 =	vpack.i.f32.bf16 v18, v2;
	v18 =	vld [tilespmem:$0x1FCD0];
	_ =	sdelay $0x7  }
0x9d: {  	[tilespmem:v18+s18+$0x0] =	vst.idx.msk $0xffff, v2  }
0x9e: {  	v2 =	vld [tilespmem:s11+$0xD80]  }
0x9f: {  	v19 =	vld [tilespmem:s11+$0x1580];
	_ =	sdelay $0x4  }
0xa0: {  	v2 =	vpack.i.f32.bf16 v19, v2;
	v19 =	vld [tilespmem:$0x1FCE0];
	_ =	sdelay $0x7  }
0xa1: {  	[tilespmem:v19+s18+$0x0] =	vst.idx.msk $0xffff, v2  }
0xa2: {  	v2 =	vld [tilespmem:s11+$0x610]  }
0xa3: {  	v20 =	vld [tilespmem:s11+$0xE10];
	_ =	sdelay $0x4  }
0xa4: {  	v2 =	vpack.i.f32.bf16 v20, v2;
	v20 =	vld [tilespmem:$0x1FCF0];
	_ =	sdelay $0x7  }
0xa5: {  	[tilespmem:v20+s18+$0x0] =	vst.idx.msk $0xffff, v2  }
0xa6: {  	v2 =	vld [tilespmem:s11+$0x690]  }
0xa7: {  	v21 =	vld [tilespmem:s11+$0xE90];
	_ =	sdelay $0x4  }
0xa8: {  	v2 =	vpack.i.f32.bf16 v21, v2;
	v21 =	vld [tilespmem:$0x1FD00];
	_ =	sdelay $0x7  }
0xa9: {  	[tilespmem:v21+s18+$0x0] =	vst.idx.msk $0xffff, v2  }
0xaa: {  	v2 =	vld [tilespmem:s11+$0x710]  }
0xab: {  	v22 =	vld [tilespmem:s11+$0xF10];
	_ =	sdelay $0x4  }
0xac: {  	v2 =	vpack.i.f32.bf16 v22, v2;
	v22 =	vld [tilespmem:$0x1FD10];
	_ =	sdelay $0x7  }
0xad: {  	v0 =	vld [tilespmem:$0x1FD20];
	[tilespmem:v22+s18+$0x0] =	vst.idx.msk $0xffff, v2  }
0xae: {  	v2 =	vld [tilespmem:s11+$0x790]  }
0xaf: {  	v24 =	vld [tilespmem:s11+$0xF90];
	_ =	sdelay $0x4  }
0xb0: {  	v2 =	vpack.i.f32.bf16 v24, v2  }
0xb1: {  	v24 =	vld [tilespmem:$0x1FD30];
	[tilespmem:v0+s18+$0x0] =	vst.idx.msk $0xffff, v2  }
0xb2: {  	v2 =	vld [tilespmem:s11+$0x810]  }
0xb3: {  	v25 =	vld [tilespmem:s11+$0x1010];
	_ =	sdelay $0x4  }
0xb4: {  	v2 =	vpack.i.f32.bf16 v25, v2  }
0xb5: {  	v25 =	vld [tilespmem:$0x1FD40];
	[tilespmem:v24+s18+$0x0] =	vst.idx.msk $0xffff, v2  }
0xb6: {  	v2 =	vld [tilespmem:s11+$0x890]  }
0xb7: {  	v26 =	vld [tilespmem:s11+$0x1090];
	_ =	sdelay $0x4  }
0xb8: {  	v2 =	vpack.i.f32.bf16 v26, v2  }
0xb9: {  	v26 =	vld [tilespmem:$0x1FD50];
	[tilespmem:v25+s18+$0x0] =	vst.idx.msk $0xffff, v2  }
0xba: {  	v2 =	vld [tilespmem:s11+$0x910]  }
0xbb: {  	v27 =	vld [tilespmem:s11+$0x1110];
	_ =	sdelay $0x4  }
0xbc: {  	v2 =	vpack.i.f32.bf16 v27, v2  }
0xbd: {  	v27 =	vld [tilespmem:$0x1FD60];
	[tilespmem:v26+s18+$0x0] =	vst.idx.msk $0xffff, v2  }
0xbe: {  	v2 =	vld [tilespmem:s11+$0x990]  }
0xbf: {  	v28 =	vld [tilespmem:s11+$0x1190];
	_ =	sdelay $0x4  }
0xc0: {  	v2 =	vpack.i.f32.bf16 v28, v2  }
0xc1: {  	v28 =	vld [tilespmem:$0x1FD70];
	[tilespmem:v27+s18+$0x0] =	vst.idx.msk $0xffff, v2  }
0xc2: {  	v2 =	vld [tilespmem:s11+$0xA10]  }
0xc3: {  	v29 =	vld [tilespmem:s11+$0x1210];
	_ =	sdelay $0x4  }
0xc4: {  	v2 =	vpack.i.f32.bf16 v29, v2  }
0xc5: {  	v29 =	vld [tilespmem:$0x1FD80];
	[tilespmem:v28+s18+$0x0] =	vst.idx.msk $0xffff, v2  }
0xc6: {  	v2 =	vld [tilespmem:s11+$0xA90]  }
0xc7: {  	v30 =	vld [tilespmem:s11+$0x1290];
	_ =	sdelay $0x4  }
0xc8: {  	v2 =	vpack.i.f32.bf16 v30, v2  }
0xc9: {  	v30 =	vld [tilespmem:$0x1FD90];
	[tilespmem:v29+s18+$0x0] =	vst.idx.msk $0xffff, v2  }
0xca: {  	v2 =	vld [tilespmem:s11+$0xB10]  }
0xcb: {  	v31 =	vld [tilespmem:s11+$0x1310];
	_ =	sdelay $0x4  }
0xcc: {  	v2 =	vpack.i.f32.bf16 v31, v2  }
0xcd: {  	v31 =	vld [tilespmem:$0x1FDA0];
	[tilespmem:v30+s18+$0x0] =	vst.idx.msk $0xffff, v2  }
0xce: {  	v2 =	vld [tilespmem:s11+$0xB90]  }
0xcf: {  	v32 =	vld [tilespmem:s11+$0x1390];
	_ =	sdelay $0x4  }
0xd0: {  	v2 =	vpack.i.f32.bf16 v32, v2  }
0xd1: {  	v32 =	vld [tilespmem:$0x1FDB0];
	[tilespmem:v31+s18+$0x0] =	vst.idx.msk $0xffff, v2  }
0xd2: {  	v2 =	vld [tilespmem:s11+$0xC10]  }
0xd3: {  	v33 =	vld [tilespmem:s11+$0x1410];
	_ =	sdelay $0x4  }
0xd4: {  	v2 =	vpack.i.f32.bf16 v33, v2  }
0xd5: {  	v33 =	vld [tilespmem:$0x1FDC0];
	[tilespmem:v32+s18+$0x0] =	vst.idx.msk $0xffff, v2  }
0xd6: {  	v2 =	vld [tilespmem:s11+$0xC90]  }
0xd7: {  	v34 =	vld [tilespmem:s11+$0x1490];
	_ =	sdelay $0x4  }
0xd8: {  	v2 =	vpack.i.f32.bf16 v34, v2  }
0xd9: {  	v34 =	vld [tilespmem:$0x1FDD0];
	[tilespmem:v33+s18+$0x0] =	vst.idx.msk $0xffff, v2  }
0xda: {  	v2 =	vld [tilespmem:s11+$0xD10]  }
0xdb: {  	v35 =	vld [tilespmem:s11+$0x1510];
	_ =	sdelay $0x4  }
0xdc: {  	v2 =	vpack.i.f32.bf16 v35, v2  }
0xdd: {  	v35 =	vld [tilespmem:$0x1FDE0];
	[tilespmem:v34+s18+$0x0] =	vst.idx.msk $0xffff, v2  }
0xde: {  	v2 =	vld [tilespmem:s11+$0xD90]  }
0xdf: {  	v36 =	vld [tilespmem:s11+$0x1590];
	_ =	sdelay $0x4  }
0xe0: {  	v2 =	vpack.i.f32.bf16 v36, v2  }
0xe1: {  	v36 =	vld [tilespmem:$0x1FDF0];
	[tilespmem:v35+s18+$0x0] =	vst.idx.msk $0xffff, v2  }
0xe2: {  	v2 =	vld [tilespmem:s11+$0x620]  }
0xe3: {  	v37 =	vld [tilespmem:s11+$0xE20];
	_ =	sdelay $0x4  }
0xe4: {  	v2 =	vpack.i.f32.bf16 v37, v2  }
0xe5: {  	v37 =	vld [tilespmem:$0x1FE00];
	[tilespmem:v36+s18+$0x0] =	vst.idx.msk $0xffff, v2  }
0xe6: {  	v2 =	vld [tilespmem:s11+$0x6A0]  }
0xe7: {  	v38 =	vld [tilespmem:s11+$0xEA0];
	_ =	sdelay $0x4  }
0xe8: {  	v2 =	vpack.i.f32.bf16 v38, v2  }
0xe9: {  	v38 =	vld [tilespmem:$0x1FE10];
	[tilespmem:v37+s18+$0x0] =	vst.idx.msk $0xffff, v2  }
0xea: {  	v2 =	vld [tilespmem:s11+$0x720]  }
0xeb: {  	v39 =	vld [tilespmem:s11+$0xF20];
	_ =	sdelay $0x4  }
0xec: {  	v2 =	vpack.i.f32.bf16 v39, v2  }
0xed: {  	v59 =	vld [tilespmem:$0x1FE20];
	[tilespmem:v38+s18+$0x0] =	vst.idx.msk $0xffff, v2  }
0xee: {  	v2 =	vld [tilespmem:s11+$0x7A0]  }
0xef: {  	v40 =	vld [tilespmem:s11+$0xFA0];
	_ =	sdelay $0x4  }
0xf0: {  	v2 =	vpack.i.f32.bf16 v40, v2  }
0xf1: {  	v39 =	vld [tilespmem:$0x1FE30];
	[tilespmem:v59+s18+$0x0] =	vst.idx.msk $0xffff, v2  }
0xf2: {  	v2 =	vld [tilespmem:s11+$0x820]  }
0xf3: {  	v41 =	vld [tilespmem:s11+$0x1020];
	_ =	sdelay $0x4  }
0xf4: {  	v2 =	vpack.i.f32.bf16 v41, v2  }
0xf5: {  	v40 =	vld [tilespmem:$0x1FE40];
	[tilespmem:v39+s18+$0x0] =	vst.idx.msk $0xffff, v2  }
0xf6: {  	v2 =	vld [tilespmem:s11+$0x8A0]  }
0xf7: {  	v42 =	vld [tilespmem:s11+$0x10A0];
	_ =	sdelay $0x4  }
0xf8: {  	v2 =	vpack.i.f32.bf16 v42, v2  }
0xf9: {  	v41 =	vld [tilespmem:$0x1FE50];
	[tilespmem:v40+s18+$0x0] =	vst.idx.msk $0xffff, v2  }
0xfa: {  	v2 =	vld [tilespmem:s11+$0x920]  }
0xfb: {  	v43 =	vld [tilespmem:s11+$0x1120];
	_ =	sdelay $0x4  }
0xfc: {  	v2 =	vpack.i.f32.bf16 v43, v2  }
0xfd: {  	v60 =	vld [tilespmem:$0x1FE60];
	[tilespmem:v41+s18+$0x0] =	vst.idx.msk $0xffff, v2  }
0xfe: {  	v2 =	vld [tilespmem:s11+$0x9A0]  }
0xff: {  	v44 =	vld [tilespmem:s11+$0x11A0];
	_ =	sdelay $0x4  }
0x100: {  	v2 =	vpack.i.f32.bf16 v44, v2  }
0x101: {  	v43 =	vld [tilespmem:$0x1FE70];
	[tilespmem:v60+s18+$0x0] =	vst.idx.msk $0xffff, v2  }
0x102: {  	v2 =	vld [tilespmem:s11+$0xA20]  }
0x103: {  	v45 =	vld [tilespmem:s11+$0x1220];
	_ =	sdelay $0x4  }
0x104: {  	v2 =	vpack.i.f32.bf16 v45, v2  }
0x105: {  	v61 =	vld [tilespmem:$0x1FE80];
	[tilespmem:v43+s18+$0x0] =	vst.idx.msk $0xffff, v2  }
0x106: {  	v2 =	vld [tilespmem:s11+$0xAA0]  }
0x107: {  	v46 =	vld [tilespmem:s11+$0x12A0];
	_ =	sdelay $0x4  }
0x108: {  	v2 =	vpack.i.f32.bf16 v46, v2  }
0x109: {  	v45 =	vld [tilespmem:$0x1FE90];
	[tilespmem:v61+s18+$0x0] =	vst.idx.msk $0xffff, v2  }
0x10a: {  	v2 =	vld [tilespmem:s11+$0xB20]  }
0x10b: {  	v47 =	vld [tilespmem:s11+$0x1320];
	_ =	sdelay $0x4  }
0x10c: {  	v2 =	vpack.i.f32.bf16 v47, v2  }
0x10d: {  	v63 =	vld [tilespmem:$0x1FEA0];
	[tilespmem:v45+s18+$0x0] =	vst.idx.msk $0xffff, v2  }
0x10e: {  	v2 =	vld [tilespmem:s11+$0xBA0]  }
0x10f: {  	v48 =	vld [tilespmem:s11+$0x13A0];
	_ =	sdelay $0x4  }
0x110: {  	v2 =	vpack.i.f32.bf16 v48, v2  }
0x111: {  	v47 =	vld [tilespmem:$0x1FEB0];
	[tilespmem:v63+s18+$0x0] =	vst.idx.msk $0xffff, v2  }
0x112: {  	v2 =	vld [tilespmem:s11+$0xC20]  }
0x113: {  	v49 =	vld [tilespmem:s11+$0x1420];
	_ =	sdelay $0x4  }
0x114: {  	v2 =	vpack.i.f32.bf16 v49, v2  }
0x115: {  	v48 =	vld [tilespmem:$0x1FEC0];
	[tilespmem:v47+s18+$0x0] =	vst.idx.msk $0xffff, v2  }
0x116: {  	v2 =	vld [tilespmem:s11+$0xCA0]  }
0x117: {  	v50 =	vld [tilespmem:s11+$0x14A0];
	_ =	sdelay $0x4  }
0x118: {  	v2 =	vpack.i.f32.bf16 v50, v2  }
0x119: {  	v49 =	vld [tilespmem:$0x1FED0];
	[tilespmem:v48+s18+$0x0] =	vst.idx.msk $0xffff, v2  }
0x11a: {  	v2 =	vld [tilespmem:s11+$0xD20]  }
0x11b: {  	v51 =	vld [tilespmem:s11+$0x1520];
	_ =	sdelay $0x4  }
0x11c: {  	v2 =	vpack.i.f32.bf16 v51, v2  }
0x11d: {  	v50 =	vld [tilespmem:$0x1FEE0];
	[tilespmem:v49+s18+$0x0] =	vst.idx.msk $0xffff, v2  }
0x11e: {  	v2 =	vld [tilespmem:s11+$0xDA0]  }
0x11f: {  	v52 =	vld [tilespmem:s11+$0x15A0];
	_ =	sdelay $0x4  }
0x120: {  	v2 =	vpack.i.f32.bf16 v52, v2  }
0x121: {  	v51 =	vld [tilespmem:$0x1FEF0];
	[tilespmem:v50+s18+$0x0] =	vst.idx.msk $0xffff, v2  }
0x122: {  	v2 =	vld [tilespmem:s11+$0x630]  }
0x123: {  	v53 =	vld [tilespmem:s11+$0xE30];
	_ =	sdelay $0x4  }
0x124: {  	v2 =	vpack.i.f32.bf16 v53, v2  }
0x125: {  	v53 =	vld [tilespmem:$0x1FF00];
	[tilespmem:v51+s18+$0x0] =	vst.idx.msk $0xffff, v2  }
0x126: {  	v2 =	vld [tilespmem:s11+$0x6B0]  }
0x127: {  	v54 =	vld [tilespmem:s11+$0xEB0];
	_ =	sdelay $0x4  }
0x128: {  	v2 =	vpack.i.f32.bf16 v54, v2  }
0x129: {  	v54 =	vld [tilespmem:$0x1FF10];
	[tilespmem:v53+s18+$0x0] =	vst.idx.msk $0xffff, v2  }
0x12a: {  	v2 =	vld [tilespmem:s11+$0x730]  }
0x12b: {  	v55 =	vld [tilespmem:s11+$0xF30];
	_ =	sdelay $0x4  }
0x12c: {  	v2 =	vpack.i.f32.bf16 v55, v2  }
0x12d: {  	v55 =	vld [tilespmem:$0x1FF20];
	[tilespmem:v54+s18+$0x0] =	vst.idx.msk $0xffff, v2  }
0x12e: {  	v2 =	vld [tilespmem:s11+$0x7B0]  }
0x12f: {  	v56 =	vld [tilespmem:s11+$0xFB0];
	_ =	sdelay $0x4  }
0x130: {  	v2 =	vpack.i.f32.bf16 v56, v2  }
0x131: {  	v56 =	vld [tilespmem:$0x1FF30];
	[tilespmem:v55+s18+$0x0] =	vst.idx.msk $0xffff, v2  }
0x132: {  	v2 =	vld [tilespmem:s11+$0x830]  }
0x133: {  	v57 =	vld [tilespmem:s11+$0x1030];
	_ =	sdelay $0x4  }
0x134: {  	v2 =	vpack.i.f32.bf16 v57, v2  }
0x135: {  	v57 =	vld [tilespmem:$0x1FF40];
	[tilespmem:v56+s18+$0x0] =	vst.idx.msk $0xffff, v2  }
0x136: {  	v2 =	vld [tilespmem:s11+$0x8B0]  }
0x137: {  	v58 =	vld [tilespmem:s11+$0x10B0];
	_ =	sdelay $0x4  }
0x138: {  	v2 =	vpack.i.f32.bf16 v58, v2  }
0x139: {  	v58 =	vld [tilespmem:$0x1FF50];
	[tilespmem:v57+s18+$0x0] =	vst.idx.msk $0xffff, v2  }
0x13a: {  	v2 =	vld [tilespmem:s11+$0x930]  }
0x13b: {  	v62 =	vld [tilespmem:s11+$0x1130];
	_ =	sdelay $0x4  }
0x13c: {  	v2 =	vpack.i.f32.bf16 v62, v2  }
0x13d: {  	v1 =	vld [tilespmem:$0x1FF60];
	[tilespmem:v58+s18+$0x0] =	vst.idx.msk $0xffff, v2  }
0x13e: {  	v2 =	vld [tilespmem:s11+$0x9B0]  }
0x13f: {  	v42 =	vld [tilespmem:s11+$0x11B0];
	_ =	sdelay $0x4  }
0x140: {  	v2 =	vpack.i.f32.bf16 v42, v2  }
0x141: {  	v46 =	vld [tilespmem:$0x1FF70];
	[tilespmem:v1+s18+$0x0] =	vst.idx.msk $0xffff, v2  }
0x142: {  	v2 =	vld [tilespmem:s11+$0xA30]  }
0x143: {  	v44 =	vld [tilespmem:s11+$0x1230];
	_ =	sdelay $0x4  }
0x144: {  	v2 =	vpack.i.f32.bf16 v44, v2  }
0x145: {  	v42 =	vld [tilespmem:$0x1FF80];
	[tilespmem:v46+s18+$0x0] =	vst.idx.msk $0xffff, v2  }
0x146: {  	v2 =	vld [tilespmem:s11+$0xAB0]  }
0x147: {  	v52 =	vld [tilespmem:s11+$0x12B0];
	_ =	sdelay $0x4  }
0x148: {  	v2 =	vpack.i.f32.bf16 v52, v2  }
0x149: {  	[tilespmem:v42+s18+$0x0] =	vst.idx.msk $0xffff, v2  }
0x14a: {  	v2 =	vld [tilespmem:s11+$0xB30]  }
0x14b: {  	v62 =	vld [tilespmem:s11+$0x1330];
	_ =	sdelay $0x4  }
0x14c: {  	v2 =	vpack.i.f32.bf16 v62, v2;
	v62 =	vld [tilespmem:$0x1FF90];
	_ =	sdelay $0x7  }
0x14d: {  	[tilespmem:v62+s18+$0x0] =	vst.idx.msk $0xffff, v2  }
0x14e: {  	v2 =	vld [tilespmem:s11+$0xBB0]  }
0x14f: {  	v44 =	vld [tilespmem:s11+$0x13B0];
	_ =	sdelay $0x4  }
0x150: {  	v2 =	vpack.i.f32.bf16 v44, v2;
	v44 =	vld [tilespmem:$0x1FFA0];
	_ =	sdelay $0x7  }
0x151: {  	[tilespmem:v44+s18+$0x0] =	vst.idx.msk $0xffff, v2  }
0x152: {  	v2 =	vld [tilespmem:s11+$0xC30]  }
0x153: {  	v46 =	vld [tilespmem:s11+$0x1430];
	_ =	sdelay $0x4  }
0x154: {  	v2 =	vpack.i.f32.bf16 v46, v2;
	v46 =	vld [tilespmem:$0x1FFB0];
	_ =	sdelay $0x7  }
0x155: {  	[tilespmem:v46+s18+$0x0] =	vst.idx.msk $0xffff, v2  }
0x156: {  	v2 =	vld [tilespmem:s11+$0xCB0]  }
0x157: {  	v52 =	vld [tilespmem:s11+$0x14B0];
	_ =	sdelay $0x4  }
0x158: {  	v2 =	vpack.i.f32.bf16 v52, v2;
	v52 =	vld [tilespmem:$0x1FFC0];
	_ =	sdelay $0x7  }
0x159: {  	v1 =	vld [tilespmem:$0x1FFD0];
	[tilespmem:v52+s18+$0x0] =	vst.idx.msk $0xffff, v2  }
0x15a: {  	v2 =	vld [tilespmem:s11+$0xD30]  }
0x15b: {  	v3 =	vld [tilespmem:s11+$0x1530];
	_ =	sdelay $0x4  }
0x15c: {  	v2 =	vpack.i.f32.bf16 v3, v2  }
0x15d: {  	v4 =	vld [tilespmem:$0x1FFF0];
	[tilespmem:v1+s18+$0x0] =	vst.idx.msk $0xffff, v2  }
0x15e: {  	v2 =	vld [tilespmem:s11+$0xDB0]  }
0x15f: {  	v3 =	vld [tilespmem:s11+$0x15B0];
	_ =	sdelay $0x4  }
0x160: {  	s17 =	rddreg [dreg:$0xd];
	v2 =	vpack.i.f32.bf16 v3, v2  }
0x161: {  	s10 =	simm.s32 $0x0;
	s2 =	sadd.s32 s22, s17;
	[tilespmem:v4+s18+$0x0] =	vst.idx.msk $0xffff, v2  }
0x162: {  	[hbm4b:s2+s10] =	stream.linear.scatter [tilespmem:s18], [sflag:$0x5], $0x400, $0x38;
	[tilespmem:$0x18C00] =	vst v63  }
0x163: {  	_ =	swait.ge [sflag:s19], $0x400  }
0x164: {  	[sflag:s19] =	ssyncset.done $0x0  }
0x165: {  	[sflag:s19] =	ssyncadd.s32 $0xFFFFFC00  }
0x166: {  	v2 =	vld [tilespmem:s11+$0x640]  }
0x167: {  	v3 =	vld [tilespmem:s11+$0xE40];
	_ =	sdelay $0x4  }
0x168: {  	v2 =	vpack.i.f32.bf16 v3, v2  }
0x169: {  	[tilespmem:v23+s18+$0x0] =	vst.idx.msk $0xffff, v2  }
0x16a: {  	v2 =	vld [tilespmem:s11+$0x6C0]  }
0x16b: {  	v23 =	vld [tilespmem:s11+$0xEC0];
	_ =	sdelay $0x4  }
0x16c: {  	v2 =	vpack.i.f32.bf16 v23, v2  }
0x16d: {  	[tilespmem:v5+s18+$0x0] =	vst.idx.msk $0xffff, v2  }
0x16e: {  	v2 =	vld [tilespmem:s11+$0x740]  }
0x16f: {  	v23 =	vld [tilespmem:s11+$0xF40];
	_ =	sdelay $0x4  }
0x170: {  	v2 =	vpack.i.f32.bf16 v23, v2  }
0x171: {  	[tilespmem:v6+s18+$0x0] =	vst.idx.msk $0xffff, v2  }
0x172: {  	v2 =	vld [tilespmem:s11+$0x7C0]  }
0x173: {  	v23 =	vld [tilespmem:s11+$0xFC0];
	_ =	sdelay $0x4  }
0x174: {  	v2 =	vpack.i.f32.bf16 v23, v2  }
0x175: {  	[tilespmem:v10+s18+$0x0] =	vst.idx.msk $0xffff, v2  }
0x176: {  	v2 =	vld [tilespmem:s11+$0x840]  }
0x177: {  	v6 =	vld [tilespmem:s11+$0x1040];
	_ =	sdelay $0x4  }
0x178: {  	v2 =	vpack.i.f32.bf16 v6, v2  }
0x179: {  	[tilespmem:v7+s18+$0x0] =	vst.idx.msk $0xffff, v2  }
0x17a: {  	v2 =	vld [tilespmem:s11+$0x8C0]  }
0x17b: {  	v7 =	vld [tilespmem:s11+$0x10C0];
	_ =	sdelay $0x4  }
0x17c: {  	v2 =	vpack.i.f32.bf16 v7, v2  }
0x17d: {  	[tilespmem:v8+s18+$0x0] =	vst.idx.msk $0xffff, v2  }
0x17e: {  	v2 =	vld [tilespmem:s11+$0x940]  }
0x17f: {  	v8 =	vld [tilespmem:s11+$0x1140];
	_ =	sdelay $0x4  }
0x180: {  	v2 =	vpack.i.f32.bf16 v8, v2  }
0x181: {  	[tilespmem:v9+s18+$0x0] =	vst.idx.msk $0xffff, v2  }
0x182: {  	v2 =	vld [tilespmem:s11+$0x9C0]  }
0x183: {  	v10 =	vld [tilespmem:s11+$0x11C0];
	_ =	sdelay $0x4  }
0x184: {  	v2 =	vpack.i.f32.bf16 v10, v2  }
0x185: {  	[tilespmem:v11+s18+$0x0] =	vst.idx.msk $0xffff, v2  }
0x186: {  	v2 =	vld [tilespmem:s11+$0xA40]  }
0x187: {  	v11 =	vld [tilespmem:s11+$0x1240];
	_ =	sdelay $0x4  }
0x188: {  	v2 =	vpack.i.f32.bf16 v11, v2  }
0x189: {  	[tilespmem:v12+s18+$0x0] =	vst.idx.msk $0xffff, v2  }
0x18a: {  	v2 =	vld [tilespmem:s11+$0xAC0]  }
0x18b: {  	v12 =	vld [tilespmem:s11+$0x12C0];
	_ =	sdelay $0x4  }
0x18c: {  	v2 =	vpack.i.f32.bf16 v12, v2  }
0x18d: {  	[tilespmem:v13+s18+$0x0] =	vst.idx.msk $0xffff, v2  }
0x18e: {  	v2 =	vld [tilespmem:s11+$0xB40]  }
0x18f: {  	v13 =	vld [tilespmem:s11+$0x1340];
	_ =	sdelay $0x4  }
0x190: {  	v2 =	vpack.i.f32.bf16 v13, v2  }
0x191: {  	[tilespmem:v14+s18+$0x0] =	vst.idx.msk $0xffff, v2  }
0x192: {  	v2 =	vld [tilespmem:s11+$0xBC0]  }
0x193: {  	v23 =	vld [tilespmem:s11+$0x13C0];
	_ =	sdelay $0x4  }
0x194: {  	v2 =	vpack.i.f32.bf16 v23, v2  }
0x195: {  	[tilespmem:v15+s18+$0x0] =	vst.idx.msk $0xffff, v2  }
0x196: {  	v2 =	vld [tilespmem:s11+$0xC40]  }
0x197: {  	v6 =	vld [tilespmem:s11+$0x1440];
	_ =	sdelay $0x4  }
0x198: {  	v2 =	vpack.i.f32.bf16 v6, v2  }
0x199: {  	[tilespmem:v16+s18+$0x0] =	vst.idx.msk $0xffff, v2  }
0x19a: {  	v2 =	vld [tilespmem:s11+$0xCC0]  }
0x19b: {  	v7 =	vld [tilespmem:s11+$0x14C0];
	_ =	sdelay $0x4  }
0x19c: {  	v2 =	vpack.i.f32.bf16 v7, v2  }
0x19d: {  	[tilespmem:v17+s18+$0x0] =	vst.idx.msk $0xffff, v2  }
0x19e: {  	v2 =	vld [tilespmem:s11+$0xD40]  }
0x19f: {  	v8 =	vld [tilespmem:s11+$0x1540];
	_ =	sdelay $0x4  }
0x1a0: {  	v2 =	vpack.i.f32.bf16 v8, v2  }
0x1a1: {  	[tilespmem:v18+s18+$0x0] =	vst.idx.msk $0xffff, v2  }
0x1a2: {  	v2 =	vld [tilespmem:s11+$0xDC0]  }
0x1a3: {  	v9 =	vld [tilespmem:s11+$0x15C0];
	_ =	sdelay $0x4  }
0x1a4: {  	v2 =	vpack.i.f32.bf16 v9, v2  }
0x1a5: {  	[tilespmem:v19+s18+$0x0] =	vst.idx.msk $0xffff, v2  }
0x1a6: {  	v2 =	vld [tilespmem:s11+$0x650]  }
0x1a7: {  	v10 =	vld [tilespmem:s11+$0xE50];
	_ =	sdelay $0x4  }
0x1a8: {  	v2 =	vpack.i.f32.bf16 v10, v2  }
0x1a9: {  	[tilespmem:v20+s18+$0x0] =	vst.idx.msk $0xffff, v2  }
0x1aa: {  	v2 =	vld [tilespmem:s11+$0x6D0]  }
0x1ab: {  	v11 =	vld [tilespmem:s11+$0xED0];
	_ =	sdelay $0x4  }
0x1ac: {  	v2 =	vpack.i.f32.bf16 v11, v2  }
0x1ad: {  	[tilespmem:v21+s18+$0x0] =	vst.idx.msk $0xffff, v2  }
0x1ae: {  	v2 =	vld [tilespmem:s11+$0x750]  }
0x1af: {  	v12 =	vld [tilespmem:s11+$0xF50];
	_ =	sdelay $0x4  }
0x1b0: {  	v2 =	vpack.i.f32.bf16 v12, v2  }
0x1b1: {  	[tilespmem:v22+s18+$0x0] =	vst.idx.msk $0xffff, v2  }
0x1b2: {  	v2 =	vld [tilespmem:s11+$0x7D0]  }
0x1b3: {  	v13 =	vld [tilespmem:s11+$0xFD0];
	_ =	sdelay $0x4  }
0x1b4: {  	v2 =	vpack.i.f32.bf16 v13, v2  }
0x1b5: {  	[tilespmem:v0+s18+$0x0] =	vst.idx.msk $0xffff, v2  }
0x1b6: {  	v2 =	vld [tilespmem:s11+$0x850]  }
0x1b7: {  	v14 =	vld [tilespmem:s11+$0x1050];
	_ =	sdelay $0x4  }
0x1b8: {  	v2 =	vpack.i.f32.bf16 v14, v2  }
0x1b9: {  	[tilespmem:v24+s18+$0x0] =	vst.idx.msk $0xffff, v2  }
0x1ba: {  	v2 =	vld [tilespmem:s11+$0x8D0]  }
0x1bb: {  	v15 =	vld [tilespmem:s11+$0x10D0];
	_ =	sdelay $0x4  }
0x1bc: {  	v2 =	vpack.i.f32.bf16 v15, v2  }
0x1bd: {  	[tilespmem:v25+s18+$0x0] =	vst.idx.msk $0xffff, v2  }
0x1be: {  	v2 =	vld [tilespmem:s11+$0x950]  }
0x1bf: {  	v16 =	vld [tilespmem:s11+$0x1150];
	_ =	sdelay $0x4  }
0x1c0: {  	v2 =	vpack.i.f32.bf16 v16, v2  }
0x1c1: {  	[tilespmem:v26+s18+$0x0] =	vst.idx.msk $0xffff, v2  }
0x1c2: {  	v2 =	vld [tilespmem:s11+$0x9D0]  }
0x1c3: {  	v17 =	vld [tilespmem:s11+$0x11D0];
	_ =	sdelay $0x4  }
0x1c4: {  	v2 =	vpack.i.f32.bf16 v17, v2  }
0x1c5: {  	[tilespmem:v27+s18+$0x0] =	vst.idx.msk $0xffff, v2  }
0x1c6: {  	v2 =	vld [tilespmem:s11+$0xA50]  }
0x1c7: {  	v18 =	vld [tilespmem:s11+$0x1250];
	_ =	sdelay $0x4  }
0x1c8: {  	v2 =	vpack.i.f32.bf16 v18, v2  }
0x1c9: {  	[tilespmem:v28+s18+$0x0] =	vst.idx.msk $0xffff, v2  }
0x1ca: {  	v2 =	vld [tilespmem:s11+$0xAD0]  }
0x1cb: {  	v19 =	vld [tilespmem:s11+$0x12D0];
	_ =	sdelay $0x4  }
0x1cc: {  	v2 =	vpack.i.f32.bf16 v19, v2  }
0x1cd: {  	[tilespmem:v29+s18+$0x0] =	vst.idx.msk $0xffff, v2  }
0x1ce: {  	v2 =	vld [tilespmem:s11+$0xB50]  }
0x1cf: {  	v20 =	vld [tilespmem:s11+$0x1350];
	_ =	sdelay $0x4  }
0x1d0: {  	v2 =	vpack.i.f32.bf16 v20, v2  }
0x1d1: {  	[tilespmem:v30+s18+$0x0] =	vst.idx.msk $0xffff, v2  }
0x1d2: {  	v2 =	vld [tilespmem:s11+$0xBD0]  }
0x1d3: {  	v21 =	vld [tilespmem:s11+$0x13D0];
	_ =	sdelay $0x4  }
0x1d4: {  	v2 =	vpack.i.f32.bf16 v21, v2  }
0x1d5: {  	[tilespmem:v31+s18+$0x0] =	vst.idx.msk $0xffff, v2  }
0x1d6: {  	v2 =	vld [tilespmem:s11+$0xC50]  }
0x1d7: {  	v22 =	vld [tilespmem:s11+$0x1450];
	_ =	sdelay $0x4  }
0x1d8: {  	v2 =	vpack.i.f32.bf16 v22, v2  }
0x1d9: {  	[tilespmem:v32+s18+$0x0] =	vst.idx.msk $0xffff, v2  }
0x1da: {  	v2 =	vld [tilespmem:s11+$0xCD0]  }
0x1db: {  	v23 =	vld [tilespmem:s11+$0x14D0];
	_ =	sdelay $0x4  }
0x1dc: {  	v2 =	vpack.i.f32.bf16 v23, v2  }
0x1dd: {  	[tilespmem:v33+s18+$0x0] =	vst.idx.msk $0xffff, v2  }
0x1de: {  	v2 =	vld [tilespmem:s11+$0xD50]  }
0x1df: {  	v24 =	vld [tilespmem:s11+$0x1550];
	_ =	sdelay $0x4  }
0x1e0: {  	v2 =	vpack.i.f32.bf16 v24, v2  }
0x1e1: {  	[tilespmem:v34+s18+$0x0] =	vst.idx.msk $0xffff, v2  }
0x1e2: {  	v2 =	vld [tilespmem:s11+$0xDD0]  }
0x1e3: {  	v25 =	vld [tilespmem:s11+$0x15D0];
	_ =	sdelay $0x4  }
0x1e4: {  	v2 =	vpack.i.f32.bf16 v25, v2  }
0x1e5: {  	[tilespmem:v35+s18+$0x0] =	vst.idx.msk $0xffff, v2  }
0x1e6: {  	v2 =	vld [tilespmem:s11+$0x660]  }
0x1e7: {  	v26 =	vld [tilespmem:s11+$0xE60];
	_ =	sdelay $0x4  }
0x1e8: {  	v2 =	vpack.i.f32.bf16 v26, v2  }
0x1e9: {  	[tilespmem:v36+s18+$0x0] =	vst.idx.msk $0xffff, v2  }
0x1ea: {  	v2 =	vld [tilespmem:s11+$0x6E0]  }
0x1eb: {  	v27 =	vld [tilespmem:s11+$0xEE0];
	_ =	sdelay $0x4  }
0x1ec: {  	v2 =	vpack.i.f32.bf16 v27, v2  }
0x1ed: {  	[tilespmem:v37+s18+$0x0] =	vst.idx.msk $0xffff, v2  }
0x1ee: {  	v2 =	vld [tilespmem:s11+$0x760]  }
0x1ef: {  	v28 =	vld [tilespmem:s11+$0xF60];
	_ =	sdelay $0x4  }
0x1f0: {  	v2 =	vpack.i.f32.bf16 v28, v2  }
0x1f1: {  	[tilespmem:v38+s18+$0x0] =	vst.idx.msk $0xffff, v2  }
0x1f2: {  	v2 =	vld [tilespmem:s11+$0x7E0]  }
0x1f3: {  	v29 =	vld [tilespmem:s11+$0xFE0];
	_ =	sdelay $0x4  }
0x1f4: {  	v2 =	vpack.i.f32.bf16 v29, v2  }
0x1f5: {  	[tilespmem:v59+s18+$0x0] =	vst.idx.msk $0xffff, v2  }
0x1f6: {  	v2 =	vld [tilespmem:s11+$0x860]  }
0x1f7: {  	v30 =	vld [tilespmem:s11+$0x1060];
	_ =	sdelay $0x4  }
0x1f8: {  	v2 =	vpack.i.f32.bf16 v30, v2  }
0x1f9: {  	[tilespmem:v39+s18+$0x0] =	vst.idx.msk $0xffff, v2  }
0x1fa: {  	v2 =	vld [tilespmem:s11+$0x8E0]  }
0x1fb: {  	v31 =	vld [tilespmem:s11+$0x10E0];
	_ =	sdelay $0x4  }
0x1fc: {  	v2 =	vpack.i.f32.bf16 v31, v2  }
0x1fd: {  	[tilespmem:v40+s18+$0x0] =	vst.idx.msk $0xffff, v2  }
0x1fe: {  	v2 =	vld [tilespmem:s11+$0x960]  }
0x1ff: {  	v32 =	vld [tilespmem:s11+$0x1160];
	_ =	sdelay $0x4  }
0x200: {  	v2 =	vpack.i.f32.bf16 v32, v2  }
0x201: {  	[tilespmem:v41+s18+$0x0] =	vst.idx.msk $0xffff, v2  }
0x202: {  	v2 =	vld [tilespmem:s11+$0x9E0]  }
0x203: {  	v33 =	vld [tilespmem:s11+$0x11E0];
	_ =	sdelay $0x4  }
0x204: {  	v2 =	vpack.i.f32.bf16 v33, v2  }
0x205: {  	[tilespmem:v60+s18+$0x0] =	vst.idx.msk $0xffff, v2  }
0x206: {  	v2 =	vld [tilespmem:s11+$0xA60]  }
0x207: {  	v34 =	vld [tilespmem:s11+$0x1260];
	_ =	sdelay $0x4  }
0x208: {  	v2 =	vpack.i.f32.bf16 v34, v2  }
0x209: {  	[tilespmem:v43+s18+$0x0] =	vst.idx.msk $0xffff, v2  }
0x20a: {  	v2 =	vld [tilespmem:s11+$0xAE0]  }
0x20b: {  	v35 =	vld [tilespmem:s11+$0x12E0];
	_ =	sdelay $0x4  }
0x20c: {  	v2 =	vpack.i.f32.bf16 v35, v2  }
0x20d: {  	[tilespmem:v61+s18+$0x0] =	vst.idx.msk $0xffff, v2  }
0x20e: {  	v2 =	vld [tilespmem:s11+$0xB60]  }
0x20f: {  	v36 =	vld [tilespmem:s11+$0x1360];
	_ =	sdelay $0x4  }
0x210: {  	v2 =	vpack.i.f32.bf16 v36, v2  }
0x211: {  	[tilespmem:v45+s18+$0x0] =	vst.idx.msk $0xffff, v2  }
0x212: {  	v2 =	vld [tilespmem:s11+$0xBE0]  }
0x213: {  	v37 =	vld [tilespmem:s11+$0x13E0];
	_ =	sdelay $0x4  }
0x214: {  	v2 =	vpack.i.f32.bf16 v37, v2  }
0x215: {  	[tilespmem:v63+s18+$0x0] =	vst.idx.msk $0xffff, v2  }
0x216: {  	v2 =	vld [tilespmem:s11+$0xC60]  }
0x217: {  	v38 =	vld [tilespmem:s11+$0x1460];
	_ =	sdelay $0x4  }
0x218: {  	v2 =	vpack.i.f32.bf16 v38, v2  }
0x219: {  	[tilespmem:v47+s18+$0x0] =	vst.idx.msk $0xffff, v2  }
0x21a: {  	v2 =	vld [tilespmem:s11+$0xCE0]  }
0x21b: {  	v39 =	vld [tilespmem:s11+$0x14E0];
	_ =	sdelay $0x4  }
0x21c: {  	v2 =	vpack.i.f32.bf16 v39, v2  }
0x21d: {  	[tilespmem:v48+s18+$0x0] =	vst.idx.msk $0xffff, v2  }
0x21e: {  	v2 =	vld [tilespmem:s11+$0xD60]  }
0x21f: {  	v40 =	vld [tilespmem:s11+$0x1560];
	_ =	sdelay $0x4  }
0x220: {  	v2 =	vpack.i.f32.bf16 v40, v2  }
0x221: {  	[tilespmem:v49+s18+$0x0] =	vst.idx.msk $0xffff, v2  }
0x222: {  	v2 =	vld [tilespmem:s11+$0xDE0]  }
0x223: {  	v41 =	vld [tilespmem:s11+$0x15E0];
	_ =	sdelay $0x4  }
0x224: {  	v2 =	vpack.i.f32.bf16 v41, v2  }
0x225: {  	[tilespmem:v50+s18+$0x0] =	vst.idx.msk $0xffff, v2  }
0x226: {  	v2 =	vld [tilespmem:s11+$0x670]  }
0x227: {  	v43 =	vld [tilespmem:s11+$0xE70];
	_ =	sdelay $0x4  }
0x228: {  	v2 =	vpack.i.f32.bf16 v43, v2  }
0x229: {  	[tilespmem:v51+s18+$0x0] =	vst.idx.msk $0xffff, v2  }
0x22a: {  	v2 =	vld [tilespmem:s11+$0x6F0]  }
0x22b: {  	v45 =	vld [tilespmem:s11+$0xEF0];
	_ =	sdelay $0x4  }
0x22c: {  	v2 =	vpack.i.f32.bf16 v45, v2  }
0x22d: {  	[tilespmem:v53+s18+$0x0] =	vst.idx.msk $0xffff, v2  }
0x22e: {  	v2 =	vld [tilespmem:s11+$0x770]  }
0x22f: {  	v47 =	vld [tilespmem:s11+$0xF70];
	_ =	sdelay $0x4  }
0x230: {  	v2 =	vpack.i.f32.bf16 v47, v2  }
0x231: {  	[tilespmem:v54+s18+$0x0] =	vst.idx.msk $0xffff, v2  }
0x232: {  	v2 =	vld [tilespmem:s11+$0x7F0]  }
0x233: {  	v48 =	vld [tilespmem:s11+$0xFF0];
	_ =	sdelay $0x4  }
0x234: {  	v2 =	vpack.i.f32.bf16 v48, v2  }
0x235: {  	[tilespmem:v55+s18+$0x0] =	vst.idx.msk $0xffff, v2  }
0x236: {  	v2 =	vld [tilespmem:s11+$0x870]  }
0x237: {  	v49 =	vld [tilespmem:s11+$0x1070];
	_ =	sdelay $0x4  }
0x238: {  	v2 =	vpack.i.f32.bf16 v49, v2  }
0x239: {  	[tilespmem:v56+s18+$0x0] =	vst.idx.msk $0xffff, v2  }
0x23a: {  	v2 =	vld [tilespmem:s11+$0x8F0]  }
0x23b: {  	v50 =	vld [tilespmem:s11+$0x10F0];
	_ =	sdelay $0x4  }
0x23c: {  	v2 =	vpack.i.f32.bf16 v50, v2  }
0x23d: {  	[tilespmem:v57+s18+$0x0] =	vst.idx.msk $0xffff, v2  }
0x23e: {  	v2 =	vld [tilespmem:s11+$0x970]  }
0x23f: {  	v51 =	vld [tilespmem:s11+$0x1170];
	_ =	sdelay $0x4  }
0x240: {  	v2 =	vpack.i.f32.bf16 v51, v2  }
0x241: {  	v54 =	vld [tilespmem:$0x1FF60];
	[tilespmem:v58+s18+$0x0] =	vst.idx.msk $0xffff, v2  }
0x242: {  	v2 =	vld [tilespmem:s11+$0x9F0]  }
0x243: {  	v53 =	vld [tilespmem:s11+$0x11F0];
	_ =	sdelay $0x4  }
0x244: {  	v2 =	vpack.i.f32.bf16 v53, v2  }
0x245: {  	v56 =	vld [tilespmem:$0x1FF70];
	[tilespmem:v54+s18+$0x0] =	vst.idx.msk $0xffff, v2  }
0x246: {  	v2 =	vld [tilespmem:s11+$0xA70]  }
0x247: {  	v55 =	vld [tilespmem:s11+$0x1270];
	_ =	sdelay $0x4  }
0x248: {  	v2 =	vpack.i.f32.bf16 v55, v2  }
0x249: {  	[tilespmem:v56+s18+$0x0] =	vst.idx.msk $0xffff, v2  }
0x24a: {  	v2 =	vld [tilespmem:s11+$0xAF0]  }
0x24b: {  	v57 =	vld [tilespmem:s11+$0x12F0];
	_ =	sdelay $0x4  }
0x24c: {  	v2 =	vpack.i.f32.bf16 v57, v2  }
0x24d: {  	[tilespmem:v42+s18+$0x0] =	vst.idx.msk $0xffff, v2  }
0x24e: {  	v2 =	vld [tilespmem:s11+$0xB70]  }
0x24f: {  	v58 =	vld [tilespmem:s11+$0x1370];
	_ =	sdelay $0x4  }
0x250: {  	v2 =	vpack.i.f32.bf16 v58, v2  }
0x251: {  	[tilespmem:v62+s18+$0x0] =	vst.idx.msk $0xffff, v2  }
0x252: {  	v2 =	vld [tilespmem:s11+$0xBF0]  }
0x253: {  	v59 =	vld [tilespmem:s11+$0x13F0];
	_ =	sdelay $0x4  }
0x254: {  	v2 =	vpack.i.f32.bf16 v59, v2  }
0x255: {  	[tilespmem:v44+s18+$0x0] =	vst.idx.msk $0xffff, v2  }
0x256: {  	v2 =	vld [tilespmem:s11+$0xC70]  }
0x257: {  	v60 =	vld [tilespmem:s11+$0x1470];
	_ =	sdelay $0x4  }
0x258: {  	v2 =	vpack.i.f32.bf16 v60, v2  }
0x259: {  	[tilespmem:v46+s18+$0x0] =	vst.idx.msk $0xffff, v2  }
0x25a: {  	v2 =	vld [tilespmem:s11+$0xCF0]  }
0x25b: {  	v61 =	vld [tilespmem:s11+$0x14F0];
	_ =	sdelay $0x4  }
0x25c: {  	v2 =	vpack.i.f32.bf16 v61, v2  }
0x25d: {  	[tilespmem:v52+s18+$0x0] =	vst.idx.msk $0xffff, v2  }
0x25e: {  	v2 =	vld [tilespmem:s11+$0xD70]  }
0x25f: {  	v62 =	vld [tilespmem:s11+$0x1570];
	_ =	sdelay $0x4  }
0x260: {  	v2 =	vpack.i.f32.bf16 v62, v2  }
0x261: {  	[tilespmem:v1+s18+$0x0] =	vst.idx.msk $0xffff, v2  }
0x262: {  	v2 =	vld [tilespmem:s11+$0xDF0]  }
0x263: {  	v63 =	vld [tilespmem:s11+$0x15F0];
	_ =	sdelay $0x4  }
0x264: {  	v2 =	vpack.i.f32.bf16 v63, v2  }
.Ltmp3:
0x265: {  	s2 =	sadd.s32 $0x80, s2;
	[tilespmem:v4+s18+$0x0] =	vst.idx.msk $0xffff, v2;
	(pc) =	sbr.rel .LBB2_4-.Ltmp3, $4  }
0x266: {  	[hbm4b:s2+s10] =	stream.linear.scatter [tilespmem:s18], [sflag:$0x4], $0x400, $0x38;
	[tilespmem:$0x18C00] =	vst v63  }
0x267: {  	_ =	swait.ge [sflag:s12], $0x400  }
0x268: {  	[sflag:s12] =	ssyncset.done $0x0  }
0x269: {  	[sflag:s12] =	ssyncadd.s32 $0xFFFFFC00  }
.LBB2_5:
0x26a: {  	[bflag:$0x0] =	sbarrier.arrive $0xFFFF;
	s2 =	simm.s32 $0x0  }
0x26b: {  	s4 =	simm.s32 $0x40;
	v2 =	vld [tilespmem:s2+$0x0]  }
.LBB2_6:
0x26c: {  	p0 =	sne.s32 s4, $0x7C0  }
.Ltmp4:
0x26d: {  	_ = 	snop;
	(pc) =	sbr.rel @p0 .LBB2_6-.Ltmp4, $3  }
0x26e: {  	_ =	sdelay $0x1  }
0x26f: {  	s7 =	sshra.s32 s4, $0x2;
	s4 =	sadd.s32 $0x40, s4;
	v3 =	vshra.s32 v2, $0x3  }
0x270: {  	v2 =	vld [tilespmem:s7+$0x0];
	[tilespmem:s2+$0x400] =	vst v3;
	s2 =	smov.u32 s7  }
0x271: {  	_ =	sdelay $0x3  }
0x272: {  	v2 =	vshra.s32 v2, $0x3  }
0x273: {  	s22 =	rddreg [dreg:$0x7];
	s4 =	simm.s32 $0x100;
	s7 =	simm.s32 $0x3;
	[tilespmem:s2+$0x400] =	vst v2  }
0x274: {  	[tilespmem:s21], [sflag:$0x3] =	stream.indirect.gather [hbm4b:s22+s4], $0x80, s14, s4, $0xb8;
	[tilespmem:$0x18C00] =	vst v63  }
0x275: {  	_ =	swait.ge [sflag:s7], $0x8000  }
0x276: {  	[sflag:s7] =	ssyncset.done $0x0  }
0x277: {  	s4 =	simm.s32 $0x200;
	[sflag:s7] =	ssyncadd.s32 $0xFFFF8000  }
0x278: {  	v18 =	vld [tilespmem:s4+$0x0];
	_ =	sdelay $0x4  }
0x279: {  	v2 =	vand.u32 $0xFFFFFF80, v18  }
0x27a: {  	v2 =	vadd.s32 s0, v2  }
0x27b: {  	(v2sf) =	vpush v2, $0x0;
	_ =	sdelay $0x1  }
0x27c: {  	(v2sf) =	vpush v2, $0x1;
	_ =	sdelay $0x1  }
0x27d: {  	(v2sf) =	vpush v2, $0x2;
	_ =	sdelay $0x1  }
0x27e: {  	(v2sf) =	vpush v2, $0x3;
	_ =	sdelay $0x1  }
0x27f: {  	(v2sf) =	vpush v2, $0x4;
	_ =	sdelay $0x1  }
0x280: {  	(v2sf) =	vpush v2, $0x5;
	_ =	sdelay $0x1  }
0x281: {  	(v2sf) =	vpush v2, $0x6;
	_ =	sdelay $0x1  }
0x282: {  	(v2sf) =	vpush v2, $0x7  }
0x283: {  	s7 =	simm.s32 $0x0;
	s10 =	spop (v2sf)  }
0x284: {  	v13 =	vld [tilespmem:s7+$0x0];
	(v2sf) =	vpush v2, $0x8;
	[tilespmem:s16], [sflag:$0x1] =	stream.strided.gather [hbm4b:s10+s14], $0x1000, s23, s14, $0x38  }
0x285: {  	s11 =	spop (v2sf)  }
0x286: {  	(v2sf) =	vpush v2, $0x9;
	[tilespmem:s24], [sflag:$0x1] =	stream.strided.gather [hbm4b:s11+s14], $0x1000, s23, s14, $0x38;
	[tilespmem:$0x18C00] =	vst v63  }
0x287: {  	s17 =	spop (v2sf)  }
0x288: {  	(v2sf) =	vpush v2, $0xA;
	[tilespmem:s25], [sflag:$0x1] =	stream.strided.gather [hbm4b:s17+s14], $0x1000, s23, s14, $0x38;
	[tilespmem:$0x18C00] =	vst v63  }
0x289: {  	s22 =	spop (v2sf)  }
0x28a: {  	(v2sf) =	vpush v2, $0xB;
	[tilespmem:s26], [sflag:$0x1] =	stream.strided.gather [hbm4b:s22+s14], $0x1000, s23, s14, $0x38;
	[tilespmem:$0x18C00] =	vst v63  }
0x28b: {  	s10 =	spop (v2sf)  }
0x28c: {  	(v2sf) =	vpush v2, $0xC;
	[tilespmem:s28], [sflag:$0x1] =	stream.strided.gather [hbm4b:s10+s14], $0x1000, s23, s14, $0x38;
	[tilespmem:$0x18C00] =	vst v63  }
0x28d: {  	s11 =	spop (v2sf)  }
0x28e: {  	(v2sf) =	vpush v2, $0xD;
	[tilespmem:s29], [sflag:$0x1] =	stream.strided.gather [hbm4b:s11+s14], $0x1000, s23, s14, $0x38;
	[tilespmem:$0x18C00] =	vst v63  }
0x28f: {  	s17 =	spop (v2sf)  }
0x290: {  	(v2sf) =	vpush v2, $0xE;
	[tilespmem:s30], [sflag:$0x1] =	stream.strided.gather [hbm4b:s17+s14], $0x1000, s23, s14, $0x38;
	[tilespmem:$0x18C00] =	vst v63  }
0x291: {  	s22 =	spop (v2sf)  }
0x292: {  	(v2sf) =	vpush v2, $0xF;
	[tilespmem:s31], [sflag:$0x1] =	stream.strided.gather [hbm4b:s22+s14], $0x1000, s23, s14, $0x38;
	[tilespmem:$0x18C00] =	vst v63  }
0x293: {  	s10 =	spop (v2sf)  }
0x294: {  	[tilespmem:s1], [sflag:$0x1] =	stream.strided.gather [hbm4b:s10+s14], $0x1000, s23, s14, $0x38;
	[tilespmem:$0x18C00] =	vst v63  }
0x295: {  	s11 =	spop (v2sf)  }
0x296: {  	[tilespmem:s3], [sflag:$0x1] =	stream.strided.gather [hbm4b:s11+s14], $0x1000, s23, s14, $0x38;
	[tilespmem:$0x18C00] =	vst v63  }
0x297: {  	s17 =	spop (v2sf)  }
0x298: {  	[tilespmem:s13], [sflag:$0x1] =	stream.strided.gather [hbm4b:s17+s14], $0x1000, s23, s14, $0x38;
	[tilespmem:$0x18C00] =	vst v63  }
0x299: {  	s22 =	spop (v2sf)  }
0x29a: {  	[tilespmem:s15], [sflag:$0x1] =	stream.strided.gather [hbm4b:s22+s14], $0x1000, s23, s14, $0x38;
	[tilespmem:$0x18C00] =	vst v63  }
0x29b: {  	s10 =	spop (v2sf)  }
0x29c: {  	[tilespmem:s20], [sflag:$0x1] =	stream.strided.gather [hbm4b:s10+s14], $0x1000, s23, s14, $0x38;
	[tilespmem:$0x18C00] =	vst v63  }
0x29d: {  	s11 =	spop (v2sf)  }
0x29e: {  	[tilespmem:s5], [sflag:$0x1] =	stream.strided.gather [hbm4b:s11+s14], $0x1000, s23, s14, $0x38;
	[tilespmem:$0x18C00] =	vst v63  }
0x29f: {  	s17 =	spop (v2sf)  }
0x2a0: {  	[tilespmem:s6], [sflag:$0x1] =	stream.strided.gather [hbm4b:s17+s14], $0x1000, s23, s14, $0x38;
	[tilespmem:$0x18C00] =	vst v63  }
0x2a1: {  	s22 =	spop (v2sf)  }
0x2a2: {  	[tilespmem:s8], [sflag:$0x1] =	stream.strided.gather [hbm4b:s22+s14], $0x1000, s23, s14, $0x38;
	[tilespmem:$0x18C00] =	vst v63  }
0x2a3: {  	_ =	swait.ge [sflag:s9], $0x1000  }
0x2a4: {  	[sflag:s9] =	ssyncset.done $0x0  }
0x2a5: {  	[sflag:s9] =	ssyncadd.s32 $0xFFFFF000  }
0x2a6: {  	_ =	swait.ge [sflag:s9], $0x1000  }
0x2a7: {  	[sflag:s9] =	ssyncset.done $0x0  }
0x2a8: {  	[sflag:s9] =	ssyncadd.s32 $0xFFFFF000  }
0x2a9: {  	_ =	swait.ge [sflag:s9], $0x1000  }
0x2aa: {  	[sflag:s9] =	ssyncset.done $0x0  }
0x2ab: {  	[sflag:s9] =	ssyncadd.s32 $0xFFFFF000  }
0x2ac: {  	_ =	swait.ge [sflag:s9], $0x1000  }
0x2ad: {  	[sflag:s9] =	ssyncset.done $0x0  }
0x2ae: {  	[sflag:s9] =	ssyncadd.s32 $0xFFFFF000  }
0x2af: {  	_ =	swait.ge [sflag:s9], $0x1000  }
0x2b0: {  	[sflag:s9] =	ssyncset.done $0x0  }
0x2b1: {  	[sflag:s9] =	ssyncadd.s32 $0xFFFFF000  }
0x2b2: {  	_ =	swait.ge [sflag:s9], $0x1000  }
0x2b3: {  	[sflag:s9] =	ssyncset.done $0x0  }
0x2b4: {  	[sflag:s9] =	ssyncadd.s32 $0xFFFFF000  }
0x2b5: {  	_ =	swait.ge [sflag:s9], $0x1000  }
0x2b6: {  	[sflag:s9] =	ssyncset.done $0x0  }
0x2b7: {  	[sflag:s9] =	ssyncadd.s32 $0xFFFFF000  }
0x2b8: {  	_ =	swait.ge [sflag:s9], $0x1000  }
0x2b9: {  	[sflag:s9] =	ssyncset.done $0x0  }
0x2ba: {  	[sflag:s9] =	ssyncadd.s32 $0xFFFFF000  }
0x2bb: {  	_ =	swait.ge [sflag:s9], $0x1000  }
0x2bc: {  	[sflag:s9] =	ssyncset.done $0x0  }
0x2bd: {  	[sflag:s9] =	ssyncadd.s32 $0xFFFFF000  }
0x2be: {  	_ =	swait.ge [sflag:s9], $0x1000  }
0x2bf: {  	[sflag:s9] =	ssyncset.done $0x0  }
0x2c0: {  	[sflag:s9] =	ssyncadd.s32 $0xFFFFF000  }
0x2c1: {  	_ =	swait.ge [sflag:s9], $0x1000  }
0x2c2: {  	[sflag:s9] =	ssyncset.done $0x0  }
0x2c3: {  	v0 =	vlaneseq.u32;
	[sflag:s9] =	ssyncadd.s32 $0xFFFFF000  }
0x2c4: {  	v3 =	vmul.u32 $0x1000, v0;
	_ =	swait.ge [sflag:s9], $0x1000  }
0x2c5: {  	[sflag:s9] =	ssyncset.done $0x0  }
0x2c6: {  	v5 =	vor.u32 $0x380, v3;
	v6 =	vor.u32 $0x80, v3;
	[sflag:s9] =	ssyncadd.s32 $0xFFFFF000  }
0x2c7: {  	v7 =	vor.u32 $0x880, v3;
	v8 =	vor.u32 $0x400, v3;
	v9 =	vor.u32 $0x780, v3;
	_ =	swait.ge [sflag:s9], $0x1000  }
0x2c8: {  	v10 =	vor.u32 $0x100, v3;
	v11 =	vor.u32 $0x600, v3;
	v12 =	vor.u32 $0x700, v3;
	[sflag:s9] =	ssyncset.done $0x0  }
0x2c9: {  	v14 =	vor.u32 $0x480, v3;
	v16 =	vor.u32 $0x800, v3;
	v4 =	vmov s7;
	[sflag:s9] =	ssyncadd.s32 $0xFFFFF000  }
0x2ca: {  	v21 =	vor.u32 $0x900, v3;
	v4 =	vshll.u32 v4, $0x7;
	v2 =	vmul.u32 $0x80, v0;
	_ =	swait.ge [sflag:s9], $0x1000  }
0x2cb: {  	v15 =	vshll.u32 v13, $0x4;
	v13 =	vor.u32 $0x180, v3;
	v35 =	vand.u32 $0x7F, v18;
	[sflag:s9] =	ssyncset.done $0x0  }
0x2cc: {  	v18 =	vor.u32 $0x680, v3;
	v19 =	vand.u32 $0x70, v15;
	v17 =	vor.u32 v2, v4;
	[sflag:s9] =	ssyncadd.s32 $0xFFFFF000  }
0x2cd: {  	v15 =	vor.u32 $0x200, v3;
	v22 =	vor.u32 v3, v35;
	v27 =	vor.u32 v17, v19;
	_ =	swait.ge [sflag:s9], $0x1000  }
0x2ce: {  	v33 =	vor.u32 v18, v35;
	v23 =	vor.u32 v6, v35;
	v20 =	vor.u32 $0x1, v27;
	[sflag:s9] =	ssyncset.done $0x0  }
0x2cf: {  	v40 =	vor.u32 v14, v35;
	v39 =	vor.u32 v11, v35;
	v42 =	vor.u32 v8, v35;
	[sflag:s9] =	ssyncadd.s32 $0xFFFFF000  }
0x2d0: {  	v36 =	vor.u32 v12, v35;
	v41 =	vor.u32 v10, v35;
	v32 =	vor.u32 v9, v35;
	_ =	swait.ge [sflag:s9], $0x1000  }
0x2d1: {  	v25 =	vor.u32 v5, v35;
	v52 =	vor.u32 v13, v35;
	v38 =	vor.u32 v16, v35;
	[sflag:s9] =	ssyncset.done $0x0  }
0x2d2: {  	v34 =	vor.u32 v7, v35;
	v37 =	vor.u32 v21, v35;
	v29 =	vor.u32 $0x2, v27;
	[sflag:s9] =	ssyncadd.s32 $0xFFFFF000  }
0x2d3: {  	v46 =	vor.u32 v15, v35;
	v4 =	vor.u32 $0x300, v3;
	v17 =	vor.u32 $0x280, v3;
	v48 =	vld.idx.msk [tilespmem:v20+s21+$0x0], $0xffff  }
0x2d4: {  	v24 =	vor.u32 v4, v35;
	v19 =	vor.u32 $0x980, v3;
	v30 =	vor.u32 $0xD, v27;
	v55 =	vld.idx.msk [tilespmem:v27+s21+$0x0], $0xffff  }
0x2d5: {  	v43 =	vor.u32 $0x3, v27;
	v26 =	vor.u32 v19, v35;
	v47 =	vor.u32 v17, v35;
	v53 =	vld.idx.msk [tilespmem:v22+s16+$0x0], $0xffff  }
0x2d6: {  	v45 =	vor.u32 $0x7, v27;
	v44 =	vor.u32 $0xB, v27;
	v56 =	vor.u32 $0x4, v27;
	v51 =	vld.idx.msk [tilespmem:v23+s16+$0x0], $0xffff  }
0x2d7: {  	v54 =	vor.u32 $0x5, v27;
	v20 =	vor.u32 $0xA80, v3;
	v22 =	vor.u32 $0xA00, v3;
	v49 =	vld.idx.msk [tilespmem:v29+s21+$0x0], $0xffff  }
0x2d8: {  	v23 =	vor.u32 $0xB00, v3;
	v50 =	vld.idx.msk [tilespmem:v41+s16+$0x0], $0xffff;
	v28 =	vor.u32 v20, v35;
	v31 =	vor.u32 v22, v35  }
0x2d9: {  	v52 =	vld.idx.msk [tilespmem:v52+s16+$0x0], $0xffff;
	v29 =	vor.u32 v23, v35;
	v41 =	vunpack.i.u.bf16.f32 v48;
	v57 =	vunpack.i.l.bf16.f32 v48  }
0x2da: {  	s10 =	simm.s32 $0x10;
	s11 =	simm.s32 $0x18A00;
	s22 =	simm.s32 $0x18A00;
	v48 =	vld.idx.msk [tilespmem:v43+s21+$0x0], $0xffff;
	v43 =	vunpack.i.u.bf16.f32 v55;
	v58 =	vunpack.i.l.bf16.f32 v55;
	v55 =	vor.u32 $0x6, v27  }
.LBB2_8:
0x2db: {  	v53 =	vmul.f32 v58, v53;
	v56 =	vld.idx.msk [tilespmem:v56+s21+$0x0], $0xffff;
	s4 =	sadd.s32 $0x10, s4;
	s7 =	sadd.s32 $0x10, s7;
	s11 =	sadd.s32 $0x10, s11  }
0x2dc: {  	p0 =	sne.s32 s10, $0xF0;
	v51 =	vmul.f32 v57, v51;
	s2 =	smov.u32 s10;
	s10 =	sadd.s32 $0x10, s10;
	v57 =	vld.idx.msk [tilespmem:v46+s16+$0x0], $0xffff  }
0x2dd: {  	v46 =	vunpack.i.u.bf16.f32 v49;
	v49 =	vunpack.i.l.bf16.f32 v49;
	v53 =	vadd.f32 $0.0e+00, v53;
	v54 =	vld.idx.msk [tilespmem:v54+s21+$0x0], $0xffff  }
0x2de: {  	v58 =	vor.u32 $0x8, v27;
	v59 =	vor.u32 $0x580, v3;
	v49 =	vmul.f32 v49, v50;
	v50 =	vld.idx.msk [tilespmem:v47+s16+$0x0], $0xffff  }
0x2df: {  	v47 =	vunpack.i.u.bf16.f32 v48;
	v48 =	vunpack.i.l.bf16.f32 v48;
	v51 =	vadd.f32 v51, v53;
	v53 =	vld.idx.msk [tilespmem:v55+s21+$0x0], $0xffff  }
0x2e0: {  	v60 =	vor.u32 $0x500, v3;
	v48 =	vmul.f32 v48, v52;
	v55 =	vor.u32 $0x9, v27;
	v52 =	vld.idx.msk [tilespmem:v24+s16+$0x0], $0xffff  }
0x2e1: {  	v24 =	vunpack.i.u.bf16.f32 v56;
	v49 =	vadd.f32 v49, v51;
	v51 =	vunpack.i.l.bf16.f32 v56;
	v45 =	vld.idx.msk [tilespmem:v45+s21+$0x0], $0xffff  }
0x2e2: {  	v51 =	vmul.f32 v51, v57;
	v56 =	vld.idx.msk [tilespmem:v25+s16+$0x0], $0xffff;
	v57 =	vor.u32 v60, v35;
	v60 =	vor.u32 $0xA, v27  }
0x2e3: {  	v25 =	vunpack.i.u.bf16.f32 v54;
	v48 =	vadd.f32 v48, v49;
	v49 =	vunpack.i.l.bf16.f32 v54;
	v54 =	vld.idx.msk [tilespmem:v58+s21+$0x0], $0xffff  }
0x2e4: {  	v58 =	vor.u32 v59, v35;
	v49 =	vmul.f32 v49, v50;
	v50 =	vld.idx.msk [tilespmem:v42+s16+$0x0], $0xffff  }
0x2e5: {  	v42 =	vunpack.i.u.bf16.f32 v53;
	v48 =	vadd.f32 v51, v48;
	v51 =	vunpack.i.l.bf16.f32 v53;
	v53 =	vld.idx.msk [tilespmem:v55+s21+$0x0], $0xffff  }
0x2e6: {  	v55 =	vor.u32 $0xC, v27;
	v51 =	vmul.f32 v51, v52;
	v52 =	vld.idx.msk [tilespmem:v40+s16+$0x0], $0xffff  }
0x2e7: {  	v40 =	vunpack.i.u.bf16.f32 v45;
	v45 =	vunpack.i.l.bf16.f32 v45;
	v48 =	vadd.f32 v49, v48;
	v49 =	vld.idx.msk [tilespmem:v60+s21+$0x0], $0xffff  }
0x2e8: {  	v45 =	vmul.f32 v45, v56;
	v56 =	vld.idx.msk [tilespmem:v57+s16+$0x0], $0xffff  }
0x2e9: {  	v48 =	vadd.f32 v51, v48;
	v51 =	vunpack.i.u.bf16.f32 v54;
	v54 =	vunpack.i.l.bf16.f32 v54;
	v44 =	vld.idx.msk [tilespmem:v44+s21+$0x0], $0xffff  }
0x2ea: {  	v57 =	vor.u32 $0xE, v27;
	v50 =	vmul.f32 v54, v50;
	v54 =	vld.idx.msk [tilespmem:v58+s16+$0x0], $0xffff  }
0x2eb: {  	v45 =	vadd.f32 v45, v48;
	v48 =	vunpack.i.u.bf16.f32 v53;
	v53 =	vunpack.i.l.bf16.f32 v53;
	v55 =	vld.idx.msk [tilespmem:v55+s21+$0x0], $0xffff  }
0x2ec: {  	v27 =	vor.u32 $0xF, v27;
	v52 =	vmul.f32 v53, v52;
	v39 =	vld.idx.msk [tilespmem:v39+s16+$0x0], $0xffff  }
0x2ed: {  	v45 =	vadd.f32 v50, v45;
	v50 =	vunpack.i.u.bf16.f32 v49;
	v49 =	vunpack.i.l.bf16.f32 v49;
	v30 =	vld.idx.msk [tilespmem:v30+s21+$0x0], $0xffff  }
0x2ee: {  	v49 =	vmul.f32 v49, v56;
	v33 =	vld.idx.msk [tilespmem:v33+s16+$0x0], $0xffff  }
0x2ef: {  	v45 =	vadd.f32 v52, v45;
	v52 =	vunpack.i.u.bf16.f32 v44;
	v44 =	vunpack.i.l.bf16.f32 v44;
	v53 =	vld.idx.msk [tilespmem:v57+s21+$0x0], $0xffff  }
0x2f0: {  	v44 =	vmul.f32 v44, v54;
	v36 =	vld.idx.msk [tilespmem:v36+s16+$0x0], $0xffff  }
0x2f1: {  	v54 =	vunpack.i.l.bf16.f32 v55;
	v45 =	vadd.f32 v49, v45;
	v49 =	vunpack.i.u.bf16.f32 v55;
	v27 =	vld.idx.msk [tilespmem:v27+s21+$0x0], $0xffff  }
0x2f2: {  	v39 =	vmul.f32 v54, v39;
	v54 =	vor.u32 $0xC80, v3;
	v55 =	vor.u32 $0xD00, v3;
	v32 =	vld.idx.msk [tilespmem:v32+s16+$0x0], $0xffff  }
0x2f3: {  	v56 =	vor.u32 $0xB80, v3;
	v44 =	vadd.f32 v44, v45;
	v45 =	vunpack.i.l.bf16.f32 v30;
	v38 =	vld.idx.msk [tilespmem:v38+s16+$0x0], $0xffff  }
0x2f4: {  	v33 =	vmul.f32 v45, v33;
	v34 =	vld.idx.msk [tilespmem:v34+s16+$0x0], $0xffff;
	v45 =	vor.u32 v56, v35;
	v56 =	vor.u32 $0xC00, v3  }
0x2f5: {  	v39 =	vadd.f32 v39, v44;
	v44 =	vunpack.i.u.bf16.f32 v53;
	v53 =	vunpack.i.l.bf16.f32 v53;
	v37 =	vld.idx.msk [tilespmem:v37+s16+$0x0], $0xffff  }
0x2f6: {  	v54 =	vor.u32 v54, v35;
	v36 =	vmul.f32 v53, v36;
	v26 =	vld.idx.msk [tilespmem:v26+s16+$0x0], $0xffff;
	v53 =	vor.u32 v56, v35  }
0x2f7: {  	v33 =	vadd.f32 v33, v39;
	v39 =	vunpack.i.u.bf16.f32 v27;
	v27 =	vunpack.i.l.bf16.f32 v27;
	v31 =	vld.idx.msk [tilespmem:v31+s16+$0x0], $0xffff  }
0x2f8: {  	v27 =	vmul.f32 v27, v32;
	v28 =	vld.idx.msk [tilespmem:v28+s16+$0x0], $0xffff;
	v32 =	vor.u32 v55, v35;
	v55 =	vor.u32 $0xD80, v3  }
0x2f9: {  	v33 =	vadd.f32 v36, v33;
	v29 =	vld.idx.msk [tilespmem:v29+s16+$0x0], $0xffff;
	v36 =	vor.u32 v55, v35;
	v55 =	vor.u32 $0xE00, v3  }
0x2fa: {  	v38 =	vmul.f32 v38, v43;
	v43 =	vld.idx.msk [tilespmem:v45+s16+$0x0], $0xffff;
	v45 =	vor.u32 v55, v35;
	v55 =	vor.u32 $0xE80, v3  }
0x2fb: {  	v27 =	vadd.f32 v27, v33;
	v33 =	vld.idx.msk [tilespmem:v53+s16+$0x0], $0xffff;
	v53 =	vor.u32 v55, v35;
	v55 =	vor.u32 $0xF00, v3  }
0x2fc: {  	v34 =	vmul.f32 v34, v41;
	v41 =	vld.idx.msk [tilespmem:v54+s16+$0x0], $0xffff;
	v54 =	vor.u32 v55, v35;
	v55 =	vor.u32 $0xF80, v3  }
0x2fd: {  	v27 =	vadd.f32 v38, v27;
	v32 =	vld.idx.msk [tilespmem:v32+s16+$0x0], $0xffff;
	v35 =	vor.u32 v55, v35  }
0x2fe: {  	v37 =	vmul.f32 v37, v46;
	v36 =	vld.idx.msk [tilespmem:v36+s16+$0x0], $0xffff  }
0x2ff: {  	v27 =	vadd.f32 v34, v27;
	v34 =	vld.idx.msk [tilespmem:v45+s16+$0x0], $0xffff  }
0x300: {  	v26 =	vmul.f32 v26, v47;
	v38 =	vld.idx.msk [tilespmem:v53+s16+$0x0], $0xffff  }
0x301: {  	v27 =	vadd.f32 v37, v27;
	v37 =	vld.idx.msk [tilespmem:v54+s16+$0x0], $0xffff  }
0x302: {  	v24 =	vmul.f32 v31, v24;
	v31 =	vld.idx.msk [tilespmem:v35+s16+$0x0], $0xffff  }
0x303: {  	v26 =	vadd.f32 v26, v27  }
0x304: {  	v25 =	vmul.f32 v28, v25  }
0x305: {  	v24 =	vadd.f32 v24, v26  }
0x306: {  	v26 =	vmul.f32 v29, v42  }
0x307: {  	v24 =	vadd.f32 v25, v24  }
0x308: {  	v25 =	vmul.f32 v43, v40  }
0x309: {  	v24 =	vadd.f32 v26, v24  }
0x30a: {  	v26 =	vmul.f32 v33, v51  }
0x30b: {  	v24 =	vadd.f32 v25, v24  }
0x30c: {  	v25 =	vmul.f32 v41, v48  }
0x30d: {  	v24 =	vadd.f32 v26, v24  }
0x30e: {  	v26 =	vmul.f32 v32, v50  }
0x30f: {  	v24 =	vadd.f32 v25, v24  }
0x310: {  	v25 =	vmul.f32 v36, v52  }
0x311: {  	v24 =	vadd.f32 v26, v24  }
0x312: {  	v26 =	vmul.f32 v34, v49  }
0x313: {  	v27 =	vunpack.i.u.bf16.f32 v30;
	v24 =	vadd.f32 v25, v24  }
0x314: {  	v25 =	vmul.f32 v38, v27  }
0x315: {  	v24 =	vadd.f32 v26, v24  }
0x316: {  	v26 =	vmul.f32 v37, v44  }
0x317: {  	v24 =	vadd.f32 v25, v24  }
0x318: {  	v25 =	vmul.f32 v31, v39  }
0x319: {  	v24 =	vadd.f32 v26, v24;
	_ =	sdelay $0x1  }
0x31a: {  	v24 =	vadd.f32 v25, v24;
	_ =	sdelay $0x1  }
0x31b: {  	[tilespmem:s22+$0x0] =	vst v24;
	s22 =	smov.u32 s11  }
0x31c: {  	v24 =	vld [tilespmem:s4+$0x0];
	_ =	sdelay $0x4  }
0x31d: {  	v25 =	vand.u32 $0xFFFFFF80, v24  }
0x31e: {  	v25 =	vadd.s32 s0, v25  }
0x31f: {  	(v2sf) =	vpush v25, $0x0;
	_ =	sdelay $0x1  }
0x320: {  	(v2sf) =	vpush v25, $0x1;
	_ =	sdelay $0x1  }
0x321: {  	(v2sf) =	vpush v25, $0x2;
	_ =	sdelay $0x1  }
0x322: {  	(v2sf) =	vpush v25, $0x3;
	_ =	sdelay $0x1  }
0x323: {  	(v2sf) =	vpush v25, $0x4;
	_ =	sdelay $0x1  }
0x324: {  	(v2sf) =	vpush v25, $0x5;
	_ =	sdelay $0x1  }
0x325: {  	(v2sf) =	vpush v25, $0x6;
	_ =	sdelay $0x1  }
0x326: {  	(v2sf) =	vpush v25, $0x7  }
0x327: {  	v26 =	vld [tilespmem:s7+$0x0];
	s17 =	spop (v2sf)  }
0x328: {  	[tilespmem:s16], [sflag:$0x1] =	stream.strided.gather [hbm4b:s17+s14], $0x1000, s23, s14, $0x38;
	(v2sf) =	vpush v25, $0x8;
	[tilespmem:$0x18C00] =	vst v63  }
0x329: {  	s17 =	spop (v2sf)  }
0x32a: {  	[tilespmem:s24], [sflag:$0x1] =	stream.strided.gather [hbm4b:s17+s14], $0x1000, s23, s14, $0x38;
	(v2sf) =	vpush v25, $0x9;
	[tilespmem:$0x18C00] =	vst v63  }
0x32b: {  	s17 =	spop (v2sf)  }
0x32c: {  	[tilespmem:s25], [sflag:$0x1] =	stream.strided.gather [hbm4b:s17+s14], $0x1000, s23, s14, $0x38;
	(v2sf) =	vpush v25, $0xA;
	[tilespmem:$0x18C00] =	vst v63  }
0x32d: {  	s17 =	spop (v2sf)  }
0x32e: {  	v27 =	vmov s2;
	[tilespmem:s26], [sflag:$0x1] =	stream.strided.gather [hbm4b:s17+s14], $0x1000, s23, s14, $0x38;
	(v2sf) =	vpush v25, $0xB;
	[tilespmem:$0x18C00] =	vst v63  }
0x32f: {  	v27 =	vshll.u32 v27, $0x7;
	s2 =	spop (v2sf)  }
0x330: {  	v27 =	vor.u32 v2, v27;
	[tilespmem:s28], [sflag:$0x1] =	stream.strided.gather [hbm4b:s2+s14], $0x1000, s23, s14, $0x38;
	(v2sf) =	vpush v25, $0xC;
	[tilespmem:$0x18C00] =	vst v63  }
0x331: {  	s2 =	spop (v2sf)  }
0x332: {  	[tilespmem:s29], [sflag:$0x1] =	stream.strided.gather [hbm4b:s2+s14], $0x1000, s23, s14, $0x38;
	(v2sf) =	vpush v25, $0xD;
	[tilespmem:$0x18C00] =	vst v63  }
0x333: {  	s2 =	spop (v2sf)  }
0x334: {  	[tilespmem:s30], [sflag:$0x1] =	stream.strided.gather [hbm4b:s2+s14], $0x1000, s23, s14, $0x38;
	(v2sf) =	vpush v25, $0xE;
	[tilespmem:$0x18C00] =	vst v63  }
0x335: {  	s2 =	spop (v2sf)  }
0x336: {  	[tilespmem:s31], [sflag:$0x1] =	stream.strided.gather [hbm4b:s2+s14], $0x1000, s23, s14, $0x38;
	(v2sf) =	vpush v25, $0xF;
	[tilespmem:$0x18C00] =	vst v63  }
0x337: {  	s2 =	spop (v2sf)  }
0x338: {  	[tilespmem:s1], [sflag:$0x1] =	stream.strided.gather [hbm4b:s2+s14], $0x1000, s23, s14, $0x38;
	[tilespmem:$0x18C00] =	vst v63  }
0x339: {  	s2 =	spop (v2sf)  }
0x33a: {  	[tilespmem:s3], [sflag:$0x1] =	stream.strided.gather [hbm4b:s2+s14], $0x1000, s23, s14, $0x38;
	[tilespmem:$0x18C00] =	vst v63  }
0x33b: {  	s2 =	spop (v2sf)  }
0x33c: {  	[tilespmem:s13], [sflag:$0x1] =	stream.strided.gather [hbm4b:s2+s14], $0x1000, s23, s14, $0x38;
	[tilespmem:$0x18C00] =	vst v63  }
0x33d: {  	s2 =	spop (v2sf)  }
0x33e: {  	[tilespmem:s15], [sflag:$0x1] =	stream.strided.gather [hbm4b:s2+s14], $0x1000, s23, s14, $0x38;
	[tilespmem:$0x18C00] =	vst v63  }
0x33f: {  	s2 =	spop (v2sf)  }
0x340: {  	[tilespmem:s20], [sflag:$0x1] =	stream.strided.gather [hbm4b:s2+s14], $0x1000, s23, s14, $0x38;
	[tilespmem:$0x18C00] =	vst v63  }
0x341: {  	s2 =	spop (v2sf)  }
0x342: {  	[tilespmem:s5], [sflag:$0x1] =	stream.strided.gather [hbm4b:s2+s14], $0x1000, s23, s14, $0x38;
	[tilespmem:$0x18C00] =	vst v63  }
0x343: {  	s2 =	spop (v2sf)  }
0x344: {  	[tilespmem:s6], [sflag:$0x1] =	stream.strided.gather [hbm4b:s2+s14], $0x1000, s23, s14, $0x38;
	[tilespmem:$0x18C00] =	vst v63  }
0x345: {  	s2 =	spop (v2sf)  }
0x346: {  	v25 =	vshll.u32 v26, $0x4;
	[tilespmem:s8], [sflag:$0x1] =	stream.strided.gather [hbm4b:s2+s14], $0x1000, s23, s14, $0x38;
	[tilespmem:$0x18C00] =	vst v63  }
0x347: {  	v25 =	vand.u32 $0x70, v25;
	_ =	swait.ge [sflag:s9], $0x1000  }
0x348: {  	v27 =	vor.u32 v27, v25;
	[sflag:s9] =	ssyncset.done $0x0  }
0x349: {  	v41 =	vor.u32 $0x1, v27;
	v30 =	vor.u32 $0xD, v27;
	[sflag:s9] =	ssyncadd.s32 $0xFFFFF000  }
0x34a: {  	v35 =	vand.u32 $0x7F, v24;
	_ =	swait.ge [sflag:s9], $0x1000  }
0x34b: {  	v43 =	vor.u32 v3, v35;
	v24 =	vor.u32 v4, v35;
	v33 =	vor.u32 v18, v35;
	[sflag:s9] =	ssyncset.done $0x0  }
0x34c: {  	v48 =	vor.u32 v6, v35;
	v40 =	vor.u32 v14, v35;
	v39 =	vor.u32 v11, v35;
	[sflag:s9] =	ssyncadd.s32 $0xFFFFF000  }
0x34d: {  	v42 =	vor.u32 v8, v35;
	v36 =	vor.u32 v12, v35;
	v49 =	vor.u32 $0x2, v27;
	_ =	swait.ge [sflag:s9], $0x1000  }
0x34e: {  	v50 =	vor.u32 v10, v35;
	v32 =	vor.u32 v9, v35;
	[sflag:s9] =	ssyncset.done $0x0  }
0x34f: {  	v26 =	vor.u32 v19, v35;
	v25 =	vor.u32 v5, v35;
	v52 =	vor.u32 $0x3, v27;
	[sflag:s9] =	ssyncadd.s32 $0xFFFFF000  }
0x350: {  	v55 =	vor.u32 v13, v35;
	v38 =	vor.u32 v16, v35;
	_ =	swait.ge [sflag:s9], $0x1000  }
0x351: {  	v34 =	vor.u32 v7, v35;
	v28 =	vor.u32 v20, v35;
	[sflag:s9] =	ssyncset.done $0x0  }
0x352: {  	v46 =	vor.u32 v15, v35;
	[sflag:s9] =	ssyncadd.s32 $0xFFFFF000  }
0x353: {  	v37 =	vor.u32 v21, v35;
	_ =	swait.ge [sflag:s9], $0x1000  }
0x354: {  	v47 =	vor.u32 v17, v35;
	[sflag:s9] =	ssyncset.done $0x0  }
0x355: {  	v31 =	vor.u32 v22, v35;
	[sflag:s9] =	ssyncadd.s32 $0xFFFFF000  }
0x356: {  	_ =	swait.ge [sflag:s9], $0x1000  }
0x357: {  	v29 =	vor.u32 v23, v35;
	v45 =	vor.u32 $0x7, v27;
	[sflag:s9] =	ssyncset.done $0x0  }
0x358: {  	[sflag:s9] =	ssyncadd.s32 $0xFFFFF000  }
0x359: {  	_ =	swait.ge [sflag:s9], $0x1000  }
0x35a: {  	[sflag:s9] =	ssyncset.done $0x0  }
0x35b: {  	[sflag:s9] =	ssyncadd.s32 $0xFFFFF000  }
0x35c: {  	_ =	swait.ge [sflag:s9], $0x1000  }
0x35d: {  	[sflag:s9] =	ssyncset.done $0x0  }
0x35e: {  	[sflag:s9] =	ssyncadd.s32 $0xFFFFF000  }
0x35f: {  	v44 =	vor.u32 $0xB, v27;
	_ =	swait.ge [sflag:s9], $0x1000  }
0x360: {  	[sflag:s9] =	ssyncset.done $0x0  }
0x361: {  	[sflag:s9] =	ssyncadd.s32 $0xFFFFF000  }
0x362: {  	_ =	swait.ge [sflag:s9], $0x1000  }
0x363: {  	[sflag:s9] =	ssyncset.done $0x0  }
0x364: {  	[sflag:s9] =	ssyncadd.s32 $0xFFFFF000  }
0x365: {  	_ =	swait.ge [sflag:s9], $0x1000  }
0x366: {  	[sflag:s9] =	ssyncset.done $0x0  }
0x367: {  	[sflag:s9] =	ssyncadd.s32 $0xFFFFF000  }
0x368: {  	_ =	swait.ge [sflag:s9], $0x1000  }
0x369: {  	[sflag:s9] =	ssyncset.done $0x0  }
0x36a: {  	[sflag:s9] =	ssyncadd.s32 $0xFFFFF000  }
0x36b: {  	_ =	swait.ge [sflag:s9], $0x1000  }
0x36c: {  	[sflag:s9] =	ssyncset.done $0x0  }
0x36d: {  	[sflag:s9] =	ssyncadd.s32 $0xFFFFF000  }
0x36e: {  	_ =	swait.ge [sflag:s9], $0x1000  }
0x36f: {  	[sflag:s9] =	ssyncset.done $0x0  }
0x370: {  	[sflag:s9] =	ssyncadd.s32 $0xFFFFF000  }
0x371: {  	_ =	swait.ge [sflag:s9], $0x1000  }
0x372: {  	[sflag:s9] =	ssyncset.done $0x0  }
0x373: {  	[sflag:s9] =	ssyncadd.s32 $0xFFFFF000  }
0x374: {  	_ =	swait.ge [sflag:s9], $0x1000  }
0x375: {  	[sflag:s9] =	ssyncset.done $0x0  }
0x376: {  	[sflag:s9] =	ssyncadd.s32 $0xFFFFF000  }
0x377: {  	v57 =	vld.idx.msk [tilespmem:v41+s21+$0x0], $0xffff  }
0x378: {  	v58 =	vld.idx.msk [tilespmem:v27+s21+$0x0], $0xffff  }
0x379: {  	v53 =	vld.idx.msk [tilespmem:v43+s16+$0x0], $0xffff  }
.Ltmp5:
0x37a: {  	v56 =	vor.u32 $0x4, v27;
	v51 =	vld.idx.msk [tilespmem:v48+s16+$0x0], $0xffff;
	(pc) =	sbr.rel @p0 .LBB2_8-.Ltmp5, $4  }
0x37b: {  	v49 =	vld.idx.msk [tilespmem:v49+s21+$0x0], $0xffff  }
0x37c: {  	v54 =	vor.u32 $0x5, v27;
	v50 =	vld.idx.msk [tilespmem:v50+s16+$0x0], $0xffff  }
0x37d: {  	v41 =	vunpack.i.u.bf16.f32 v57;
	v57 =	vunpack.i.l.bf16.f32 v57;
	v48 =	vld.idx.msk [tilespmem:v52+s21+$0x0], $0xffff  }
0x37e: {  	v43 =	vunpack.i.u.bf16.f32 v58;
	v58 =	vunpack.i.l.bf16.f32 v58;
	v52 =	vld.idx.msk [tilespmem:v55+s16+$0x0], $0xffff;
	v55 =	vor.u32 $0x6, v27  }
0x37f: {  	_ =	sdelay $0x1  }
0x380: {  	v53 =	vmul.f32 v58, v53;
	_ =	sdelay $0x1  }
0x381: {  	v56 =	vld.idx.msk [tilespmem:v56+s21+$0x0], $0xffff;
	v51 =	vmul.f32 v57, v51;
	v53 =	vadd.f32 $0.0e+00, v53  }
0x382: {  	v46 =	vld.idx.msk [tilespmem:v46+s16+$0x0], $0xffff;
	v62 =	vunpack.i.l.bf16.f32 v49  }
0x383: {  	v54 =	vld.idx.msk [tilespmem:v54+s21+$0x0], $0xffff;
	v50 =	vmul.f32 v62, v50;
	v51 =	vadd.f32 v51, v53  }
0x384: {  	v47 =	vld.idx.msk [tilespmem:v47+s16+$0x0], $0xffff;
	v63 =	vor.u32 $0x8, v27;
	v60 =	vunpack.i.l.bf16.f32 v48  }
0x385: {  	v55 =	vld.idx.msk [tilespmem:v55+s21+$0x0], $0xffff;
	v52 =	vmul.f32 v60, v52;
	v50 =	vadd.f32 v50, v51  }
0x386: {  	v57 =	vor.u32 $0x9, v27;
	v51 =	vld.idx.msk [tilespmem:v24+s16+$0x0], $0xffff;
	v24 =	vunpack.i.l.bf16.f32 v56  }
0x387: {  	v45 =	vld.idx.msk [tilespmem:v45+s21+$0x0], $0xffff;
	v46 =	vmul.f32 v24, v46;
	v50 =	vadd.f32 v52, v50  }
0x388: {  	v58 =	vor.u32 $0xA, v27;
	v24 =	vor.u32 $0x500, v3;
	v52 =	vld.idx.msk [tilespmem:v25+s16+$0x0], $0xffff;
	v25 =	vunpack.i.l.bf16.f32 v54  }
0x389: {  	v53 =	vld.idx.msk [tilespmem:v63+s21+$0x0], $0xffff;
	v59 =	vor.u32 v24, v35;
	v47 =	vmul.f32 v25, v47;
	v46 =	vadd.f32 v46, v50  }
0x38a: {  	v42 =	vld.idx.msk [tilespmem:v42+s16+$0x0], $0xffff;
	v25 =	vor.u32 $0x580, v3;
	v50 =	vunpack.i.l.bf16.f32 v55  }
0x38b: {  	v57 =	vld.idx.msk [tilespmem:v57+s21+$0x0], $0xffff;
	v60 =	vor.u32 v25, v35;
	v50 =	vmul.f32 v50, v51;
	v46 =	vadd.f32 v47, v46  }
0x38c: {  	v40 =	vld.idx.msk [tilespmem:v40+s16+$0x0], $0xffff;
	v61 =	vunpack.i.l.bf16.f32 v45;
	v47 =	vor.u32 $0xC, v27  }
0x38d: {  	v58 =	vld.idx.msk [tilespmem:v58+s21+$0x0], $0xffff;
	v51 =	vmul.f32 v61, v52;
	v46 =	vadd.f32 v50, v46  }
0x38e: {  	v62 =	vunpack.i.l.bf16.f32 v53;
	v50 =	vld.idx.msk [tilespmem:v59+s16+$0x0], $0xffff  }
0x38f: {  	v44 =	vld.idx.msk [tilespmem:v44+s21+$0x0], $0xffff;
	v42 =	vmul.f32 v62, v42;
	v46 =	vadd.f32 v51, v46  }
0x390: {  	v63 =	vor.u32 $0xE, v27;
	v51 =	vld.idx.msk [tilespmem:v60+s16+$0x0], $0xffff;
	v60 =	vunpack.i.l.bf16.f32 v57  }
0x391: {  	v47 =	vld.idx.msk [tilespmem:v47+s21+$0x0], $0xffff;
	v40 =	vmul.f32 v60, v40;
	v42 =	vadd.f32 v42, v46  }
0x392: {  	v39 =	vld.idx.msk [tilespmem:v39+s16+$0x0], $0xffff;
	v27 =	vor.u32 $0xF, v27;
	v61 =	vunpack.i.l.bf16.f32 v58  }
0x393: {  	v59 =	vld.idx.msk [tilespmem:v30+s21+$0x0], $0xffff;
	v30 =	vmul.f32 v61, v50;
	v40 =	vadd.f32 v40, v42  }
0x394: {  	v33 =	vld.idx.msk [tilespmem:v33+s16+$0x0], $0xffff;
	v62 =	vunpack.i.l.bf16.f32 v44  }
0x395: {  	v46 =	vld.idx.msk [tilespmem:v63+s21+$0x0], $0xffff;
	v42 =	vmul.f32 v62, v51;
	v30 =	vadd.f32 v30, v40  }
0x396: {  	v36 =	vld.idx.msk [tilespmem:v36+s16+$0x0], $0xffff;
	v63 =	vunpack.i.l.bf16.f32 v47  }
0x397: {  	v50 =	vld.idx.msk [tilespmem:v27+s21+$0x0], $0xffff;
	v27 =	vmul.f32 v63, v39;
	v30 =	vadd.f32 v42, v30  }
0x398: {  	v32 =	vld.idx.msk [tilespmem:v32+s16+$0x0], $0xffff;
	v52 =	vunpack.i.l.bf16.f32 v59  }
0x399: {  	v33 =	vmul.f32 v52, v33;
	v27 =	vadd.f32 v27, v30  }
0x39a: {  	v60 =	vunpack.i.l.bf16.f32 v46;
	v30 =	vld.idx.msk [tilespmem:v38+s16+$0x0], $0xffff  }
0x39b: {  	v36 =	vmul.f32 v60, v36;
	v27 =	vadd.f32 v33, v27  }
0x39c: {  	v61 =	vld.idx.msk [tilespmem:v34+s16+$0x0], $0xffff;
	v62 =	vunpack.i.l.bf16.f32 v50  }
0x39d: {  	v32 =	vmul.f32 v62, v32;
	v27 =	vadd.f32 v36, v27  }
0x39e: {  	v63 =	vld.idx.msk [tilespmem:v37+s16+$0x0], $0xffff  }
0x39f: {  	v30 =	vmul.f32 v30, v43;
	v27 =	vadd.f32 v32, v27  }
0x3a0: {  	v40 =	vld.idx.msk [tilespmem:v26+s16+$0x0], $0xffff  }
0x3a1: {  	v33 =	vmul.f32 v61, v41;
	v27 =	vadd.f32 v30, v27  }
0x3a2: {  	v31 =	vld.idx.msk [tilespmem:v31+s16+$0x0], $0xffff;
	v26 =	vor.u32 $0xB80, v3;
	v30 =	vunpack.i.u.bf16.f32 v49  }
0x3a3: {  	v42 =	vor.u32 v26, v35;
	v30 =	vmul.f32 v63, v30;
	v33 =	vadd.f32 v33, v27  }
0x3a4: {  	v43 =	vunpack.i.u.bf16.f32 v48;
	v48 =	vld.idx.msk [tilespmem:v28+s16+$0x0], $0xffff;
	v27 =	vor.u32 $0xC00, v3  }
0x3a5: {  	v32 =	vmul.f32 v40, v43;
	v49 =	vor.u32 v27, v35;
	v30 =	vadd.f32 v30, v33  }
0x3a6: {  	v52 =	vld.idx.msk [tilespmem:v29+s16+$0x0], $0xffff;
	v51 =	vunpack.i.u.bf16.f32 v56;
	v28 =	vor.u32 $0xC80, v3  }
0x3a7: {  	v31 =	vmul.f32 v31, v51;
	v56 =	vor.u32 v28, v35;
	v30 =	vadd.f32 v32, v30  }
0x3a8: {  	v29 =	vor.u32 $0xD00, v3;
	v60 =	vunpack.i.u.bf16.f32 v54;
	v61 =	vld.idx.msk [tilespmem:v42+s16+$0x0], $0xffff  }
0x3a9: {  	v62 =	vor.u32 v29, v35;
	v32 =	vmul.f32 v48, v60;
	v31 =	vadd.f32 v31, v30  }
0x3aa: {  	v63 =	vunpack.i.u.bf16.f32 v55;
	v30 =	vor.u32 $0xD80, v3;
	v38 =	vld.idx.msk [tilespmem:v49+s16+$0x0], $0xffff  }
0x3ab: {  	v34 =	vmul.f32 v52, v63;
	v48 =	vor.u32 v30, v35;
	v32 =	vadd.f32 v32, v31  }
0x3ac: {  	v39 =	vld.idx.msk [tilespmem:v56+s16+$0x0], $0xffff;
	v49 =	vunpack.i.u.bf16.f32 v45;
	v31 =	vor.u32 $0xE00, v3  }
0x3ad: {  	v33 =	vmul.f32 v61, v49;
	v51 =	vor.u32 v31, v35;
	v34 =	vadd.f32 v34, v32  }
0x3ae: {  	v36 =	vld.idx.msk [tilespmem:v62+s16+$0x0], $0xffff;
	v52 =	vunpack.i.u.bf16.f32 v53;
	v32 =	vor.u32 $0xE80, v3  }
0x3af: {  	v53 =	vor.u32 v32, v35;
	v37 =	vmul.f32 v38, v52;
	v34 =	vadd.f32 v33, v34  }
0x3b0: {  	v54 =	vunpack.i.u.bf16.f32 v57;
	v33 =	vor.u32 $0xF00, v3;
	v40 =	vld.idx.msk [tilespmem:v48+s16+$0x0], $0xffff  }
0x3b1: {  	v38 =	vmul.f32 v39, v54;
	v55 =	vor.u32 v33, v35;
	v37 =	vadd.f32 v37, v34  }
0x3b2: {  	v56 =	vunpack.i.u.bf16.f32 v58;
	v34 =	vor.u32 $0xF80, v3;
	v41 =	vld.idx.msk [tilespmem:v51+s16+$0x0], $0xffff  }
0x3b3: {  	v36 =	vmul.f32 v36, v56;
	v57 =	vor.u32 v34, v35;
	v37 =	vadd.f32 v38, v37  }
0x3b4: {  	v58 =	vunpack.i.u.bf16.f32 v44;
	v60 =	vld.idx.msk [tilespmem:v53+s16+$0x0], $0xffff  }
0x3b5: {  	v38 =	vmul.f32 v40, v58;
	v36 =	vadd.f32 v36, v37  }
0x3b6: {  	v61 =	vunpack.i.u.bf16.f32 v47;
	v62 =	vld.idx.msk [tilespmem:v55+s16+$0x0], $0xffff  }
0x3b7: {  	v37 =	vmul.f32 v41, v61;
	v36 =	vadd.f32 v38, v36  }
0x3b8: {  	v63 =	vunpack.i.u.bf16.f32 v59;
	v35 =	vld.idx.msk [tilespmem:v57+s16+$0x0], $0xffff  }
0x3b9: {  	v38 =	vmul.f32 v60, v63;
	v36 =	vadd.f32 v37, v36  }
0x3ba: {  	v41 =	vunpack.i.u.bf16.f32 v46  }
0x3bb: {  	v37 =	vmul.f32 v62, v41;
	v36 =	vadd.f32 v38, v36  }
0x3bc: {  	v42 =	vunpack.i.u.bf16.f32 v50  }
0x3bd: {  	v35 =	vmul.f32 v35, v42;
	v36 =	vadd.f32 v37, v36;
	_ =	sdelay $0x1  }
0x3be: {  	v35 =	vadd.f32 v35, v36  }
0x3bf: {  	s7 =	simm.s32 $0x100  }
0x3c0: {  	s2 =	rddreg [dreg:$0x7];
	s4 =	simm.s32 $0x500;
	s17 =	simm.s32 $0x3;
	[tilespmem:s22+$0x0] =	vst v35  }
0x3c1: {  	[tilespmem:s21], [sflag:$0x3] =	stream.indirect.gather [hbm4b:s2+s7], $0x80, s4, s7, $0xb8;
	[tilespmem:$0x18C00] =	vst v63  }
0x3c2: {  	_ =	swait.ge [sflag:s17], $0x8000  }
0x3c3: {  	[sflag:s17] =	ssyncset.done $0x0  }
0x3c4: {  	s4 =	simm.s32 $0x300;
	[sflag:s17] =	ssyncadd.s32 $0xFFFF8000  }
0x3c5: {  	v43 =	vld [tilespmem:s4+$0x0];
	_ =	sdelay $0x4  }
0x3c6: {  	v44 =	vand.u32 $0xFFFFFF80, v43  }
0x3c7: {  	v36 =	vadd.s32 s0, v44  }
0x3c8: {  	(v2sf) =	vpush v36, $0x0;
	_ =	sdelay $0x1  }
0x3c9: {  	(v2sf) =	vpush v36, $0x1;
	_ =	sdelay $0x1  }
0x3ca: {  	(v2sf) =	vpush v36, $0x2;
	_ =	sdelay $0x1  }
0x3cb: {  	(v2sf) =	vpush v36, $0x3;
	_ =	sdelay $0x1  }
0x3cc: {  	(v2sf) =	vpush v36, $0x4;
	_ =	sdelay $0x1  }
0x3cd: {  	(v2sf) =	vpush v36, $0x5;
	_ =	sdelay $0x1  }
0x3ce: {  	(v2sf) =	vpush v36, $0x6;
	_ =	sdelay $0x1  }
0x3cf: {  	(v2sf) =	vpush v36, $0x7  }
0x3d0: {  	s22 =	spop (v2sf)  }
0x3d1: {  	v45 =	vld [tilespmem:s7+$0x0];
	(v2sf) =	vpush v36, $0x8;
	[tilespmem:s16], [sflag:$0x1] =	stream.strided.gather [hbm4b:s22+s14], $0x1000, s23, s14, $0x38  }
0x3d2: {  	s10 =	spop (v2sf)  }
0x3d3: {  	(v2sf) =	vpush v36, $0x9;
	[tilespmem:s24], [sflag:$0x1] =	stream.strided.gather [hbm4b:s10+s14], $0x1000, s23, s14, $0x38;
	[tilespmem:$0x18C00] =	vst v63  }
0x3d4: {  	s11 =	spop (v2sf)  }
0x3d5: {  	(v2sf) =	vpush v36, $0xA;
	[tilespmem:s25], [sflag:$0x1] =	stream.strided.gather [hbm4b:s11+s14], $0x1000, s23, s14, $0x38;
	[tilespmem:$0x18C00] =	vst v63  }
0x3d6: {  	s17 =	spop (v2sf)  }
0x3d7: {  	(v2sf) =	vpush v36, $0xB;
	[tilespmem:s26], [sflag:$0x1] =	stream.strided.gather [hbm4b:s17+s14], $0x1000, s23, s14, $0x38;
	[tilespmem:$0x18C00] =	vst v63  }
0x3d8: {  	s22 =	spop (v2sf)  }
0x3d9: {  	(v2sf) =	vpush v36, $0xC;
	[tilespmem:s28], [sflag:$0x1] =	stream.strided.gather [hbm4b:s22+s14], $0x1000, s23, s14, $0x38;
	[tilespmem:$0x18C00] =	vst v63  }
0x3da: {  	s10 =	spop (v2sf)  }
0x3db: {  	(v2sf) =	vpush v36, $0xD;
	[tilespmem:s29], [sflag:$0x1] =	stream.strided.gather [hbm4b:s10+s14], $0x1000, s23, s14, $0x38;
	[tilespmem:$0x18C00] =	vst v63  }
0x3dc: {  	s11 =	spop (v2sf)  }
0x3dd: {  	(v2sf) =	vpush v36, $0xE;
	[tilespmem:s30], [sflag:$0x1] =	stream.strided.gather [hbm4b:s11+s14], $0x1000, s23, s14, $0x38;
	[tilespmem:$0x18C00] =	vst v63  }
0x3de: {  	s17 =	spop (v2sf)  }
0x3df: {  	(v2sf) =	vpush v36, $0xF;
	[tilespmem:s31], [sflag:$0x1] =	stream.strided.gather [hbm4b:s17+s14], $0x1000, s23, s14, $0x38;
	[tilespmem:$0x18C00] =	vst v63  }
0x3e0: {  	s22 =	spop (v2sf)  }
0x3e1: {  	[tilespmem:s1], [sflag:$0x1] =	stream.strided.gather [hbm4b:s22+s14], $0x1000, s23, s14, $0x38;
	[tilespmem:$0x18C00] =	vst v63  }
0x3e2: {  	s10 =	spop (v2sf)  }
0x3e3: {  	[tilespmem:s3], [sflag:$0x1] =	stream.strided.gather [hbm4b:s10+s14], $0x1000, s23, s14, $0x38;
	[tilespmem:$0x18C00] =	vst v63  }
0x3e4: {  	s11 =	spop (v2sf)  }
0x3e5: {  	[tilespmem:s13], [sflag:$0x1] =	stream.strided.gather [hbm4b:s11+s14], $0x1000, s23, s14, $0x38;
	[tilespmem:$0x18C00] =	vst v63  }
0x3e6: {  	s17 =	spop (v2sf)  }
0x3e7: {  	[tilespmem:s15], [sflag:$0x1] =	stream.strided.gather [hbm4b:s17+s14], $0x1000, s23, s14, $0x38;
	[tilespmem:$0x18C00] =	vst v63  }
0x3e8: {  	s22 =	spop (v2sf)  }
0x3e9: {  	[tilespmem:s20], [sflag:$0x1] =	stream.strided.gather [hbm4b:s22+s14], $0x1000, s23, s14, $0x38;
	[tilespmem:$0x18C00] =	vst v63  }
0x3ea: {  	s10 =	spop (v2sf)  }
0x3eb: {  	[tilespmem:s5], [sflag:$0x1] =	stream.strided.gather [hbm4b:s10+s14], $0x1000, s23, s14, $0x38;
	[tilespmem:$0x18C00] =	vst v63  }
0x3ec: {  	s11 =	spop (v2sf)  }
0x3ed: {  	[tilespmem:s6], [sflag:$0x1] =	stream.strided.gather [hbm4b:s11+s14], $0x1000, s23, s14, $0x38;
	[tilespmem:$0x18C00] =	vst v63  }
0x3ee: {  	s17 =	spop (v2sf)  }
0x3ef: {  	[tilespmem:s8], [sflag:$0x1] =	stream.strided.gather [hbm4b:s17+s14], $0x1000, s23, s14, $0x38;
	[tilespmem:$0x18C00] =	vst v63  }
0x3f0: {  	_ =	swait.ge [sflag:s9], $0x1000  }
0x3f1: {  	[sflag:s9] =	ssyncset.done $0x0  }
0x3f2: {  	[sflag:s9] =	ssyncadd.s32 $0xFFFFF000  }
0x3f3: {  	_ =	swait.ge [sflag:s9], $0x1000  }
0x3f4: {  	[sflag:s9] =	ssyncset.done $0x0  }
0x3f5: {  	[sflag:s9] =	ssyncadd.s32 $0xFFFFF000  }
0x3f6: {  	_ =	swait.ge [sflag:s9], $0x1000  }
0x3f7: {  	[sflag:s9] =	ssyncset.done $0x0  }
0x3f8: {  	[sflag:s9] =	ssyncadd.s32 $0xFFFFF000  }
0x3f9: {  	_ =	swait.ge [sflag:s9], $0x1000  }
0x3fa: {  	[sflag:s9] =	ssyncset.done $0x0  }
0x3fb: {  	[sflag:s9] =	ssyncadd.s32 $0xFFFFF000  }
0x3fc: {  	_ =	swait.ge [sflag:s9], $0x1000  }
0x3fd: {  	[sflag:s9] =	ssyncset.done $0x0  }
0x3fe: {  	[sflag:s9] =	ssyncadd.s32 $0xFFFFF000  }
0x3ff: {  	_ =	swait.ge [sflag:s9], $0x1000  }
0x400: {  	[sflag:s9] =	ssyncset.done $0x0  }
0x401: {  	[sflag:s9] =	ssyncadd.s32 $0xFFFFF000  }
0x402: {  	_ =	swait.ge [sflag:s9], $0x1000  }
0x403: {  	[sflag:s9] =	ssyncset.done $0x0  }
0x404: {  	[sflag:s9] =	ssyncadd.s32 $0xFFFFF000  }
0x405: {  	_ =	swait.ge [sflag:s9], $0x1000  }
0x406: {  	[sflag:s9] =	ssyncset.done $0x0  }
0x407: {  	[sflag:s9] =	ssyncadd.s32 $0xFFFFF000  }
0x408: {  	_ =	swait.ge [sflag:s9], $0x1000  }
0x409: {  	[sflag:s9] =	ssyncset.done $0x0  }
0x40a: {  	[sflag:s9] =	ssyncadd.s32 $0xFFFFF000  }
0x40b: {  	_ =	swait.ge [sflag:s9], $0x1000  }
0x40c: {  	[sflag:s9] =	ssyncset.done $0x0  }
0x40d: {  	[sflag:s9] =	ssyncadd.s32 $0xFFFFF000  }
0x40e: {  	_ =	swait.ge [sflag:s9], $0x1000  }
0x40f: {  	[sflag:s9] =	ssyncset.done $0x0  }
0x410: {  	[sflag:s9] =	ssyncadd.s32 $0xFFFFF000  }
0x411: {  	_ =	swait.ge [sflag:s9], $0x1000  }
0x412: {  	[sflag:s9] =	ssyncset.done $0x0  }
0x413: {  	[sflag:s9] =	ssyncadd.s32 $0xFFFFF000  }
0x414: {  	_ =	swait.ge [sflag:s9], $0x1000  }
0x415: {  	[sflag:s9] =	ssyncset.done $0x0  }
0x416: {  	[sflag:s9] =	ssyncadd.s32 $0xFFFFF000  }
0x417: {  	s22 =	simm.s32 $0x0;
	_ =	swait.ge [sflag:s9], $0x1000  }
0x418: {  	v46 =	vmov s22;
	[sflag:s9] =	ssyncset.done $0x0  }
0x419: {  	v37 =	vshll.u32 v45, $0x4;
	v36 =	vshll.u32 v46, $0x7;
	[sflag:s9] =	ssyncadd.s32 $0xFFFFF000  }
0x41a: {  	v37 =	vand.u32 $0x70, v37;
	v36 =	vor.u32 v2, v36;
	_ =	swait.ge [sflag:s9], $0x1000  }
0x41b: {  	v35 =	vand.u32 $0x7F, v43;
	v36 =	vor.u32 v36, v37;
	[sflag:s9] =	ssyncset.done $0x0  }
0x41c: {  	v47 =	vor.u32 v3, v35;
	[sflag:s9] =	ssyncadd.s32 $0xFFFFF000  }
0x41d: {  	v48 =	vor.u32 $0x1, v36;
	_ =	swait.ge [sflag:s9], $0x1000  }
0x41e: {  	v49 =	vor.u32 v6, v35;
	[sflag:s9] =	ssyncset.done $0x0  }
0x41f: {  	v50 =	vor.u32 $0x2, v36;
	[sflag:s9] =	ssyncadd.s32 $0xFFFFF000  }
0x420: {  	v51 =	vor.u32 v10, v35;
	v41 =	vld.idx.msk [tilespmem:v36+s21+$0x0], $0xffff  }
0x421: {  	v52 =	vor.u32 $0x3, v36;
	v37 =	vld.idx.msk [tilespmem:v47+s16+$0x0], $0xffff  }
0x422: {  	v53 =	vor.u32 v13, v35;
	v38 =	vld.idx.msk [tilespmem:v48+s21+$0x0], $0xffff  }
0x423: {  	v54 =	vor.u32 $0x4, v36;
	v39 =	vld.idx.msk [tilespmem:v49+s16+$0x0], $0xffff  }
0x424: {  	v55 =	vor.u32 v15, v35;
	v40 =	vld.idx.msk [tilespmem:v50+s21+$0x0], $0xffff  }
0x425: {  	v57 =	vor.u32 $0x5, v36;
	v42 =	vld.idx.msk [tilespmem:v51+s16+$0x0], $0xffff;
	v58 =	vunpack.i.l.bf16.f32 v41  }
0x426: {  	v59 =	vor.u32 v17, v35;
	v43 =	vld.idx.msk [tilespmem:v52+s21+$0x0], $0xffff;
	v37 =	vmul.f32 v58, v37  }
0x427: {  	v56 =	vor.u32 $0x6, v36;
	v44 =	vld.idx.msk [tilespmem:v53+s16+$0x0], $0xffff;
	v60 =	vunpack.i.l.bf16.f32 v38  }
0x428: {  	v61 =	vor.u32 v4, v35;
	v45 =	vld.idx.msk [tilespmem:v54+s21+$0x0], $0xffff;
	v39 =	vmul.f32 v60, v39;
	v37 =	vadd.f32 $0.0e+00, v37  }
0x429: {  	v46 =	vld.idx.msk [tilespmem:v55+s16+$0x0], $0xffff;
	v50 =	vor.u32 $0x7, v36;
	v62 =	vunpack.i.l.bf16.f32 v40  }
0x42a: {  	v63 =	vor.u32 v5, v35;
	v47 =	vld.idx.msk [tilespmem:v57+s21+$0x0], $0xffff;
	v57 =	vmul.f32 v62, v42;
	v37 =	vadd.f32 v39, v37  }
0x42b: {  	v42 =	vld.idx.msk [tilespmem:v59+s16+$0x0], $0xffff;
	v58 =	vor.u32 $0x8, v36;
	v59 =	vunpack.i.l.bf16.f32 v43  }
0x42c: {  	v48 =	vld.idx.msk [tilespmem:v56+s21+$0x0], $0xffff;
	v54 =	vor.u32 v8, v35;
	v60 =	vmul.f32 v59, v44;
	v37 =	vadd.f32 v57, v37  }
0x42d: {  	v51 =	vor.u32 $0x9, v36;
	v44 =	vld.idx.msk [tilespmem:v61+s16+$0x0], $0xffff;
	v61 =	vunpack.i.l.bf16.f32 v45  }
0x42e: {  	v55 =	vor.u32 v14, v35;
	v50 =	vld.idx.msk [tilespmem:v50+s21+$0x0], $0xffff;
	v62 =	vmul.f32 v61, v46;
	v37 =	vadd.f32 v60, v37  }
0x42f: {  	v52 =	vor.u32 $0xA, v36;
	v46 =	vld.idx.msk [tilespmem:v63+s16+$0x0], $0xffff;
	v63 =	vunpack.i.l.bf16.f32 v47  }
0x430: {  	v56 =	vor.u32 v24, v35;
	v49 =	vld.idx.msk [tilespmem:v58+s21+$0x0], $0xffff;
	v60 =	vmul.f32 v63, v42;
	v37 =	vadd.f32 v62, v37  }
0x431: {  	v53 =	vor.u32 $0xB, v36;
	v61 =	vunpack.i.l.bf16.f32 v48;
	v42 =	vld.idx.msk [tilespmem:v54+s16+$0x0], $0xffff  }
0x432: {  	v51 =	vld.idx.msk [tilespmem:v51+s21+$0x0], $0xffff;
	v57 =	vor.u32 v25, v35;
	v62 =	vmul.f32 v61, v44;
	v37 =	vadd.f32 v60, v37  }
0x433: {  	v63 =	vor.u32 $0xC, v36;
	v44 =	vld.idx.msk [tilespmem:v55+s16+$0x0], $0xffff;
	v60 =	vunpack.i.l.bf16.f32 v50  }
0x434: {  	v52 =	vld.idx.msk [tilespmem:v52+s21+$0x0], $0xffff;
	v58 =	vor.u32 v11, v35;
	v61 =	vmul.f32 v60, v46;
	v37 =	vadd.f32 v62, v37  }
0x435: {  	v55 =	vor.u32 $0xD, v36;
	v46 =	vld.idx.msk [tilespmem:v56+s16+$0x0], $0xffff;
	v62 =	vunpack.i.l.bf16.f32 v49  }
0x436: {  	v53 =	vld.idx.msk [tilespmem:v53+s21+$0x0], $0xffff;
	v59 =	vor.u32 v18, v35;
	v39 =	vmul.f32 v62, v42;
	v37 =	vadd.f32 v61, v37  }
0x437: {  	v56 =	vor.u32 $0xE, v36;
	v42 =	vld.idx.msk [tilespmem:v57+s16+$0x0], $0xffff;
	v57 =	vunpack.i.l.bf16.f32 v51  }
0x438: {  	v54 =	vld.idx.msk [tilespmem:v63+s21+$0x0], $0xffff;
	v60 =	vor.u32 v12, v35;
	v63 =	vmul.f32 v57, v44;
	v37 =	vadd.f32 v39, v37  }
0x439: {  	v36 =	vor.u32 $0xF, v36;
	v44 =	vld.idx.msk [tilespmem:v58+s16+$0x0], $0xffff;
	v61 =	vunpack.i.l.bf16.f32 v52  }
0x43a: {  	v55 =	vld.idx.msk [tilespmem:v55+s21+$0x0], $0xffff;
	v58 =	vor.u32 v9, v35;
	v62 =	vmul.f32 v61, v46;
	v37 =	vadd.f32 v63, v37  }
0x43b: {  	v46 =	vld.idx.msk [tilespmem:v59+s16+$0x0], $0xffff;
	v63 =	vunpack.i.l.bf16.f32 v53  }
0x43c: {  	v59 =	vor.u32 v16, v35;
	v56 =	vld.idx.msk [tilespmem:v56+s21+$0x0], $0xffff;
	v39 =	vmul.f32 v63, v42;
	v37 =	vadd.f32 v62, v37  }
0x43d: {  	v57 =	vunpack.i.l.bf16.f32 v54;
	v42 =	vld.idx.msk [tilespmem:v60+s16+$0x0], $0xffff  }
0x43e: {  	v36 =	vld.idx.msk [tilespmem:v36+s21+$0x0], $0xffff;
	v60 =	vor.u32 v7, v35;
	v61 =	vmul.f32 v57, v44;
	v37 =	vadd.f32 v39, v37  }
0x43f: {  	v44 =	vld.idx.msk [tilespmem:v58+s16+$0x0], $0xffff;
	v62 =	vunpack.i.l.bf16.f32 v55  }
0x440: {  	v58 =	vor.u32 v21, v35;
	v63 =	vmul.f32 v62, v46;
	v37 =	vadd.f32 v61, v37  }
0x441: {  	v46 =	vld.idx.msk [tilespmem:v59+s16+$0x0], $0xffff;
	v61 =	vunpack.i.l.bf16.f32 v56  }
0x442: {  	v59 =	vor.u32 v19, v35;
	v39 =	vmul.f32 v61, v42;
	v37 =	vadd.f32 v63, v37  }
0x443: {  	v57 =	vunpack.i.l.bf16.f32 v36;
	v42 =	vld.idx.msk [tilespmem:v60+s16+$0x0], $0xffff  }
0x444: {  	v62 =	vmul.f32 v57, v44;
	v60 =	vor.u32 v22, v35;
	v37 =	vadd.f32 v39, v37  }
0x445: {  	v41 =	vunpack.i.u.bf16.f32 v41;
	v63 =	vld.idx.msk [tilespmem:v58+s16+$0x0], $0xffff  }
0x446: {  	v57 =	vor.u32 v20, v35;
	v58 =	vmul.f32 v46, v41;
	v37 =	vadd.f32 v62, v37  }
0x447: {  	v38 =	vunpack.i.u.bf16.f32 v38;
	v61 =	vld.idx.msk [tilespmem:v59+s16+$0x0], $0xffff  }
0x448: {  	v46 =	vor.u32 v23, v35;
	v38 =	vmul.f32 v42, v38;
	v37 =	vadd.f32 v58, v37  }
0x449: {  	v62 =	vunpack.i.u.bf16.f32 v40;
	v40 =	vld.idx.msk [tilespmem:v60+s16+$0x0], $0xffff  }
0x44a: {  	v42 =	vor.u32 v26, v35;
	v63 =	vmul.f32 v63, v62;
	v37 =	vadd.f32 v38, v37  }
0x44b: {  	v59 =	vld.idx.msk [tilespmem:v57+s16+$0x0], $0xffff;
	v58 =	vunpack.i.u.bf16.f32 v43  }
0x44c: {  	v60 =	vor.u32 v27, v35;
	v61 =	vmul.f32 v61, v58;
	v37 =	vadd.f32 v63, v37  }
0x44d: {  	v62 =	vunpack.i.u.bf16.f32 v45;
	v63 =	vld.idx.msk [tilespmem:v46+s16+$0x0], $0xffff  }
0x44e: {  	v45 =	vor.u32 v28, v35;
	v46 =	vmul.f32 v40, v62;
	v37 =	vadd.f32 v61, v37  }
0x44f: {  	v47 =	vunpack.i.u.bf16.f32 v47;
	v57 =	vld.idx.msk [tilespmem:v42+s16+$0x0], $0xffff  }
0x450: {  	v58 =	vor.u32 v29, v35;
	v59 =	vmul.f32 v59, v47;
	v37 =	vadd.f32 v46, v37  }
0x451: {  	v60 =	vld.idx.msk [tilespmem:v60+s16+$0x0], $0xffff;
	v61 =	vunpack.i.u.bf16.f32 v48  }
0x452: {  	v62 =	vor.u32 v30, v35;
	v63 =	vmul.f32 v63, v61;
	v37 =	vadd.f32 v59, v37  }
0x453: {  	v41 =	vld.idx.msk [tilespmem:v45+s16+$0x0], $0xffff;
	v48 =	vunpack.i.u.bf16.f32 v50  }
0x454: {  	v45 =	vor.u32 v31, v35;
	v50 =	vmul.f32 v57, v48;
	v37 =	vadd.f32 v63, v37  }
0x455: {  	v57 =	vld.idx.msk [tilespmem:v58+s16+$0x0], $0xffff;
	v58 =	vunpack.i.u.bf16.f32 v49  }
0x456: {  	v60 =	vmul.f32 v60, v58;
	v59 =	vor.u32 v32, v35;
	v37 =	vadd.f32 v50, v37  }
0x457: {  	v61 =	vld.idx.msk [tilespmem:v62+s16+$0x0], $0xffff;
	v62 =	vunpack.i.u.bf16.f32 v51  }
0x458: {  	v47 =	vmul.f32 v41, v62;
	v63 =	vor.u32 v33, v35;
	v37 =	vadd.f32 v60, v37  }
0x459: {  	v48 =	vunpack.i.u.bf16.f32 v52;
	v49 =	vld.idx.msk [tilespmem:v45+s16+$0x0], $0xffff  }
0x45a: {  	v35 =	vor.u32 v34, v35;
	v50 =	vmul.f32 v57, v48;
	v37 =	vadd.f32 v47, v37  }
0x45b: {  	v51 =	vunpack.i.u.bf16.f32 v53;
	v52 =	vld.idx.msk [tilespmem:v59+s16+$0x0], $0xffff  }
0x45c: {  	v53 =	vmul.f32 v61, v51;
	v37 =	vadd.f32 v50, v37  }
0x45d: {  	v58 =	vunpack.i.u.bf16.f32 v54;
	v57 =	vld.idx.msk [tilespmem:v63+s16+$0x0], $0xffff  }
0x45e: {  	v59 =	vmul.f32 v49, v58;
	v37 =	vadd.f32 v53, v37  }
0x45f: {  	v60 =	vunpack.i.u.bf16.f32 v55;
	v35 =	vld.idx.msk [tilespmem:v35+s16+$0x0], $0xffff  }
0x460: {  	v61 =	vmul.f32 v52, v60;
	v37 =	vadd.f32 v59, v37  }
0x461: {  	v62 =	vunpack.i.u.bf16.f32 v56  }
0x462: {  	v63 =	vmul.f32 v57, v62;
	v37 =	vadd.f32 v61, v37  }
0x463: {  	v36 =	vunpack.i.u.bf16.f32 v36  }
0x464: {  	v35 =	vmul.f32 v35, v36;
	v37 =	vadd.f32 v63, v37;
	_ =	sdelay $0x1  }
0x465: {  	s10 =	simm.s32 $0x18B00;
	s11 =	simm.s32 $0x10;
	v35 =	vadd.f32 v35, v37  }
.LBB2_10:
0x466: {  	_ = 	snop  }
0x467: {  	s4 =	sadd.s32 $0x10, s4;
	s7 =	sadd.s32 $0x10, s7;
	[tilespmem:s10+$0x0] =	vst v35;
	s10 =	sadd.s32 $0x10, s10  }
0x468: {  	p0 =	sne.s32 s11, $0xF0;
	s2 =	smov.u32 s11;
	s11 =	sadd.s32 $0x10, s11;
	v35 =	vld [tilespmem:s4+$0x0]  }
0x469: {  	_ =	sdelay $0x3  }
0x46a: {  	v36 =	vand.u32 $0xFFFFFF80, v35;
	v35 =	vand.u32 $0x7F, v35  }
0x46b: {  	v37 =	vadd.s32 s0, v36  }
0x46c: {  	(v2sf) =	vpush v37, $0x0;
	_ =	sdelay $0x1  }
0x46d: {  	(v2sf) =	vpush v37, $0x1;
	_ =	sdelay $0x1  }
0x46e: {  	(v2sf) =	vpush v37, $0x2;
	_ =	sdelay $0x1  }
0x46f: {  	(v2sf) =	vpush v37, $0x3;
	_ =	sdelay $0x1  }
0x470: {  	(v2sf) =	vpush v37, $0x4;
	_ =	sdelay $0x1  }
0x471: {  	(v2sf) =	vpush v37, $0x5;
	_ =	sdelay $0x1  }
0x472: {  	(v2sf) =	vpush v37, $0x6;
	_ =	sdelay $0x1  }
0x473: {  	(v2sf) =	vpush v37, $0x7  }
0x474: {  	v36 =	vld [tilespmem:s7+$0x0];
	s17 =	spop (v2sf)  }
0x475: {  	[tilespmem:s16], [sflag:$0x1] =	stream.strided.gather [hbm4b:s17+s14], $0x1000, s23, s14, $0x38;
	(v2sf) =	vpush v37, $0x8;
	[tilespmem:$0x18C00] =	vst v63  }
0x476: {  	s17 =	spop (v2sf)  }
0x477: {  	[tilespmem:s24], [sflag:$0x1] =	stream.strided.gather [hbm4b:s17+s14], $0x1000, s23, s14, $0x38;
	(v2sf) =	vpush v37, $0x9;
	[tilespmem:$0x18C00] =	vst v63  }
0x478: {  	s17 =	spop (v2sf)  }
0x479: {  	[tilespmem:s25], [sflag:$0x1] =	stream.strided.gather [hbm4b:s17+s14], $0x1000, s23, s14, $0x38;
	v36 =	vshll.u32 v36, $0x4;
	(v2sf) =	vpush v37, $0xA;
	[tilespmem:$0x18C00] =	vst v63  }
0x47a: {  	v36 =	vand.u32 $0x70, v36;
	s17 =	spop (v2sf)  }
0x47b: {  	[tilespmem:s26], [sflag:$0x1] =	stream.strided.gather [hbm4b:s17+s14], $0x1000, s23, s14, $0x38;
	(v2sf) =	vpush v37, $0xB;
	[tilespmem:$0x18C00] =	vst v63  }
0x47c: {  	s17 =	spop (v2sf)  }
0x47d: {  	[tilespmem:s28], [sflag:$0x1] =	stream.strided.gather [hbm4b:s17+s14], $0x1000, s23, s14, $0x38;
	(v2sf) =	vpush v37, $0xC;
	[tilespmem:$0x18C00] =	vst v63  }
0x47e: {  	s17 =	spop (v2sf)  }
0x47f: {  	[tilespmem:s29], [sflag:$0x1] =	stream.strided.gather [hbm4b:s17+s14], $0x1000, s23, s14, $0x38;
	(v2sf) =	vpush v37, $0xD;
	[tilespmem:$0x18C00] =	vst v63  }
0x480: {  	s17 =	spop (v2sf)  }
0x481: {  	[tilespmem:s30], [sflag:$0x1] =	stream.strided.gather [hbm4b:s17+s14], $0x1000, s23, s14, $0x38;
	(v2sf) =	vpush v37, $0xE;
	[tilespmem:$0x18C00] =	vst v63  }
0x482: {  	s17 =	spop (v2sf)  }
0x483: {  	[tilespmem:s31], [sflag:$0x1] =	stream.strided.gather [hbm4b:s17+s14], $0x1000, s23, s14, $0x38;
	(v2sf) =	vpush v37, $0xF;
	[tilespmem:$0x18C00] =	vst v63  }
0x484: {  	s17 =	spop (v2sf)  }
0x485: {  	[tilespmem:s1], [sflag:$0x1] =	stream.strided.gather [hbm4b:s17+s14], $0x1000, s23, s14, $0x38;
	[tilespmem:$0x18C00] =	vst v63  }
0x486: {  	s17 =	spop (v2sf)  }
0x487: {  	[tilespmem:s3], [sflag:$0x1] =	stream.strided.gather [hbm4b:s17+s14], $0x1000, s23, s14, $0x38;
	[tilespmem:$0x18C00] =	vst v63  }
0x488: {  	s17 =	spop (v2sf)  }
0x489: {  	[tilespmem:s13], [sflag:$0x1] =	stream.strided.gather [hbm4b:s17+s14], $0x1000, s23, s14, $0x38;
	[tilespmem:$0x18C00] =	vst v63  }
0x48a: {  	s17 =	spop (v2sf)  }
0x48b: {  	[tilespmem:s15], [sflag:$0x1] =	stream.strided.gather [hbm4b:s17+s14], $0x1000, s23, s14, $0x38;
	[tilespmem:$0x18C00] =	vst v63  }
0x48c: {  	s17 =	spop (v2sf)  }
0x48d: {  	[tilespmem:s20], [sflag:$0x1] =	stream.strided.gather [hbm4b:s17+s14], $0x1000, s23, s14, $0x38;
	[tilespmem:$0x18C00] =	vst v63  }
0x48e: {  	s17 =	spop (v2sf)  }
0x48f: {  	[tilespmem:s5], [sflag:$0x1] =	stream.strided.gather [hbm4b:s17+s14], $0x1000, s23, s14, $0x38;
	[tilespmem:$0x18C00] =	vst v63  }
0x490: {  	s17 =	spop (v2sf)  }
0x491: {  	[tilespmem:s6], [sflag:$0x1] =	stream.strided.gather [hbm4b:s17+s14], $0x1000, s23, s14, $0x38;
	[tilespmem:$0x18C00] =	vst v63  }
0x492: {  	s17 =	spop (v2sf)  }
0x493: {  	[tilespmem:s8], [sflag:$0x1] =	stream.strided.gather [hbm4b:s17+s14], $0x1000, s23, s14, $0x38;
	[tilespmem:$0x18C00] =	vst v63  }
0x494: {  	_ =	swait.ge [sflag:s9], $0x1000  }
0x495: {  	[sflag:s9] =	ssyncset.done $0x0  }
0x496: {  	[sflag:s9] =	ssyncadd.s32 $0xFFFFF000  }
0x497: {  	_ =	swait.ge [sflag:s9], $0x1000  }
0x498: {  	[sflag:s9] =	ssyncset.done $0x0  }
0x499: {  	[sflag:s9] =	ssyncadd.s32 $0xFFFFF000  }
0x49a: {  	_ =	swait.ge [sflag:s9], $0x1000  }
0x49b: {  	[sflag:s9] =	ssyncset.done $0x0  }
0x49c: {  	[sflag:s9] =	ssyncadd.s32 $0xFFFFF000  }
0x49d: {  	_ =	swait.ge [sflag:s9], $0x1000  }
0x49e: {  	[sflag:s9] =	ssyncset.done $0x0  }
0x49f: {  	[sflag:s9] =	ssyncadd.s32 $0xFFFFF000  }
0x4a0: {  	_ =	swait.ge [sflag:s9], $0x1000  }
0x4a1: {  	[sflag:s9] =	ssyncset.done $0x0  }
0x4a2: {  	[sflag:s9] =	ssyncadd.s32 $0xFFFFF000  }
0x4a3: {  	_ =	swait.ge [sflag:s9], $0x1000  }
0x4a4: {  	[sflag:s9] =	ssyncset.done $0x0  }
0x4a5: {  	[sflag:s9] =	ssyncadd.s32 $0xFFFFF000  }
0x4a6: {  	_ =	swait.ge [sflag:s9], $0x1000  }
0x4a7: {  	[sflag:s9] =	ssyncset.done $0x0  }
0x4a8: {  	[sflag:s9] =	ssyncadd.s32 $0xFFFFF000  }
0x4a9: {  	_ =	swait.ge [sflag:s9], $0x1000  }
0x4aa: {  	[sflag:s9] =	ssyncset.done $0x0  }
0x4ab: {  	[sflag:s9] =	ssyncadd.s32 $0xFFFFF000  }
0x4ac: {  	_ =	swait.ge [sflag:s9], $0x1000  }
0x4ad: {  	[sflag:s9] =	ssyncset.done $0x0  }
0x4ae: {  	[sflag:s9] =	ssyncadd.s32 $0xFFFFF000  }
0x4af: {  	_ =	swait.ge [sflag:s9], $0x1000  }
0x4b0: {  	[sflag:s9] =	ssyncset.done $0x0  }
0x4b1: {  	[sflag:s9] =	ssyncadd.s32 $0xFFFFF000  }
0x4b2: {  	_ =	swait.ge [sflag:s9], $0x1000  }
0x4b3: {  	[sflag:s9] =	ssyncset.done $0x0  }
0x4b4: {  	[sflag:s9] =	ssyncadd.s32 $0xFFFFF000  }
0x4b5: {  	_ =	swait.ge [sflag:s9], $0x1000  }
0x4b6: {  	[sflag:s9] =	ssyncset.done $0x0  }
0x4b7: {  	[sflag:s9] =	ssyncadd.s32 $0xFFFFF000  }
0x4b8: {  	_ =	swait.ge [sflag:s9], $0x1000  }
0x4b9: {  	[sflag:s9] =	ssyncset.done $0x0  }
0x4ba: {  	[sflag:s9] =	ssyncadd.s32 $0xFFFFF000  }
0x4bb: {  	_ =	swait.ge [sflag:s9], $0x1000  }
0x4bc: {  	v37 =	vmov s2;
	[sflag:s9] =	ssyncset.done $0x0  }
0x4bd: {  	v37 =	vshll.u32 v37, $0x7;
	[sflag:s9] =	ssyncadd.s32 $0xFFFFF000  }
0x4be: {  	v37 =	vor.u32 v2, v37;
	_ =	swait.ge [sflag:s9], $0x1000  }
0x4bf: {  	v47 =	vor.u32 v37, v36;
	[sflag:s9] =	ssyncset.done $0x0  }
0x4c0: {  	v36 =	vor.u32 v3, v35;
	[sflag:s9] =	ssyncadd.s32 $0xFFFFF000  }
0x4c1: {  	v37 =	vor.u32 $0x1, v47;
	_ =	swait.ge [sflag:s9], $0x1000  }
0x4c2: {  	v38 =	vor.u32 v6, v35;
	[sflag:s9] =	ssyncset.done $0x0  }
0x4c3: {  	v39 =	vor.u32 $0x2, v47;
	[sflag:s9] =	ssyncadd.s32 $0xFFFFF000  }
0x4c4: {  	v41 =	vor.u32 v10, v35;
	v40 =	vld.idx.msk [tilespmem:v47+s21+$0x0], $0xffff  }
0x4c5: {  	v42 =	vor.u32 $0x3, v47;
	v36 =	vld.idx.msk [tilespmem:v36+s16+$0x0], $0xffff  }
0x4c6: {  	v44 =	vor.u32 v13, v35;
	v43 =	vld.idx.msk [tilespmem:v37+s21+$0x0], $0xffff  }
0x4c7: {  	v46 =	vor.u32 $0x4, v47;
	v45 =	vld.idx.msk [tilespmem:v38+s16+$0x0], $0xffff  }
0x4c8: {  	v48 =	vor.u32 v15, v35;
	v39 =	vld.idx.msk [tilespmem:v39+s21+$0x0], $0xffff  }
0x4c9: {  	v49 =	vor.u32 $0x5, v47;
	v41 =	vld.idx.msk [tilespmem:v41+s16+$0x0], $0xffff  }
0x4ca: {  	v37 =	vunpack.i.u.bf16.f32 v40;
	v38 =	vunpack.i.l.bf16.f32 v40;
	v50 =	vld.idx.msk [tilespmem:v42+s21+$0x0], $0xffff;
	v42 =	vor.u32 v17, v35  }
0x4cb: {  	v51 =	vor.u32 $0x6, v47;
	v36 =	vmul.f32 v38, v36;
	v44 =	vld.idx.msk [tilespmem:v44+s16+$0x0], $0xffff  }
0x4cc: {  	v38 =	vunpack.i.u.bf16.f32 v43;
	v40 =	vunpack.i.l.bf16.f32 v43;
	v43 =	vld.idx.msk [tilespmem:v46+s21+$0x0], $0xffff;
	v46 =	vor.u32 v4, v35  }
0x4cd: {  	v52 =	vor.u32 $0x7, v47;
	v36 =	vadd.f32 $0.0e+00, v36;
	v45 =	vmul.f32 v40, v45;
	v48 =	vld.idx.msk [tilespmem:v48+s16+$0x0], $0xffff  }
0x4ce: {  	v53 =	vor.u32 v5, v35;
	v40 =	vunpack.i.u.bf16.f32 v39;
	v39 =	vunpack.i.l.bf16.f32 v39;
	v49 =	vld.idx.msk [tilespmem:v49+s21+$0x0], $0xffff  }
0x4cf: {  	v45 =	vadd.f32 v45, v36;
	v39 =	vmul.f32 v39, v41;
	v41 =	vor.u32 $0x8, v47;
	v54 =	vld.idx.msk [tilespmem:v42+s16+$0x0], $0xffff  }
0x4d0: {  	v42 =	vunpack.i.u.bf16.f32 v50;
	v50 =	vunpack.i.l.bf16.f32 v50;
	v36 =	vld.idx.msk [tilespmem:v51+s21+$0x0], $0xffff;
	v51 =	vor.u32 v8, v35  }
0x4d1: {  	v55 =	vor.u32 $0x9, v47;
	v45 =	vadd.f32 v39, v45;
	v50 =	vmul.f32 v50, v44;
	v46 =	vld.idx.msk [tilespmem:v46+s16+$0x0], $0xffff  }
0x4d2: {  	v44 =	vunpack.i.u.bf16.f32 v43;
	v43 =	vunpack.i.l.bf16.f32 v43;
	v39 =	vld.idx.msk [tilespmem:v52+s21+$0x0], $0xffff;
	v52 =	vor.u32 v14, v35  }
0x4d3: {  	v50 =	vadd.f32 v50, v45;
	v43 =	vmul.f32 v43, v48;
	v48 =	vld.idx.msk [tilespmem:v53+s16+$0x0], $0xffff;
	v53 =	vor.u32 $0xA, v47  }
0x4d4: {  	v56 =	vor.u32 v24, v35;
	v45 =	vunpack.i.u.bf16.f32 v49;
	v49 =	vunpack.i.l.bf16.f32 v49;
	v41 =	vld.idx.msk [tilespmem:v41+s21+$0x0], $0xffff  }
0x4d5: {  	v50 =	vadd.f32 v43, v50;
	v49 =	vmul.f32 v49, v54;
	v54 =	vor.u32 $0xB, v47;
	v51 =	vld.idx.msk [tilespmem:v51+s16+$0x0], $0xffff  }
0x4d6: {  	v57 =	vunpack.i.l.bf16.f32 v36;
	v43 =	vld.idx.msk [tilespmem:v55+s21+$0x0], $0xffff;
	v55 =	vor.u32 v25, v35  }
0x4d7: {  	v49 =	vadd.f32 v49, v50;
	v46 =	vmul.f32 v57, v46;
	v50 =	vld.idx.msk [tilespmem:v52+s16+$0x0], $0xffff;
	v52 =	vor.u32 $0xC, v47  }
0x4d8: {  	v58 =	vor.u32 v11, v35;
	v57 =	vunpack.i.l.bf16.f32 v39;
	v53 =	vld.idx.msk [tilespmem:v53+s21+$0x0], $0xffff  }
0x4d9: {  	v46 =	vadd.f32 v46, v49;
	v48 =	vmul.f32 v57, v48;
	v49 =	vld.idx.msk [tilespmem:v56+s16+$0x0], $0xffff;
	v56 =	vor.u32 $0xD, v47  }
0x4da: {  	v59 =	vor.u32 v18, v35;
	v57 =	vunpack.i.l.bf16.f32 v41;
	v54 =	vld.idx.msk [tilespmem:v54+s21+$0x0], $0xffff  }
0x4db: {  	v48 =	vadd.f32 v48, v46;
	v51 =	vmul.f32 v57, v51;
	v57 =	vor.u32 $0xE, v47;
	v55 =	vld.idx.msk [tilespmem:v55+s16+$0x0], $0xffff  }
0x4dc: {  	v60 =	vunpack.i.l.bf16.f32 v43;
	v46 =	vld.idx.msk [tilespmem:v52+s21+$0x0], $0xffff;
	v52 =	vor.u32 v12, v35  }
0x4dd: {  	v47 =	vor.u32 $0xF, v47;
	v48 =	vadd.f32 v51, v48;
	v50 =	vmul.f32 v60, v50;
	v51 =	vld.idx.msk [tilespmem:v58+s16+$0x0], $0xffff  }
0x4de: {  	v60 =	vor.u32 v9, v35;
	v58 =	vunpack.i.u.bf16.f32 v53;
	v53 =	vunpack.i.l.bf16.f32 v53;
	v56 =	vld.idx.msk [tilespmem:v56+s21+$0x0], $0xffff  }
0x4df: {  	v48 =	vadd.f32 v50, v48;
	v49 =	vmul.f32 v53, v49;
	v53 =	vor.u32 v16, v35;
	v50 =	vld.idx.msk [tilespmem:v59+s16+$0x0], $0xffff  }
0x4e0: {  	v61 =	vor.u32 v7, v35;
	v59 =	vunpack.i.u.bf16.f32 v54;
	v54 =	vunpack.i.l.bf16.f32 v54;
	v57 =	vld.idx.msk [tilespmem:v57+s21+$0x0], $0xffff  }
0x4e1: {  	v48 =	vadd.f32 v49, v48;
	v49 =	vmul.f32 v54, v55;
	v54 =	vor.u32 v21, v35;
	v52 =	vld.idx.msk [tilespmem:v52+s16+$0x0], $0xffff  }
0x4e2: {  	v62 =	vor.u32 v19, v35;
	v55 =	vunpack.i.l.bf16.f32 v46;
	v47 =	vld.idx.msk [tilespmem:v47+s21+$0x0], $0xffff  }
0x4e3: {  	v48 =	vadd.f32 v49, v48;
	v49 =	vmul.f32 v55, v51;
	v55 =	vor.u32 v22, v35;
	v51 =	vld.idx.msk [tilespmem:v60+s16+$0x0], $0xffff  }
0x4e4: {  	v63 =	vor.u32 v20, v35;
	v60 =	vunpack.i.u.bf16.f32 v56;
	v56 =	vunpack.i.l.bf16.f32 v56;
	v53 =	vld.idx.msk [tilespmem:v53+s16+$0x0], $0xffff  }
0x4e5: {  	v48 =	vadd.f32 v49, v48;
	v49 =	vmul.f32 v56, v50;
	v56 =	vor.u32 v23, v35;
	v50 =	vld.idx.msk [tilespmem:v61+s16+$0x0], $0xffff  }
0x4e6: {  	v0 =	vor.u32 v26, v35;
	v61 =	vunpack.i.u.bf16.f32 v57;
	v57 =	vunpack.i.l.bf16.f32 v57;
	v54 =	vld.idx.msk [tilespmem:v54+s16+$0x0], $0xffff  }
0x4e7: {  	v48 =	vadd.f32 v49, v48;
	v49 =	vmul.f32 v57, v52;
	v57 =	vor.u32 v27, v35;
	v52 =	vld.idx.msk [tilespmem:v62+s16+$0x0], $0xffff  }
0x4e8: {  	v1 =	vor.u32 v28, v35;
	v62 =	vunpack.i.u.bf16.f32 v47;
	v47 =	vunpack.i.l.bf16.f32 v47;
	v55 =	vld.idx.msk [tilespmem:v55+s16+$0x0], $0xffff  }
0x4e9: {  	v48 =	vadd.f32 v49, v48;
	v47 =	vmul.f32 v47, v51;
	v51 =	vor.u32 v29, v35;
	v49 =	vld.idx.msk [tilespmem:v63+s16+$0x0], $0xffff  }
0x4ea: {  	v63 =	vor.u32 v30, v35;
	v56 =	vld.idx.msk [tilespmem:v56+s16+$0x0], $0xffff  }
0x4eb: {  	v37 =	vmul.f32 v53, v37;
	v47 =	vadd.f32 v47, v48;
	v48 =	vor.u32 v31, v35;
	v0 =	vld.idx.msk [tilespmem:v0+s16+$0x0], $0xffff  }
0x4ec: {  	v53 =	vld.idx.msk [tilespmem:v57+s16+$0x0], $0xffff;
	v57 =	vor.u32 v32, v35  }
0x4ed: {  	v38 =	vmul.f32 v50, v38;
	v37 =	vadd.f32 v37, v47;
	v47 =	vor.u32 v33, v35;
	v1 =	vld.idx.msk [tilespmem:v1+s16+$0x0], $0xffff  }
0x4ee: {  	v35 =	vor.u32 v34, v35;
	v50 =	vld.idx.msk [tilespmem:v51+s16+$0x0], $0xffff  }
0x4ef: {  	v37 =	vadd.f32 v38, v37;
	v38 =	vmul.f32 v54, v40;
	v40 =	vld.idx.msk [tilespmem:v63+s16+$0x0], $0xffff  }
0x4f0: {  	v48 =	vld.idx.msk [tilespmem:v48+s16+$0x0], $0xffff  }
0x4f1: {  	v37 =	vadd.f32 v38, v37;
	v38 =	vmul.f32 v52, v42;
	v42 =	vld.idx.msk [tilespmem:v57+s16+$0x0], $0xffff  }
0x4f2: {  	v47 =	vld.idx.msk [tilespmem:v47+s16+$0x0], $0xffff  }
0x4f3: {  	v37 =	vadd.f32 v38, v37;
	v38 =	vmul.f32 v55, v44;
	v35 =	vld.idx.msk [tilespmem:v35+s16+$0x0], $0xffff;
	_ =	sdelay $0x1  }
0x4f4: {  	v37 =	vadd.f32 v38, v37;
	v38 =	vmul.f32 v49, v45  }
0x4f5: {  	v36 =	vunpack.i.u.bf16.f32 v36  }
0x4f6: {  	v36 =	vmul.f32 v56, v36;
	v37 =	vadd.f32 v38, v37  }
0x4f7: {  	v38 =	vunpack.i.u.bf16.f32 v39  }
0x4f8: {  	v0 =	vmul.f32 v0, v38;
	v36 =	vadd.f32 v36, v37  }
0x4f9: {  	v37 =	vunpack.i.u.bf16.f32 v41  }
0x4fa: {  	v0 =	vadd.f32 v0, v36;
	v36 =	vmul.f32 v53, v37  }
0x4fb: {  	v37 =	vunpack.i.u.bf16.f32 v43  }
0x4fc: {  	v1 =	vmul.f32 v1, v37;
	v0 =	vadd.f32 v36, v0;
	_ =	sdelay $0x1  }
0x4fd: {  	v0 =	vadd.f32 v1, v0;
	v1 =	vmul.f32 v50, v58;
	_ =	sdelay $0x1  }
0x4fe: {  	v0 =	vadd.f32 v1, v0;
	v1 =	vmul.f32 v40, v59  }
0x4ff: {  	v36 =	vunpack.i.u.bf16.f32 v46  }
0x500: {  	v0 =	vadd.f32 v1, v0;
	v1 =	vmul.f32 v48, v36;
	_ =	sdelay $0x1  }
0x501: {  	v0 =	vadd.f32 v1, v0;
	v1 =	vmul.f32 v42, v60;
	_ =	sdelay $0x1  }
.Ltmp6:
0x502: {  	v0 =	vadd.f32 v1, v0;
	v1 =	vmul.f32 v47, v61;
	(pc) =	sbr.rel @p0 .LBB2_10-.Ltmp6, $3  }
0x503: {  	_ = 	snop  }
0x504: {  	v0 =	vadd.f32 v1, v0;
	v1 =	vmul.f32 v35, v62;
	_ =	sdelay $0x1  }
0x505: {  	v35 =	vadd.f32 v1, v0  }
0x506: {  	_ = 	snop  }
0x507: {  	s2 =	rddreg [dreg:$0xb];
	s4 =	simm.s32 $0x18A00;
	[tilespmem:s10+$0x0] =	vst v35;
	s10 =	simm.s32 $0x0  }
0x508: {  	[hbm4b:s2+s10] =	stream.linear.scatter [tilespmem:s4], [sflag:$0x4], $0x200, $0x38;
	[tilespmem:$0x18C00] =	vst v63  }
0x509: {  	_ =	swait.ge [sflag:s12], $0x200  }
0x50a: {  	s17 =	rddreg [dreg:$0xf]  }
0x50b: {  	s22 =	rddreg [dreg:$0xc];
	s4 =	sadd.s32 $0x1, s17  }
0x50c: {  	p0 =	sne.s32 s4, s22  }
.Ltmp7:
0x50d: {  	_ = 	snop;
	(pc) =	sbr.rel @p0 .LBB2_1-.Ltmp7, $3  }
0x50e: {  	_ =	sdelay $0x1  }
0x50f: {  	[sflag:s12] =	ssyncset.done $0x0  }
0x510: {  	[sflag:s12] =	ssyncadd.s32 $0xFFFFFE00  }
0x511: {  	_ =	sfence.sel $0x180000  }
0x512: {  	[bflag:$0x0] =	sbarrier.arrive $0xFFFF  }
0x513: {  	_ =	strace $0x90000047  }
0x514: {  	s0 =	stileid.u32;
	[bflag:$0x2] =	sbarrier.arrive $0xFFFF  }
0x515: {  	p0 =	sne.s32 s0, $0x0;
	s0 =	rddreg [dreg:$0x6]  }
0x516: {  	s0 =	sadd.s32 @!p0 $0x100000, s0  }
0x517: {  	[sflag:s0] =	ssyncadd.tile.s32 @!p0 $0x1;
	_ =	shalt  }
.Lfunc_end2:
_tile_overlayer_lowered:
.L_overlay_start_2:
0x518: {  	(tag) =	ssettag $0x2  }
0x519: {  	s0 =	rddreg [dreg:$0x0];
	s2 =	stileid.u32  }
0x51a: {  	s1 =	rddreg [dreg:$0x1];
	p0 =	sne.s32 s2, $0x0  }
0x51b: {  	s3 =	rddreg [dreg:$0x2];
	[bflag:$0x3] =	sbarrier.arrive $0xFFFF;
	s2 =	simm.s32 @!p0 $0x1C04  }
0x51c: {  	[timem:s3], [sflag:s2] =	dma.local @!p0 [hbm:s0], s1  }
0x51d: {  	s0 =	simm.s32 @!p0 $0x4  }
0x51e: {  	_ =	swait.ge @!p0 [sflag:s0], s1  }
0x51f: {  	s1 =	ssub.s32 @!p0 $0x0, s1;
	[sflag:s0] =	ssyncset.done @!p0 $0x0  }
0x520: {  	[sflag:s0] =	ssyncadd.s32 @!p0 s1  }
0x521: {  	[bflag:$0x3] =	sbarrier.arrive $0xFFFF  }
0x522: {  	_ =	shalt  }

</sc_bundles>
